<compile_context>
chip_gen: v7x
topology: tpu7x:2x2x1
jax: 0.10.2.dev20260603
libtpu: 0.0.44.dev20260713+nightly
codegen_flags: <defaults>
</compile_context>

<pallas_src>
import functools

import jax
import jax.numpy as jnp
from jax import lax
from jax.experimental import pallas as pl
from jax.experimental.pallas import tpu as pltpu
from jax.experimental.pallas import tpu_sc as plsc

N = 10000
E = 320000
D = 128
G = 64
T = 100

NC = 2
NS = 16
NW = NC * NS
CHUNK = 64
K = 5
IB = 40
GPB = IB // K
CH = 160
NIB = CH // IB
EPW = CH * CHUNK
EP = EPW * NW

NP = 10240
STRIPE = NP // NS
RB = 1024
NB = NP // RB



@functools.cache
def _get_deg_kernel():
    mesh = plsc.VectorSubcoreMesh(core_axis_name="c", subcore_axis_name="s")
    return functools.partial(
        pl.kernel,
        out_type=jax.ShapeDtypeStruct((NC, NP), jnp.float32),
        mesh=mesh,
        scratch_types=[
            pltpu.VMEM((CH, CHUNK), jnp.int32),
            pltpu.VMEM((CHUNK,), jnp.float32),
            pltpu.VMEM_SHARED((NP,), jnp.float32),
        ],
    )(_deg_body)


def _deg_body(dst_hbm, zrow_hbm, out_hbm, dst_v, ones_v, hist_s):
    cid = lax.axis_index("c")
    sid = lax.axis_index("s")
    wid = sid * NC + cid
    pltpu.sync_copy(dst_hbm.at[wid], dst_v)
    for k in range(CHUNK // 16):
        ones_v[pl.ds(16 * k, 16)] = jnp.ones((16,), jnp.float32)
    pltpu.sync_copy(zrow_hbm, hist_s.at[pl.ds(sid * STRIPE, STRIPE)])
    plsc.subcore_barrier()

    def body(j, carry):
        pltpu.sync_copy(ones_v, hist_s.at[dst_v.at[j]], add=True)
        return carry

    lax.fori_loop(0, CH, body, 0)
    plsc.subcore_barrier()
    pltpu.sync_copy(hist_s.at[pl.ds(sid * STRIPE, STRIPE)],
                    out_hbm.at[cid, pl.ds(sid * STRIPE, STRIPE)])


@functools.cache
def _get_gather_kernel():
    mesh = plsc.VectorSubcoreMesh(core_axis_name="c", subcore_axis_name="s")
    return functools.partial(
        pl.kernel,
        out_type=jax.ShapeDtypeStruct((NW, CH, CHUNK, D), jnp.float32),
        mesh=mesh,
        scratch_types=(
            [pltpu.VMEM((IB, CHUNK), jnp.int32)]
            + [pltpu.VMEM((CHUNK, D), jnp.float32)] * K
            + [pltpu.SemaphoreType.DMA] * (2 * K)
            + [pltpu.VMEM_SHARED((NP, D), jnp.float32)]
        ),
    )(_gather_body)


def _gather_body(hs_hbm, src_hbm, out_hbm, *scratch):
    src_v = scratch[0]
    rows = scratch[1:1 + K]
    gsem = scratch[1 + K:1 + 2 * K]
    wsem = scratch[1 + 2 * K:1 + 3 * K]
    tab_s = scratch[1 + 3 * K]

    cid = lax.axis_index("c")
    sid = lax.axis_index("s")
    wid = sid * NC + cid
    stripe = pl.ds(sid * STRIPE, STRIPE)
    pltpu.sync_copy(hs_hbm.at[stripe], tab_s.at[stripe])
    plsc.subcore_barrier()

    def blk(b, carry):
        pltpu.sync_copy(src_hbm.at[wid, pl.ds(b * IB, IB)], src_v)

        for k in range(K):
            pltpu.async_copy(tab_s.at[src_v.at[k]], rows[k], gsem[k])

        def grp(g, c):
            for k in range(K):
                j = g * K + k
                pltpu.make_async_copy(
                    tab_s.at[src_v.at[j]], rows[k], gsem[k]).wait()
                pltpu.async_copy(
                    rows[k], out_hbm.at[wid, b * IB + j], wsem[k])
            for k in range(K):
                pltpu.make_async_copy(
                    rows[k], out_hbm.at[wid, 0], wsem[k]).wait()

                @pl.when(g + 1 < GPB)
                def _():
                    pltpu.async_copy(
                        tab_s.at[src_v.at[(g + 1) * K + k]],
                        rows[k], gsem[k])
            return c

        lax.fori_loop(0, GPB, grp, 0)
        return carry

    lax.fori_loop(0, NIB, blk, 0)


@functools.cache
def _get_scatter_kernel():
    mesh = plsc.VectorSubcoreMesh(core_axis_name="c", subcore_axis_name="s")
    return functools.partial(
        pl.kernel,
        out_type=jax.ShapeDtypeStruct((NC, NP, D), jnp.float32),
        mesh=mesh,
        scratch_types=(
            [pltpu.VMEM((IB, CHUNK), jnp.int32)]
            + [pltpu.VMEM((CHUNK, D), jnp.float32)] * K
            + [pltpu.SemaphoreType.DMA] * (2 * K)
            + [pltpu.VMEM_SHARED((NP, D), jnp.float32)]
        ),
    )(_scatter_body)


def _scatter_body(rows_hbm, dst_hbm, zrows_hbm, out_hbm, *scratch):
    dst_v = scratch[0]
    rows = scratch[1:1 + K]
    gsem = scratch[1 + K:1 + 2 * K]
    ssem = scratch[1 + 2 * K:1 + 3 * K]
    acc_s = scratch[1 + 3 * K]

    cid = lax.axis_index("c")
    sid = lax.axis_index("s")
    wid = sid * NC + cid
    stripe = pl.ds(sid * STRIPE, STRIPE)
    pltpu.sync_copy(zrows_hbm, acc_s.at[stripe])
    plsc.subcore_barrier()

    def blk(b, carry):
        pltpu.sync_copy(dst_hbm.at[wid, pl.ds(b * IB, IB)], dst_v)

        for k in range(K):
            pltpu.async_copy(rows_hbm.at[wid, b * IB + k], rows[k], gsem[k])

        def grp(g, c):
            for k in range(K):
                j = g * K + k
                pltpu.make_async_copy(
                    rows_hbm.at[wid, b * IB + j], rows[k], gsem[k]).wait()
                pltpu.async_copy(
                    rows[k], acc_s.at[dst_v.at[j]], ssem[k], add=True)
            for k in range(K):
                pltpu.make_async_copy(
                    rows[k], acc_s.at[dst_v.at[0]], ssem[k]).wait()

                @pl.when(g + 1 < GPB)
                def _():
                    pltpu.async_copy(
                        rows_hbm.at[wid, b * IB + (g + 1) * K + k],
                        rows[k], gsem[k])
            return c

        lax.fori_loop(0, GPB, grp, 0)
        return carry

    lax.fori_loop(0, NIB, blk, 0)
    plsc.subcore_barrier()
    pltpu.sync_copy(acc_s.at[stripe], out_hbm.at[cid, stripe])



def _dinv_of(deg_ref):
    deg = deg_ref[0, :] + deg_ref[1, :] + 1.0
    return lax.rsqrt(deg)[:, None]


def _prep_body(deg_ref, x_ref, w1t_ref, hs_ref):
    dinv = _dinv_of(deg_ref)
    h = jnp.dot(x_ref[...], w1t_ref[...], preferred_element_type=jnp.float32)
    hs_ref[...] = h * dinv


def _finish_body(deg_ref, acc_ref, hs_ref, b_ref, wt_ref, out_ref):
    dinv = _dinv_of(deg_ref)
    pre = (acc_ref[0] + acc_ref[1] + hs_ref[...]) * dinv + b_ref[...]
    act = jnp.maximum(pre, 0.0)
    out_ref[...] = jnp.dot(act, wt_ref[...],
                           preferred_element_type=jnp.float32) * dinv


def _final_body(deg_ref, acc_ref, hs_ref, b_ref, seg_ref, wot_ref, bo_ref,
                out_ref, sums_ref, cnt_ref):
    i = pl.program_id(0)

    @pl.when(i == 0)
    def _():
        sums_ref[...] = jnp.zeros_like(sums_ref)
        cnt_ref[...] = jnp.zeros_like(cnt_ref)

    dinv = _dinv_of(deg_ref)
    h3 = (acc_ref[0] + acc_ref[1] + hs_ref[...]) * dinv + b_ref[...]
    seg = seg_ref[0, 0, :]
    gids = lax.broadcasted_iota(jnp.int32, (G, RB), 0)
    mask = (seg[None, :] == gids).astype(jnp.float32)
    sums_ref[...] += jnp.dot(mask, h3, preferred_element_type=jnp.float32)
    cnt_ref[...] += jnp.sum(mask, axis=1, keepdims=True)

    @pl.when(i == NB - 1)
    def _():
        pooled = sums_ref[...] / jnp.maximum(cnt_ref[...], 1.0)
        out_ref[...] = jnp.dot(pooled, wot_ref[...],
                               preferred_element_type=jnp.float32) + bo_ref[...]


def _row_spec(block):
    return pl.BlockSpec(block, lambda i: (i,) + (0,) * (len(block) - 1))


def _full_spec(shape):
    return pl.BlockSpec(shape, lambda i: (0,) * len(shape))


_deg_spec = pl.BlockSpec((2, RB), lambda i: (0, i))


def _tc_prep(deg, x_pad, w1t):
    return pl.pallas_call(
        _prep_body,
        grid=(NB,),
        in_specs=[_deg_spec, _row_spec((RB, D)), _full_spec((D, D))],
        out_specs=_row_spec((RB, D)),
        out_shape=jax.ShapeDtypeStruct((NP, D), jnp.float32),
    )(deg, x_pad, w1t)


def _tc_finish(deg, acc, hs, b, wt):
    return pl.pallas_call(
        _finish_body,
        grid=(NB,),
        in_specs=[_deg_spec, pl.BlockSpec((2, RB, D), lambda i: (0, i, 0)),
                  _row_spec((RB, D)), _full_spec((1, D)), _full_spec((D, D))],
        out_specs=_row_spec((RB, D)),
        out_shape=jax.ShapeDtypeStruct((NP, D), jnp.float32),
    )(deg, acc, hs, b, wt)


def _tc_final(deg, acc, hs, b, seg3, wot, bo):
    return pl.pallas_call(
        _final_body,
        grid=(NB,),
        in_specs=[_deg_spec, pl.BlockSpec((2, RB, D), lambda i: (0, i, 0)),
                  _row_spec((RB, D)), _full_spec((1, D)),
                  pl.BlockSpec((1, 1, RB), lambda i: (i, 0, 0)),
                  _full_spec((D, 128)), _full_spec((1, 128))],
        out_specs=_full_spec((G, 128)),
        out_shape=jax.ShapeDtypeStruct((G, 128), jnp.float32),
        scratch_shapes=[pltpu.VMEM((G, D), jnp.float32),
                        pltpu.VMEM((G, 1), jnp.float32)],
    )(deg, acc, hs, b, seg3, wot, bo)



@jax.jit
def kernel(x, edge_index, batch_seg, W1, b1, W2, b2, W3, b3, W_out, b_out):
    src = edge_index[0]
    dst = edge_index[1]
    pad = EP - E
    src_p = jnp.concatenate(
        [src, jnp.zeros((pad,), jnp.int32)]).reshape(NW, CH, CHUNK)
    dst_p = jnp.concatenate(
        [dst, jnp.full((pad,), N, jnp.int32)]).reshape(NW, CH, CHUNK)

    x_pad = jnp.zeros((NP, D), x.dtype).at[:N].set(x)
    seg3 = jnp.full((NP,), G, jnp.int32).at[:N].set(batch_seg)
    seg3 = seg3.reshape(NB, 1, RB)

    zrow = jnp.zeros((STRIPE,), jnp.float32)
    zrows = jnp.zeros((STRIPE, D), jnp.float32)

    w1t = W1.T
    w2t = W2.T
    w3t = W3.T
    wot = jnp.zeros((D, 128), jnp.float32).at[:, :T].set(W_out.T)
    bo = jnp.zeros((1, 128), jnp.float32).at[0, :T].set(b_out)

    deg = _get_deg_kernel()(dst_p, zrow)
    gather_kernel = _get_gather_kernel()
    scatter_kernel = _get_scatter_kernel()

    def edge_pass(hs):
        rows = gather_kernel(hs, src_p)
        return scatter_kernel(rows, dst_p, zrows)

    hs1 = _tc_prep(deg, x_pad, w1t)
    acc1 = edge_pass(hs1)
    hs2 = _tc_finish(deg, acc1, hs1, b1.reshape(1, D), w2t)
    acc2 = edge_pass(hs2)
    hs3 = _tc_finish(deg, acc2, hs2, b2.reshape(1, D), w3t)
    acc3 = edge_pass(hs3)
    out = _tc_final(deg, acc3, hs3, b3.reshape(1, D), seg3, wot, bo)
    return out[:, :T]

# --- scband reference (transcript-rebuilt; emitter-appended) ---
"""Pipeline reference for scband-xasnet-gnn-49331994362380 (READ-ONLY COPY).

The authoritative reference and input builder live on the scoring server;
editing this copy changes nothing except your own understanding.
"""

import jax, jax.numpy as jnp
import numpy as np

N = 10000
E = 320000
D = 128
G = 64
T = 100


def setup_inputs(seed: int = 0):
    key = jax.random.key(seed)
    ks = jax.random.split(key, 8)
    x = jax.random.normal(ks[0], (N, D), dtype=jnp.float32)
    edge_index = jax.random.randint(ks[1], (2, E), 0, N, dtype=jnp.int32)
    batch_seg = jnp.sort(jax.random.randint(ks[2], (N,), 0, G, dtype=jnp.int32))
    W1 = jax.random.normal(ks[3], (D, D), dtype=jnp.float32) * 0.05
    b1 = jnp.zeros((D,), dtype=jnp.float32)
    W2 = jax.random.normal(ks[4], (D, D), dtype=jnp.float32) * 0.05
    b2 = jnp.zeros((D,), dtype=jnp.float32)
    W3 = jax.random.normal(ks[5], (D, D), dtype=jnp.float32) * 0.05
    b3 = jnp.zeros((D,), dtype=jnp.float32)
    W_out = jax.random.normal(ks[6], (T, D), dtype=jnp.float32) * 0.05
    b_out = jnp.zeros((T,), dtype=jnp.float32)
    return {"x": x, "edge_index": edge_index, "batch_seg": batch_seg,
            "W1": W1, "b1": b1, "W2": W2, "b2": b2, "W3": W3, "b3": b3,
            "W_out": W_out, "b_out": b_out}


def _gcn_conv(x, edge_index, W, b):
    # PyG GCNConv: h = x @ W^T, then symmetric-normalized propagation with self-loops, then + bias
    h = x @ W.T
    loop = jnp.arange(N, dtype=edge_index.dtype)
    src = jnp.concatenate([edge_index[0], loop])
    dst = jnp.concatenate([edge_index[1], loop])
    ones = jnp.ones(src.shape[0], dtype=h.dtype)
    deg = jax.ops.segment_sum(ones, dst, num_segments=N)
    dinv = jnp.where(deg > 0, jax.lax.rsqrt(deg), 0.0)
    norm = dinv[src] * dinv[dst]
    out = jax.ops.segment_sum(h[src] * norm[:, None], dst, num_segments=N)
    return out + b


def reference(x, edge_index, batch_seg, W1, b1, W2, b2, W3, b3, W_out, b_out):
    # interaction_layers: [GCN, ReLU, GCN, ReLU, GCN]; dropout p=0.0 is identity
    h = _gcn_conv(x, edge_index, W1, b1)
    h = jax.nn.relu(h)
    h = _gcn_conv(h, edge_index, W2, b2)
    h = jax.nn.relu(h)
    h = _gcn_conv(h, edge_index, W3, b3)
    # global_mean_pool over batch_seg
    sums = jax.ops.segment_sum(h, batch_seg, num_segments=G)
    cnt = jax.ops.segment_sum(jnp.ones((N,), dtype=h.dtype), batch_seg, num_segments=G)
    pooled = sums / jnp.maximum(cnt, 1.0)[:, None]
    return pooled @ W_out.T + b_out

if __name__ == "__main__":
    import jax
    _d = setup_inputs()
    print(jax.jit(kernel)(*tuple(_d.values())))

</pallas_src>

<mosaic_0001>
#map = affine_map<(d0, d1) -> (0, 0, 0)>
#map1 = affine_map<(d0, d1) -> (0)>
#map2 = affine_map<(d0, d1) -> (0, 0)>
module attributes {stable_mosaic.version = 14 : i64} {
  func.func @_deg_body(%arg0: i32, %arg1: i32, %arg2: memref<32x160x64xi32, #tpu.memory_space<hbm>>, %arg3: memref<640xf32, #tpu.memory_space<hbm>>, %arg4: memref<2x10240xf32, #tpu.memory_space<hbm>>, %arg5: memref<160x64xi32, #tpu.memory_space<vmem>>, %arg6: memref<64xf32, #tpu.memory_space<vmem>>, %arg7: memref<10240xf32, #tpu.memory_space<vmem_shared>>) attributes {dimension_semantics = [#tpu.dimension_semantics<core_parallel>, #tpu.dimension_semantics<subcore_parallel>], iteration_bounds = array<i64: 2, 16>, scalar_prefetch = 0 : i64, scratch_operands = 3 : i64, tpu.core_type = #tpu.core_type<sc_vector_subcore>, window_params = [{transform_indices = #map}, {transform_indices = #map1}, {transform_indices = #map2}]} {
    %mul3A = arith.constant 2 : i32
    %mul3A_0 = arith.muli %arg1, %mul3A : i32
    %add3A = arith.addi %mul3A_0, %arg0 : i32
    "tpu.region"() ({
      %run_scoped3A = tpu.sem_alloc : memref<!tpu.dma_semaphore, #tpu.memory_space<semaphore_mem>>
      %dma_start3A = arith.constant 0 : i32
      %dma_start3A_35 = arith.constant 0 : i32
      %dma_start3A_36 = tpu.memref_slice %arg2[%add3A, %dma_start3A, %dma_start3A_35] : memref<32x160x64xi32, #tpu.memory_space<hbm>> -> memref<1x160x64xi32, #tpu.memory_space<hbm>>
      %dma_start3A_37 = tpu.memref_squeeze %dma_start3A_36 : memref<1x160x64xi32, #tpu.memory_space<hbm>> -> memref<160x64xi32, #tpu.memory_space<hbm>>
      %dma_start3A_38 = arith.constant 0 : i32
      %dma_start3A_39 = arith.constant 0 : i32
      %dma_start3A_40 = tpu.memref_slice %arg2[%add3A, %dma_start3A_38, %dma_start3A_39] : memref<32x160x64xi32, #tpu.memory_space<hbm>> -> memref<1x160x64xi32, #tpu.memory_space<hbm>>
      %dma_start3A_41 = tpu.memref_squeeze %dma_start3A_40 : memref<1x160x64xi32, #tpu.memory_space<hbm>> -> memref<160x64xi32, #tpu.memory_space<hbm>>
      tpu.enqueue_dma source(%dma_start3A_41 : memref<160x64xi32, #tpu.memory_space<hbm>>) target(%arg5 : memref<160x64xi32, #tpu.memory_space<vmem>>) target_semaphore(%run_scoped3A : memref<!tpu.dma_semaphore, #tpu.memory_space<semaphore_mem>>)
      %dma_wait3A = arith.constant 0 : i32
      %dma_wait3A_42 = arith.constant 0 : i32
      %dma_wait3A_43 = tpu.memref_slice %arg2[%add3A, %dma_wait3A, %dma_wait3A_42] : memref<32x160x64xi32, #tpu.memory_space<hbm>> -> memref<1x160x64xi32, #tpu.memory_space<hbm>>
      %dma_wait3A_44 = tpu.memref_squeeze %dma_wait3A_43 : memref<1x160x64xi32, #tpu.memory_space<hbm>> -> memref<160x64xi32, #tpu.memory_space<hbm>>
      %dma_wait3A_45 = arith.constant 0 : i32
      %dma_wait3A_46 = arith.constant 0 : i32
      %dma_wait3A_47 = tpu.memref_slice %arg2[%add3A, %dma_wait3A_45, %dma_wait3A_46] : memref<32x160x64xi32, #tpu.memory_space<hbm>> -> memref<1x160x64xi32, #tpu.memory_space<hbm>>
      %dma_wait3A_48 = tpu.memref_squeeze %dma_wait3A_47 : memref<1x160x64xi32, #tpu.memory_space<hbm>> -> memref<160x64xi32, #tpu.memory_space<hbm>>
      tpu.wait_dma2 semaphore(%run_scoped3A : memref<!tpu.dma_semaphore, #tpu.memory_space<semaphore_mem>>) src(%dma_wait3A_48 : memref<160x64xi32, #tpu.memory_space<hbm>>) dst(%arg5 : memref<160x64xi32, #tpu.memory_space<vmem>>)
      tpu.yield
    }) : () -> ()
    %broadcast_in_dim3A = arith.constant 1.000000e+00 : f32
    %broadcast_in_dim3A_1 = vector.broadcast %broadcast_in_dim3A : f32 to vector<16xf32>
    %swap3A = arith.constant 0 : index
    %swap3A_2 = tpu.vector_load %arg6[%swap3A] {strides = array<i32>} : memref<64xf32, #tpu.memory_space<vmem>>, vector<16xf32>,
    %swap3A_3 = vector.shape_cast %swap3A_2 : vector<16xf32> to vector<16xf32>
    %swap3A_4 = vector.shape_cast %broadcast_in_dim3A_1 : vector<16xf32> to vector<16xf32>
    tpu.vector_store %arg6[%swap3A], %swap3A_4 {strides = array<i32>} : memref<64xf32, #tpu.memory_space<vmem>>, vector<16xf32>,
    %broadcast_in_dim3A_5 = arith.constant 1.000000e+00 : f32
    %broadcast_in_dim3A_6 = vector.broadcast %broadcast_in_dim3A_5 : f32 to vector<16xf32>
    %swap3A_7 = arith.constant 16 : index
    %swap3A_8 = tpu.vector_load %arg6[%swap3A_7] {strides = array<i32>} : memref<64xf32, #tpu.memory_space<vmem>>, vector<16xf32>,
    %swap3A_9 = vector.shape_cast %swap3A_8 : vector<16xf32> to vector<16xf32>
    %swap3A_10 = vector.shape_cast %broadcast_in_dim3A_6 : vector<16xf32> to vector<16xf32>
    tpu.vector_store %arg6[%swap3A_7], %swap3A_10 {strides = array<i32>} : memref<64xf32, #tpu.memory_space<vmem>>, vector<16xf32>,
    %broadcast_in_dim3A_11 = arith.constant 1.000000e+00 : f32
    %broadcast_in_dim3A_12 = vector.broadcast %broadcast_in_dim3A_11 : f32 to vector<16xf32>
    %swap3A_13 = arith.constant 32 : index
    %swap3A_14 = tpu.vector_load %arg6[%swap3A_13] {strides = array<i32>} : memref<64xf32, #tpu.memory_space<vmem>>, vector<16xf32>,
    %swap3A_15 = vector.shape_cast %swap3A_14 : vector<16xf32> to vector<16xf32>
    %swap3A_16 = vector.shape_cast %broadcast_in_dim3A_12 : vector<16xf32> to vector<16xf32>
    tpu.vector_store %arg6[%swap3A_13], %swap3A_16 {strides = array<i32>} : memref<64xf32, #tpu.memory_space<vmem>>, vector<16xf32>,
    %broadcast_in_dim3A_17 = arith.constant 1.000000e+00 : f32
    %broadcast_in_dim3A_18 = vector.broadcast %broadcast_in_dim3A_17 : f32 to vector<16xf32>
    %swap3A_19 = arith.constant 48 : index
    %swap3A_20 = tpu.vector_load %arg6[%swap3A_19] {strides = array<i32>} : memref<64xf32, #tpu.memory_space<vmem>>, vector<16xf32>,
    %swap3A_21 = vector.shape_cast %swap3A_20 : vector<16xf32> to vector<16xf32>
    %swap3A_22 = vector.shape_cast %broadcast_in_dim3A_18 : vector<16xf32> to vector<16xf32>
    tpu.vector_store %arg6[%swap3A_19], %swap3A_22 {strides = array<i32>} : memref<64xf32, #tpu.memory_space<vmem>>, vector<16xf32>,
    %mul3A_23 = arith.constant 640 : i32
    %mul3A_24 = arith.muli %arg1, %mul3A_23 : i32
    "tpu.region"() ({
      %run_scoped3A = tpu.sem_alloc : memref<!tpu.dma_semaphore, #tpu.memory_space<semaphore_mem>>
      %dma_start3A = tpu.memref_slice %arg7[%mul3A_24] : memref<10240xf32, #tpu.memory_space<vmem_shared>> -> memref<640xf32, #tpu.memory_space<vmem_shared>>
      tpu.enqueue_dma source(%arg3 : memref<640xf32, #tpu.memory_space<hbm>>) target(%dma_start3A : memref<640xf32, #tpu.memory_space<vmem_shared>>) target_semaphore(%run_scoped3A : memref<!tpu.dma_semaphore, #tpu.memory_space<semaphore_mem>>)
      %dma_wait3A = tpu.memref_slice %arg7[%mul3A_24] : memref<10240xf32, #tpu.memory_space<vmem_shared>> -> memref<640xf32, #tpu.memory_space<vmem_shared>>
      tpu.wait_dma2 semaphore(%run_scoped3A : memref<!tpu.dma_semaphore, #tpu.memory_space<semaphore_mem>>) src(%arg3 : memref<640xf32, #tpu.memory_space<hbm>>) dst(%dma_wait3A : memref<640xf32, #tpu.memory_space<vmem_shared>>)
      tpu.yield
    }) : () -> ()
    %barrier3A = arith.constant 0 : index
    tpu.barrier barrier_id(%barrier3A)
    %scan3A = arith.constant 0 : i32
    %scan3A_25 = arith.constant 0 : i32
    %scan3A_26 = arith.constant 160 : i32
    %scan3A_27 = arith.addi %scan3A_25, %scan3A_26 : i32
    %scan3A_28 = arith.constant 1 : i32
    scf.for %scan3A_35 = %scan3A_25 to %scan3A_27 step %scan3A_28  : i32 {
      "tpu.region"() ({
        %run_scoped3A = tpu.sem_alloc : memref<!tpu.dma_semaphore, #tpu.memory_space<semaphore_mem>>
        %dma_start3A = arith.constant 0 : i32
        %dma_start3A_36 = tpu.memref_slice %arg5[%scan3A_35, %dma_start3A] : memref<160x64xi32, #tpu.memory_space<vmem>> -> memref<1x64xi32, #tpu.memory_space<vmem>>
        %dma_start3A_37 = tpu.memref_squeeze %dma_start3A_36 : memref<1x64xi32, #tpu.memory_space<vmem>> -> memref<64xi32, #tpu.memory_space<vmem>>
        %dma_start3A_38 = arith.constant 0 : i32
        %dma_start3A_39 = tpu.memref_slice %arg7[%dma_start3A_38] : memref<10240xf32, #tpu.memory_space<vmem_shared>> -> memref<10240xf32, #tpu.memory_space<vmem_shared>>
        tpu.enqueue_indirect_dma source(%arg6 : memref<64xf32, #tpu.memory_space<vmem>>) target(%dma_start3A_39 : memref<10240xf32, #tpu.memory_space<vmem_shared>>) offsets(%dma_start3A_37 : memref<64xi32, #tpu.memory_space<vmem>>) semaphore(%run_scoped3A : memref<!tpu.dma_semaphore, #tpu.memory_space<semaphore_mem>>) {add = true}
        %dma_wait3A = arith.constant 0 : i32
        %dma_wait3A_40 = tpu.memref_slice %arg5[%scan3A_35, %dma_wait3A] : memref<160x64xi32, #tpu.memory_space<vmem>> -> memref<1x64xi32, #tpu.memory_space<vmem>>
        %dma_wait3A_41 = tpu.memref_squeeze %dma_wait3A_40 : memref<1x64xi32, #tpu.memory_space<vmem>> -> memref<64xi32, #tpu.memory_space<vmem>>
        %dma_wait3A_42 = arith.constant 0 : i32
        %dma_wait3A_43 = tpu.memref_slice %arg7[%dma_wait3A_42] : memref<10240xf32, #tpu.memory_space<vmem_shared>> -> memref<10240xf32, #tpu.memory_space<vmem_shared>>
        tpu.wait_indirect_dma semaphore(%run_scoped3A : memref<!tpu.dma_semaphore, #tpu.memory_space<semaphore_mem>>) src(%arg6 : memref<64xf32, #tpu.memory_space<vmem>>) dst(%dma_wait3A_43 : memref<10240xf32, #tpu.memory_space<vmem_shared>>)
        tpu.yield
      }) : () -> ()
    }
    %scan3A_29 = arith.constant 160 : i32
    %barrier3A_30 = arith.constant 0 : index
    tpu.barrier barrier_id(%barrier3A_30)
    %mul3A_31 = arith.constant 640 : i32
    %mul3A_32 = arith.muli %arg1, %mul3A_31 : i32
    %mul3A_33 = arith.constant 640 : i32
    %mul3A_34 = arith.muli %arg1, %mul3A_33 : i32
    "tpu.region"() ({
      %run_scoped3A = tpu.sem_alloc : memref<!tpu.dma_semaphore, #tpu.memory_space<semaphore_mem>>
      %dma_start3A = tpu.memref_slice %arg4[%arg0, %mul3A_34] : memref<2x10240xf32, #tpu.memory_space<hbm>> -> memref<1x640xf32, #tpu.memory_space<hbm>>
      %dma_start3A_35 = tpu.memref_squeeze %dma_start3A : memref<1x640xf32, #tpu.memory_space<hbm>> -> memref<640xf32, #tpu.memory_space<hbm>>
      %dma_start3A_36 = tpu.memref_slice %arg7[%mul3A_32] : memref<10240xf32, #tpu.memory_space<vmem_shared>> -> memref<640xf32, #tpu.memory_space<vmem_shared>>
      tpu.enqueue_dma source(%dma_start3A_36 : memref<640xf32, #tpu.memory_space<vmem_shared>>) target(%dma_start3A_35 : memref<640xf32, #tpu.memory_space<hbm>>) target_semaphore(%run_scoped3A : memref<!tpu.dma_semaphore, #tpu.memory_space<semaphore_mem>>)
      %dma_wait3A = tpu.memref_slice %arg4[%arg0, %mul3A_34] : memref<2x10240xf32, #tpu.memory_space<hbm>> -> memref<1x640xf32, #tpu.memory_space<hbm>>
      %dma_wait3A_37 = tpu.memref_squeeze %dma_wait3A : memref<1x640xf32, #tpu.memory_space<hbm>> -> memref<640xf32, #tpu.memory_space<hbm>>
      %dma_wait3A_38 = tpu.memref_slice %arg7[%mul3A_32] : memref<10240xf32, #tpu.memory_space<vmem_shared>> -> memref<640xf32, #tpu.memory_space<vmem_shared>>
      tpu.wait_dma2 semaphore(%run_scoped3A : memref<!tpu.dma_semaphore, #tpu.memory_space<semaphore_mem>>) src(%dma_wait3A_38 : memref<640xf32, #tpu.memory_space<vmem_shared>>) dst(%dma_wait3A_37 : memref<640xf32, #tpu.memory_space<hbm>>)
      tpu.yield
    }) : () -> ()
    return
  }
}

#map = affine_map<(d0, d1) -> (0, 0)>
#map1 = affine_map<(d0, d1) -> (0, 0, 0)>
#map2 = affine_map<(d0, d1) -> (0, 0, 0, 0)>
module attributes {stable_mosaic.version = 14 : i64} {
  func.func @_gather_body(%arg0: i32, %arg1: i32, %arg2: memref<10240x128xf32, #tpu.memory_space<hbm>>, %arg3: memref<32x160x64xi32, #tpu.memory_space<hbm>>, %arg4: memref<32x160x64x128xf32, #tpu.memory_space<hbm>>, %arg5: memref<40x64xi32, #tpu.memory_space<vmem>>, %arg6: memref<64x128xf32, #tpu.memory_space<vmem>>, %arg7: memref<64x128xf32, #tpu.memory_space<vmem>>, %arg8: memref<64x128xf32, #tpu.memory_space<vmem>>, %arg9: memref<64x128xf32, #tpu.memory_space<vmem>>, %arg10: memref<64x128xf32, #tpu.memory_space<vmem>>, %arg11: memref<!tpu.dma_semaphore, #tpu.memory_space<semaphore_mem>>, %arg12: memref<!tpu.dma_semaphore, #tpu.memory_space<semaphore_mem>>, %arg13: memref<!tpu.dma_semaphore, #tpu.memory_space<semaphore_mem>>, %arg14: memref<!tpu.dma_semaphore, #tpu.memory_space<semaphore_mem>>, %arg15: memref<!tpu.dma_semaphore, #tpu.memory_space<semaphore_mem>>, %arg16: memref<!tpu.dma_semaphore, #tpu.memory_space<semaphore_mem>>, %arg17: memref<!tpu.dma_semaphore, #tpu.memory_space<semaphore_mem>>, %arg18: memref<!tpu.dma_semaphore, #tpu.memory_space<semaphore_mem>>, %arg19: memref<!tpu.dma_semaphore, #tpu.memory_space<semaphore_mem>>, %arg20: memref<!tpu.dma_semaphore, #tpu.memory_space<semaphore_mem>>, %arg21: memref<10240x128xf32, #tpu.memory_space<vmem_shared>>) attributes {dimension_semantics = [#tpu.dimension_semantics<core_parallel>, #tpu.dimension_semantics<subcore_parallel>], iteration_bounds = array<i64: 2, 16>, scalar_prefetch = 0 : i64, scratch_operands = 17 : i64, tpu.core_type = #tpu.core_type<sc_vector_subcore>, window_params = [{transform_indices = #map}, {transform_indices = #map1}, {transform_indices = #map2}]} {
    %mul3A = arith.constant 2 : i32
    %mul3A_0 = arith.muli %arg1, %mul3A : i32
    %add3A = arith.addi %mul3A_0, %arg0 : i32
    %mul3A_1 = arith.constant 640 : i32
    %mul3A_2 = arith.muli %arg1, %mul3A_1 : i32
    "tpu.region"() ({
      %run_scoped3A = tpu.sem_alloc : memref<!tpu.dma_semaphore, #tpu.memory_space<semaphore_mem>>
      %dma_start3A = arith.constant 0 : i32
      %dma_start3A_8 = tpu.memref_slice %arg21[%mul3A_2, %dma_start3A] : memref<10240x128xf32, #tpu.memory_space<vmem_shared>> -> memref<640x128xf32, #tpu.memory_space<vmem_shared>>
      %dma_start3A_9 = arith.constant 0 : i32
      %dma_start3A_10 = tpu.memref_slice %arg2[%mul3A_2, %dma_start3A_9] : memref<10240x128xf32, #tpu.memory_space<hbm>> -> memref<640x128xf32, #tpu.memory_space<hbm>>
      tpu.enqueue_dma source(%dma_start3A_10 : memref<640x128xf32, #tpu.memory_space<hbm>>) target(%dma_start3A_8 : memref<640x128xf32, #tpu.memory_space<vmem_shared>>) target_semaphore(%run_scoped3A : memref<!tpu.dma_semaphore, #tpu.memory_space<semaphore_mem>>)
      %dma_wait3A = arith.constant 0 : i32
      %dma_wait3A_11 = tpu.memref_slice %arg21[%mul3A_2, %dma_wait3A] : memref<10240x128xf32, #tpu.memory_space<vmem_shared>> -> memref<640x128xf32, #tpu.memory_space<vmem_shared>>
      %dma_wait3A_12 = arith.constant 0 : i32
      %dma_wait3A_13 = tpu.memref_slice %arg2[%mul3A_2, %dma_wait3A_12] : memref<10240x128xf32, #tpu.memory_space<hbm>> -> memref<640x128xf32, #tpu.memory_space<hbm>>
      tpu.wait_dma2 semaphore(%run_scoped3A : memref<!tpu.dma_semaphore, #tpu.memory_space<semaphore_mem>>) src(%dma_wait3A_13 : memref<640x128xf32, #tpu.memory_space<hbm>>) dst(%dma_wait3A_11 : memref<640x128xf32, #tpu.memory_space<vmem_shared>>)
      tpu.yield
    }) : () -> ()
    %barrier3A = arith.constant 0 : index
    tpu.barrier barrier_id(%barrier3A)
    %scan3A = arith.constant 0 : i32
    %scan3A_3 = arith.constant 0 : i32
    %scan3A_4 = arith.constant 4 : i32
    %scan3A_5 = arith.addi %scan3A_3, %scan3A_4 : i32
    %scan3A_6 = arith.constant 1 : i32
    scf.for %scan3A_8 = %scan3A_3 to %scan3A_5 step %scan3A_6  : i32 {
      %mul3A_9 = arith.constant 40 : i32
      %mul3A_10 = arith.muli %scan3A_8, %mul3A_9 : i32
      "tpu.region"() ({
        %run_scoped3A = tpu.sem_alloc : memref<!tpu.dma_semaphore, #tpu.memory_space<semaphore_mem>>
        %dma_start3A_51 = arith.constant 0 : i32
        %dma_start3A_52 = tpu.memref_slice %arg3[%add3A, %mul3A_10, %dma_start3A_51] : memref<32x160x64xi32, #tpu.memory_space<hbm>> -> memref<1x40x64xi32, #tpu.memory_space<hbm>>
        %dma_start3A_53 = tpu.memref_squeeze %dma_start3A_52 : memref<1x40x64xi32, #tpu.memory_space<hbm>> -> memref<40x64xi32, #tpu.memory_space<hbm>>
        %dma_start3A_54 = arith.constant 0 : i32
        %dma_start3A_55 = tpu.memref_slice %arg3[%add3A, %mul3A_10, %dma_start3A_54] : memref<32x160x64xi32, #tpu.memory_space<hbm>> -> memref<1x40x64xi32, #tpu.memory_space<hbm>>
        %dma_start3A_56 = tpu.memref_squeeze %dma_start3A_55 : memref<1x40x64xi32, #tpu.memory_space<hbm>> -> memref<40x64xi32, #tpu.memory_space<hbm>>
        tpu.enqueue_dma source(%dma_start3A_56 : memref<40x64xi32, #tpu.memory_space<hbm>>) target(%arg5 : memref<40x64xi32, #tpu.memory_space<vmem>>) target_semaphore(%run_scoped3A : memref<!tpu.dma_semaphore, #tpu.memory_space<semaphore_mem>>)
        %dma_wait3A = arith.constant 0 : i32
        %dma_wait3A_57 = tpu.memref_slice %arg3[%add3A, %mul3A_10, %dma_wait3A] : memref<32x160x64xi32, #tpu.memory_space<hbm>> -> memref<1x40x64xi32, #tpu.memory_space<hbm>>
        %dma_wait3A_58 = tpu.memref_squeeze %dma_wait3A_57 : memref<1x40x64xi32, #tpu.memory_space<hbm>> -> memref<40x64xi32, #tpu.memory_space<hbm>>
        %dma_wait3A_59 = arith.constant 0 : i32
        %dma_wait3A_60 = tpu.memref_slice %arg3[%add3A, %mul3A_10, %dma_wait3A_59] : memref<32x160x64xi32, #tpu.memory_space<hbm>> -> memref<1x40x64xi32, #tpu.memory_space<hbm>>
        %dma_wait3A_61 = tpu.memref_squeeze %dma_wait3A_60 : memref<1x40x64xi32, #tpu.memory_space<hbm>> -> memref<40x64xi32, #tpu.memory_space<hbm>>
        tpu.wait_dma2 semaphore(%run_scoped3A : memref<!tpu.dma_semaphore, #tpu.memory_space<semaphore_mem>>) src(%dma_wait3A_61 : memref<40x64xi32, #tpu.memory_space<hbm>>) dst(%arg5 : memref<40x64xi32, #tpu.memory_space<vmem>>)
        tpu.yield
      }) : () -> ()
      %dma_start3A = arith.constant 0 : i32
      %dma_start3A_11 = arith.constant 0 : i32
      %dma_start3A_12 = tpu.memref_slice %arg5[%dma_start3A, %dma_start3A_11] : memref<40x64xi32, #tpu.memory_space<vmem>> -> memref<1x64xi32, #tpu.memory_space<vmem>>
      %dma_start3A_13 = tpu.memref_squeeze %dma_start3A_12 : memref<1x64xi32, #tpu.memory_space<vmem>> -> memref<64xi32, #tpu.memory_space<vmem>>
      %dma_start3A_14 = arith.constant 0 : i32
      %dma_start3A_15 = arith.constant 0 : i32
      %dma_start3A_16 = tpu.memref_slice %arg21[%dma_start3A_14, %dma_start3A_15] : memref<10240x128xf32, #tpu.memory_space<vmem_shared>> -> memref<10240x128xf32, #tpu.memory_space<vmem_shared>>
      tpu.enqueue_indirect_dma source(%dma_start3A_16 : memref<10240x128xf32, #tpu.memory_space<vmem_shared>>) target(%arg6 : memref<64x128xf32, #tpu.memory_space<vmem>>) offsets(%dma_start3A_13 : memref<64xi32, #tpu.memory_space<vmem>>) semaphore(%arg11 : memref<!tpu.dma_semaphore, #tpu.memory_space<semaphore_mem>>)
      %dma_start3A_17 = arith.constant 1 : i32
      %dma_start3A_18 = arith.constant 0 : i32
      %dma_start3A_19 = tpu.memref_slice %arg5[%dma_start3A_17, %dma_start3A_18] : memref<40x64xi32, #tpu.memory_space<vmem>> -> memref<1x64xi32, #tpu.memory_space<vmem>>
      %dma_start3A_20 = tpu.memref_squeeze %dma_start3A_19 : memref<1x64xi32, #tpu.memory_space<vmem>> -> memref<64xi32, #tpu.memory_space<vmem>>
      %dma_start3A_21 = arith.constant 0 : i32
      %dma_start3A_22 = arith.constant 0 : i32
      %dma_start3A_23 = tpu.memref_slice %arg21[%dma_start3A_21, %dma_start3A_22] : memref<10240x128xf32, #tpu.memory_space<vmem_shared>> -> memref<10240x128xf32, #tpu.memory_space<vmem_shared>>
      tpu.enqueue_indirect_dma source(%dma_start3A_23 : memref<10240x128xf32, #tpu.memory_space<vmem_shared>>) target(%arg7 : memref<64x128xf32, #tpu.memory_space<vmem>>) offsets(%dma_start3A_20 : memref<64xi32, #tpu.memory_space<vmem>>) semaphore(%arg12 : memref<!tpu.dma_semaphore, #tpu.memory_space<semaphore_mem>>)
      %dma_start3A_24 = arith.constant 2 : i32
      %dma_start3A_25 = arith.constant 0 : i32
      %dma_start3A_26 = tpu.memref_slice %arg5[%dma_start3A_24, %dma_start3A_25] : memref<40x64xi32, #tpu.memory_space<vmem>> -> memref<1x64xi32, #tpu.memory_space<vmem>>
      %dma_start3A_27 = tpu.memref_squeeze %dma_start3A_26 : memref<1x64xi32, #tpu.memory_space<vmem>> -> memref<64xi32, #tpu.memory_space<vmem>>
      %dma_start3A_28 = arith.constant 0 : i32
      %dma_start3A_29 = arith.constant 0 : i32
      %dma_start3A_30 = tpu.memref_slice %arg21[%dma_start3A_28, %dma_start3A_29] : memref<10240x128xf32, #tpu.memory_space<vmem_shared>> -> memref<10240x128xf32, #tpu.memory_space<vmem_shared>>
      tpu.enqueue_indirect_dma source(%dma_start3A_30 : memref<10240x128xf32, #tpu.memory_space<vmem_shared>>) target(%arg8 : memref<64x128xf32, #tpu.memory_space<vmem>>) offsets(%dma_start3A_27 : memref<64xi32, #tpu.memory_space<vmem>>) semaphore(%arg13 : memref<!tpu.dma_semaphore, #tpu.memory_space<semaphore_mem>>)
      %dma_start3A_31 = arith.constant 3 : i32
      %dma_start3A_32 = arith.constant 0 : i32
      %dma_start3A_33 = tpu.memref_slice %arg5[%dma_start3A_31, %dma_start3A_32] : memref<40x64xi32, #tpu.memory_space<vmem>> -> memref<1x64xi32, #tpu.memory_space<vmem>>
      %dma_start3A_34 = tpu.memref_squeeze %dma_start3A_33 : memref<1x64xi32, #tpu.memory_space<vmem>> -> memref<64xi32, #tpu.memory_space<vmem>>
      %dma_start3A_35 = arith.constant 0 : i32
      %dma_start3A_36 = arith.constant 0 : i32
      %dma_start3A_37 = tpu.memref_slice %arg21[%dma_start3A_35, %dma_start3A_36] : memref<10240x128xf32, #tpu.memory_space<vmem_shared>> -> memref<10240x128xf32, #tpu.memory_space<vmem_shared>>
      tpu.enqueue_indirect_dma source(%dma_start3A_37 : memref<10240x128xf32, #tpu.memory_space<vmem_shared>>) target(%arg9 : memref<64x128xf32, #tpu.memory_space<vmem>>) offsets(%dma_start3A_34 : memref<64xi32, #tpu.memory_space<vmem>>) semaphore(%arg14 : memref<!tpu.dma_semaphore, #tpu.memory_space<semaphore_mem>>)
      %dma_start3A_38 = arith.constant 4 : i32
      %dma_start3A_39 = arith.constant 0 : i32
      %dma_start3A_40 = tpu.memref_slice %arg5[%dma_start3A_38, %dma_start3A_39] : memref<40x64xi32, #tpu.memory_space<vmem>> -> memref<1x64xi32, #tpu.memory_space<vmem>>
      %dma_start3A_41 = tpu.memref_squeeze %dma_start3A_40 : memref<1x64xi32, #tpu.memory_space<vmem>> -> memref<64xi32, #tpu.memory_space<vmem>>
      %dma_start3A_42 = arith.constant 0 : i32
      %dma_start3A_43 = arith.constant 0 : i32
      %dma_start3A_44 = tpu.memref_slice %arg21[%dma_start3A_42, %dma_start3A_43] : memref<10240x128xf32, #tpu.memory_space<vmem_shared>> -> memref<10240x128xf32, #tpu.memory_space<vmem_shared>>
      tpu.enqueue_indirect_dma source(%dma_start3A_44 : memref<10240x128xf32, #tpu.memory_space<vmem_shared>>) target(%arg10 : memref<64x128xf32, #tpu.memory_space<vmem>>) offsets(%dma_start3A_41 : memref<64xi32, #tpu.memory_space<vmem>>) semaphore(%arg15 : memref<!tpu.dma_semaphore, #tpu.memory_space<semaphore_mem>>)
      %scan3A_45 = arith.constant 0 : i32
      %scan3A_46 = arith.constant 0 : i32
      %scan3A_47 = arith.constant 8 : i32
      %scan3A_48 = arith.addi %scan3A_46, %scan3A_47 : i32
      %scan3A_49 = arith.constant 1 : i32
      scf.for %scan3A_51 = %scan3A_46 to %scan3A_48 step %scan3A_49  : i32 {
        %mul3A_52 = arith.constant 5 : i32
        %mul3A_53 = arith.muli %scan3A_51, %mul3A_52 : i32
        %add3A_54 = arith.constant 0 : i32
        %add3A_55 = arith.addi %mul3A_53, %add3A_54 : i32
        %dma_wait3A = arith.constant 0 : i32
        %dma_wait3A_56 = tpu.memref_slice %arg5[%add3A_55, %dma_wait3A] : memref<40x64xi32, #tpu.memory_space<vmem>> -> memref<1x64xi32, #tpu.memory_space<vmem>>
        %dma_wait3A_57 = tpu.memref_squeeze %dma_wait3A_56 : memref<1x64xi32, #tpu.memory_space<vmem>> -> memref<64xi32, #tpu.memory_space<vmem>>
        %dma_wait3A_58 = arith.constant 0 : i32
        %dma_wait3A_59 = arith.constant 0 : i32
        %dma_wait3A_60 = tpu.memref_slice %arg21[%dma_wait3A_58, %dma_wait3A_59] : memref<10240x128xf32, #tpu.memory_space<vmem_shared>> -> memref<10240x128xf32, #tpu.memory_space<vmem_shared>>
        tpu.wait_indirect_dma semaphore(%arg11 : memref<!tpu.dma_semaphore, #tpu.memory_space<semaphore_mem>>) src(%dma_wait3A_60 : memref<10240x128xf32, #tpu.memory_space<vmem_shared>>) dst(%arg6 : memref<64x128xf32, #tpu.memory_space<vmem>>)
        %mul3A_61 = arith.constant 40 : i32
        %mul3A_62 = arith.muli %scan3A_8, %mul3A_61 : i32
        %add3A_63 = arith.addi %mul3A_62, %add3A_55 : i32
        %dma_start3A_64 = arith.constant 0 : i32
        %dma_start3A_65 = arith.constant 0 : i32
        %dma_start3A_66 = tpu.memref_slice %arg4[%add3A, %add3A_63, %dma_start3A_64, %dma_start3A_65] : memref<32x160x64x128xf32, #tpu.memory_space<hbm>> -> memref<1x1x64x128xf32, #tpu.memory_space<hbm>>
        %dma_start3A_67 = tpu.memref_squeeze %dma_start3A_66 : memref<1x1x64x128xf32, #tpu.memory_space<hbm>> -> memref<64x128xf32, #tpu.memory_space<hbm>>
        %dma_start3A_68 = arith.constant 0 : i32
        %dma_start3A_69 = arith.constant 0 : i32
        %dma_start3A_70 = tpu.memref_slice %arg4[%add3A, %add3A_63, %dma_start3A_68, %dma_start3A_69] : memref<32x160x64x128xf32, #tpu.memory_space<hbm>> -> memref<1x1x64x128xf32, #tpu.memory_space<hbm>>
        %dma_start3A_71 = tpu.memref_squeeze %dma_start3A_70 : memref<1x1x64x128xf32, #tpu.memory_space<hbm>> -> memref<64x128xf32, #tpu.memory_space<hbm>>
        tpu.enqueue_dma source(%arg6 : memref<64x128xf32, #tpu.memory_space<vmem>>) target(%dma_start3A_71 : memref<64x128xf32, #tpu.memory_space<hbm>>) target_semaphore(%arg16 : memref<!tpu.dma_semaphore, #tpu.memory_space<semaphore_mem>>)
        %mul3A_72 = arith.constant 5 : i32
        %mul3A_73 = arith.muli %scan3A_51, %mul3A_72 : i32
        %add3A_74 = arith.constant 1 : i32
        %add3A_75 = arith.addi %mul3A_73, %add3A_74 : i32
        %dma_wait3A_76 = arith.constant 0 : i32
        %dma_wait3A_77 = tpu.memref_slice %arg5[%add3A_75, %dma_wait3A_76] : memref<40x64xi32, #tpu.memory_space<vmem>> -> memref<1x64xi32, #tpu.memory_space<vmem>>
        %dma_wait3A_78 = tpu.memref_squeeze %dma_wait3A_77 : memref<1x64xi32, #tpu.memory_space<vmem>> -> memref<64xi32, #tpu.memory_space<vmem>>
        %dma_wait3A_79 = arith.constant 0 : i32
        %dma_wait3A_80 = arith.constant 0 : i32
        %dma_wait3A_81 = tpu.memref_slice %arg21[%dma_wait3A_79, %dma_wait3A_80] : memref<10240x128xf32, #tpu.memory_space<vmem_shared>> -> memref<10240x128xf32, #tpu.memory_space<vmem_shared>>
        tpu.wait_indirect_dma semaphore(%arg12 : memref<!tpu.dma_semaphore, #tpu.memory_space<semaphore_mem>>) src(%dma_wait3A_81 : memref<10240x128xf32, #tpu.memory_space<vmem_shared>>) dst(%arg7 : memref<64x128xf32, #tpu.memory_space<vmem>>)
        %mul3A_82 = arith.constant 40 : i32
        %mul3A_83 = arith.muli %scan3A_8, %mul3A_82 : i32
        %add3A_84 = arith.addi %mul3A_83, %add3A_75 : i32
        %dma_start3A_85 = arith.constant 0 : i32
        %dma_start3A_86 = arith.constant 0 : i32
        %dma_start3A_87 = tpu.memref_slice %arg4[%add3A, %add3A_84, %dma_start3A_85, %dma_start3A_86] : memref<32x160x64x128xf32, #tpu.memory_space<hbm>> -> memref<1x1x64x128xf32, #tpu.memory_space<hbm>>
        %dma_start3A_88 = tpu.memref_squeeze %dma_start3A_87 : memref<1x1x64x128xf32, #tpu.memory_space<hbm>> -> memref<64x128xf32, #tpu.memory_space<hbm>>
        %dma_start3A_89 = arith.constant 0 : i32
        %dma_start3A_90 = arith.constant 0 : i32
        %dma_start3A_91 = tpu.memref_slice %arg4[%add3A, %add3A_84, %dma_start3A_89, %dma_start3A_90] : memref<32x160x64x128xf32, #tpu.memory_space<hbm>> -> memref<1x1x64x128xf32, #tpu.memory_space<hbm>>
        %dma_start3A_92 = tpu.memref_squeeze %dma_start3A_91 : memref<1x1x64x128xf32, #tpu.memory_space<hbm>> -> memref<64x128xf32, #tpu.memory_space<hbm>>
        tpu.enqueue_dma source(%arg7 : memref<64x128xf32, #tpu.memory_space<vmem>>) target(%dma_start3A_92 : memref<64x128xf32, #tpu.memory_space<hbm>>) target_semaphore(%arg17 : memref<!tpu.dma_semaphore, #tpu.memory_space<semaphore_mem>>)
        %mul3A_93 = arith.constant 5 : i32
        %mul3A_94 = arith.muli %scan3A_51, %mul3A_93 : i32
        %add3A_95 = arith.constant 2 : i32
        %add3A_96 = arith.addi %mul3A_94, %add3A_95 : i32
        %dma_wait3A_97 = arith.constant 0 : i32
        %dma_wait3A_98 = tpu.memref_slice %arg5[%add3A_96, %dma_wait3A_97] : memref<40x64xi32, #tpu.memory_space<vmem>> -> memref<1x64xi32, #tpu.memory_space<vmem>>
        %dma_wait3A_99 = tpu.memref_squeeze %dma_wait3A_98 : memref<1x64xi32, #tpu.memory_space<vmem>> -> memref<64xi32, #tpu.memory_space<vmem>>
        %dma_wait3A_100 = arith.constant 0 : i32
        %dma_wait3A_101 = arith.constant 0 : i32
        %dma_wait3A_102 = tpu.memref_slice %arg21[%dma_wait3A_100, %dma_wait3A_101] : memref<10240x128xf32, #tpu.memory_space<vmem_shared>> -> memref<10240x128xf32, #tpu.memory_space<vmem_shared>>
        tpu.wait_indirect_dma semaphore(%arg13 : memref<!tpu.dma_semaphore, #tpu.memory_space<semaphore_mem>>) src(%dma_wait3A_102 : memref<10240x128xf32, #tpu.memory_space<vmem_shared>>) dst(%arg8 : memref<64x128xf32, #tpu.memory_space<vmem>>)
        %mul3A_103 = arith.constant 40 : i32
        %mul3A_104 = arith.muli %scan3A_8, %mul3A_103 : i32
        %add3A_105 = arith.addi %mul3A_104, %add3A_96 : i32
        %dma_start3A_106 = arith.constant 0 : i32
        %dma_start3A_107 = arith.constant 0 : i32
        %dma_start3A_108 = tpu.memref_slice %arg4[%add3A, %add3A_105, %dma_start3A_106, %dma_start3A_107] : memref<32x160x64x128xf32, #tpu.memory_space<hbm>> -> memref<1x1x64x128xf32, #tpu.memory_space<hbm>>
        %dma_start3A_109 = tpu.memref_squeeze %dma_start3A_108 : memref<1x1x64x128xf32, #tpu.memory_space<hbm>> -> memref<64x128xf32, #tpu.memory_space<hbm>>
        %dma_start3A_110 = arith.constant 0 : i32
        %dma_start3A_111 = arith.constant 0 : i32
        %dma_start3A_112 = tpu.memref_slice %arg4[%add3A, %add3A_105, %dma_start3A_110, %dma_start3A_111] : memref<32x160x64x128xf32, #tpu.memory_space<hbm>> -> memref<1x1x64x128xf32, #tpu.memory_space<hbm>>
        %dma_start3A_113 = tpu.memref_squeeze %dma_start3A_112 : memref<1x1x64x128xf32, #tpu.memory_space<hbm>> -> memref<64x128xf32, #tpu.memory_space<hbm>>
        tpu.enqueue_dma source(%arg8 : memref<64x128xf32, #tpu.memory_space<vmem>>) target(%dma_start3A_113 : memref<64x128xf32, #tpu.memory_space<hbm>>) target_semaphore(%arg18 : memref<!tpu.dma_semaphore, #tpu.memory_space<semaphore_mem>>)
        %mul3A_114 = arith.constant 5 : i32
        %mul3A_115 = arith.muli %scan3A_51, %mul3A_114 : i32
        %add3A_116 = arith.constant 3 : i32
        %add3A_117 = arith.addi %mul3A_115, %add3A_116 : i32
        %dma_wait3A_118 = arith.constant 0 : i32
        %dma_wait3A_119 = tpu.memref_slice %arg5[%add3A_117, %dma_wait3A_118] : memref<40x64xi32, #tpu.memory_space<vmem>> -> memref<1x64xi32, #tpu.memory_space<vmem>>
        %dma_wait3A_120 = tpu.memref_squeeze %dma_wait3A_119 : memref<1x64xi32, #tpu.memory_space<vmem>> -> memref<64xi32, #tpu.memory_space<vmem>>
        %dma_wait3A_121 = arith.constant 0 : i32
        %dma_wait3A_122 = arith.constant 0 : i32
        %dma_wait3A_123 = tpu.memref_slice %arg21[%dma_wait3A_121, %dma_wait3A_122] : memref<10240x128xf32, #tpu.memory_space<vmem_shared>> -> memref<10240x128xf32, #tpu.memory_space<vmem_shared>>
        tpu.wait_indirect_dma semaphore(%arg14 : memref<!tpu.dma_semaphore, #tpu.memory_space<semaphore_mem>>) src(%dma_wait3A_123 : memref<10240x128xf32, #tpu.memory_space<vmem_shared>>) dst(%arg9 : memref<64x128xf32, #tpu.memory_space<vmem>>)
        %mul3A_124 = arith.constant 40 : i32
        %mul3A_125 = arith.muli %scan3A_8, %mul3A_124 : i32
        %add3A_126 = arith.addi %mul3A_125, %add3A_117 : i32
        %dma_start3A_127 = arith.constant 0 : i32
        %dma_start3A_128 = arith.constant 0 : i32
        %dma_start3A_129 = tpu.memref_slice %arg4[%add3A, %add3A_126, %dma_start3A_127, %dma_start3A_128] : memref<32x160x64x128xf32, #tpu.memory_space<hbm>> -> memref<1x1x64x128xf32, #tpu.memory_space<hbm>>
        %dma_start3A_130 = tpu.memref_squeeze %dma_start3A_129 : memref<1x1x64x128xf32, #tpu.memory_space<hbm>> -> memref<64x128xf32, #tpu.memory_space<hbm>>
        %dma_start3A_131 = arith.constant 0 : i32
        %dma_start3A_132 = arith.constant 0 : i32
        %dma_start3A_133 = tpu.memref_slice %arg4[%add3A, %add3A_126, %dma_start3A_131, %dma_start3A_132] : memref<32x160x64x128xf32, #tpu.memory_space<hbm>> -> memref<1x1x64x128xf32, #tpu.memory_space<hbm>>
        %dma_start3A_134 = tpu.memref_squeeze %dma_start3A_133 : memref<1x1x64x128xf32, #tpu.memory_space<hbm>> -> memref<64x128xf32, #tpu.memory_space<hbm>>
        tpu.enqueue_dma source(%arg9 : memref<64x128xf32, #tpu.memory_space<vmem>>) target(%dma_start3A_134 : memref<64x128xf32, #tpu.memory_space<hbm>>) target_semaphore(%arg19 : memref<!tpu.dma_semaphore, #tpu.memory_space<semaphore_mem>>)
        %mul3A_135 = arith.constant 5 : i32
        %mul3A_136 = arith.muli %scan3A_51, %mul3A_135 : i32
        %add3A_137 = arith.constant 4 : i32
        %add3A_138 = arith.addi %mul3A_136, %add3A_137 : i32
        %dma_wait3A_139 = arith.constant 0 : i32
        %dma_wait3A_140 = tpu.memref_slice %arg5[%add3A_138, %dma_wait3A_139] : memref<40x64xi32, #tpu.memory_space<vmem>> -> memref<1x64xi32, #tpu.memory_space<vmem>>
        %dma_wait3A_141 = tpu.memref_squeeze %dma_wait3A_140 : memref<1x64xi32, #tpu.memory_space<vmem>> -> memref<64xi32, #tpu.memory_space<vmem>>
        %dma_wait3A_142 = arith.constant 0 : i32
        %dma_wait3A_143 = arith.constant 0 : i32
        %dma_wait3A_144 = tpu.memref_slice %arg21[%dma_wait3A_142, %dma_wait3A_143] : memref<10240x128xf32, #tpu.memory_space<vmem_shared>> -> memref<10240x128xf32, #tpu.memory_space<vmem_shared>>
        tpu.wait_indirect_dma semaphore(%arg15 : memref<!tpu.dma_semaphore, #tpu.memory_space<semaphore_mem>>) src(%dma_wait3A_144 : memref<10240x128xf32, #tpu.memory_space<vmem_shared>>) dst(%arg10 : memref<64x128xf32, #tpu.memory_space<vmem>>)
        %mul3A_145 = arith.constant 40 : i32
        %mul3A_146 = arith.muli %scan3A_8, %mul3A_145 : i32
        %add3A_147 = arith.addi %mul3A_146, %add3A_138 : i32
        %dma_start3A_148 = arith.constant 0 : i32
        %dma_start3A_149 = arith.constant 0 : i32
        %dma_start3A_150 = tpu.memref_slice %arg4[%add3A, %add3A_147, %dma_start3A_148, %dma_start3A_149] : memref<32x160x64x128xf32, #tpu.memory_space<hbm>> -> memref<1x1x64x128xf32, #tpu.memory_space<hbm>>
        %dma_start3A_151 = tpu.memref_squeeze %dma_start3A_150 : memref<1x1x64x128xf32, #tpu.memory_space<hbm>> -> memref<64x128xf32, #tpu.memory_space<hbm>>
        %dma_start3A_152 = arith.constant 0 : i32
        %dma_start3A_153 = arith.constant 0 : i32
        %dma_start3A_154 = tpu.memref_slice %arg4[%add3A, %add3A_147, %dma_start3A_152, %dma_start3A_153] : memref<32x160x64x128xf32, #tpu.memory_space<hbm>> -> memref<1x1x64x128xf32, #tpu.memory_space<hbm>>
        %dma_start3A_155 = tpu.memref_squeeze %dma_start3A_154 : memref<1x1x64x128xf32, #tpu.memory_space<hbm>> -> memref<64x128xf32, #tpu.memory_space<hbm>>
        tpu.enqueue_dma source(%arg10 : memref<64x128xf32, #tpu.memory_space<vmem>>) target(%dma_start3A_155 : memref<64x128xf32, #tpu.memory_space<hbm>>) target_semaphore(%arg20 : memref<!tpu.dma_semaphore, #tpu.memory_space<semaphore_mem>>)
        %dma_wait3A_156 = arith.constant 0 : i32
        %dma_wait3A_157 = arith.constant 0 : i32
        %dma_wait3A_158 = arith.constant 0 : i32
        %dma_wait3A_159 = tpu.memref_slice %arg4[%add3A, %dma_wait3A_156, %dma_wait3A_157, %dma_wait3A_158] : memref<32x160x64x128xf32, #tpu.memory_space<hbm>> -> memref<1x1x64x128xf32, #tpu.memory_space<hbm>>
        %dma_wait3A_160 = tpu.memref_squeeze %dma_wait3A_159 : memref<1x1x64x128xf32, #tpu.memory_space<hbm>> -> memref<64x128xf32, #tpu.memory_space<hbm>>
        %dma_wait3A_161 = arith.constant 0 : i32
        %dma_wait3A_162 = arith.constant 0 : i32
        %dma_wait3A_163 = tpu.memref_slice %arg4[%add3A, %dma_wait3A_156, %dma_wait3A_161, %dma_wait3A_162] : memref<32x160x64x128xf32, #tpu.memory_space<hbm>> -> memref<1x1x64x128xf32, #tpu.memory_space<hbm>>
        %dma_wait3A_164 = tpu.memref_squeeze %dma_wait3A_163 : memref<1x1x64x128xf32, #tpu.memory_space<hbm>> -> memref<64x128xf32, #tpu.memory_space<hbm>>
        tpu.wait_dma2 semaphore(%arg16 : memref<!tpu.dma_semaphore, #tpu.memory_space<semaphore_mem>>) src(%arg6 : memref<64x128xf32, #tpu.memory_space<vmem>>) dst(%dma_wait3A_164 : memref<64x128xf32, #tpu.memory_space<hbm>>)
        %add3A_165 = arith.constant 1 : i32
        %add3A_166 = arith.addi %scan3A_51, %add3A_165 : i32
        %lt3A = arith.constant 8 : i32
        %lt3A_167 = arith.cmpi slt, %add3A_166, %lt3A : i32
        %convert_element_type3A = arith.extui %lt3A_167 : i1 to i32
        %cond3A = arith.constant 0 : i32
        %cond3A_168 = arith.cmpi ne, %convert_element_type3A, %cond3A : i32
        scf.if %cond3A_168 {
          %add3A_233 = arith.constant 1 : i32
          %add3A_234 = arith.addi %scan3A_51, %add3A_233 : i32
          %mul3A_235 = arith.constant 5 : i32
          %mul3A_236 = arith.muli %add3A_234, %mul3A_235 : i32
          %add3A_237 = arith.constant 0 : i32
          %add3A_238 = arith.addi %mul3A_236, %add3A_237 : i32
          %dma_start3A_239 = arith.constant 0 : i32
          %dma_start3A_240 = tpu.memref_slice %arg5[%add3A_238, %dma_start3A_239] : memref<40x64xi32, #tpu.memory_space<vmem>> -> memref<1x64xi32, #tpu.memory_space<vmem>>
          %dma_start3A_241 = tpu.memref_squeeze %dma_start3A_240 : memref<1x64xi32, #tpu.memory_space<vmem>> -> memref<64xi32, #tpu.memory_space<vmem>>
          %dma_start3A_242 = arith.constant 0 : i32
          %dma_start3A_243 = arith.constant 0 : i32
          %dma_start3A_244 = tpu.memref_slice %arg21[%dma_start3A_242, %dma_start3A_243] : memref<10240x128xf32, #tpu.memory_space<vmem_shared>> -> memref<10240x128xf32, #tpu.memory_space<vmem_shared>>
          tpu.enqueue_indirect_dma source(%dma_start3A_244 : memref<10240x128xf32, #tpu.memory_space<vmem_shared>>) target(%arg6 : memref<64x128xf32, #tpu.memory_space<vmem>>) offsets(%dma_start3A_241 : memref<64xi32, #tpu.memory_space<vmem>>) semaphore(%arg11 : memref<!tpu.dma_semaphore, #tpu.memory_space<semaphore_mem>>)
        } else {
        }
        %dma_wait3A_169 = arith.constant 0 : i32
        %dma_wait3A_170 = arith.constant 0 : i32
        %dma_wait3A_171 = arith.constant 0 : i32
        %dma_wait3A_172 = tpu.memref_slice %arg4[%add3A, %dma_wait3A_169, %dma_wait3A_170, %dma_wait3A_171] : memref<32x160x64x128xf32, #tpu.memory_space<hbm>> -> memref<1x1x64x128xf32, #tpu.memory_space<hbm>>
        %dma_wait3A_173 = tpu.memref_squeeze %dma_wait3A_172 : memref<1x1x64x128xf32, #tpu.memory_space<hbm>> -> memref<64x128xf32, #tpu.memory_space<hbm>>
        %dma_wait3A_174 = arith.constant 0 : i32
        %dma_wait3A_175 = arith.constant 0 : i32
        %dma_wait3A_176 = tpu.memref_slice %arg4[%add3A, %dma_wait3A_169, %dma_wait3A_174, %dma_wait3A_175] : memref<32x160x64x128xf32, #tpu.memory_space<hbm>> -> memref<1x1x64x128xf32, #tpu.memory_space<hbm>>
        %dma_wait3A_177 = tpu.memref_squeeze %dma_wait3A_176 : memref<1x1x64x128xf32, #tpu.memory_space<hbm>> -> memref<64x128xf32, #tpu.memory_space<hbm>>
        tpu.wait_dma2 semaphore(%arg17 : memref<!tpu.dma_semaphore, #tpu.memory_space<semaphore_mem>>) src(%arg7 : memref<64x128xf32, #tpu.memory_space<vmem>>) dst(%dma_wait3A_177 : memref<64x128xf32, #tpu.memory_space<hbm>>)
        %add3A_178 = arith.constant 1 : i32
        %add3A_179 = arith.addi %scan3A_51, %add3A_178 : i32
        %lt3A_180 = arith.constant 8 : i32
        %lt3A_181 = arith.cmpi slt, %add3A_179, %lt3A_180 : i32
        %convert_element_type3A_182 = arith.extui %lt3A_181 : i1 to i32
        %cond3A_183 = arith.constant 0 : i32
        %cond3A_184 = arith.cmpi ne, %convert_element_type3A_182, %cond3A_183 : i32
        scf.if %cond3A_184 {
          %add3A_233 = arith.constant 1 : i32
          %add3A_234 = arith.addi %scan3A_51, %add3A_233 : i32
          %mul3A_235 = arith.constant 5 : i32
          %mul3A_236 = arith.muli %add3A_234, %mul3A_235 : i32
          %add3A_237 = arith.constant 1 : i32
          %add3A_238 = arith.addi %mul3A_236, %add3A_237 : i32
          %dma_start3A_239 = arith.constant 0 : i32
          %dma_start3A_240 = tpu.memref_slice %arg5[%add3A_238, %dma_start3A_239] : memref<40x64xi32, #tpu.memory_space<vmem>> -> memref<1x64xi32, #tpu.memory_space<vmem>>
          %dma_start3A_241 = tpu.memref_squeeze %dma_start3A_240 : memref<1x64xi32, #tpu.memory_space<vmem>> -> memref<64xi32, #tpu.memory_space<vmem>>
          %dma_start3A_242 = arith.constant 0 : i32
          %dma_start3A_243 = arith.constant 0 : i32
          %dma_start3A_244 = tpu.memref_slice %arg21[%dma_start3A_242, %dma_start3A_243] : memref<10240x128xf32, #tpu.memory_space<vmem_shared>> -> memref<10240x128xf32, #tpu.memory_space<vmem_shared>>
          tpu.enqueue_indirect_dma source(%dma_start3A_244 : memref<10240x128xf32, #tpu.memory_space<vmem_shared>>) target(%arg7 : memref<64x128xf32, #tpu.memory_space<vmem>>) offsets(%dma_start3A_241 : memref<64xi32, #tpu.memory_space<vmem>>) semaphore(%arg12 : memref<!tpu.dma_semaphore, #tpu.memory_space<semaphore_mem>>)
        } else {
        }
        %dma_wait3A_185 = arith.constant 0 : i32
        %dma_wait3A_186 = arith.constant 0 : i32
        %dma_wait3A_187 = arith.constant 0 : i32
        %dma_wait3A_188 = tpu.memref_slice %arg4[%add3A, %dma_wait3A_185, %dma_wait3A_186, %dma_wait3A_187] : memref<32x160x64x128xf32, #tpu.memory_space<hbm>> -> memref<1x1x64x128xf32, #tpu.memory_space<hbm>>
        %dma_wait3A_189 = tpu.memref_squeeze %dma_wait3A_188 : memref<1x1x64x128xf32, #tpu.memory_space<hbm>> -> memref<64x128xf32, #tpu.memory_space<hbm>>
        %dma_wait3A_190 = arith.constant 0 : i32
        %dma_wait3A_191 = arith.constant 0 : i32
        %dma_wait3A_192 = tpu.memref_slice %arg4[%add3A, %dma_wait3A_185, %dma_wait3A_190, %dma_wait3A_191] : memref<32x160x64x128xf32, #tpu.memory_space<hbm>> -> memref<1x1x64x128xf32, #tpu.memory_space<hbm>>
        %dma_wait3A_193 = tpu.memref_squeeze %dma_wait3A_192 : memref<1x1x64x128xf32, #tpu.memory_space<hbm>> -> memref<64x128xf32, #tpu.memory_space<hbm>>
        tpu.wait_dma2 semaphore(%arg18 : memref<!tpu.dma_semaphore, #tpu.memory_space<semaphore_mem>>) src(%arg8 : memref<64x128xf32, #tpu.memory_space<vmem>>) dst(%dma_wait3A_193 : memref<64x128xf32, #tpu.memory_space<hbm>>)
        %add3A_194 = arith.constant 1 : i32
        %add3A_195 = arith.addi %scan3A_51, %add3A_194 : i32
        %lt3A_196 = arith.constant 8 : i32
        %lt3A_197 = arith.cmpi slt, %add3A_195, %lt3A_196 : i32
        %convert_element_type3A_198 = arith.extui %lt3A_197 : i1 to i32
        %cond3A_199 = arith.constant 0 : i32
        %cond3A_200 = arith.cmpi ne, %convert_element_type3A_198, %cond3A_199 : i32
        scf.if %cond3A_200 {
          %add3A_233 = arith.constant 1 : i32
          %add3A_234 = arith.addi %scan3A_51, %add3A_233 : i32
          %mul3A_235 = arith.constant 5 : i32
          %mul3A_236 = arith.muli %add3A_234, %mul3A_235 : i32
          %add3A_237 = arith.constant 2 : i32
          %add3A_238 = arith.addi %mul3A_236, %add3A_237 : i32
          %dma_start3A_239 = arith.constant 0 : i32
          %dma_start3A_240 = tpu.memref_slice %arg5[%add3A_238, %dma_start3A_239] : memref<40x64xi32, #tpu.memory_space<vmem>> -> memref<1x64xi32, #tpu.memory_space<vmem>>
          %dma_start3A_241 = tpu.memref_squeeze %dma_start3A_240 : memref<1x64xi32, #tpu.memory_space<vmem>> -> memref<64xi32, #tpu.memory_space<vmem>>
          %dma_start3A_242 = arith.constant 0 : i32
          %dma_start3A_243 = arith.constant 0 : i32
          %dma_start3A_244 = tpu.memref_slice %arg21[%dma_start3A_242, %dma_start3A_243] : memref<10240x128xf32, #tpu.memory_space<vmem_shared>> -> memref<10240x128xf32, #tpu.memory_space<vmem_shared>>
          tpu.enqueue_indirect_dma source(%dma_start3A_244 : memref<10240x128xf32, #tpu.memory_space<vmem_shared>>) target(%arg8 : memref<64x128xf32, #tpu.memory_space<vmem>>) offsets(%dma_start3A_241 : memref<64xi32, #tpu.memory_space<vmem>>) semaphore(%arg13 : memref<!tpu.dma_semaphore, #tpu.memory_space<semaphore_mem>>)
        } else {
        }
        %dma_wait3A_201 = arith.constant 0 : i32
        %dma_wait3A_202 = arith.constant 0 : i32
        %dma_wait3A_203 = arith.constant 0 : i32
        %dma_wait3A_204 = tpu.memref_slice %arg4[%add3A, %dma_wait3A_201, %dma_wait3A_202, %dma_wait3A_203] : memref<32x160x64x128xf32, #tpu.memory_space<hbm>> -> memref<1x1x64x128xf32, #tpu.memory_space<hbm>>
        %dma_wait3A_205 = tpu.memref_squeeze %dma_wait3A_204 : memref<1x1x64x128xf32, #tpu.memory_space<hbm>> -> memref<64x128xf32, #tpu.memory_space<hbm>>
        %dma_wait3A_206 = arith.constant 0 : i32
        %dma_wait3A_207 = arith.constant 0 : i32
        %dma_wait3A_208 = tpu.memref_slice %arg4[%add3A, %dma_wait3A_201, %dma_wait3A_206, %dma_wait3A_207] : memref<32x160x64x128xf32, #tpu.memory_space<hbm>> -> memref<1x1x64x128xf32, #tpu.memory_space<hbm>>
        %dma_wait3A_209 = tpu.memref_squeeze %dma_wait3A_208 : memref<1x1x64x128xf32, #tpu.memory_space<hbm>> -> memref<64x128xf32, #tpu.memory_space<hbm>>
        tpu.wait_dma2 semaphore(%arg19 : memref<!tpu.dma_semaphore, #tpu.memory_space<semaphore_mem>>) src(%arg9 : memref<64x128xf32, #tpu.memory_space<vmem>>) dst(%dma_wait3A_209 : memref<64x128xf32, #tpu.memory_space<hbm>>)
        %add3A_210 = arith.constant 1 : i32
        %add3A_211 = arith.addi %scan3A_51, %add3A_210 : i32
        %lt3A_212 = arith.constant 8 : i32
        %lt3A_213 = arith.cmpi slt, %add3A_211, %lt3A_212 : i32
        %convert_element_type3A_214 = arith.extui %lt3A_213 : i1 to i32
        %cond3A_215 = arith.constant 0 : i32
        %cond3A_216 = arith.cmpi ne, %convert_element_type3A_214, %cond3A_215 : i32
        scf.if %cond3A_216 {
          %add3A_233 = arith.constant 1 : i32
          %add3A_234 = arith.addi %scan3A_51, %add3A_233 : i32
          %mul3A_235 = arith.constant 5 : i32
          %mul3A_236 = arith.muli %add3A_234, %mul3A_235 : i32
          %add3A_237 = arith.constant 3 : i32
          %add3A_238 = arith.addi %mul3A_236, %add3A_237 : i32
          %dma_start3A_239 = arith.constant 0 : i32
          %dma_start3A_240 = tpu.memref_slice %arg5[%add3A_238, %dma_start3A_239] : memref<40x64xi32, #tpu.memory_space<vmem>> -> memref<1x64xi32, #tpu.memory_space<vmem>>
          %dma_start3A_241 = tpu.memref_squeeze %dma_start3A_240 : memref<1x64xi32, #tpu.memory_space<vmem>> -> memref<64xi32, #tpu.memory_space<vmem>>
          %dma_start3A_242 = arith.constant 0 : i32
          %dma_start3A_243 = arith.constant 0 : i32
          %dma_start3A_244 = tpu.memref_slice %arg21[%dma_start3A_242, %dma_start3A_243] : memref<10240x128xf32, #tpu.memory_space<vmem_shared>> -> memref<10240x128xf32, #tpu.memory_space<vmem_shared>>
          tpu.enqueue_indirect_dma source(%dma_start3A_244 : memref<10240x128xf32, #tpu.memory_space<vmem_shared>>) target(%arg9 : memref<64x128xf32, #tpu.memory_space<vmem>>) offsets(%dma_start3A_241 : memref<64xi32, #tpu.memory_space<vmem>>) semaphore(%arg14 : memref<!tpu.dma_semaphore, #tpu.memory_space<semaphore_mem>>)
        } else {
        }
        %dma_wait3A_217 = arith.constant 0 : i32
        %dma_wait3A_218 = arith.constant 0 : i32
        %dma_wait3A_219 = arith.constant 0 : i32
        %dma_wait3A_220 = tpu.memref_slice %arg4[%add3A, %dma_wait3A_217, %dma_wait3A_218, %dma_wait3A_219] : memref<32x160x64x128xf32, #tpu.memory_space<hbm>> -> memref<1x1x64x128xf32, #tpu.memory_space<hbm>>
        %dma_wait3A_221 = tpu.memref_squeeze %dma_wait3A_220 : memref<1x1x64x128xf32, #tpu.memory_space<hbm>> -> memref<64x128xf32, #tpu.memory_space<hbm>>
        %dma_wait3A_222 = arith.constant 0 : i32
        %dma_wait3A_223 = arith.constant 0 : i32
        %dma_wait3A_224 = tpu.memref_slice %arg4[%add3A, %dma_wait3A_217, %dma_wait3A_222, %dma_wait3A_223] : memref<32x160x64x128xf32, #tpu.memory_space<hbm>> -> memref<1x1x64x128xf32, #tpu.memory_space<hbm>>
        %dma_wait3A_225 = tpu.memref_squeeze %dma_wait3A_224 : memref<1x1x64x128xf32, #tpu.memory_space<hbm>> -> memref<64x128xf32, #tpu.memory_space<hbm>>
        tpu.wait_dma2 semaphore(%arg20 : memref<!tpu.dma_semaphore, #tpu.memory_space<semaphore_mem>>) src(%arg10 : memref<64x128xf32, #tpu.memory_space<vmem>>) dst(%dma_wait3A_225 : memref<64x128xf32, #tpu.memory_space<hbm>>)
        %add3A_226 = arith.constant 1 : i32
        %add3A_227 = arith.addi %scan3A_51, %add3A_226 : i32
        %lt3A_228 = arith.constant 8 : i32
        %lt3A_229 = arith.cmpi slt, %add3A_227, %lt3A_228 : i32
        %convert_element_type3A_230 = arith.extui %lt3A_229 : i1 to i32
        %cond3A_231 = arith.constant 0 : i32
        %cond3A_232 = arith.cmpi ne, %convert_element_type3A_230, %cond3A_231 : i32
        scf.if %cond3A_232 {
          %add3A_233 = arith.constant 1 : i32
          %add3A_234 = arith.addi %scan3A_51, %add3A_233 : i32
          %mul3A_235 = arith.constant 5 : i32
          %mul3A_236 = arith.muli %add3A_234, %mul3A_235 : i32
          %add3A_237 = arith.constant 4 : i32
          %add3A_238 = arith.addi %mul3A_236, %add3A_237 : i32
          %dma_start3A_239 = arith.constant 0 : i32
          %dma_start3A_240 = tpu.memref_slice %arg5[%add3A_238, %dma_start3A_239] : memref<40x64xi32, #tpu.memory_space<vmem>> -> memref<1x64xi32, #tpu.memory_space<vmem>>
          %dma_start3A_241 = tpu.memref_squeeze %dma_start3A_240 : memref<1x64xi32, #tpu.memory_space<vmem>> -> memref<64xi32, #tpu.memory_space<vmem>>
          %dma_start3A_242 = arith.constant 0 : i32
          %dma_start3A_243 = arith.constant 0 : i32
          %dma_start3A_244 = tpu.memref_slice %arg21[%dma_start3A_242, %dma_start3A_243] : memref<10240x128xf32, #tpu.memory_space<vmem_shared>> -> memref<10240x128xf32, #tpu.memory_space<vmem_shared>>
          tpu.enqueue_indirect_dma source(%dma_start3A_244 : memref<10240x128xf32, #tpu.memory_space<vmem_shared>>) target(%arg10 : memref<64x128xf32, #tpu.memory_space<vmem>>) offsets(%dma_start3A_241 : memref<64xi32, #tpu.memory_space<vmem>>) semaphore(%arg15 : memref<!tpu.dma_semaphore, #tpu.memory_space<semaphore_mem>>)
        } else {
        }
      }
      %scan3A_50 = arith.constant 8 : i32
    }
    %scan3A_7 = arith.constant 4 : i32
    return
  }
}

#map = affine_map<(d0, d1) -> (0, 0)>
#map1 = affine_map<(d0, d1) -> (0, 0, 0)>
#map2 = affine_map<(d0, d1) -> (0, 0, 0, 0)>
module attributes {stable_mosaic.version = 14 : i64} {
  func.func @_gather_body(%arg0: i32, %arg1: i32, %arg2: memref<10240x128xf32, #tpu.memory_space<hbm>>, %arg3: memref<32x160x64xi32, #tpu.memory_space<hbm>>, %arg4: memref<32x160x64x128xf32, #tpu.memory_space<hbm>>, %arg5: memref<40x64xi32, #tpu.memory_space<vmem>>, %arg6: memref<64x128xf32, #tpu.memory_space<vmem>>, %arg7: memref<64x128xf32, #tpu.memory_space<vmem>>, %arg8: memref<64x128xf32, #tpu.memory_space<vmem>>, %arg9: memref<64x128xf32, #tpu.memory_space<vmem>>, %arg10: memref<64x128xf32, #tpu.memory_space<vmem>>, %arg11: memref<!tpu.dma_semaphore, #tpu.memory_space<semaphore_mem>>, %arg12: memref<!tpu.dma_semaphore, #tpu.memory_space<semaphore_mem>>, %arg13: memref<!tpu.dma_semaphore, #tpu.memory_space<semaphore_mem>>, %arg14: memref<!tpu.dma_semaphore, #tpu.memory_space<semaphore_mem>>, %arg15: memref<!tpu.dma_semaphore, #tpu.memory_space<semaphore_mem>>, %arg16: memref<!tpu.dma_semaphore, #tpu.memory_space<semaphore_mem>>, %arg17: memref<!tpu.dma_semaphore, #tpu.memory_space<semaphore_mem>>, %arg18: memref<!tpu.dma_semaphore, #tpu.memory_space<semaphore_mem>>, %arg19: memref<!tpu.dma_semaphore, #tpu.memory_space<semaphore_mem>>, %arg20: memref<!tpu.dma_semaphore, #tpu.memory_space<semaphore_mem>>, %arg21: memref<10240x128xf32, #tpu.memory_space<vmem_shared>>) attributes {dimension_semantics = [#tpu.dimension_semantics<core_parallel>, #tpu.dimension_semantics<subcore_parallel>], iteration_bounds = array<i64: 2, 16>, scalar_prefetch = 0 : i64, scratch_operands = 17 : i64, tpu.core_type = #tpu.core_type<sc_vector_subcore>, window_params = [{transform_indices = #map}, {transform_indices = #map1}, {transform_indices = #map2}]} {
    %mul3A = arith.constant 2 : i32
    %mul3A_0 = arith.muli %arg1, %mul3A : i32
    %add3A = arith.addi %mul3A_0, %arg0 : i32
    %mul3A_1 = arith.constant 640 : i32
    %mul3A_2 = arith.muli %arg1, %mul3A_1 : i32
    "tpu.region"() ({
      %run_scoped3A = tpu.sem_alloc : memref<!tpu.dma_semaphore, #tpu.memory_space<semaphore_mem>>
      %dma_start3A = arith.constant 0 : i32
      %dma_start3A_8 = tpu.memref_slice %arg21[%mul3A_2, %dma_start3A] : memref<10240x128xf32, #tpu.memory_space<vmem_shared>> -> memref<640x128xf32, #tpu.memory_space<vmem_shared>>
      %dma_start3A_9 = arith.constant 0 : i32
      %dma_start3A_10 = tpu.memref_slice %arg2[%mul3A_2, %dma_start3A_9] : memref<10240x128xf32, #tpu.memory_space<hbm>> -> memref<640x128xf32, #tpu.memory_space<hbm>>
      tpu.enqueue_dma source(%dma_start3A_10 : memref<640x128xf32, #tpu.memory_space<hbm>>) target(%dma_start3A_8 : memref<640x128xf32, #tpu.memory_space<vmem_shared>>) target_semaphore(%run_scoped3A : memref<!tpu.dma_semaphore, #tpu.memory_space<semaphore_mem>>)
      %dma_wait3A = arith.constant 0 : i32
      %dma_wait3A_11 = tpu.memref_slice %arg21[%mul3A_2, %dma_wait3A] : memref<10240x128xf32, #tpu.memory_space<vmem_shared>> -> memref<640x128xf32, #tpu.memory_space<vmem_shared>>
      %dma_wait3A_12 = arith.constant 0 : i32
      %dma_wait3A_13 = tpu.memref_slice %arg2[%mul3A_2, %dma_wait3A_12] : memref<10240x128xf32, #tpu.memory_space<hbm>> -> memref<640x128xf32, #tpu.memory_space<hbm>>
      tpu.wait_dma2 semaphore(%run_scoped3A : memref<!tpu.dma_semaphore, #tpu.memory_space<semaphore_mem>>) src(%dma_wait3A_13 : memref<640x128xf32, #tpu.memory_space<hbm>>) dst(%dma_wait3A_11 : memref<640x128xf32, #tpu.memory_space<vmem_shared>>)
      tpu.yield
    }) : () -> ()
    %barrier3A = arith.constant 0 : index
    tpu.barrier barrier_id(%barrier3A)
    %scan3A = arith.constant 0 : i32
    %scan3A_3 = arith.constant 0 : i32
    %scan3A_4 = arith.constant 4 : i32
    %scan3A_5 = arith.addi %scan3A_3, %scan3A_4 : i32
    %scan3A_6 = arith.constant 1 : i32
    scf.for %scan3A_8 = %scan3A_3 to %scan3A_5 step %scan3A_6  : i32 {
      %mul3A_9 = arith.constant 40 : i32
      %mul3A_10 = arith.muli %scan3A_8, %mul3A_9 : i32
      "tpu.region"() ({
        %run_scoped3A = tpu.sem_alloc : memref<!tpu.dma_semaphore, #tpu.memory_space<semaphore_mem>>
        %dma_start3A_51 = arith.constant 0 : i32
        %dma_start3A_52 = tpu.memref_slice %arg3[%add3A, %mul3A_10, %dma_start3A_51] : memref<32x160x64xi32, #tpu.memory_space<hbm>> -> memref<1x40x64xi32, #tpu.memory_space<hbm>>
        %dma_start3A_53 = tpu.memref_squeeze %dma_start3A_52 : memref<1x40x64xi32, #tpu.memory_space<hbm>> -> memref<40x64xi32, #tpu.memory_space<hbm>>
        %dma_start3A_54 = arith.constant 0 : i32
        %dma_start3A_55 = tpu.memref_slice %arg3[%add3A, %mul3A_10, %dma_start3A_54] : memref<32x160x64xi32, #tpu.memory_space<hbm>> -> memref<1x40x64xi32, #tpu.memory_space<hbm>>
        %dma_start3A_56 = tpu.memref_squeeze %dma_start3A_55 : memref<1x40x64xi32, #tpu.memory_space<hbm>> -> memref<40x64xi32, #tpu.memory_space<hbm>>
        tpu.enqueue_dma source(%dma_start3A_56 : memref<40x64xi32, #tpu.memory_space<hbm>>) target(%arg5 : memref<40x64xi32, #tpu.memory_space<vmem>>) target_semaphore(%run_scoped3A : memref<!tpu.dma_semaphore, #tpu.memory_space<semaphore_mem>>)
        %dma_wait3A = arith.constant 0 : i32
        %dma_wait3A_57 = tpu.memref_slice %arg3[%add3A, %mul3A_10, %dma_wait3A] : memref<32x160x64xi32, #tpu.memory_space<hbm>> -> memref<1x40x64xi32, #tpu.memory_space<hbm>>
        %dma_wait3A_58 = tpu.memref_squeeze %dma_wait3A_57 : memref<1x40x64xi32, #tpu.memory_space<hbm>> -> memref<40x64xi32, #tpu.memory_space<hbm>>
        %dma_wait3A_59 = arith.constant 0 : i32
        %dma_wait3A_60 = tpu.memref_slice %arg3[%add3A, %mul3A_10, %dma_wait3A_59] : memref<32x160x64xi32, #tpu.memory_space<hbm>> -> memref<1x40x64xi32, #tpu.memory_space<hbm>>
        %dma_wait3A_61 = tpu.memref_squeeze %dma_wait3A_60 : memref<1x40x64xi32, #tpu.memory_space<hbm>> -> memref<40x64xi32, #tpu.memory_space<hbm>>
        tpu.wait_dma2 semaphore(%run_scoped3A : memref<!tpu.dma_semaphore, #tpu.memory_space<semaphore_mem>>) src(%dma_wait3A_61 : memref<40x64xi32, #tpu.memory_space<hbm>>) dst(%arg5 : memref<40x64xi32, #tpu.memory_space<vmem>>)
        tpu.yield
      }) : () -> ()
      %dma_start3A = arith.constant 0 : i32
      %dma_start3A_11 = arith.constant 0 : i32
      %dma_start3A_12 = tpu.memref_slice %arg5[%dma_start3A, %dma_start3A_11] : memref<40x64xi32, #tpu.memory_space<vmem>> -> memref<1x64xi32, #tpu.memory_space<vmem>>
      %dma_start3A_13 = tpu.memref_squeeze %dma_start3A_12 : memref<1x64xi32, #tpu.memory_space<vmem>> -> memref<64xi32, #tpu.memory_space<vmem>>
      %dma_start3A_14 = arith.constant 0 : i32
      %dma_start3A_15 = arith.constant 0 : i32
      %dma_start3A_16 = tpu.memref_slice %arg21[%dma_start3A_14, %dma_start3A_15] : memref<10240x128xf32, #tpu.memory_space<vmem_shared>> -> memref<10240x128xf32, #tpu.memory_space<vmem_shared>>
      tpu.enqueue_indirect_dma source(%dma_start3A_16 : memref<10240x128xf32, #tpu.memory_space<vmem_shared>>) target(%arg6 : memref<64x128xf32, #tpu.memory_space<vmem>>) offsets(%dma_start3A_13 : memref<64xi32, #tpu.memory_space<vmem>>) semaphore(%arg11 : memref<!tpu.dma_semaphore, #tpu.memory_space<semaphore_mem>>)
      %dma_start3A_17 = arith.constant 1 : i32
      %dma_start3A_18 = arith.constant 0 : i32
      %dma_start3A_19 = tpu.memref_slice %arg5[%dma_start3A_17, %dma_start3A_18] : memref<40x64xi32, #tpu.memory_space<vmem>> -> memref<1x64xi32, #tpu.memory_space<vmem>>
      %dma_start3A_20 = tpu.memref_squeeze %dma_start3A_19 : memref<1x64xi32, #tpu.memory_space<vmem>> -> memref<64xi32, #tpu.memory_space<vmem>>
      %dma_start3A_21 = arith.constant 0 : i32
      %dma_start3A_22 = arith.constant 0 : i32
      %dma_start3A_23 = tpu.memref_slice %arg21[%dma_start3A_21, %dma_start3A_22] : memref<10240x128xf32, #tpu.memory_space<vmem_shared>> -> memref<10240x128xf32, #tpu.memory_space<vmem_shared>>
      tpu.enqueue_indirect_dma source(%dma_start3A_23 : memref<10240x128xf32, #tpu.memory_space<vmem_shared>>) target(%arg7 : memref<64x128xf32, #tpu.memory_space<vmem>>) offsets(%dma_start3A_20 : memref<64xi32, #tpu.memory_space<vmem>>) semaphore(%arg12 : memref<!tpu.dma_semaphore, #tpu.memory_space<semaphore_mem>>)
      %dma_start3A_24 = arith.constant 2 : i32
      %dma_start3A_25 = arith.constant 0 : i32
      %dma_start3A_26 = tpu.memref_slice %arg5[%dma_start3A_24, %dma_start3A_25] : memref<40x64xi32, #tpu.memory_space<vmem>> -> memref<1x64xi32, #tpu.memory_space<vmem>>
      %dma_start3A_27 = tpu.memref_squeeze %dma_start3A_26 : memref<1x64xi32, #tpu.memory_space<vmem>> -> memref<64xi32, #tpu.memory_space<vmem>>
      %dma_start3A_28 = arith.constant 0 : i32
      %dma_start3A_29 = arith.constant 0 : i32
      %dma_start3A_30 = tpu.memref_slice %arg21[%dma_start3A_28, %dma_start3A_29] : memref<10240x128xf32, #tpu.memory_space<vmem_shared>> -> memref<10240x128xf32, #tpu.memory_space<vmem_shared>>
      tpu.enqueue_indirect_dma source(%dma_start3A_30 : memref<10240x128xf32, #tpu.memory_space<vmem_shared>>) target(%arg8 : memref<64x128xf32, #tpu.memory_space<vmem>>) offsets(%dma_start3A_27 : memref<64xi32, #tpu.memory_space<vmem>>) semaphore(%arg13 : memref<!tpu.dma_semaphore, #tpu.memory_space<semaphore_mem>>)
      %dma_start3A_31 = arith.constant 3 : i32
      %dma_start3A_32 = arith.constant 0 : i32
      %dma_start3A_33 = tpu.memref_slice %arg5[%dma_start3A_31, %dma_start3A_32] : memref<40x64xi32, #tpu.memory_space<vmem>> -> memref<1x64xi32, #tpu.memory_space<vmem>>
      %dma_start3A_34 = tpu.memref_squeeze %dma_start3A_33 : memref<1x64xi32, #tpu.memory_space<vmem>> -> memref<64xi32, #tpu.memory_space<vmem>>
      %dma_start3A_35 = arith.constant 0 : i32
      %dma_start3A_36 = arith.constant 0 : i32
      %dma_start3A_37 = tpu.memref_slice %arg21[%dma_start3A_35, %dma_start3A_36] : memref<10240x128xf32, #tpu.memory_space<vmem_shared>> -> memref<10240x128xf32, #tpu.memory_space<vmem_shared>>
      tpu.enqueue_indirect_dma source(%dma_start3A_37 : memref<10240x128xf32, #tpu.memory_space<vmem_shared>>) target(%arg9 : memref<64x128xf32, #tpu.memory_space<vmem>>) offsets(%dma_start3A_34 : memref<64xi32, #tpu.memory_space<vmem>>) semaphore(%arg14 : memref<!tpu.dma_semaphore, #tpu.memory_space<semaphore_mem>>)
      %dma_start3A_38 = arith.constant 4 : i32
      %dma_start3A_39 = arith.constant 0 : i32
      %dma_start3A_40 = tpu.memref_slice %arg5[%dma_start3A_38, %dma_start3A_39] : memref<40x64xi32, #tpu.memory_space<vmem>> -> memref<1x64xi32, #tpu.memory_space<vmem>>
      %dma_start3A_41 = tpu.memref_squeeze %dma_start3A_40 : memref<1x64xi32, #tpu.memory_space<vmem>> -> memref<64xi32, #tpu.memory_space<vmem>>
      %dma_start3A_42 = arith.constant 0 : i32
      %dma_start3A_43 = arith.constant 0 : i32
      %dma_start3A_44 = tpu.memref_slice %arg21[%dma_start3A_42, %dma_start3A_43] : memref<10240x128xf32, #tpu.memory_space<vmem_shared>> -> memref<10240x128xf32, #tpu.memory_space<vmem_shared>>
      tpu.enqueue_indirect_dma source(%dma_start3A_44 : memref<10240x128xf32, #tpu.memory_space<vmem_shared>>) target(%arg10 : memref<64x128xf32, #tpu.memory_space<vmem>>) offsets(%dma_start3A_41 : memref<64xi32, #tpu.memory_space<vmem>>) semaphore(%arg15 : memref<!tpu.dma_semaphore, #tpu.memory_space<semaphore_mem>>)
      %scan3A_45 = arith.constant 0 : i32
      %scan3A_46 = arith.constant 0 : i32
      %scan3A_47 = arith.constant 8 : i32
      %scan3A_48 = arith.addi %scan3A_46, %scan3A_47 : i32
      %scan3A_49 = arith.constant 1 : i32
      scf.for %scan3A_51 = %scan3A_46 to %scan3A_48 step %scan3A_49  : i32 {
        %mul3A_52 = arith.constant 5 : i32
        %mul3A_53 = arith.muli %scan3A_51, %mul3A_52 : i32
        %add3A_54 = arith.constant 0 : i32
        %add3A_55 = arith.addi %mul3A_53, %add3A_54 : i32
        %dma_wait3A = arith.constant 0 : i32
        %dma_wait3A_56 = tpu.memref_slice %arg5[%add3A_55, %dma_wait3A] : memref<40x64xi32, #tpu.memory_space<vmem>> -> memref<1x64xi32, #tpu.memory_space<vmem>>
        %dma_wait3A_57 = tpu.memref_squeeze %dma_wait3A_56 : memref<1x64xi32, #tpu.memory_space<vmem>> -> memref<64xi32, #tpu.memory_space<vmem>>
        %dma_wait3A_58 = arith.constant 0 : i32
        %dma_wait3A_59 = arith.constant 0 : i32
        %dma_wait3A_60 = tpu.memref_slice %arg21[%dma_wait3A_58, %dma_wait3A_59] : memref<10240x128xf32, #tpu.memory_space<vmem_shared>> -> memref<10240x128xf32, #tpu.memory_space<vmem_shared>>
        tpu.wait_indirect_dma semaphore(%arg11 : memref<!tpu.dma_semaphore, #tpu.memory_space<semaphore_mem>>) src(%dma_wait3A_60 : memref<10240x128xf32, #tpu.memory_space<vmem_shared>>) dst(%arg6 : memref<64x128xf32, #tpu.memory_space<vmem>>)
        %mul3A_61 = arith.constant 40 : i32
        %mul3A_62 = arith.muli %scan3A_8, %mul3A_61 : i32
        %add3A_63 = arith.addi %mul3A_62, %add3A_55 : i32
        %dma_start3A_64 = arith.constant 0 : i32
        %dma_start3A_65 = arith.constant 0 : i32
        %dma_start3A_66 = tpu.memref_slice %arg4[%add3A, %add3A_63, %dma_start3A_64, %dma_start3A_65] : memref<32x160x64x128xf32, #tpu.memory_space<hbm>> -> memref<1x1x64x128xf32, #tpu.memory_space<hbm>>
        %dma_start3A_67 = tpu.memref_squeeze %dma_start3A_66 : memref<1x1x64x128xf32, #tpu.memory_space<hbm>> -> memref<64x128xf32, #tpu.memory_space<hbm>>
        %dma_start3A_68 = arith.constant 0 : i32
        %dma_start3A_69 = arith.constant 0 : i32
        %dma_start3A_70 = tpu.memref_slice %arg4[%add3A, %add3A_63, %dma_start3A_68, %dma_start3A_69] : memref<32x160x64x128xf32, #tpu.memory_space<hbm>> -> memref<1x1x64x128xf32, #tpu.memory_space<hbm>>
        %dma_start3A_71 = tpu.memref_squeeze %dma_start3A_70 : memref<1x1x64x128xf32, #tpu.memory_space<hbm>> -> memref<64x128xf32, #tpu.memory_space<hbm>>
        tpu.enqueue_dma source(%arg6 : memref<64x128xf32, #tpu.memory_space<vmem>>) target(%dma_start3A_71 : memref<64x128xf32, #tpu.memory_space<hbm>>) target_semaphore(%arg16 : memref<!tpu.dma_semaphore, #tpu.memory_space<semaphore_mem>>)
        %mul3A_72 = arith.constant 5 : i32
        %mul3A_73 = arith.muli %scan3A_51, %mul3A_72 : i32
        %add3A_74 = arith.constant 1 : i32
        %add3A_75 = arith.addi %mul3A_73, %add3A_74 : i32
        %dma_wait3A_76 = arith.constant 0 : i32
        %dma_wait3A_77 = tpu.memref_slice %arg5[%add3A_75, %dma_wait3A_76] : memref<40x64xi32, #tpu.memory_space<vmem>> -> memref<1x64xi32, #tpu.memory_space<vmem>>
        %dma_wait3A_78 = tpu.memref_squeeze %dma_wait3A_77 : memref<1x64xi32, #tpu.memory_space<vmem>> -> memref<64xi32, #tpu.memory_space<vmem>>
        %dma_wait3A_79 = arith.constant 0 : i32
        %dma_wait3A_80 = arith.constant 0 : i32
        %dma_wait3A_81 = tpu.memref_slice %arg21[%dma_wait3A_79, %dma_wait3A_80] : memref<10240x128xf32, #tpu.memory_space<vmem_shared>> -> memref<10240x128xf32, #tpu.memory_space<vmem_shared>>
        tpu.wait_indirect_dma semaphore(%arg12 : memref<!tpu.dma_semaphore, #tpu.memory_space<semaphore_mem>>) src(%dma_wait3A_81 : memref<10240x128xf32, #tpu.memory_space<vmem_shared>>) dst(%arg7 : memref<64x128xf32, #tpu.memory_space<vmem>>)
        %mul3A_82 = arith.constant 40 : i32
        %mul3A_83 = arith.muli %scan3A_8, %mul3A_82 : i32
        %add3A_84 = arith.addi %mul3A_83, %add3A_75 : i32
        %dma_start3A_85 = arith.constant 0 : i32
        %dma_start3A_86 = arith.constant 0 : i32
        %dma_start3A_87 = tpu.memref_slice %arg4[%add3A, %add3A_84, %dma_start3A_85, %dma_start3A_86] : memref<32x160x64x128xf32, #tpu.memory_space<hbm>> -> memref<1x1x64x128xf32, #tpu.memory_space<hbm>>
        %dma_start3A_88 = tpu.memref_squeeze %dma_start3A_87 : memref<1x1x64x128xf32, #tpu.memory_space<hbm>> -> memref<64x128xf32, #tpu.memory_space<hbm>>
        %dma_start3A_89 = arith.constant 0 : i32
        %dma_start3A_90 = arith.constant 0 : i32
        %dma_start3A_91 = tpu.memref_slice %arg4[%add3A, %add3A_84, %dma_start3A_89, %dma_start3A_90] : memref<32x160x64x128xf32, #tpu.memory_space<hbm>> -> memref<1x1x64x128xf32, #tpu.memory_space<hbm>>
        %dma_start3A_92 = tpu.memref_squeeze %dma_start3A_91 : memref<1x1x64x128xf32, #tpu.memory_space<hbm>> -> memref<64x128xf32, #tpu.memory_space<hbm>>
        tpu.enqueue_dma source(%arg7 : memref<64x128xf32, #tpu.memory_space<vmem>>) target(%dma_start3A_92 : memref<64x128xf32, #tpu.memory_space<hbm>>) target_semaphore(%arg17 : memref<!tpu.dma_semaphore, #tpu.memory_space<semaphore_mem>>)
        %mul3A_93 = arith.constant 5 : i32
        %mul3A_94 = arith.muli %scan3A_51, %mul3A_93 : i32
        %add3A_95 = arith.constant 2 : i32
        %add3A_96 = arith.addi %mul3A_94, %add3A_95 : i32
        %dma_wait3A_97 = arith.constant 0 : i32
        %dma_wait3A_98 = tpu.memref_slice %arg5[%add3A_96, %dma_wait3A_97] : memref<40x64xi32, #tpu.memory_space<vmem>> -> memref<1x64xi32, #tpu.memory_space<vmem>>
        %dma_wait3A_99 = tpu.memref_squeeze %dma_wait3A_98 : memref<1x64xi32, #tpu.memory_space<vmem>> -> memref<64xi32, #tpu.memory_space<vmem>>
        %dma_wait3A_100 = arith.constant 0 : i32
        %dma_wait3A_101 = arith.constant 0 : i32
        %dma_wait3A_102 = tpu.memref_slice %arg21[%dma_wait3A_100, %dma_wait3A_101] : memref<10240x128xf32, #tpu.memory_space<vmem_shared>> -> memref<10240x128xf32, #tpu.memory_space<vmem_shared>>
        tpu.wait_indirect_dma semaphore(%arg13 : memref<!tpu.dma_semaphore, #tpu.memory_space<semaphore_mem>>) src(%dma_wait3A_102 : memref<10240x128xf32, #tpu.memory_space<vmem_shared>>) dst(%arg8 : memref<64x128xf32, #tpu.memory_space<vmem>>)
        %mul3A_103 = arith.constant 40 : i32
        %mul3A_104 = arith.muli %scan3A_8, %mul3A_103 : i32
        %add3A_105 = arith.addi %mul3A_104, %add3A_96 : i32
        %dma_start3A_106 = arith.constant 0 : i32
        %dma_start3A_107 = arith.constant 0 : i32
        %dma_start3A_108 = tpu.memref_slice %arg4[%add3A, %add3A_105, %dma_start3A_106, %dma_start3A_107] : memref<32x160x64x128xf32, #tpu.memory_space<hbm>> -> memref<1x1x64x128xf32, #tpu.memory_space<hbm>>
        %dma_start3A_109 = tpu.memref_squeeze %dma_start3A_108 : memref<1x1x64x128xf32, #tpu.memory_space<hbm>> -> memref<64x128xf32, #tpu.memory_space<hbm>>
        %dma_start3A_110 = arith.constant 0 : i32
        %dma_start3A_111 = arith.constant 0 : i32
        %dma_start3A_112 = tpu.memref_slice %arg4[%add3A, %add3A_105, %dma_start3A_110, %dma_start3A_111] : memref<32x160x64x128xf32, #tpu.memory_space<hbm>> -> memref<1x1x64x128xf32, #tpu.memory_space<hbm>>
        %dma_start3A_113 = tpu.memref_squeeze %dma_start3A_112 : memref<1x1x64x128xf32, #tpu.memory_space<hbm>> -> memref<64x128xf32, #tpu.memory_space<hbm>>
        tpu.enqueue_dma source(%arg8 : memref<64x128xf32, #tpu.memory_space<vmem>>) target(%dma_start3A_113 : memref<64x128xf32, #tpu.memory_space<hbm>>) target_semaphore(%arg18 : memref<!tpu.dma_semaphore, #tpu.memory_space<semaphore_mem>>)
        %mul3A_114 = arith.constant 5 : i32
        %mul3A_115 = arith.muli %scan3A_51, %mul3A_114 : i32
        %add3A_116 = arith.constant 3 : i32
        %add3A_117 = arith.addi %mul3A_115, %add3A_116 : i32
        %dma_wait3A_118 = arith.constant 0 : i32
        %dma_wait3A_119 = tpu.memref_slice %arg5[%add3A_117, %dma_wait3A_118] : memref<40x64xi32, #tpu.memory_space<vmem>> -> memref<1x64xi32, #tpu.memory_space<vmem>>
        %dma_wait3A_120 = tpu.memref_squeeze %dma_wait3A_119 : memref<1x64xi32, #tpu.memory_space<vmem>> -> memref<64xi32, #tpu.memory_space<vmem>>
        %dma_wait3A_121 = arith.constant 0 : i32
        %dma_wait3A_122 = arith.constant 0 : i32
        %dma_wait3A_123 = tpu.memref_slice %arg21[%dma_wait3A_121, %dma_wait3A_122] : memref<10240x128xf32, #tpu.memory_space<vmem_shared>> -> memref<10240x128xf32, #tpu.memory_space<vmem_shared>>
        tpu.wait_indirect_dma semaphore(%arg14 : memref<!tpu.dma_semaphore, #tpu.memory_space<semaphore_mem>>) src(%dma_wait3A_123 : memref<10240x128xf32, #tpu.memory_space<vmem_shared>>) dst(%arg9 : memref<64x128xf32, #tpu.memory_space<vmem>>)
        %mul3A_124 = arith.constant 40 : i32
        %mul3A_125 = arith.muli %scan3A_8, %mul3A_124 : i32
        %add3A_126 = arith.addi %mul3A_125, %add3A_117 : i32
        %dma_start3A_127 = arith.constant 0 : i32
        %dma_start3A_128 = arith.constant 0 : i32
        %dma_start3A_129 = tpu.memref_slice %arg4[%add3A, %add3A_126, %dma_start3A_127, %dma_start3A_128] : memref<32x160x64x128xf32, #tpu.memory_space<hbm>> -> memref<1x1x64x128xf32, #tpu.memory_space<hbm>>
        %dma_start3A_130 = tpu.memref_squeeze %dma_start3A_129 : memref<1x1x64x128xf32, #tpu.memory_space<hbm>> -> memref<64x128xf32, #tpu.memory_space<hbm>>
        %dma_start3A_131 = arith.constant 0 : i32
        %dma_start3A_132 = arith.constant 0 : i32
        %dma_start3A_133 = tpu.memref_slice %arg4[%add3A, %add3A_126, %dma_start3A_131, %dma_start3A_132] : memref<32x160x64x128xf32, #tpu.memory_space<hbm>> -> memref<1x1x64x128xf32, #tpu.memory_space<hbm>>
        %dma_start3A_134 = tpu.memref_squeeze %dma_start3A_133 : memref<1x1x64x128xf32, #tpu.memory_space<hbm>> -> memref<64x128xf32, #tpu.memory_space<hbm>>
        tpu.enqueue_dma source(%arg9 : memref<64x128xf32, #tpu.memory_space<vmem>>) target(%dma_start3A_134 : memref<64x128xf32, #tpu.memory_space<hbm>>) target_semaphore(%arg19 : memref<!tpu.dma_semaphore, #tpu.memory_space<semaphore_mem>>)
        %mul3A_135 = arith.constant 5 : i32
        %mul3A_136 = arith.muli %scan3A_51, %mul3A_135 : i32
        %add3A_137 = arith.constant 4 : i32
        %add3A_138 = arith.addi %mul3A_136, %add3A_137 : i32
        %dma_wait3A_139 = arith.constant 0 : i32
        %dma_wait3A_140 = tpu.memref_slice %arg5[%add3A_138, %dma_wait3A_139] : memref<40x64xi32, #tpu.memory_space<vmem>> -> memref<1x64xi32, #tpu.memory_space<vmem>>
        %dma_wait3A_141 = tpu.memref_squeeze %dma_wait3A_140 : memref<1x64xi32, #tpu.memory_space<vmem>> -> memref<64xi32, #tpu.memory_space<vmem>>
        %dma_wait3A_142 = arith.constant 0 : i32
        %dma_wait3A_143 = arith.constant 0 : i32
        %dma_wait3A_144 = tpu.memref_slice %arg21[%dma_wait3A_142, %dma_wait3A_143] : memref<10240x128xf32, #tpu.memory_space<vmem_shared>> -> memref<10240x128xf32, #tpu.memory_space<vmem_shared>>
        tpu.wait_indirect_dma semaphore(%arg15 : memref<!tpu.dma_semaphore, #tpu.memory_space<semaphore_mem>>) src(%dma_wait3A_144 : memref<10240x128xf32, #tpu.memory_space<vmem_shared>>) dst(%arg10 : memref<64x128xf32, #tpu.memory_space<vmem>>)
        %mul3A_145 = arith.constant 40 : i32
        %mul3A_146 = arith.muli %scan3A_8, %mul3A_145 : i32
        %add3A_147 = arith.addi %mul3A_146, %add3A_138 : i32
        %dma_start3A_148 = arith.constant 0 : i32
        %dma_start3A_149 = arith.constant 0 : i32
        %dma_start3A_150 = tpu.memref_slice %arg4[%add3A, %add3A_147, %dma_start3A_148, %dma_start3A_149] : memref<32x160x64x128xf32, #tpu.memory_space<hbm>> -> memref<1x1x64x128xf32, #tpu.memory_space<hbm>>
        %dma_start3A_151 = tpu.memref_squeeze %dma_start3A_150 : memref<1x1x64x128xf32, #tpu.memory_space<hbm>> -> memref<64x128xf32, #tpu.memory_space<hbm>>
        %dma_start3A_152 = arith.constant 0 : i32
        %dma_start3A_153 = arith.constant 0 : i32
        %dma_start3A_154 = tpu.memref_slice %arg4[%add3A, %add3A_147, %dma_start3A_152, %dma_start3A_153] : memref<32x160x64x128xf32, #tpu.memory_space<hbm>> -> memref<1x1x64x128xf32, #tpu.memory_space<hbm>>
        %dma_start3A_155 = tpu.memref_squeeze %dma_start3A_154 : memref<1x1x64x128xf32, #tpu.memory_space<hbm>> -> memref<64x128xf32, #tpu.memory_space<hbm>>
        tpu.enqueue_dma source(%arg10 : memref<64x128xf32, #tpu.memory_space<vmem>>) target(%dma_start3A_155 : memref<64x128xf32, #tpu.memory_space<hbm>>) target_semaphore(%arg20 : memref<!tpu.dma_semaphore, #tpu.memory_space<semaphore_mem>>)
        %dma_wait3A_156 = arith.constant 0 : i32
        %dma_wait3A_157 = arith.constant 0 : i32
        %dma_wait3A_158 = arith.constant 0 : i32
        %dma_wait3A_159 = tpu.memref_slice %arg4[%add3A, %dma_wait3A_156, %dma_wait3A_157, %dma_wait3A_158] : memref<32x160x64x128xf32, #tpu.memory_space<hbm>> -> memref<1x1x64x128xf32, #tpu.memory_space<hbm>>
        %dma_wait3A_160 = tpu.memref_squeeze %dma_wait3A_159 : memref<1x1x64x128xf32, #tpu.memory_space<hbm>> -> memref<64x128xf32, #tpu.memory_space<hbm>>
        %dma_wait3A_161 = arith.constant 0 : i32
        %dma_wait3A_162 = arith.constant 0 : i32
        %dma_wait3A_163 = tpu.memref_slice %arg4[%add3A, %dma_wait3A_156, %dma_wait3A_161, %dma_wait3A_162] : memref<32x160x64x128xf32, #tpu.memory_space<hbm>> -> memref<1x1x64x128xf32, #tpu.memory_space<hbm>>
        %dma_wait3A_164 = tpu.memref_squeeze %dma_wait3A_163 : memref<1x1x64x128xf32, #tpu.memory_space<hbm>> -> memref<64x128xf32, #tpu.memory_space<hbm>>
        tpu.wait_dma2 semaphore(%arg16 : memref<!tpu.dma_semaphore, #tpu.memory_space<semaphore_mem>>) src(%arg6 : memref<64x128xf32, #tpu.memory_space<vmem>>) dst(%dma_wait3A_164 : memref<64x128xf32, #tpu.memory_space<hbm>>)
        %add3A_165 = arith.constant 1 : i32
        %add3A_166 = arith.addi %scan3A_51, %add3A_165 : i32
        %lt3A = arith.constant 8 : i32
        %lt3A_167 = arith.cmpi slt, %add3A_166, %lt3A : i32
        %convert_element_type3A = arith.extui %lt3A_167 : i1 to i32
        %cond3A = arith.constant 0 : i32
        %cond3A_168 = arith.cmpi ne, %convert_element_type3A, %cond3A : i32
        scf.if %cond3A_168 {
          %add3A_233 = arith.constant 1 : i32
          %add3A_234 = arith.addi %scan3A_51, %add3A_233 : i32
          %mul3A_235 = arith.constant 5 : i32
          %mul3A_236 = arith.muli %add3A_234, %mul3A_235 : i32
          %add3A_237 = arith.constant 0 : i32
          %add3A_238 = arith.addi %mul3A_236, %add3A_237 : i32
          %dma_start3A_239 = arith.constant 0 : i32
          %dma_start3A_240 = tpu.memref_slice %arg5[%add3A_238, %dma_start3A_239] : memref<40x64xi32, #tpu.memory_space<vmem>> -> memref<1x64xi32, #tpu.memory_space<vmem>>
          %dma_start3A_241 = tpu.memref_squeeze %dma_start3A_240 : memref<1x64xi32, #tpu.memory_space<vmem>> -> memref<64xi32, #tpu.memory_space<vmem>>
          %dma_start3A_242 = arith.constant 0 : i32
          %dma_start3A_243 = arith.constant 0 : i32
          %dma_start3A_244 = tpu.memref_slice %arg21[%dma_start3A_242, %dma_start3A_243] : memref<10240x128xf32, #tpu.memory_space<vmem_shared>> -> memref<10240x128xf32, #tpu.memory_space<vmem_shared>>
          tpu.enqueue_indirect_dma source(%dma_start3A_244 : memref<10240x128xf32, #tpu.memory_space<vmem_shared>>) target(%arg6 : memref<64x128xf32, #tpu.memory_space<vmem>>) offsets(%dma_start3A_241 : memref<64xi32, #tpu.memory_space<vmem>>) semaphore(%arg11 : memref<!tpu.dma_semaphore, #tpu.memory_space<semaphore_mem>>)
        } else {
        }
        %dma_wait3A_169 = arith.constant 0 : i32
        %dma_wait3A_170 = arith.constant 0 : i32
        %dma_wait3A_171 = arith.constant 0 : i32
        %dma_wait3A_172 = tpu.memref_slice %arg4[%add3A, %dma_wait3A_169, %dma_wait3A_170, %dma_wait3A_171] : memref<32x160x64x128xf32, #tpu.memory_space<hbm>> -> memref<1x1x64x128xf32, #tpu.memory_space<hbm>>
        %dma_wait3A_173 = tpu.memref_squeeze %dma_wait3A_172 : memref<1x1x64x128xf32, #tpu.memory_space<hbm>> -> memref<64x128xf32, #tpu.memory_space<hbm>>
        %dma_wait3A_174 = arith.constant 0 : i32
        %dma_wait3A_175 = arith.constant 0 : i32
        %dma_wait3A_176 = tpu.memref_slice %arg4[%add3A, %dma_wait3A_169, %dma_wait3A_174, %dma_wait3A_175] : memref<32x160x64x128xf32, #tpu.memory_space<hbm>> -> memref<1x1x64x128xf32, #tpu.memory_space<hbm>>
        %dma_wait3A_177 = tpu.memref_squeeze %dma_wait3A_176 : memref<1x1x64x128xf32, #tpu.memory_space<hbm>> -> memref<64x128xf32, #tpu.memory_space<hbm>>
        tpu.wait_dma2 semaphore(%arg17 : memref<!tpu.dma_semaphore, #tpu.memory_space<semaphore_mem>>) src(%arg7 : memref<64x128xf32, #tpu.memory_space<vmem>>) dst(%dma_wait3A_177 : memref<64x128xf32, #tpu.memory_space<hbm>>)
        %add3A_178 = arith.constant 1 : i32
        %add3A_179 = arith.addi %scan3A_51, %add3A_178 : i32
        %lt3A_180 = arith.constant 8 : i32
        %lt3A_181 = arith.cmpi slt, %add3A_179, %lt3A_180 : i32
        %convert_element_type3A_182 = arith.extui %lt3A_181 : i1 to i32
        %cond3A_183 = arith.constant 0 : i32
        %cond3A_184 = arith.cmpi ne, %convert_element_type3A_182, %cond3A_183 : i32
        scf.if %cond3A_184 {
          %add3A_233 = arith.constant 1 : i32
          %add3A_234 = arith.addi %scan3A_51, %add3A_233 : i32
          %mul3A_235 = arith.constant 5 : i32
          %mul3A_236 = arith.muli %add3A_234, %mul3A_235 : i32
          %add3A_237 = arith.constant 1 : i32
          %add3A_238 = arith.addi %mul3A_236, %add3A_237 : i32
          %dma_start3A_239 = arith.constant 0 : i32
          %dma_start3A_240 = tpu.memref_slice %arg5[%add3A_238, %dma_start3A_239] : memref<40x64xi32, #tpu.memory_space<vmem>> -> memref<1x64xi32, #tpu.memory_space<vmem>>
          %dma_start3A_241 = tpu.memref_squeeze %dma_start3A_240 : memref<1x64xi32, #tpu.memory_space<vmem>> -> memref<64xi32, #tpu.memory_space<vmem>>
          %dma_start3A_242 = arith.constant 0 : i32
          %dma_start3A_243 = arith.constant 0 : i32
          %dma_start3A_244 = tpu.memref_slice %arg21[%dma_start3A_242, %dma_start3A_243] : memref<10240x128xf32, #tpu.memory_space<vmem_shared>> -> memref<10240x128xf32, #tpu.memory_space<vmem_shared>>
          tpu.enqueue_indirect_dma source(%dma_start3A_244 : memref<10240x128xf32, #tpu.memory_space<vmem_shared>>) target(%arg7 : memref<64x128xf32, #tpu.memory_space<vmem>>) offsets(%dma_start3A_241 : memref<64xi32, #tpu.memory_space<vmem>>) semaphore(%arg12 : memref<!tpu.dma_semaphore, #tpu.memory_space<semaphore_mem>>)
        } else {
        }
        %dma_wait3A_185 = arith.constant 0 : i32
        %dma_wait3A_186 = arith.constant 0 : i32
        %dma_wait3A_187 = arith.constant 0 : i32
        %dma_wait3A_188 = tpu.memref_slice %arg4[%add3A, %dma_wait3A_185, %dma_wait3A_186, %dma_wait3A_187] : memref<32x160x64x128xf32, #tpu.memory_space<hbm>> -> memref<1x1x64x128xf32, #tpu.memory_space<hbm>>
        %dma_wait3A_189 = tpu.memref_squeeze %dma_wait3A_188 : memref<1x1x64x128xf32, #tpu.memory_space<hbm>> -> memref<64x128xf32, #tpu.memory_space<hbm>>
        %dma_wait3A_190 = arith.constant 0 : i32
        %dma_wait3A_191 = arith.constant 0 : i32
        %dma_wait3A_192 = tpu.memref_slice %arg4[%add3A, %dma_wait3A_185, %dma_wait3A_190, %dma_wait3A_191] : memref<32x160x64x128xf32, #tpu.memory_space<hbm>> -> memref<1x1x64x128xf32, #tpu.memory_space<hbm>>
        %dma_wait3A_193 = tpu.memref_squeeze %dma_wait3A_192 : memref<1x1x64x128xf32, #tpu.memory_space<hbm>> -> memref<64x128xf32, #tpu.memory_space<hbm>>
        tpu.wait_dma2 semaphore(%arg18 : memref<!tpu.dma_semaphore, #tpu.memory_space<semaphore_mem>>) src(%arg8 : memref<64x128xf32, #tpu.memory_space<vmem>>) dst(%dma_wait3A_193 : memref<64x128xf32, #tpu.memory_space<hbm>>)
        %add3A_194 = arith.constant 1 : i32
        %add3A_195 = arith.addi %scan3A_51, %add3A_194 : i32
        %lt3A_196 = arith.constant 8 : i32
        %lt3A_197 = arith.cmpi slt, %add3A_195, %lt3A_196 : i32
        %convert_element_type3A_198 = arith.extui %lt3A_197 : i1 to i32
        %cond3A_199 = arith.constant 0 : i32
        %cond3A_200 = arith.cmpi ne, %convert_element_type3A_198, %cond3A_199 : i32
        scf.if %cond3A_200 {
          %add3A_233 = arith.constant 1 : i32
          %add3A_234 = arith.addi %scan3A_51, %add3A_233 : i32
          %mul3A_235 = arith.constant 5 : i32
          %mul3A_236 = arith.muli %add3A_234, %mul3A_235 : i32
          %add3A_237 = arith.constant 2 : i32
          %add3A_238 = arith.addi %mul3A_236, %add3A_237 : i32
          %dma_start3A_239 = arith.constant 0 : i32
          %dma_start3A_240 = tpu.memref_slice %arg5[%add3A_238, %dma_start3A_239] : memref<40x64xi32, #tpu.memory_space<vmem>> -> memref<1x64xi32, #tpu.memory_space<vmem>>
          %dma_start3A_241 = tpu.memref_squeeze %dma_start3A_240 : memref<1x64xi32, #tpu.memory_space<vmem>> -> memref<64xi32, #tpu.memory_space<vmem>>
          %dma_start3A_242 = arith.constant 0 : i32
          %dma_start3A_243 = arith.constant 0 : i32
          %dma_start3A_244 = tpu.memref_slice %arg21[%dma_start3A_242, %dma_start3A_243] : memref<10240x128xf32, #tpu.memory_space<vmem_shared>> -> memref<10240x128xf32, #tpu.memory_space<vmem_shared>>
          tpu.enqueue_indirect_dma source(%dma_start3A_244 : memref<10240x128xf32, #tpu.memory_space<vmem_shared>>) target(%arg8 : memref<64x128xf32, #tpu.memory_space<vmem>>) offsets(%dma_start3A_241 : memref<64xi32, #tpu.memory_space<vmem>>) semaphore(%arg13 : memref<!tpu.dma_semaphore, #tpu.memory_space<semaphore_mem>>)
        } else {
        }
        %dma_wait3A_201 = arith.constant 0 : i32
        %dma_wait3A_202 = arith.constant 0 : i32
        %dma_wait3A_203 = arith.constant 0 : i32
        %dma_wait3A_204 = tpu.memref_slice %arg4[%add3A, %dma_wait3A_201, %dma_wait3A_202, %dma_wait3A_203] : memref<32x160x64x128xf32, #tpu.memory_space<hbm>> -> memref<1x1x64x128xf32, #tpu.memory_space<hbm>>
        %dma_wait3A_205 = tpu.memref_squeeze %dma_wait3A_204 : memref<1x1x64x128xf32, #tpu.memory_space<hbm>> -> memref<64x128xf32, #tpu.memory_space<hbm>>
        %dma_wait3A_206 = arith.constant 0 : i32
        %dma_wait3A_207 = arith.constant 0 : i32
        %dma_wait3A_208 = tpu.memref_slice %arg4[%add3A, %dma_wait3A_201, %dma_wait3A_206, %dma_wait3A_207] : memref<32x160x64x128xf32, #tpu.memory_space<hbm>> -> memref<1x1x64x128xf32, #tpu.memory_space<hbm>>
        %dma_wait3A_209 = tpu.memref_squeeze %dma_wait3A_208 : memref<1x1x64x128xf32, #tpu.memory_space<hbm>> -> memref<64x128xf32, #tpu.memory_space<hbm>>
        tpu.wait_dma2 semaphore(%arg19 : memref<!tpu.dma_semaphore, #tpu.memory_space<semaphore_mem>>) src(%arg9 : memref<64x128xf32, #tpu.memory_space<vmem>>) dst(%dma_wait3A_209 : memref<64x128xf32, #tpu.memory_space<hbm>>)
        %add3A_210 = arith.constant 1 : i32
        %add3A_211 = arith.addi %scan3A_51, %add3A_210 : i32
        %lt3A_212 = arith.constant 8 : i32
        %lt3A_213 = arith.cmpi slt, %add3A_211, %lt3A_212 : i32
        %convert_element_type3A_214 = arith.extui %lt3A_213 : i1 to i32
        %cond3A_215 = arith.constant 0 : i32
        %cond3A_216 = arith.cmpi ne, %convert_element_type3A_214, %cond3A_215 : i32
        scf.if %cond3A_216 {
          %add3A_233 = arith.constant 1 : i32
          %add3A_234 = arith.addi %scan3A_51, %add3A_233 : i32
          %mul3A_235 = arith.constant 5 : i32
          %mul3A_236 = arith.muli %add3A_234, %mul3A_235 : i32
          %add3A_237 = arith.constant 3 : i32
          %add3A_238 = arith.addi %mul3A_236, %add3A_237 : i32
          %dma_start3A_239 = arith.constant 0 : i32
          %dma_start3A_240 = tpu.memref_slice %arg5[%add3A_238, %dma_start3A_239] : memref<40x64xi32, #tpu.memory_space<vmem>> -> memref<1x64xi32, #tpu.memory_space<vmem>>
          %dma_start3A_241 = tpu.memref_squeeze %dma_start3A_240 : memref<1x64xi32, #tpu.memory_space<vmem>> -> memref<64xi32, #tpu.memory_space<vmem>>
          %dma_start3A_242 = arith.constant 0 : i32
          %dma_start3A_243 = arith.constant 0 : i32
          %dma_start3A_244 = tpu.memref_slice %arg21[%dma_start3A_242, %dma_start3A_243] : memref<10240x128xf32, #tpu.memory_space<vmem_shared>> -> memref<10240x128xf32, #tpu.memory_space<vmem_shared>>
          tpu.enqueue_indirect_dma source(%dma_start3A_244 : memref<10240x128xf32, #tpu.memory_space<vmem_shared>>) target(%arg9 : memref<64x128xf32, #tpu.memory_space<vmem>>) offsets(%dma_start3A_241 : memref<64xi32, #tpu.memory_space<vmem>>) semaphore(%arg14 : memref<!tpu.dma_semaphore, #tpu.memory_space<semaphore_mem>>)
        } else {
        }
        %dma_wait3A_217 = arith.constant 0 : i32
        %dma_wait3A_218 = arith.constant 0 : i32
        %dma_wait3A_219 = arith.constant 0 : i32
        %dma_wait3A_220 = tpu.memref_slice %arg4[%add3A, %dma_wait3A_217, %dma_wait3A_218, %dma_wait3A_219] : memref<32x160x64x128xf32, #tpu.memory_space<hbm>> -> memref<1x1x64x128xf32, #tpu.memory_space<hbm>>
        %dma_wait3A_221 = tpu.memref_squeeze %dma_wait3A_220 : memref<1x1x64x128xf32, #tpu.memory_space<hbm>> -> memref<64x128xf32, #tpu.memory_space<hbm>>
        %dma_wait3A_222 = arith.constant 0 : i32
        %dma_wait3A_223 = arith.constant 0 : i32
        %dma_wait3A_224 = tpu.memref_slice %arg4[%add3A, %dma_wait3A_217, %dma_wait3A_222, %dma_wait3A_223] : memref<32x160x64x128xf32, #tpu.memory_space<hbm>> -> memref<1x1x64x128xf32, #tpu.memory_space<hbm>>
        %dma_wait3A_225 = tpu.memref_squeeze %dma_wait3A_224 : memref<1x1x64x128xf32, #tpu.memory_space<hbm>> -> memref<64x128xf32, #tpu.memory_space<hbm>>
        tpu.wait_dma2 semaphore(%arg20 : memref<!tpu.dma_semaphore, #tpu.memory_space<semaphore_mem>>) src(%arg10 : memref<64x128xf32, #tpu.memory_space<vmem>>) dst(%dma_wait3A_225 : memref<64x128xf32, #tpu.memory_space<hbm>>)
        %add3A_226 = arith.constant 1 : i32
        %add3A_227 = arith.addi %scan3A_51, %add3A_226 : i32
        %lt3A_228 = arith.constant 8 : i32
        %lt3A_229 = arith.cmpi slt, %add3A_227, %lt3A_228 : i32
        %convert_element_type3A_230 = arith.extui %lt3A_229 : i1 to i32
        %cond3A_231 = arith.constant 0 : i32
        %cond3A_232 = arith.cmpi ne, %convert_element_type3A_230, %cond3A_231 : i32
        scf.if %cond3A_232 {
          %add3A_233 = arith.constant 1 : i32
          %add3A_234 = arith.addi %scan3A_51, %add3A_233 : i32
          %mul3A_235 = arith.constant 5 : i32
          %mul3A_236 = arith.muli %add3A_234, %mul3A_235 : i32
          %add3A_237 = arith.constant 4 : i32
          %add3A_238 = arith.addi %mul3A_236, %add3A_237 : i32
          %dma_start3A_239 = arith.constant 0 : i32
          %dma_start3A_240 = tpu.memref_slice %arg5[%add3A_238, %dma_start3A_239] : memref<40x64xi32, #tpu.memory_space<vmem>> -> memref<1x64xi32, #tpu.memory_space<vmem>>
          %dma_start3A_241 = tpu.memref_squeeze %dma_start3A_240 : memref<1x64xi32, #tpu.memory_space<vmem>> -> memref<64xi32, #tpu.memory_space<vmem>>
          %dma_start3A_242 = arith.constant 0 : i32
          %dma_start3A_243 = arith.constant 0 : i32
          %dma_start3A_244 = tpu.memref_slice %arg21[%dma_start3A_242, %dma_start3A_243] : memref<10240x128xf32, #tpu.memory_space<vmem_shared>> -> memref<10240x128xf32, #tpu.memory_space<vmem_shared>>
          tpu.enqueue_indirect_dma source(%dma_start3A_244 : memref<10240x128xf32, #tpu.memory_space<vmem_shared>>) target(%arg10 : memref<64x128xf32, #tpu.memory_space<vmem>>) offsets(%dma_start3A_241 : memref<64xi32, #tpu.memory_space<vmem>>) semaphore(%arg15 : memref<!tpu.dma_semaphore, #tpu.memory_space<semaphore_mem>>)
        } else {
        }
      }
      %scan3A_50 = arith.constant 8 : i32
    }
    %scan3A_7 = arith.constant 4 : i32
    return
  }
}

#map = affine_map<(d0, d1) -> (0, 0, 0, 0)>
#map1 = affine_map<(d0, d1) -> (0, 0, 0)>
#map2 = affine_map<(d0, d1) -> (0, 0)>
module attributes {stable_mosaic.version = 14 : i64} {
  func.func @_scatter_body(%arg0: i32, %arg1: i32, %arg2: memref<32x160x64x128xf32, #tpu.memory_space<hbm>>, %arg3: memref<32x160x64xi32, #tpu.memory_space<hbm>>, %arg4: memref<640x128xf32, #tpu.memory_space<hbm>>, %arg5: memref<2x10240x128xf32, #tpu.memory_space<hbm>>, %arg6: memref<40x64xi32, #tpu.memory_space<vmem>>, %arg7: memref<64x128xf32, #tpu.memory_space<vmem>>, %arg8: memref<64x128xf32, #tpu.memory_space<vmem>>, %arg9: memref<64x128xf32, #tpu.memory_space<vmem>>, %arg10: memref<64x128xf32, #tpu.memory_space<vmem>>, %arg11: memref<64x128xf32, #tpu.memory_space<vmem>>, %arg12: memref<!tpu.dma_semaphore, #tpu.memory_space<semaphore_mem>>, %arg13: memref<!tpu.dma_semaphore, #tpu.memory_space<semaphore_mem>>, %arg14: memref<!tpu.dma_semaphore, #tpu.memory_space<semaphore_mem>>, %arg15: memref<!tpu.dma_semaphore, #tpu.memory_space<semaphore_mem>>, %arg16: memref<!tpu.dma_semaphore, #tpu.memory_space<semaphore_mem>>, %arg17: memref<!tpu.dma_semaphore, #tpu.memory_space<semaphore_mem>>, %arg18: memref<!tpu.dma_semaphore, #tpu.memory_space<semaphore_mem>>, %arg19: memref<!tpu.dma_semaphore, #tpu.memory_space<semaphore_mem>>, %arg20: memref<!tpu.dma_semaphore, #tpu.memory_space<semaphore_mem>>, %arg21: memref<!tpu.dma_semaphore, #tpu.memory_space<semaphore_mem>>, %arg22: memref<10240x128xf32, #tpu.memory_space<vmem_shared>>) attributes {dimension_semantics = [#tpu.dimension_semantics<core_parallel>, #tpu.dimension_semantics<subcore_parallel>], iteration_bounds = array<i64: 2, 16>, scalar_prefetch = 0 : i64, scratch_operands = 17 : i64, tpu.core_type = #tpu.core_type<sc_vector_subcore>, window_params = [{transform_indices = #map}, {transform_indices = #map1}, {transform_indices = #map2}, {transform_indices = #map1}]} {
    %mul3A = arith.constant 2 : i32
    %mul3A_0 = arith.muli %arg1, %mul3A : i32
    %add3A = arith.addi %mul3A_0, %arg0 : i32
    %mul3A_1 = arith.constant 640 : i32
    %mul3A_2 = arith.muli %arg1, %mul3A_1 : i32
    "tpu.region"() ({
      %run_scoped3A = tpu.sem_alloc : memref<!tpu.dma_semaphore, #tpu.memory_space<semaphore_mem>>
      %dma_start3A = arith.constant 0 : i32
      %dma_start3A_9 = tpu.memref_slice %arg22[%mul3A_2, %dma_start3A] : memref<10240x128xf32, #tpu.memory_space<vmem_shared>> -> memref<640x128xf32, #tpu.memory_space<vmem_shared>>
      tpu.enqueue_dma source(%arg4 : memref<640x128xf32, #tpu.memory_space<hbm>>) target(%dma_start3A_9 : memref<640x128xf32, #tpu.memory_space<vmem_shared>>) target_semaphore(%run_scoped3A : memref<!tpu.dma_semaphore, #tpu.memory_space<semaphore_mem>>)
      %dma_wait3A = arith.constant 0 : i32
      %dma_wait3A_10 = tpu.memref_slice %arg22[%mul3A_2, %dma_wait3A] : memref<10240x128xf32, #tpu.memory_space<vmem_shared>> -> memref<640x128xf32, #tpu.memory_space<vmem_shared>>
      tpu.wait_dma2 semaphore(%run_scoped3A : memref<!tpu.dma_semaphore, #tpu.memory_space<semaphore_mem>>) src(%arg4 : memref<640x128xf32, #tpu.memory_space<hbm>>) dst(%dma_wait3A_10 : memref<640x128xf32, #tpu.memory_space<vmem_shared>>)
      tpu.yield
    }) : () -> ()
    %barrier3A = arith.constant 0 : index
    tpu.barrier barrier_id(%barrier3A)
    %scan3A = arith.constant 0 : i32
    %scan3A_3 = arith.constant 0 : i32
    %scan3A_4 = arith.constant 4 : i32
    %scan3A_5 = arith.addi %scan3A_3, %scan3A_4 : i32
    %scan3A_6 = arith.constant 1 : i32
    scf.for %scan3A_9 = %scan3A_3 to %scan3A_5 step %scan3A_6  : i32 {
      %mul3A_10 = arith.constant 40 : i32
      %mul3A_11 = arith.muli %scan3A_9, %mul3A_10 : i32
      "tpu.region"() ({
        %run_scoped3A = tpu.sem_alloc : memref<!tpu.dma_semaphore, #tpu.memory_space<semaphore_mem>>
        %dma_start3A_77 = arith.constant 0 : i32
        %dma_start3A_78 = tpu.memref_slice %arg3[%add3A, %mul3A_11, %dma_start3A_77] : memref<32x160x64xi32, #tpu.memory_space<hbm>> -> memref<1x40x64xi32, #tpu.memory_space<hbm>>
        %dma_start3A_79 = tpu.memref_squeeze %dma_start3A_78 : memref<1x40x64xi32, #tpu.memory_space<hbm>> -> memref<40x64xi32, #tpu.memory_space<hbm>>
        %dma_start3A_80 = arith.constant 0 : i32
        %dma_start3A_81 = tpu.memref_slice %arg3[%add3A, %mul3A_11, %dma_start3A_80] : memref<32x160x64xi32, #tpu.memory_space<hbm>> -> memref<1x40x64xi32, #tpu.memory_space<hbm>>
        %dma_start3A_82 = tpu.memref_squeeze %dma_start3A_81 : memref<1x40x64xi32, #tpu.memory_space<hbm>> -> memref<40x64xi32, #tpu.memory_space<hbm>>
        tpu.enqueue_dma source(%dma_start3A_82 : memref<40x64xi32, #tpu.memory_space<hbm>>) target(%arg6 : memref<40x64xi32, #tpu.memory_space<vmem>>) target_semaphore(%run_scoped3A : memref<!tpu.dma_semaphore, #tpu.memory_space<semaphore_mem>>)
        %dma_wait3A = arith.constant 0 : i32
        %dma_wait3A_83 = tpu.memref_slice %arg3[%add3A, %mul3A_11, %dma_wait3A] : memref<32x160x64xi32, #tpu.memory_space<hbm>> -> memref<1x40x64xi32, #tpu.memory_space<hbm>>
        %dma_wait3A_84 = tpu.memref_squeeze %dma_wait3A_83 : memref<1x40x64xi32, #tpu.memory_space<hbm>> -> memref<40x64xi32, #tpu.memory_space<hbm>>
        %dma_wait3A_85 = arith.constant 0 : i32
        %dma_wait3A_86 = tpu.memref_slice %arg3[%add3A, %mul3A_11, %dma_wait3A_85] : memref<32x160x64xi32, #tpu.memory_space<hbm>> -> memref<1x40x64xi32, #tpu.memory_space<hbm>>
        %dma_wait3A_87 = tpu.memref_squeeze %dma_wait3A_86 : memref<1x40x64xi32, #tpu.memory_space<hbm>> -> memref<40x64xi32, #tpu.memory_space<hbm>>
        tpu.wait_dma2 semaphore(%run_scoped3A : memref<!tpu.dma_semaphore, #tpu.memory_space<semaphore_mem>>) src(%dma_wait3A_87 : memref<40x64xi32, #tpu.memory_space<hbm>>) dst(%arg6 : memref<40x64xi32, #tpu.memory_space<vmem>>)
        tpu.yield
      }) : () -> ()
      %mul3A_12 = arith.constant 40 : i32
      %mul3A_13 = arith.muli %scan3A_9, %mul3A_12 : i32
      %add3A_14 = arith.constant 0 : i32
      %add3A_15 = arith.addi %mul3A_13, %add3A_14 : i32
      %dma_start3A = arith.constant 0 : i32
      %dma_start3A_16 = arith.constant 0 : i32
      %dma_start3A_17 = tpu.memref_slice %arg2[%add3A, %add3A_15, %dma_start3A, %dma_start3A_16] : memref<32x160x64x128xf32, #tpu.memory_space<hbm>> -> memref<1x1x64x128xf32, #tpu.memory_space<hbm>>
      %dma_start3A_18 = tpu.memref_squeeze %dma_start3A_17 : memref<1x1x64x128xf32, #tpu.memory_space<hbm>> -> memref<64x128xf32, #tpu.memory_space<hbm>>
      %dma_start3A_19 = arith.constant 0 : i32
      %dma_start3A_20 = arith.constant 0 : i32
      %dma_start3A_21 = tpu.memref_slice %arg2[%add3A, %add3A_15, %dma_start3A_19, %dma_start3A_20] : memref<32x160x64x128xf32, #tpu.memory_space<hbm>> -> memref<1x1x64x128xf32, #tpu.memory_space<hbm>>
      %dma_start3A_22 = tpu.memref_squeeze %dma_start3A_21 : memref<1x1x64x128xf32, #tpu.memory_space<hbm>> -> memref<64x128xf32, #tpu.memory_space<hbm>>
      tpu.enqueue_dma source(%dma_start3A_22 : memref<64x128xf32, #tpu.memory_space<hbm>>) target(%arg7 : memref<64x128xf32, #tpu.memory_space<vmem>>) target_semaphore(%arg12 : memref<!tpu.dma_semaphore, #tpu.memory_space<semaphore_mem>>)
      %mul3A_23 = arith.constant 40 : i32
      %mul3A_24 = arith.muli %scan3A_9, %mul3A_23 : i32
      %add3A_25 = arith.constant 1 : i32
      %add3A_26 = arith.addi %mul3A_24, %add3A_25 : i32
      %dma_start3A_27 = arith.constant 0 : i32
      %dma_start3A_28 = arith.constant 0 : i32
      %dma_start3A_29 = tpu.memref_slice %arg2[%add3A, %add3A_26, %dma_start3A_27, %dma_start3A_28] : memref<32x160x64x128xf32, #tpu.memory_space<hbm>> -> memref<1x1x64x128xf32, #tpu.memory_space<hbm>>
      %dma_start3A_30 = tpu.memref_squeeze %dma_start3A_29 : memref<1x1x64x128xf32, #tpu.memory_space<hbm>> -> memref<64x128xf32, #tpu.memory_space<hbm>>
      %dma_start3A_31 = arith.constant 0 : i32
      %dma_start3A_32 = arith.constant 0 : i32
      %dma_start3A_33 = tpu.memref_slice %arg2[%add3A, %add3A_26, %dma_start3A_31, %dma_start3A_32] : memref<32x160x64x128xf32, #tpu.memory_space<hbm>> -> memref<1x1x64x128xf32, #tpu.memory_space<hbm>>
      %dma_start3A_34 = tpu.memref_squeeze %dma_start3A_33 : memref<1x1x64x128xf32, #tpu.memory_space<hbm>> -> memref<64x128xf32, #tpu.memory_space<hbm>>
      tpu.enqueue_dma source(%dma_start3A_34 : memref<64x128xf32, #tpu.memory_space<hbm>>) target(%arg8 : memref<64x128xf32, #tpu.memory_space<vmem>>) target_semaphore(%arg13 : memref<!tpu.dma_semaphore, #tpu.memory_space<semaphore_mem>>)
      %mul3A_35 = arith.constant 40 : i32
      %mul3A_36 = arith.muli %scan3A_9, %mul3A_35 : i32
      %add3A_37 = arith.constant 2 : i32
      %add3A_38 = arith.addi %mul3A_36, %add3A_37 : i32
      %dma_start3A_39 = arith.constant 0 : i32
      %dma_start3A_40 = arith.constant 0 : i32
      %dma_start3A_41 = tpu.memref_slice %arg2[%add3A, %add3A_38, %dma_start3A_39, %dma_start3A_40] : memref<32x160x64x128xf32, #tpu.memory_space<hbm>> -> memref<1x1x64x128xf32, #tpu.memory_space<hbm>>
      %dma_start3A_42 = tpu.memref_squeeze %dma_start3A_41 : memref<1x1x64x128xf32, #tpu.memory_space<hbm>> -> memref<64x128xf32, #tpu.memory_space<hbm>>
      %dma_start3A_43 = arith.constant 0 : i32
      %dma_start3A_44 = arith.constant 0 : i32
      %dma_start3A_45 = tpu.memref_slice %arg2[%add3A, %add3A_38, %dma_start3A_43, %dma_start3A_44] : memref<32x160x64x128xf32, #tpu.memory_space<hbm>> -> memref<1x1x64x128xf32, #tpu.memory_space<hbm>>
      %dma_start3A_46 = tpu.memref_squeeze %dma_start3A_45 : memref<1x1x64x128xf32, #tpu.memory_space<hbm>> -> memref<64x128xf32, #tpu.memory_space<hbm>>
      tpu.enqueue_dma source(%dma_start3A_46 : memref<64x128xf32, #tpu.memory_space<hbm>>) target(%arg9 : memref<64x128xf32, #tpu.memory_space<vmem>>) target_semaphore(%arg14 : memref<!tpu.dma_semaphore, #tpu.memory_space<semaphore_mem>>)
      %mul3A_47 = arith.constant 40 : i32
      %mul3A_48 = arith.muli %scan3A_9, %mul3A_47 : i32
      %add3A_49 = arith.constant 3 : i32
      %add3A_50 = arith.addi %mul3A_48, %add3A_49 : i32
      %dma_start3A_51 = arith.constant 0 : i32
      %dma_start3A_52 = arith.constant 0 : i32
      %dma_start3A_53 = tpu.memref_slice %arg2[%add3A, %add3A_50, %dma_start3A_51, %dma_start3A_52] : memref<32x160x64x128xf32, #tpu.memory_space<hbm>> -> memref<1x1x64x128xf32, #tpu.memory_space<hbm>>
      %dma_start3A_54 = tpu.memref_squeeze %dma_start3A_53 : memref<1x1x64x128xf32, #tpu.memory_space<hbm>> -> memref<64x128xf32, #tpu.memory_space<hbm>>
      %dma_start3A_55 = arith.constant 0 : i32
      %dma_start3A_56 = arith.constant 0 : i32
      %dma_start3A_57 = tpu.memref_slice %arg2[%add3A, %add3A_50, %dma_start3A_55, %dma_start3A_56] : memref<32x160x64x128xf32, #tpu.memory_space<hbm>> -> memref<1x1x64x128xf32, #tpu.memory_space<hbm>>
      %dma_start3A_58 = tpu.memref_squeeze %dma_start3A_57 : memref<1x1x64x128xf32, #tpu.memory_space<hbm>> -> memref<64x128xf32, #tpu.memory_space<hbm>>
      tpu.enqueue_dma source(%dma_start3A_58 : memref<64x128xf32, #tpu.memory_space<hbm>>) target(%arg10 : memref<64x128xf32, #tpu.memory_space<vmem>>) target_semaphore(%arg15 : memref<!tpu.dma_semaphore, #tpu.memory_space<semaphore_mem>>)
      %mul3A_59 = arith.constant 40 : i32
      %mul3A_60 = arith.muli %scan3A_9, %mul3A_59 : i32
      %add3A_61 = arith.constant 4 : i32
      %add3A_62 = arith.addi %mul3A_60, %add3A_61 : i32
      %dma_start3A_63 = arith.constant 0 : i32
      %dma_start3A_64 = arith.constant 0 : i32
      %dma_start3A_65 = tpu.memref_slice %arg2[%add3A, %add3A_62, %dma_start3A_63, %dma_start3A_64] : memref<32x160x64x128xf32, #tpu.memory_space<hbm>> -> memref<1x1x64x128xf32, #tpu.memory_space<hbm>>
      %dma_start3A_66 = tpu.memref_squeeze %dma_start3A_65 : memref<1x1x64x128xf32, #tpu.memory_space<hbm>> -> memref<64x128xf32, #tpu.memory_space<hbm>>
      %dma_start3A_67 = arith.constant 0 : i32
      %dma_start3A_68 = arith.constant 0 : i32
      %dma_start3A_69 = tpu.memref_slice %arg2[%add3A, %add3A_62, %dma_start3A_67, %dma_start3A_68] : memref<32x160x64x128xf32, #tpu.memory_space<hbm>> -> memref<1x1x64x128xf32, #tpu.memory_space<hbm>>
      %dma_start3A_70 = tpu.memref_squeeze %dma_start3A_69 : memref<1x1x64x128xf32, #tpu.memory_space<hbm>> -> memref<64x128xf32, #tpu.memory_space<hbm>>
      tpu.enqueue_dma source(%dma_start3A_70 : memref<64x128xf32, #tpu.memory_space<hbm>>) target(%arg11 : memref<64x128xf32, #tpu.memory_space<vmem>>) target_semaphore(%arg16 : memref<!tpu.dma_semaphore, #tpu.memory_space<semaphore_mem>>)
      %scan3A_71 = arith.constant 0 : i32
      %scan3A_72 = arith.constant 0 : i32
      %scan3A_73 = arith.constant 8 : i32
      %scan3A_74 = arith.addi %scan3A_72, %scan3A_73 : i32
      %scan3A_75 = arith.constant 1 : i32
      scf.for %scan3A_77 = %scan3A_72 to %scan3A_74 step %scan3A_75  : i32 {
        %mul3A_78 = arith.constant 5 : i32
        %mul3A_79 = arith.muli %scan3A_77, %mul3A_78 : i32
        %add3A_80 = arith.constant 0 : i32
        %add3A_81 = arith.addi %mul3A_79, %add3A_80 : i32
        %mul3A_82 = arith.constant 40 : i32
        %mul3A_83 = arith.muli %scan3A_9, %mul3A_82 : i32
        %add3A_84 = arith.addi %mul3A_83, %add3A_81 : i32
        %dma_wait3A = arith.constant 0 : i32
        %dma_wait3A_85 = arith.constant 0 : i32
        %dma_wait3A_86 = tpu.memref_slice %arg2[%add3A, %add3A_84, %dma_wait3A, %dma_wait3A_85] : memref<32x160x64x128xf32, #tpu.memory_space<hbm>> -> memref<1x1x64x128xf32, #tpu.memory_space<hbm>>
        %dma_wait3A_87 = tpu.memref_squeeze %dma_wait3A_86 : memref<1x1x64x128xf32, #tpu.memory_space<hbm>> -> memref<64x128xf32, #tpu.memory_space<hbm>>
        %dma_wait3A_88 = arith.constant 0 : i32
        %dma_wait3A_89 = arith.constant 0 : i32
        %dma_wait3A_90 = tpu.memref_slice %arg2[%add3A, %add3A_84, %dma_wait3A_88, %dma_wait3A_89] : memref<32x160x64x128xf32, #tpu.memory_space<hbm>> -> memref<1x1x64x128xf32, #tpu.memory_space<hbm>>
        %dma_wait3A_91 = tpu.memref_squeeze %dma_wait3A_90 : memref<1x1x64x128xf32, #tpu.memory_space<hbm>> -> memref<64x128xf32, #tpu.memory_space<hbm>>
        tpu.wait_dma2 semaphore(%arg12 : memref<!tpu.dma_semaphore, #tpu.memory_space<semaphore_mem>>) src(%dma_wait3A_91 : memref<64x128xf32, #tpu.memory_space<hbm>>) dst(%arg7 : memref<64x128xf32, #tpu.memory_space<vmem>>)
        %dma_start3A_92 = arith.constant 0 : i32
        %dma_start3A_93 = tpu.memref_slice %arg6[%add3A_81, %dma_start3A_92] : memref<40x64xi32, #tpu.memory_space<vmem>> -> memref<1x64xi32, #tpu.memory_space<vmem>>
        %dma_start3A_94 = tpu.memref_squeeze %dma_start3A_93 : memref<1x64xi32, #tpu.memory_space<vmem>> -> memref<64xi32, #tpu.memory_space<vmem>>
        %dma_start3A_95 = arith.constant 0 : i32
        %dma_start3A_96 = arith.constant 0 : i32
        %dma_start3A_97 = tpu.memref_slice %arg22[%dma_start3A_95, %dma_start3A_96] : memref<10240x128xf32, #tpu.memory_space<vmem_shared>> -> memref<10240x128xf32, #tpu.memory_space<vmem_shared>>
        tpu.enqueue_indirect_dma source(%arg7 : memref<64x128xf32, #tpu.memory_space<vmem>>) target(%dma_start3A_97 : memref<10240x128xf32, #tpu.memory_space<vmem_shared>>) offsets(%dma_start3A_94 : memref<64xi32, #tpu.memory_space<vmem>>) semaphore(%arg17 : memref<!tpu.dma_semaphore, #tpu.memory_space<semaphore_mem>>) {add = true}
        %mul3A_98 = arith.constant 5 : i32
        %mul3A_99 = arith.muli %scan3A_77, %mul3A_98 : i32
        %add3A_100 = arith.constant 1 : i32
        %add3A_101 = arith.addi %mul3A_99, %add3A_100 : i32
        %mul3A_102 = arith.constant 40 : i32
        %mul3A_103 = arith.muli %scan3A_9, %mul3A_102 : i32
        %add3A_104 = arith.addi %mul3A_103, %add3A_101 : i32
        %dma_wait3A_105 = arith.constant 0 : i32
        %dma_wait3A_106 = arith.constant 0 : i32
        %dma_wait3A_107 = tpu.memref_slice %arg2[%add3A, %add3A_104, %dma_wait3A_105, %dma_wait3A_106] : memref<32x160x64x128xf32, #tpu.memory_space<hbm>> -> memref<1x1x64x128xf32, #tpu.memory_space<hbm>>
        %dma_wait3A_108 = tpu.memref_squeeze %dma_wait3A_107 : memref<1x1x64x128xf32, #tpu.memory_space<hbm>> -> memref<64x128xf32, #tpu.memory_space<hbm>>
        %dma_wait3A_109 = arith.constant 0 : i32
        %dma_wait3A_110 = arith.constant 0 : i32
        %dma_wait3A_111 = tpu.memref_slice %arg2[%add3A, %add3A_104, %dma_wait3A_109, %dma_wait3A_110] : memref<32x160x64x128xf32, #tpu.memory_space<hbm>> -> memref<1x1x64x128xf32, #tpu.memory_space<hbm>>
        %dma_wait3A_112 = tpu.memref_squeeze %dma_wait3A_111 : memref<1x1x64x128xf32, #tpu.memory_space<hbm>> -> memref<64x128xf32, #tpu.memory_space<hbm>>
        tpu.wait_dma2 semaphore(%arg13 : memref<!tpu.dma_semaphore, #tpu.memory_space<semaphore_mem>>) src(%dma_wait3A_112 : memref<64x128xf32, #tpu.memory_space<hbm>>) dst(%arg8 : memref<64x128xf32, #tpu.memory_space<vmem>>)
        %dma_start3A_113 = arith.constant 0 : i32
        %dma_start3A_114 = tpu.memref_slice %arg6[%add3A_101, %dma_start3A_113] : memref<40x64xi32, #tpu.memory_space<vmem>> -> memref<1x64xi32, #tpu.memory_space<vmem>>
        %dma_start3A_115 = tpu.memref_squeeze %dma_start3A_114 : memref<1x64xi32, #tpu.memory_space<vmem>> -> memref<64xi32, #tpu.memory_space<vmem>>
        %dma_start3A_116 = arith.constant 0 : i32
        %dma_start3A_117 = arith.constant 0 : i32
        %dma_start3A_118 = tpu.memref_slice %arg22[%dma_start3A_116, %dma_start3A_117] : memref<10240x128xf32, #tpu.memory_space<vmem_shared>> -> memref<10240x128xf32, #tpu.memory_space<vmem_shared>>
        tpu.enqueue_indirect_dma source(%arg8 : memref<64x128xf32, #tpu.memory_space<vmem>>) target(%dma_start3A_118 : memref<10240x128xf32, #tpu.memory_space<vmem_shared>>) offsets(%dma_start3A_115 : memref<64xi32, #tpu.memory_space<vmem>>) semaphore(%arg18 : memref<!tpu.dma_semaphore, #tpu.memory_space<semaphore_mem>>) {add = true}
        %mul3A_119 = arith.constant 5 : i32
        %mul3A_120 = arith.muli %scan3A_77, %mul3A_119 : i32
        %add3A_121 = arith.constant 2 : i32
        %add3A_122 = arith.addi %mul3A_120, %add3A_121 : i32
        %mul3A_123 = arith.constant 40 : i32
        %mul3A_124 = arith.muli %scan3A_9, %mul3A_123 : i32
        %add3A_125 = arith.addi %mul3A_124, %add3A_122 : i32
        %dma_wait3A_126 = arith.constant 0 : i32
        %dma_wait3A_127 = arith.constant 0 : i32
        %dma_wait3A_128 = tpu.memref_slice %arg2[%add3A, %add3A_125, %dma_wait3A_126, %dma_wait3A_127] : memref<32x160x64x128xf32, #tpu.memory_space<hbm>> -> memref<1x1x64x128xf32, #tpu.memory_space<hbm>>
        %dma_wait3A_129 = tpu.memref_squeeze %dma_wait3A_128 : memref<1x1x64x128xf32, #tpu.memory_space<hbm>> -> memref<64x128xf32, #tpu.memory_space<hbm>>
        %dma_wait3A_130 = arith.constant 0 : i32
        %dma_wait3A_131 = arith.constant 0 : i32
        %dma_wait3A_132 = tpu.memref_slice %arg2[%add3A, %add3A_125, %dma_wait3A_130, %dma_wait3A_131] : memref<32x160x64x128xf32, #tpu.memory_space<hbm>> -> memref<1x1x64x128xf32, #tpu.memory_space<hbm>>
        %dma_wait3A_133 = tpu.memref_squeeze %dma_wait3A_132 : memref<1x1x64x128xf32, #tpu.memory_space<hbm>> -> memref<64x128xf32, #tpu.memory_space<hbm>>
        tpu.wait_dma2 semaphore(%arg14 : memref<!tpu.dma_semaphore, #tpu.memory_space<semaphore_mem>>) src(%dma_wait3A_133 : memref<64x128xf32, #tpu.memory_space<hbm>>) dst(%arg9 : memref<64x128xf32, #tpu.memory_space<vmem>>)
        %dma_start3A_134 = arith.constant 0 : i32
        %dma_start3A_135 = tpu.memref_slice %arg6[%add3A_122, %dma_start3A_134] : memref<40x64xi32, #tpu.memory_space<vmem>> -> memref<1x64xi32, #tpu.memory_space<vmem>>
        %dma_start3A_136 = tpu.memref_squeeze %dma_start3A_135 : memref<1x64xi32, #tpu.memory_space<vmem>> -> memref<64xi32, #tpu.memory_space<vmem>>
        %dma_start3A_137 = arith.constant 0 : i32
        %dma_start3A_138 = arith.constant 0 : i32
        %dma_start3A_139 = tpu.memref_slice %arg22[%dma_start3A_137, %dma_start3A_138] : memref<10240x128xf32, #tpu.memory_space<vmem_shared>> -> memref<10240x128xf32, #tpu.memory_space<vmem_shared>>
        tpu.enqueue_indirect_dma source(%arg9 : memref<64x128xf32, #tpu.memory_space<vmem>>) target(%dma_start3A_139 : memref<10240x128xf32, #tpu.memory_space<vmem_shared>>) offsets(%dma_start3A_136 : memref<64xi32, #tpu.memory_space<vmem>>) semaphore(%arg19 : memref<!tpu.dma_semaphore, #tpu.memory_space<semaphore_mem>>) {add = true}
        %mul3A_140 = arith.constant 5 : i32
        %mul3A_141 = arith.muli %scan3A_77, %mul3A_140 : i32
        %add3A_142 = arith.constant 3 : i32
        %add3A_143 = arith.addi %mul3A_141, %add3A_142 : i32
        %mul3A_144 = arith.constant 40 : i32
        %mul3A_145 = arith.muli %scan3A_9, %mul3A_144 : i32
        %add3A_146 = arith.addi %mul3A_145, %add3A_143 : i32
        %dma_wait3A_147 = arith.constant 0 : i32
        %dma_wait3A_148 = arith.constant 0 : i32
        %dma_wait3A_149 = tpu.memref_slice %arg2[%add3A, %add3A_146, %dma_wait3A_147, %dma_wait3A_148] : memref<32x160x64x128xf32, #tpu.memory_space<hbm>> -> memref<1x1x64x128xf32, #tpu.memory_space<hbm>>
        %dma_wait3A_150 = tpu.memref_squeeze %dma_wait3A_149 : memref<1x1x64x128xf32, #tpu.memory_space<hbm>> -> memref<64x128xf32, #tpu.memory_space<hbm>>
        %dma_wait3A_151 = arith.constant 0 : i32
        %dma_wait3A_152 = arith.constant 0 : i32
        %dma_wait3A_153 = tpu.memref_slice %arg2[%add3A, %add3A_146, %dma_wait3A_151, %dma_wait3A_152] : memref<32x160x64x128xf32, #tpu.memory_space<hbm>> -> memref<1x1x64x128xf32, #tpu.memory_space<hbm>>
        %dma_wait3A_154 = tpu.memref_squeeze %dma_wait3A_153 : memref<1x1x64x128xf32, #tpu.memory_space<hbm>> -> memref<64x128xf32, #tpu.memory_space<hbm>>
        tpu.wait_dma2 semaphore(%arg15 : memref<!tpu.dma_semaphore, #tpu.memory_space<semaphore_mem>>) src(%dma_wait3A_154 : memref<64x128xf32, #tpu.memory_space<hbm>>) dst(%arg10 : memref<64x128xf32, #tpu.memory_space<vmem>>)
        %dma_start3A_155 = arith.constant 0 : i32
        %dma_start3A_156 = tpu.memref_slice %arg6[%add3A_143, %dma_start3A_155] : memref<40x64xi32, #tpu.memory_space<vmem>> -> memref<1x64xi32, #tpu.memory_space<vmem>>
        %dma_start3A_157 = tpu.memref_squeeze %dma_start3A_156 : memref<1x64xi32, #tpu.memory_space<vmem>> -> memref<64xi32, #tpu.memory_space<vmem>>
        %dma_start3A_158 = arith.constant 0 : i32
        %dma_start3A_159 = arith.constant 0 : i32
        %dma_start3A_160 = tpu.memref_slice %arg22[%dma_start3A_158, %dma_start3A_159] : memref<10240x128xf32, #tpu.memory_space<vmem_shared>> -> memref<10240x128xf32, #tpu.memory_space<vmem_shared>>
        tpu.enqueue_indirect_dma source(%arg10 : memref<64x128xf32, #tpu.memory_space<vmem>>) target(%dma_start3A_160 : memref<10240x128xf32, #tpu.memory_space<vmem_shared>>) offsets(%dma_start3A_157 : memref<64xi32, #tpu.memory_space<vmem>>) semaphore(%arg20 : memref<!tpu.dma_semaphore, #tpu.memory_space<semaphore_mem>>) {add = true}
        %mul3A_161 = arith.constant 5 : i32
        %mul3A_162 = arith.muli %scan3A_77, %mul3A_161 : i32
        %add3A_163 = arith.constant 4 : i32
        %add3A_164 = arith.addi %mul3A_162, %add3A_163 : i32
        %mul3A_165 = arith.constant 40 : i32
        %mul3A_166 = arith.muli %scan3A_9, %mul3A_165 : i32
        %add3A_167 = arith.addi %mul3A_166, %add3A_164 : i32
        %dma_wait3A_168 = arith.constant 0 : i32
        %dma_wait3A_169 = arith.constant 0 : i32
        %dma_wait3A_170 = tpu.memref_slice %arg2[%add3A, %add3A_167, %dma_wait3A_168, %dma_wait3A_169] : memref<32x160x64x128xf32, #tpu.memory_space<hbm>> -> memref<1x1x64x128xf32, #tpu.memory_space<hbm>>
        %dma_wait3A_171 = tpu.memref_squeeze %dma_wait3A_170 : memref<1x1x64x128xf32, #tpu.memory_space<hbm>> -> memref<64x128xf32, #tpu.memory_space<hbm>>
        %dma_wait3A_172 = arith.constant 0 : i32
        %dma_wait3A_173 = arith.constant 0 : i32
        %dma_wait3A_174 = tpu.memref_slice %arg2[%add3A, %add3A_167, %dma_wait3A_172, %dma_wait3A_173] : memref<32x160x64x128xf32, #tpu.memory_space<hbm>> -> memref<1x1x64x128xf32, #tpu.memory_space<hbm>>
        %dma_wait3A_175 = tpu.memref_squeeze %dma_wait3A_174 : memref<1x1x64x128xf32, #tpu.memory_space<hbm>> -> memref<64x128xf32, #tpu.memory_space<hbm>>
        tpu.wait_dma2 semaphore(%arg16 : memref<!tpu.dma_semaphore, #tpu.memory_space<semaphore_mem>>) src(%dma_wait3A_175 : memref<64x128xf32, #tpu.memory_space<hbm>>) dst(%arg11 : memref<64x128xf32, #tpu.memory_space<vmem>>)
        %dma_start3A_176 = arith.constant 0 : i32
        %dma_start3A_177 = tpu.memref_slice %arg6[%add3A_164, %dma_start3A_176] : memref<40x64xi32, #tpu.memory_space<vmem>> -> memref<1x64xi32, #tpu.memory_space<vmem>>
        %dma_start3A_178 = tpu.memref_squeeze %dma_start3A_177 : memref<1x64xi32, #tpu.memory_space<vmem>> -> memref<64xi32, #tpu.memory_space<vmem>>
        %dma_start3A_179 = arith.constant 0 : i32
        %dma_start3A_180 = arith.constant 0 : i32
        %dma_start3A_181 = tpu.memref_slice %arg22[%dma_start3A_179, %dma_start3A_180] : memref<10240x128xf32, #tpu.memory_space<vmem_shared>> -> memref<10240x128xf32, #tpu.memory_space<vmem_shared>>
        tpu.enqueue_indirect_dma source(%arg11 : memref<64x128xf32, #tpu.memory_space<vmem>>) target(%dma_start3A_181 : memref<10240x128xf32, #tpu.memory_space<vmem_shared>>) offsets(%dma_start3A_178 : memref<64xi32, #tpu.memory_space<vmem>>) semaphore(%arg21 : memref<!tpu.dma_semaphore, #tpu.memory_space<semaphore_mem>>) {add = true}
        %dma_wait3A_182 = arith.constant 0 : i32
        %dma_wait3A_183 = arith.constant 0 : i32
        %dma_wait3A_184 = tpu.memref_slice %arg6[%dma_wait3A_182, %dma_wait3A_183] : memref<40x64xi32, #tpu.memory_space<vmem>> -> memref<1x64xi32, #tpu.memory_space<vmem>>
        %dma_wait3A_185 = tpu.memref_squeeze %dma_wait3A_184 : memref<1x64xi32, #tpu.memory_space<vmem>> -> memref<64xi32, #tpu.memory_space<vmem>>
        %dma_wait3A_186 = arith.constant 0 : i32
        %dma_wait3A_187 = arith.constant 0 : i32
        %dma_wait3A_188 = tpu.memref_slice %arg22[%dma_wait3A_186, %dma_wait3A_187] : memref<10240x128xf32, #tpu.memory_space<vmem_shared>> -> memref<10240x128xf32, #tpu.memory_space<vmem_shared>>
        tpu.wait_indirect_dma semaphore(%arg17 : memref<!tpu.dma_semaphore, #tpu.memory_space<semaphore_mem>>) src(%arg7 : memref<64x128xf32, #tpu.memory_space<vmem>>) dst(%dma_wait3A_188 : memref<10240x128xf32, #tpu.memory_space<vmem_shared>>)
        %add3A_189 = arith.constant 1 : i32
        %add3A_190 = arith.addi %scan3A_77, %add3A_189 : i32
        %lt3A = arith.constant 8 : i32
        %lt3A_191 = arith.cmpi slt, %add3A_190, %lt3A : i32
        %convert_element_type3A = arith.extui %lt3A_191 : i1 to i32
        %cond3A = arith.constant 0 : i32
        %cond3A_192 = arith.cmpi ne, %convert_element_type3A, %cond3A : i32
        scf.if %cond3A_192 {
          %mul3A_249 = arith.constant 40 : i32
          %mul3A_250 = arith.muli %scan3A_9, %mul3A_249 : i32
          %add3A_251 = arith.constant 1 : i32
          %add3A_252 = arith.addi %scan3A_77, %add3A_251 : i32
          %mul3A_253 = arith.constant 5 : i32
          %mul3A_254 = arith.muli %add3A_252, %mul3A_253 : i32
          %add3A_255 = arith.addi %mul3A_250, %mul3A_254 : i32
          %add3A_256 = arith.constant 0 : i32
          %add3A_257 = arith.addi %add3A_255, %add3A_256 : i32
          %dma_start3A_258 = arith.constant 0 : i32
          %dma_start3A_259 = arith.constant 0 : i32
          %dma_start3A_260 = tpu.memref_slice %arg2[%add3A, %add3A_257, %dma_start3A_258, %dma_start3A_259] : memref<32x160x64x128xf32, #tpu.memory_space<hbm>> -> memref<1x1x64x128xf32, #tpu.memory_space<hbm>>
          %dma_start3A_261 = tpu.memref_squeeze %dma_start3A_260 : memref<1x1x64x128xf32, #tpu.memory_space<hbm>> -> memref<64x128xf32, #tpu.memory_space<hbm>>
          %dma_start3A_262 = arith.constant 0 : i32
          %dma_start3A_263 = arith.constant 0 : i32
          %dma_start3A_264 = tpu.memref_slice %arg2[%add3A, %add3A_257, %dma_start3A_262, %dma_start3A_263] : memref<32x160x64x128xf32, #tpu.memory_space<hbm>> -> memref<1x1x64x128xf32, #tpu.memory_space<hbm>>
          %dma_start3A_265 = tpu.memref_squeeze %dma_start3A_264 : memref<1x1x64x128xf32, #tpu.memory_space<hbm>> -> memref<64x128xf32, #tpu.memory_space<hbm>>
          tpu.enqueue_dma source(%dma_start3A_265 : memref<64x128xf32, #tpu.memory_space<hbm>>) target(%arg7 : memref<64x128xf32, #tpu.memory_space<vmem>>) target_semaphore(%arg12 : memref<!tpu.dma_semaphore, #tpu.memory_space<semaphore_mem>>)
        } else {
        }
        %dma_wait3A_193 = arith.constant 0 : i32
        %dma_wait3A_194 = arith.constant 0 : i32
        %dma_wait3A_195 = tpu.memref_slice %arg6[%dma_wait3A_193, %dma_wait3A_194] : memref<40x64xi32, #tpu.memory_space<vmem>> -> memref<1x64xi32, #tpu.memory_space<vmem>>
        %dma_wait3A_196 = tpu.memref_squeeze %dma_wait3A_195 : memref<1x64xi32, #tpu.memory_space<vmem>> -> memref<64xi32, #tpu.memory_space<vmem>>
        %dma_wait3A_197 = arith.constant 0 : i32
        %dma_wait3A_198 = arith.constant 0 : i32
        %dma_wait3A_199 = tpu.memref_slice %arg22[%dma_wait3A_197, %dma_wait3A_198] : memref<10240x128xf32, #tpu.memory_space<vmem_shared>> -> memref<10240x128xf32, #tpu.memory_space<vmem_shared>>
        tpu.wait_indirect_dma semaphore(%arg18 : memref<!tpu.dma_semaphore, #tpu.memory_space<semaphore_mem>>) src(%arg8 : memref<64x128xf32, #tpu.memory_space<vmem>>) dst(%dma_wait3A_199 : memref<10240x128xf32, #tpu.memory_space<vmem_shared>>)
        %add3A_200 = arith.constant 1 : i32
        %add3A_201 = arith.addi %scan3A_77, %add3A_200 : i32
        %lt3A_202 = arith.constant 8 : i32
        %lt3A_203 = arith.cmpi slt, %add3A_201, %lt3A_202 : i32
        %convert_element_type3A_204 = arith.extui %lt3A_203 : i1 to i32
        %cond3A_205 = arith.constant 0 : i32
        %cond3A_206 = arith.cmpi ne, %convert_element_type3A_204, %cond3A_205 : i32
        scf.if %cond3A_206 {
          %mul3A_249 = arith.constant 40 : i32
          %mul3A_250 = arith.muli %scan3A_9, %mul3A_249 : i32
          %add3A_251 = arith.constant 1 : i32
          %add3A_252 = arith.addi %scan3A_77, %add3A_251 : i32
          %mul3A_253 = arith.constant 5 : i32
          %mul3A_254 = arith.muli %add3A_252, %mul3A_253 : i32
          %add3A_255 = arith.addi %mul3A_250, %mul3A_254 : i32
          %add3A_256 = arith.constant 1 : i32
          %add3A_257 = arith.addi %add3A_255, %add3A_256 : i32
          %dma_start3A_258 = arith.constant 0 : i32
          %dma_start3A_259 = arith.constant 0 : i32
          %dma_start3A_260 = tpu.memref_slice %arg2[%add3A, %add3A_257, %dma_start3A_258, %dma_start3A_259] : memref<32x160x64x128xf32, #tpu.memory_space<hbm>> -> memref<1x1x64x128xf32, #tpu.memory_space<hbm>>
          %dma_start3A_261 = tpu.memref_squeeze %dma_start3A_260 : memref<1x1x64x128xf32, #tpu.memory_space<hbm>> -> memref<64x128xf32, #tpu.memory_space<hbm>>
          %dma_start3A_262 = arith.constant 0 : i32
          %dma_start3A_263 = arith.constant 0 : i32
          %dma_start3A_264 = tpu.memref_slice %arg2[%add3A, %add3A_257, %dma_start3A_262, %dma_start3A_263] : memref<32x160x64x128xf32, #tpu.memory_space<hbm>> -> memref<1x1x64x128xf32, #tpu.memory_space<hbm>>
          %dma_start3A_265 = tpu.memref_squeeze %dma_start3A_264 : memref<1x1x64x128xf32, #tpu.memory_space<hbm>> -> memref<64x128xf32, #tpu.memory_space<hbm>>
          tpu.enqueue_dma source(%dma_start3A_265 : memref<64x128xf32, #tpu.memory_space<hbm>>) target(%arg8 : memref<64x128xf32, #tpu.memory_space<vmem>>) target_semaphore(%arg13 : memref<!tpu.dma_semaphore, #tpu.memory_space<semaphore_mem>>)
        } else {
        }
        %dma_wait3A_207 = arith.constant 0 : i32
        %dma_wait3A_208 = arith.constant 0 : i32
        %dma_wait3A_209 = tpu.memref_slice %arg6[%dma_wait3A_207, %dma_wait3A_208] : memref<40x64xi32, #tpu.memory_space<vmem>> -> memref<1x64xi32, #tpu.memory_space<vmem>>
        %dma_wait3A_210 = tpu.memref_squeeze %dma_wait3A_209 : memref<1x64xi32, #tpu.memory_space<vmem>> -> memref<64xi32, #tpu.memory_space<vmem>>
        %dma_wait3A_211 = arith.constant 0 : i32
        %dma_wait3A_212 = arith.constant 0 : i32
        %dma_wait3A_213 = tpu.memref_slice %arg22[%dma_wait3A_211, %dma_wait3A_212] : memref<10240x128xf32, #tpu.memory_space<vmem_shared>> -> memref<10240x128xf32, #tpu.memory_space<vmem_shared>>
        tpu.wait_indirect_dma semaphore(%arg19 : memref<!tpu.dma_semaphore, #tpu.memory_space<semaphore_mem>>) src(%arg9 : memref<64x128xf32, #tpu.memory_space<vmem>>) dst(%dma_wait3A_213 : memref<10240x128xf32, #tpu.memory_space<vmem_shared>>)
        %add3A_214 = arith.constant 1 : i32
        %add3A_215 = arith.addi %scan3A_77, %add3A_214 : i32
        %lt3A_216 = arith.constant 8 : i32
        %lt3A_217 = arith.cmpi slt, %add3A_215, %lt3A_216 : i32
        %convert_element_type3A_218 = arith.extui %lt3A_217 : i1 to i32
        %cond3A_219 = arith.constant 0 : i32
        %cond3A_220 = arith.cmpi ne, %convert_element_type3A_218, %cond3A_219 : i32
        scf.if %cond3A_220 {
          %mul3A_249 = arith.constant 40 : i32
          %mul3A_250 = arith.muli %scan3A_9, %mul3A_249 : i32
          %add3A_251 = arith.constant 1 : i32
          %add3A_252 = arith.addi %scan3A_77, %add3A_251 : i32
          %mul3A_253 = arith.constant 5 : i32
          %mul3A_254 = arith.muli %add3A_252, %mul3A_253 : i32
          %add3A_255 = arith.addi %mul3A_250, %mul3A_254 : i32
          %add3A_256 = arith.constant 2 : i32
          %add3A_257 = arith.addi %add3A_255, %add3A_256 : i32
          %dma_start3A_258 = arith.constant 0 : i32
          %dma_start3A_259 = arith.constant 0 : i32
          %dma_start3A_260 = tpu.memref_slice %arg2[%add3A, %add3A_257, %dma_start3A_258, %dma_start3A_259] : memref<32x160x64x128xf32, #tpu.memory_space<hbm>> -> memref<1x1x64x128xf32, #tpu.memory_space<hbm>>
          %dma_start3A_261 = tpu.memref_squeeze %dma_start3A_260 : memref<1x1x64x128xf32, #tpu.memory_space<hbm>> -> memref<64x128xf32, #tpu.memory_space<hbm>>
          %dma_start3A_262 = arith.constant 0 : i32
          %dma_start3A_263 = arith.constant 0 : i32
          %dma_start3A_264 = tpu.memref_slice %arg2[%add3A, %add3A_257, %dma_start3A_262, %dma_start3A_263] : memref<32x160x64x128xf32, #tpu.memory_space<hbm>> -> memref<1x1x64x128xf32, #tpu.memory_space<hbm>>
          %dma_start3A_265 = tpu.memref_squeeze %dma_start3A_264 : memref<1x1x64x128xf32, #tpu.memory_space<hbm>> -> memref<64x128xf32, #tpu.memory_space<hbm>>
          tpu.enqueue_dma source(%dma_start3A_265 : memref<64x128xf32, #tpu.memory_space<hbm>>) target(%arg9 : memref<64x128xf32, #tpu.memory_space<vmem>>) target_semaphore(%arg14 : memref<!tpu.dma_semaphore, #tpu.memory_space<semaphore_mem>>)
        } else {
        }
        %dma_wait3A_221 = arith.constant 0 : i32
        %dma_wait3A_222 = arith.constant 0 : i32
        %dma_wait3A_223 = tpu.memref_slice %arg6[%dma_wait3A_221, %dma_wait3A_222] : memref<40x64xi32, #tpu.memory_space<vmem>> -> memref<1x64xi32, #tpu.memory_space<vmem>>
        %dma_wait3A_224 = tpu.memref_squeeze %dma_wait3A_223 : memref<1x64xi32, #tpu.memory_space<vmem>> -> memref<64xi32, #tpu.memory_space<vmem>>
        %dma_wait3A_225 = arith.constant 0 : i32
        %dma_wait3A_226 = arith.constant 0 : i32
        %dma_wait3A_227 = tpu.memref_slice %arg22[%dma_wait3A_225, %dma_wait3A_226] : memref<10240x128xf32, #tpu.memory_space<vmem_shared>> -> memref<10240x128xf32, #tpu.memory_space<vmem_shared>>
        tpu.wait_indirect_dma semaphore(%arg20 : memref<!tpu.dma_semaphore, #tpu.memory_space<semaphore_mem>>) src(%arg10 : memref<64x128xf32, #tpu.memory_space<vmem>>) dst(%dma_wait3A_227 : memref<10240x128xf32, #tpu.memory_space<vmem_shared>>)
        %add3A_228 = arith.constant 1 : i32
        %add3A_229 = arith.addi %scan3A_77, %add3A_228 : i32
        %lt3A_230 = arith.constant 8 : i32
        %lt3A_231 = arith.cmpi slt, %add3A_229, %lt3A_230 : i32
        %convert_element_type3A_232 = arith.extui %lt3A_231 : i1 to i32
        %cond3A_233 = arith.constant 0 : i32
        %cond3A_234 = arith.cmpi ne, %convert_element_type3A_232, %cond3A_233 : i32
        scf.if %cond3A_234 {
          %mul3A_249 = arith.constant 40 : i32
          %mul3A_250 = arith.muli %scan3A_9, %mul3A_249 : i32
          %add3A_251 = arith.constant 1 : i32
          %add3A_252 = arith.addi %scan3A_77, %add3A_251 : i32
          %mul3A_253 = arith.constant 5 : i32
          %mul3A_254 = arith.muli %add3A_252, %mul3A_253 : i32
          %add3A_255 = arith.addi %mul3A_250, %mul3A_254 : i32
          %add3A_256 = arith.constant 3 : i32
          %add3A_257 = arith.addi %add3A_255, %add3A_256 : i32
          %dma_start3A_258 = arith.constant 0 : i32
          %dma_start3A_259 = arith.constant 0 : i32
          %dma_start3A_260 = tpu.memref_slice %arg2[%add3A, %add3A_257, %dma_start3A_258, %dma_start3A_259] : memref<32x160x64x128xf32, #tpu.memory_space<hbm>> -> memref<1x1x64x128xf32, #tpu.memory_space<hbm>>
          %dma_start3A_261 = tpu.memref_squeeze %dma_start3A_260 : memref<1x1x64x128xf32, #tpu.memory_space<hbm>> -> memref<64x128xf32, #tpu.memory_space<hbm>>
          %dma_start3A_262 = arith.constant 0 : i32
          %dma_start3A_263 = arith.constant 0 : i32
          %dma_start3A_264 = tpu.memref_slice %arg2[%add3A, %add3A_257, %dma_start3A_262, %dma_start3A_263] : memref<32x160x64x128xf32, #tpu.memory_space<hbm>> -> memref<1x1x64x128xf32, #tpu.memory_space<hbm>>
          %dma_start3A_265 = tpu.memref_squeeze %dma_start3A_264 : memref<1x1x64x128xf32, #tpu.memory_space<hbm>> -> memref<64x128xf32, #tpu.memory_space<hbm>>
          tpu.enqueue_dma source(%dma_start3A_265 : memref<64x128xf32, #tpu.memory_space<hbm>>) target(%arg10 : memref<64x128xf32, #tpu.memory_space<vmem>>) target_semaphore(%arg15 : memref<!tpu.dma_semaphore, #tpu.memory_space<semaphore_mem>>)
        } else {
        }
        %dma_wait3A_235 = arith.constant 0 : i32
        %dma_wait3A_236 = arith.constant 0 : i32
        %dma_wait3A_237 = tpu.memref_slice %arg6[%dma_wait3A_235, %dma_wait3A_236] : memref<40x64xi32, #tpu.memory_space<vmem>> -> memref<1x64xi32, #tpu.memory_space<vmem>>
        %dma_wait3A_238 = tpu.memref_squeeze %dma_wait3A_237 : memref<1x64xi32, #tpu.memory_space<vmem>> -> memref<64xi32, #tpu.memory_space<vmem>>
        %dma_wait3A_239 = arith.constant 0 : i32
        %dma_wait3A_240 = arith.constant 0 : i32
        %dma_wait3A_241 = tpu.memref_slice %arg22[%dma_wait3A_239, %dma_wait3A_240] : memref<10240x128xf32, #tpu.memory_space<vmem_shared>> -> memref<10240x128xf32, #tpu.memory_space<vmem_shared>>
        tpu.wait_indirect_dma semaphore(%arg21 : memref<!tpu.dma_semaphore, #tpu.memory_space<semaphore_mem>>) src(%arg11 : memref<64x128xf32, #tpu.memory_space<vmem>>) dst(%dma_wait3A_241 : memref<10240x128xf32, #tpu.memory_space<vmem_shared>>)
        %add3A_242 = arith.constant 1 : i32
        %add3A_243 = arith.addi %scan3A_77, %add3A_242 : i32
        %lt3A_244 = arith.constant 8 : i32
        %lt3A_245 = arith.cmpi slt, %add3A_243, %lt3A_244 : i32
        %convert_element_type3A_246 = arith.extui %lt3A_245 : i1 to i32
        %cond3A_247 = arith.constant 0 : i32
        %cond3A_248 = arith.cmpi ne, %convert_element_type3A_246, %cond3A_247 : i32
        scf.if %cond3A_248 {
          %mul3A_249 = arith.constant 40 : i32
          %mul3A_250 = arith.muli %scan3A_9, %mul3A_249 : i32
          %add3A_251 = arith.constant 1 : i32
          %add3A_252 = arith.addi %scan3A_77, %add3A_251 : i32
          %mul3A_253 = arith.constant 5 : i32
          %mul3A_254 = arith.muli %add3A_252, %mul3A_253 : i32
          %add3A_255 = arith.addi %mul3A_250, %mul3A_254 : i32
          %add3A_256 = arith.constant 4 : i32
          %add3A_257 = arith.addi %add3A_255, %add3A_256 : i32
          %dma_start3A_258 = arith.constant 0 : i32
          %dma_start3A_259 = arith.constant 0 : i32
          %dma_start3A_260 = tpu.memref_slice %arg2[%add3A, %add3A_257, %dma_start3A_258, %dma_start3A_259] : memref<32x160x64x128xf32, #tpu.memory_space<hbm>> -> memref<1x1x64x128xf32, #tpu.memory_space<hbm>>
          %dma_start3A_261 = tpu.memref_squeeze %dma_start3A_260 : memref<1x1x64x128xf32, #tpu.memory_space<hbm>> -> memref<64x128xf32, #tpu.memory_space<hbm>>
          %dma_start3A_262 = arith.constant 0 : i32
          %dma_start3A_263 = arith.constant 0 : i32
          %dma_start3A_264 = tpu.memref_slice %arg2[%add3A, %add3A_257, %dma_start3A_262, %dma_start3A_263] : memref<32x160x64x128xf32, #tpu.memory_space<hbm>> -> memref<1x1x64x128xf32, #tpu.memory_space<hbm>>
          %dma_start3A_265 = tpu.memref_squeeze %dma_start3A_264 : memref<1x1x64x128xf32, #tpu.memory_space<hbm>> -> memref<64x128xf32, #tpu.memory_space<hbm>>
          tpu.enqueue_dma source(%dma_start3A_265 : memref<64x128xf32, #tpu.memory_space<hbm>>) target(%arg11 : memref<64x128xf32, #tpu.memory_space<vmem>>) target_semaphore(%arg16 : memref<!tpu.dma_semaphore, #tpu.memory_space<semaphore_mem>>)
        } else {
        }
      }
      %scan3A_76 = arith.constant 8 : i32
    }
    %scan3A_7 = arith.constant 4 : i32
    %barrier3A_8 = arith.constant 0 : index
    tpu.barrier barrier_id(%barrier3A_8)
    "tpu.region"() ({
      %run_scoped3A = tpu.sem_alloc : memref<!tpu.dma_semaphore, #tpu.memory_space<semaphore_mem>>
      %dma_start3A = arith.constant 0 : i32
      %dma_start3A_9 = tpu.memref_slice %arg5[%arg0, %mul3A_2, %dma_start3A] : memref<2x10240x128xf32, #tpu.memory_space<hbm>> -> memref<1x640x128xf32, #tpu.memory_space<hbm>>
      %dma_start3A_10 = tpu.memref_squeeze %dma_start3A_9 : memref<1x640x128xf32, #tpu.memory_space<hbm>> -> memref<640x128xf32, #tpu.memory_space<hbm>>
      %dma_start3A_11 = arith.constant 0 : i32
      %dma_start3A_12 = tpu.memref_slice %arg22[%mul3A_2, %dma_start3A_11] : memref<10240x128xf32, #tpu.memory_space<vmem_shared>> -> memref<640x128xf32, #tpu.memory_space<vmem_shared>>
      tpu.enqueue_dma source(%dma_start3A_12 : memref<640x128xf32, #tpu.memory_space<vmem_shared>>) target(%dma_start3A_10 : memref<640x128xf32, #tpu.memory_space<hbm>>) target_semaphore(%run_scoped3A : memref<!tpu.dma_semaphore, #tpu.memory_space<semaphore_mem>>)
      %dma_wait3A = arith.constant 0 : i32
      %dma_wait3A_13 = tpu.memref_slice %arg5[%arg0, %mul3A_2, %dma_wait3A] : memref<2x10240x128xf32, #tpu.memory_space<hbm>> -> memref<1x640x128xf32, #tpu.memory_space<hbm>>
      %dma_wait3A_14 = tpu.memref_squeeze %dma_wait3A_13 : memref<1x640x128xf32, #tpu.memory_space<hbm>> -> memref<640x128xf32, #tpu.memory_space<hbm>>
      %dma_wait3A_15 = arith.constant 0 : i32
      %dma_wait3A_16 = tpu.memref_slice %arg22[%mul3A_2, %dma_wait3A_15] : memref<10240x128xf32, #tpu.memory_space<vmem_shared>> -> memref<640x128xf32, #tpu.memory_space<vmem_shared>>
      tpu.wait_dma2 semaphore(%run_scoped3A : memref<!tpu.dma_semaphore, #tpu.memory_space<semaphore_mem>>) src(%dma_wait3A_16 : memref<640x128xf32, #tpu.memory_space<vmem_shared>>) dst(%dma_wait3A_14 : memref<640x128xf32, #tpu.memory_space<hbm>>)
      tpu.yield
    }) : () -> ()
    return
  }
}

#map = affine_map<(d0, d1) -> (0, 0, 0, 0)>
#map1 = affine_map<(d0, d1) -> (0, 0, 0)>
#map2 = affine_map<(d0, d1) -> (0, 0)>
module attributes {stable_mosaic.version = 14 : i64} {
  func.func @_scatter_body(%arg0: i32, %arg1: i32, %arg2: memref<32x160x64x128xf32, #tpu.memory_space<hbm>>, %arg3: memref<32x160x64xi32, #tpu.memory_space<hbm>>, %arg4: memref<640x128xf32, #tpu.memory_space<hbm>>, %arg5: memref<2x10240x128xf32, #tpu.memory_space<hbm>>, %arg6: memref<40x64xi32, #tpu.memory_space<vmem>>, %arg7: memref<64x128xf32, #tpu.memory_space<vmem>>, %arg8: memref<64x128xf32, #tpu.memory_space<vmem>>, %arg9: memref<64x128xf32, #tpu.memory_space<vmem>>, %arg10: memref<64x128xf32, #tpu.memory_space<vmem>>, %arg11: memref<64x128xf32, #tpu.memory_space<vmem>>, %arg12: memref<!tpu.dma_semaphore, #tpu.memory_space<semaphore_mem>>, %arg13: memref<!tpu.dma_semaphore, #tpu.memory_space<semaphore_mem>>, %arg14: memref<!tpu.dma_semaphore, #tpu.memory_space<semaphore_mem>>, %arg15: memref<!tpu.dma_semaphore, #tpu.memory_space<semaphore_mem>>, %arg16: memref<!tpu.dma_semaphore, #tpu.memory_space<semaphore_mem>>, %arg17: memref<!tpu.dma_semaphore, #tpu.memory_space<semaphore_mem>>, %arg18: memref<!tpu.dma_semaphore, #tpu.memory_space<semaphore_mem>>, %arg19: memref<!tpu.dma_semaphore, #tpu.memory_space<semaphore_mem>>, %arg20: memref<!tpu.dma_semaphore, #tpu.memory_space<semaphore_mem>>, %arg21: memref<!tpu.dma_semaphore, #tpu.memory_space<semaphore_mem>>, %arg22: memref<10240x128xf32, #tpu.memory_space<vmem_shared>>) attributes {dimension_semantics = [#tpu.dimension_semantics<core_parallel>, #tpu.dimension_semantics<subcore_parallel>], iteration_bounds = array<i64: 2, 16>, scalar_prefetch = 0 : i64, scratch_operands = 17 : i64, tpu.core_type = #tpu.core_type<sc_vector_subcore>, window_params = [{transform_indices = #map}, {transform_indices = #map1}, {transform_indices = #map2}, {transform_indices = #map1}]} {
    %mul3A = arith.constant 2 : i32
    %mul3A_0 = arith.muli %arg1, %mul3A : i32
    %add3A = arith.addi %mul3A_0, %arg0 : i32
    %mul3A_1 = arith.constant 640 : i32
    %mul3A_2 = arith.muli %arg1, %mul3A_1 : i32
    "tpu.region"() ({
      %run_scoped3A = tpu.sem_alloc : memref<!tpu.dma_semaphore, #tpu.memory_space<semaphore_mem>>
      %dma_start3A = arith.constant 0 : i32
      %dma_start3A_9 = tpu.memref_slice %arg22[%mul3A_2, %dma_start3A] : memref<10240x128xf32, #tpu.memory_space<vmem_shared>> -> memref<640x128xf32, #tpu.memory_space<vmem_shared>>
      tpu.enqueue_dma source(%arg4 : memref<640x128xf32, #tpu.memory_space<hbm>>) target(%dma_start3A_9 : memref<640x128xf32, #tpu.memory_space<vmem_shared>>) target_semaphore(%run_scoped3A : memref<!tpu.dma_semaphore, #tpu.memory_space<semaphore_mem>>)
      %dma_wait3A = arith.constant 0 : i32
      %dma_wait3A_10 = tpu.memref_slice %arg22[%mul3A_2, %dma_wait3A] : memref<10240x128xf32, #tpu.memory_space<vmem_shared>> -> memref<640x128xf32, #tpu.memory_space<vmem_shared>>
      tpu.wait_dma2 semaphore(%run_scoped3A : memref<!tpu.dma_semaphore, #tpu.memory_space<semaphore_mem>>) src(%arg4 : memref<640x128xf32, #tpu.memory_space<hbm>>) dst(%dma_wait3A_10 : memref<640x128xf32, #tpu.memory_space<vmem_shared>>)
      tpu.yield
    }) : () -> ()
    %barrier3A = arith.constant 0 : index
    tpu.barrier barrier_id(%barrier3A)
    %scan3A = arith.constant 0 : i32
    %scan3A_3 = arith.constant 0 : i32
    %scan3A_4 = arith.constant 4 : i32
    %scan3A_5 = arith.addi %scan3A_3, %scan3A_4 : i32
    %scan3A_6 = arith.constant 1 : i32
    scf.for %scan3A_9 = %scan3A_3 to %scan3A_5 step %scan3A_6  : i32 {
      %mul3A_10 = arith.constant 40 : i32
      %mul3A_11 = arith.muli %scan3A_9, %mul3A_10 : i32
      "tpu.region"() ({
        %run_scoped3A = tpu.sem_alloc : memref<!tpu.dma_semaphore, #tpu.memory_space<semaphore_mem>>
        %dma_start3A_77 = arith.constant 0 : i32
        %dma_start3A_78 = tpu.memref_slice %arg3[%add3A, %mul3A_11, %dma_start3A_77] : memref<32x160x64xi32, #tpu.memory_space<hbm>> -> memref<1x40x64xi32, #tpu.memory_space<hbm>>
        %dma_start3A_79 = tpu.memref_squeeze %dma_start3A_78 : memref<1x40x64xi32, #tpu.memory_space<hbm>> -> memref<40x64xi32, #tpu.memory_space<hbm>>
        %dma_start3A_80 = arith.constant 0 : i32
        %dma_start3A_81 = tpu.memref_slice %arg3[%add3A, %mul3A_11, %dma_start3A_80] : memref<32x160x64xi32, #tpu.memory_space<hbm>> -> memref<1x40x64xi32, #tpu.memory_space<hbm>>
        %dma_start3A_82 = tpu.memref_squeeze %dma_start3A_81 : memref<1x40x64xi32, #tpu.memory_space<hbm>> -> memref<40x64xi32, #tpu.memory_space<hbm>>
        tpu.enqueue_dma source(%dma_start3A_82 : memref<40x64xi32, #tpu.memory_space<hbm>>) target(%arg6 : memref<40x64xi32, #tpu.memory_space<vmem>>) target_semaphore(%run_scoped3A : memref<!tpu.dma_semaphore, #tpu.memory_space<semaphore_mem>>)
        %dma_wait3A = arith.constant 0 : i32
        %dma_wait3A_83 = tpu.memref_slice %arg3[%add3A, %mul3A_11, %dma_wait3A] : memref<32x160x64xi32, #tpu.memory_space<hbm>> -> memref<1x40x64xi32, #tpu.memory_space<hbm>>
        %dma_wait3A_84 = tpu.memref_squeeze %dma_wait3A_83 : memref<1x40x64xi32, #tpu.memory_space<hbm>> -> memref<40x64xi32, #tpu.memory_space<hbm>>
        %dma_wait3A_85 = arith.constant 0 : i32
        %dma_wait3A_86 = tpu.memref_slice %arg3[%add3A, %mul3A_11, %dma_wait3A_85] : memref<32x160x64xi32, #tpu.memory_space<hbm>> -> memref<1x40x64xi32, #tpu.memory_space<hbm>>
        %dma_wait3A_87 = tpu.memref_squeeze %dma_wait3A_86 : memref<1x40x64xi32, #tpu.memory_space<hbm>> -> memref<40x64xi32, #tpu.memory_space<hbm>>
        tpu.wait_dma2 semaphore(%run_scoped3A : memref<!tpu.dma_semaphore, #tpu.memory_space<semaphore_mem>>) src(%dma_wait3A_87 : memref<40x64xi32, #tpu.memory_space<hbm>>) dst(%arg6 : memref<40x64xi32, #tpu.memory_space<vmem>>)
        tpu.yield
      }) : () -> ()
      %mul3A_12 = arith.constant 40 : i32
      %mul3A_13 = arith.muli %scan3A_9, %mul3A_12 : i32
      %add3A_14 = arith.constant 0 : i32
      %add3A_15 = arith.addi %mul3A_13, %add3A_14 : i32
      %dma_start3A = arith.constant 0 : i32
      %dma_start3A_16 = arith.constant 0 : i32
      %dma_start3A_17 = tpu.memref_slice %arg2[%add3A, %add3A_15, %dma_start3A, %dma_start3A_16] : memref<32x160x64x128xf32, #tpu.memory_space<hbm>> -> memref<1x1x64x128xf32, #tpu.memory_space<hbm>>
      %dma_start3A_18 = tpu.memref_squeeze %dma_start3A_17 : memref<1x1x64x128xf32, #tpu.memory_space<hbm>> -> memref<64x128xf32, #tpu.memory_space<hbm>>
      %dma_start3A_19 = arith.constant 0 : i32
      %dma_start3A_20 = arith.constant 0 : i32
      %dma_start3A_21 = tpu.memref_slice %arg2[%add3A, %add3A_15, %dma_start3A_19, %dma_start3A_20] : memref<32x160x64x128xf32, #tpu.memory_space<hbm>> -> memref<1x1x64x128xf32, #tpu.memory_space<hbm>>
      %dma_start3A_22 = tpu.memref_squeeze %dma_start3A_21 : memref<1x1x64x128xf32, #tpu.memory_space<hbm>> -> memref<64x128xf32, #tpu.memory_space<hbm>>
      tpu.enqueue_dma source(%dma_start3A_22 : memref<64x128xf32, #tpu.memory_space<hbm>>) target(%arg7 : memref<64x128xf32, #tpu.memory_space<vmem>>) target_semaphore(%arg12 : memref<!tpu.dma_semaphore, #tpu.memory_space<semaphore_mem>>)
      %mul3A_23 = arith.constant 40 : i32
      %mul3A_24 = arith.muli %scan3A_9, %mul3A_23 : i32
      %add3A_25 = arith.constant 1 : i32
      %add3A_26 = arith.addi %mul3A_24, %add3A_25 : i32
      %dma_start3A_27 = arith.constant 0 : i32
      %dma_start3A_28 = arith.constant 0 : i32
      %dma_start3A_29 = tpu.memref_slice %arg2[%add3A, %add3A_26, %dma_start3A_27, %dma_start3A_28] : memref<32x160x64x128xf32, #tpu.memory_space<hbm>> -> memref<1x1x64x128xf32, #tpu.memory_space<hbm>>
      %dma_start3A_30 = tpu.memref_squeeze %dma_start3A_29 : memref<1x1x64x128xf32, #tpu.memory_space<hbm>> -> memref<64x128xf32, #tpu.memory_space<hbm>>
      %dma_start3A_31 = arith.constant 0 : i32
      %dma_start3A_32 = arith.constant 0 : i32
      %dma_start3A_33 = tpu.memref_slice %arg2[%add3A, %add3A_26, %dma_start3A_31, %dma_start3A_32] : memref<32x160x64x128xf32, #tpu.memory_space<hbm>> -> memref<1x1x64x128xf32, #tpu.memory_space<hbm>>
      %dma_start3A_34 = tpu.memref_squeeze %dma_start3A_33 : memref<1x1x64x128xf32, #tpu.memory_space<hbm>> -> memref<64x128xf32, #tpu.memory_space<hbm>>
      tpu.enqueue_dma source(%dma_start3A_34 : memref<64x128xf32, #tpu.memory_space<hbm>>) target(%arg8 : memref<64x128xf32, #tpu.memory_space<vmem>>) target_semaphore(%arg13 : memref<!tpu.dma_semaphore, #tpu.memory_space<semaphore_mem>>)
      %mul3A_35 = arith.constant 40 : i32
      %mul3A_36 = arith.muli %scan3A_9, %mul3A_35 : i32
      %add3A_37 = arith.constant 2 : i32
      %add3A_38 = arith.addi %mul3A_36, %add3A_37 : i32
      %dma_start3A_39 = arith.constant 0 : i32
      %dma_start3A_40 = arith.constant 0 : i32
      %dma_start3A_41 = tpu.memref_slice %arg2[%add3A, %add3A_38, %dma_start3A_39, %dma_start3A_40] : memref<32x160x64x128xf32, #tpu.memory_space<hbm>> -> memref<1x1x64x128xf32, #tpu.memory_space<hbm>>
      %dma_start3A_42 = tpu.memref_squeeze %dma_start3A_41 : memref<1x1x64x128xf32, #tpu.memory_space<hbm>> -> memref<64x128xf32, #tpu.memory_space<hbm>>
      %dma_start3A_43 = arith.constant 0 : i32
      %dma_start3A_44 = arith.constant 0 : i32
      %dma_start3A_45 = tpu.memref_slice %arg2[%add3A, %add3A_38, %dma_start3A_43, %dma_start3A_44] : memref<32x160x64x128xf32, #tpu.memory_space<hbm>> -> memref<1x1x64x128xf32, #tpu.memory_space<hbm>>
      %dma_start3A_46 = tpu.memref_squeeze %dma_start3A_45 : memref<1x1x64x128xf32, #tpu.memory_space<hbm>> -> memref<64x128xf32, #tpu.memory_space<hbm>>
      tpu.enqueue_dma source(%dma_start3A_46 : memref<64x128xf32, #tpu.memory_space<hbm>>) target(%arg9 : memref<64x128xf32, #tpu.memory_space<vmem>>) target_semaphore(%arg14 : memref<!tpu.dma_semaphore, #tpu.memory_space<semaphore_mem>>)
      %mul3A_47 = arith.constant 40 : i32
      %mul3A_48 = arith.muli %scan3A_9, %mul3A_47 : i32
      %add3A_49 = arith.constant 3 : i32
      %add3A_50 = arith.addi %mul3A_48, %add3A_49 : i32
      %dma_start3A_51 = arith.constant 0 : i32
      %dma_start3A_52 = arith.constant 0 : i32
      %dma_start3A_53 = tpu.memref_slice %arg2[%add3A, %add3A_50, %dma_start3A_51, %dma_start3A_52] : memref<32x160x64x128xf32, #tpu.memory_space<hbm>> -> memref<1x1x64x128xf32, #tpu.memory_space<hbm>>
      %dma_start3A_54 = tpu.memref_squeeze %dma_start3A_53 : memref<1x1x64x128xf32, #tpu.memory_space<hbm>> -> memref<64x128xf32, #tpu.memory_space<hbm>>
      %dma_start3A_55 = arith.constant 0 : i32
      %dma_start3A_56 = arith.constant 0 : i32
      %dma_start3A_57 = tpu.memref_slice %arg2[%add3A, %add3A_50, %dma_start3A_55, %dma_start3A_56] : memref<32x160x64x128xf32, #tpu.memory_space<hbm>> -> memref<1x1x64x128xf32, #tpu.memory_space<hbm>>
      %dma_start3A_58 = tpu.memref_squeeze %dma_start3A_57 : memref<1x1x64x128xf32, #tpu.memory_space<hbm>> -> memref<64x128xf32, #tpu.memory_space<hbm>>
      tpu.enqueue_dma source(%dma_start3A_58 : memref<64x128xf32, #tpu.memory_space<hbm>>) target(%arg10 : memref<64x128xf32, #tpu.memory_space<vmem>>) target_semaphore(%arg15 : memref<!tpu.dma_semaphore, #tpu.memory_space<semaphore_mem>>)
      %mul3A_59 = arith.constant 40 : i32
      %mul3A_60 = arith.muli %scan3A_9, %mul3A_59 : i32
      %add3A_61 = arith.constant 4 : i32
      %add3A_62 = arith.addi %mul3A_60, %add3A_61 : i32
      %dma_start3A_63 = arith.constant 0 : i32
      %dma_start3A_64 = arith.constant 0 : i32
      %dma_start3A_65 = tpu.memref_slice %arg2[%add3A, %add3A_62, %dma_start3A_63, %dma_start3A_64] : memref<32x160x64x128xf32, #tpu.memory_space<hbm>> -> memref<1x1x64x128xf32, #tpu.memory_space<hbm>>
      %dma_start3A_66 = tpu.memref_squeeze %dma_start3A_65 : memref<1x1x64x128xf32, #tpu.memory_space<hbm>> -> memref<64x128xf32, #tpu.memory_space<hbm>>
      %dma_start3A_67 = arith.constant 0 : i32
      %dma_start3A_68 = arith.constant 0 : i32
      %dma_start3A_69 = tpu.memref_slice %arg2[%add3A, %add3A_62, %dma_start3A_67, %dma_start3A_68] : memref<32x160x64x128xf32, #tpu.memory_space<hbm>> -> memref<1x1x64x128xf32, #tpu.memory_space<hbm>>
      %dma_start3A_70 = tpu.memref_squeeze %dma_start3A_69 : memref<1x1x64x128xf32, #tpu.memory_space<hbm>> -> memref<64x128xf32, #tpu.memory_space<hbm>>
      tpu.enqueue_dma source(%dma_start3A_70 : memref<64x128xf32, #tpu.memory_space<hbm>>) target(%arg11 : memref<64x128xf32, #tpu.memory_space<vmem>>) target_semaphore(%arg16 : memref<!tpu.dma_semaphore, #tpu.memory_space<semaphore_mem>>)
      %scan3A_71 = arith.constant 0 : i32
      %scan3A_72 = arith.constant 0 : i32
      %scan3A_73 = arith.constant 8 : i32
      %scan3A_74 = arith.addi %scan3A_72, %scan3A_73 : i32
      %scan3A_75 = arith.constant 1 : i32
      scf.for %scan3A_77 = %scan3A_72 to %scan3A_74 step %scan3A_75  : i32 {
        %mul3A_78 = arith.constant 5 : i32
        %mul3A_79 = arith.muli %scan3A_77, %mul3A_78 : i32
        %add3A_80 = arith.constant 0 : i32
        %add3A_81 = arith.addi %mul3A_79, %add3A_80 : i32
        %mul3A_82 = arith.constant 40 : i32
        %mul3A_83 = arith.muli %scan3A_9, %mul3A_82 : i32
        %add3A_84 = arith.addi %mul3A_83, %add3A_81 : i32
        %dma_wait3A = arith.constant 0 : i32
        %dma_wait3A_85 = arith.constant 0 : i32
        %dma_wait3A_86 = tpu.memref_slice %arg2[%add3A, %add3A_84, %dma_wait3A, %dma_wait3A_85] : memref<32x160x64x128xf32, #tpu.memory_space<hbm>> -> memref<1x1x64x128xf32, #tpu.memory_space<hbm>>
        %dma_wait3A_87 = tpu.memref_squeeze %dma_wait3A_86 : memref<1x1x64x128xf32, #tpu.memory_space<hbm>> -> memref<64x128xf32, #tpu.memory_space<hbm>>
        %dma_wait3A_88 = arith.constant 0 : i32
        %dma_wait3A_89 = arith.constant 0 : i32
        %dma_wait3A_90 = tpu.memref_slice %arg2[%add3A, %add3A_84, %dma_wait3A_88, %dma_wait3A_89] : memref<32x160x64x128xf32, #tpu.memory_space<hbm>> -> memref<1x1x64x128xf32, #tpu.memory_space<hbm>>
        %dma_wait3A_91 = tpu.memref_squeeze %dma_wait3A_90 : memref<1x1x64x128xf32, #tpu.memory_space<hbm>> -> memref<64x128xf32, #tpu.memory_space<hbm>>
        tpu.wait_dma2 semaphore(%arg12 : memref<!tpu.dma_semaphore, #tpu.memory_space<semaphore_mem>>) src(%dma_wait3A_91 : memref<64x128xf32, #tpu.memory_space<hbm>>) dst(%arg7 : memref<64x128xf32, #tpu.memory_space<vmem>>)
        %dma_start3A_92 = arith.constant 0 : i32
        %dma_start3A_93 = tpu.memref_slice %arg6[%add3A_81, %dma_start3A_92] : memref<40x64xi32, #tpu.memory_space<vmem>> -> memref<1x64xi32, #tpu.memory_space<vmem>>
        %dma_start3A_94 = tpu.memref_squeeze %dma_start3A_93 : memref<1x64xi32, #tpu.memory_space<vmem>> -> memref<64xi32, #tpu.memory_space<vmem>>
        %dma_start3A_95 = arith.constant 0 : i32
        %dma_start3A_96 = arith.constant 0 : i32
        %dma_start3A_97 = tpu.memref_slice %arg22[%dma_start3A_95, %dma_start3A_96] : memref<10240x128xf32, #tpu.memory_space<vmem_shared>> -> memref<10240x128xf32, #tpu.memory_space<vmem_shared>>
        tpu.enqueue_indirect_dma source(%arg7 : memref<64x128xf32, #tpu.memory_space<vmem>>) target(%dma_start3A_97 : memref<10240x128xf32, #tpu.memory_space<vmem_shared>>) offsets(%dma_start3A_94 : memref<64xi32, #tpu.memory_space<vmem>>) semaphore(%arg17 : memref<!tpu.dma_semaphore, #tpu.memory_space<semaphore_mem>>) {add = true}
        %mul3A_98 = arith.constant 5 : i32
        %mul3A_99 = arith.muli %scan3A_77, %mul3A_98 : i32
        %add3A_100 = arith.constant 1 : i32
        %add3A_101 = arith.addi %mul3A_99, %add3A_100 : i32
        %mul3A_102 = arith.constant 40 : i32
        %mul3A_103 = arith.muli %scan3A_9, %mul3A_102 : i32
        %add3A_104 = arith.addi %mul3A_103, %add3A_101 : i32
        %dma_wait3A_105 = arith.constant 0 : i32
        %dma_wait3A_106 = arith.constant 0 : i32
        %dma_wait3A_107 = tpu.memref_slice %arg2[%add3A, %add3A_104, %dma_wait3A_105, %dma_wait3A_106] : memref<32x160x64x128xf32, #tpu.memory_space<hbm>> -> memref<1x1x64x128xf32, #tpu.memory_space<hbm>>
        %dma_wait3A_108 = tpu.memref_squeeze %dma_wait3A_107 : memref<1x1x64x128xf32, #tpu.memory_space<hbm>> -> memref<64x128xf32, #tpu.memory_space<hbm>>
        %dma_wait3A_109 = arith.constant 0 : i32
        %dma_wait3A_110 = arith.constant 0 : i32
        %dma_wait3A_111 = tpu.memref_slice %arg2[%add3A, %add3A_104, %dma_wait3A_109, %dma_wait3A_110] : memref<32x160x64x128xf32, #tpu.memory_space<hbm>> -> memref<1x1x64x128xf32, #tpu.memory_space<hbm>>
        %dma_wait3A_112 = tpu.memref_squeeze %dma_wait3A_111 : memref<1x1x64x128xf32, #tpu.memory_space<hbm>> -> memref<64x128xf32, #tpu.memory_space<hbm>>
        tpu.wait_dma2 semaphore(%arg13 : memref<!tpu.dma_semaphore, #tpu.memory_space<semaphore_mem>>) src(%dma_wait3A_112 : memref<64x128xf32, #tpu.memory_space<hbm>>) dst(%arg8 : memref<64x128xf32, #tpu.memory_space<vmem>>)
        %dma_start3A_113 = arith.constant 0 : i32
        %dma_start3A_114 = tpu.memref_slice %arg6[%add3A_101, %dma_start3A_113] : memref<40x64xi32, #tpu.memory_space<vmem>> -> memref<1x64xi32, #tpu.memory_space<vmem>>
        %dma_start3A_115 = tpu.memref_squeeze %dma_start3A_114 : memref<1x64xi32, #tpu.memory_space<vmem>> -> memref<64xi32, #tpu.memory_space<vmem>>
        %dma_start3A_116 = arith.constant 0 : i32
        %dma_start3A_117 = arith.constant 0 : i32
        %dma_start3A_118 = tpu.memref_slice %arg22[%dma_start3A_116, %dma_start3A_117] : memref<10240x128xf32, #tpu.memory_space<vmem_shared>> -> memref<10240x128xf32, #tpu.memory_space<vmem_shared>>
        tpu.enqueue_indirect_dma source(%arg8 : memref<64x128xf32, #tpu.memory_space<vmem>>) target(%dma_start3A_118 : memref<10240x128xf32, #tpu.memory_space<vmem_shared>>) offsets(%dma_start3A_115 : memref<64xi32, #tpu.memory_space<vmem>>) semaphore(%arg18 : memref<!tpu.dma_semaphore, #tpu.memory_space<semaphore_mem>>) {add = true}
        %mul3A_119 = arith.constant 5 : i32
        %mul3A_120 = arith.muli %scan3A_77, %mul3A_119 : i32
        %add3A_121 = arith.constant 2 : i32
        %add3A_122 = arith.addi %mul3A_120, %add3A_121 : i32
        %mul3A_123 = arith.constant 40 : i32
        %mul3A_124 = arith.muli %scan3A_9, %mul3A_123 : i32
        %add3A_125 = arith.addi %mul3A_124, %add3A_122 : i32
        %dma_wait3A_126 = arith.constant 0 : i32
        %dma_wait3A_127 = arith.constant 0 : i32
        %dma_wait3A_128 = tpu.memref_slice %arg2[%add3A, %add3A_125, %dma_wait3A_126, %dma_wait3A_127] : memref<32x160x64x128xf32, #tpu.memory_space<hbm>> -> memref<1x1x64x128xf32, #tpu.memory_space<hbm>>
        %dma_wait3A_129 = tpu.memref_squeeze %dma_wait3A_128 : memref<1x1x64x128xf32, #tpu.memory_space<hbm>> -> memref<64x128xf32, #tpu.memory_space<hbm>>
        %dma_wait3A_130 = arith.constant 0 : i32
        %dma_wait3A_131 = arith.constant 0 : i32
        %dma_wait3A_132 = tpu.memref_slice %arg2[%add3A, %add3A_125, %dma_wait3A_130, %dma_wait3A_131] : memref<32x160x64x128xf32, #tpu.memory_space<hbm>> -> memref<1x1x64x128xf32, #tpu.memory_space<hbm>>
        %dma_wait3A_133 = tpu.memref_squeeze %dma_wait3A_132 : memref<1x1x64x128xf32, #tpu.memory_space<hbm>> -> memref<64x128xf32, #tpu.memory_space<hbm>>
        tpu.wait_dma2 semaphore(%arg14 : memref<!tpu.dma_semaphore, #tpu.memory_space<semaphore_mem>>) src(%dma_wait3A_133 : memref<64x128xf32, #tpu.memory_space<hbm>>) dst(%arg9 : memref<64x128xf32, #tpu.memory_space<vmem>>)
        %dma_start3A_134 = arith.constant 0 : i32
        %dma_start3A_135 = tpu.memref_slice %arg6[%add3A_122, %dma_start3A_134] : memref<40x64xi32, #tpu.memory_space<vmem>> -> memref<1x64xi32, #tpu.memory_space<vmem>>
        %dma_start3A_136 = tpu.memref_squeeze %dma_start3A_135 : memref<1x64xi32, #tpu.memory_space<vmem>> -> memref<64xi32, #tpu.memory_space<vmem>>
        %dma_start3A_137 = arith.constant 0 : i32
        %dma_start3A_138 = arith.constant 0 : i32
        %dma_start3A_139 = tpu.memref_slice %arg22[%dma_start3A_137, %dma_start3A_138] : memref<10240x128xf32, #tpu.memory_space<vmem_shared>> -> memref<10240x128xf32, #tpu.memory_space<vmem_shared>>
        tpu.enqueue_indirect_dma source(%arg9 : memref<64x128xf32, #tpu.memory_space<vmem>>) target(%dma_start3A_139 : memref<10240x128xf32, #tpu.memory_space<vmem_shared>>) offsets(%dma_start3A_136 : memref<64xi32, #tpu.memory_space<vmem>>) semaphore(%arg19 : memref<!tpu.dma_semaphore, #tpu.memory_space<semaphore_mem>>) {add = true}
        %mul3A_140 = arith.constant 5 : i32
        %mul3A_141 = arith.muli %scan3A_77, %mul3A_140 : i32
        %add3A_142 = arith.constant 3 : i32
        %add3A_143 = arith.addi %mul3A_141, %add3A_142 : i32
        %mul3A_144 = arith.constant 40 : i32
        %mul3A_145 = arith.muli %scan3A_9, %mul3A_144 : i32
        %add3A_146 = arith.addi %mul3A_145, %add3A_143 : i32
        %dma_wait3A_147 = arith.constant 0 : i32
        %dma_wait3A_148 = arith.constant 0 : i32
        %dma_wait3A_149 = tpu.memref_slice %arg2[%add3A, %add3A_146, %dma_wait3A_147, %dma_wait3A_148] : memref<32x160x64x128xf32, #tpu.memory_space<hbm>> -> memref<1x1x64x128xf32, #tpu.memory_space<hbm>>
        %dma_wait3A_150 = tpu.memref_squeeze %dma_wait3A_149 : memref<1x1x64x128xf32, #tpu.memory_space<hbm>> -> memref<64x128xf32, #tpu.memory_space<hbm>>
        %dma_wait3A_151 = arith.constant 0 : i32
        %dma_wait3A_152 = arith.constant 0 : i32
        %dma_wait3A_153 = tpu.memref_slice %arg2[%add3A, %add3A_146, %dma_wait3A_151, %dma_wait3A_152] : memref<32x160x64x128xf32, #tpu.memory_space<hbm>> -> memref<1x1x64x128xf32, #tpu.memory_space<hbm>>
        %dma_wait3A_154 = tpu.memref_squeeze %dma_wait3A_153 : memref<1x1x64x128xf32, #tpu.memory_space<hbm>> -> memref<64x128xf32, #tpu.memory_space<hbm>>
        tpu.wait_dma2 semaphore(%arg15 : memref<!tpu.dma_semaphore, #tpu.memory_space<semaphore_mem>>) src(%dma_wait3A_154 : memref<64x128xf32, #tpu.memory_space<hbm>>) dst(%arg10 : memref<64x128xf32, #tpu.memory_space<vmem>>)
        %dma_start3A_155 = arith.constant 0 : i32
        %dma_start3A_156 = tpu.memref_slice %arg6[%add3A_143, %dma_start3A_155] : memref<40x64xi32, #tpu.memory_space<vmem>> -> memref<1x64xi32, #tpu.memory_space<vmem>>
        %dma_start3A_157 = tpu.memref_squeeze %dma_start3A_156 : memref<1x64xi32, #tpu.memory_space<vmem>> -> memref<64xi32, #tpu.memory_space<vmem>>
        %dma_start3A_158 = arith.constant 0 : i32
        %dma_start3A_159 = arith.constant 0 : i32
        %dma_start3A_160 = tpu.memref_slice %arg22[%dma_start3A_158, %dma_start3A_159] : memref<10240x128xf32, #tpu.memory_space<vmem_shared>> -> memref<10240x128xf32, #tpu.memory_space<vmem_shared>>
        tpu.enqueue_indirect_dma source(%arg10 : memref<64x128xf32, #tpu.memory_space<vmem>>) target(%dma_start3A_160 : memref<10240x128xf32, #tpu.memory_space<vmem_shared>>) offsets(%dma_start3A_157 : memref<64xi32, #tpu.memory_space<vmem>>) semaphore(%arg20 : memref<!tpu.dma_semaphore, #tpu.memory_space<semaphore_mem>>) {add = true}
        %mul3A_161 = arith.constant 5 : i32
        %mul3A_162 = arith.muli %scan3A_77, %mul3A_161 : i32
        %add3A_163 = arith.constant 4 : i32
        %add3A_164 = arith.addi %mul3A_162, %add3A_163 : i32
        %mul3A_165 = arith.constant 40 : i32
        %mul3A_166 = arith.muli %scan3A_9, %mul3A_165 : i32
        %add3A_167 = arith.addi %mul3A_166, %add3A_164 : i32
        %dma_wait3A_168 = arith.constant 0 : i32
        %dma_wait3A_169 = arith.constant 0 : i32
        %dma_wait3A_170 = tpu.memref_slice %arg2[%add3A, %add3A_167, %dma_wait3A_168, %dma_wait3A_169] : memref<32x160x64x128xf32, #tpu.memory_space<hbm>> -> memref<1x1x64x128xf32, #tpu.memory_space<hbm>>
        %dma_wait3A_171 = tpu.memref_squeeze %dma_wait3A_170 : memref<1x1x64x128xf32, #tpu.memory_space<hbm>> -> memref<64x128xf32, #tpu.memory_space<hbm>>
        %dma_wait3A_172 = arith.constant 0 : i32
        %dma_wait3A_173 = arith.constant 0 : i32
        %dma_wait3A_174 = tpu.memref_slice %arg2[%add3A, %add3A_167, %dma_wait3A_172, %dma_wait3A_173] : memref<32x160x64x128xf32, #tpu.memory_space<hbm>> -> memref<1x1x64x128xf32, #tpu.memory_space<hbm>>
        %dma_wait3A_175 = tpu.memref_squeeze %dma_wait3A_174 : memref<1x1x64x128xf32, #tpu.memory_space<hbm>> -> memref<64x128xf32, #tpu.memory_space<hbm>>
        tpu.wait_dma2 semaphore(%arg16 : memref<!tpu.dma_semaphore, #tpu.memory_space<semaphore_mem>>) src(%dma_wait3A_175 : memref<64x128xf32, #tpu.memory_space<hbm>>) dst(%arg11 : memref<64x128xf32, #tpu.memory_space<vmem>>)
        %dma_start3A_176 = arith.constant 0 : i32
        %dma_start3A_177 = tpu.memref_slice %arg6[%add3A_164, %dma_start3A_176] : memref<40x64xi32, #tpu.memory_space<vmem>> -> memref<1x64xi32, #tpu.memory_space<vmem>>
        %dma_start3A_178 = tpu.memref_squeeze %dma_start3A_177 : memref<1x64xi32, #tpu.memory_space<vmem>> -> memref<64xi32, #tpu.memory_space<vmem>>
        %dma_start3A_179 = arith.constant 0 : i32
        %dma_start3A_180 = arith.constant 0 : i32
        %dma_start3A_181 = tpu.memref_slice %arg22[%dma_start3A_179, %dma_start3A_180] : memref<10240x128xf32, #tpu.memory_space<vmem_shared>> -> memref<10240x128xf32, #tpu.memory_space<vmem_shared>>
        tpu.enqueue_indirect_dma source(%arg11 : memref<64x128xf32, #tpu.memory_space<vmem>>) target(%dma_start3A_181 : memref<10240x128xf32, #tpu.memory_space<vmem_shared>>) offsets(%dma_start3A_178 : memref<64xi32, #tpu.memory_space<vmem>>) semaphore(%arg21 : memref<!tpu.dma_semaphore, #tpu.memory_space<semaphore_mem>>) {add = true}
        %dma_wait3A_182 = arith.constant 0 : i32
        %dma_wait3A_183 = arith.constant 0 : i32
        %dma_wait3A_184 = tpu.memref_slice %arg6[%dma_wait3A_182, %dma_wait3A_183] : memref<40x64xi32, #tpu.memory_space<vmem>> -> memref<1x64xi32, #tpu.memory_space<vmem>>
        %dma_wait3A_185 = tpu.memref_squeeze %dma_wait3A_184 : memref<1x64xi32, #tpu.memory_space<vmem>> -> memref<64xi32, #tpu.memory_space<vmem>>
        %dma_wait3A_186 = arith.constant 0 : i32
        %dma_wait3A_187 = arith.constant 0 : i32
        %dma_wait3A_188 = tpu.memref_slice %arg22[%dma_wait3A_186, %dma_wait3A_187] : memref<10240x128xf32, #tpu.memory_space<vmem_shared>> -> memref<10240x128xf32, #tpu.memory_space<vmem_shared>>
        tpu.wait_indirect_dma semaphore(%arg17 : memref<!tpu.dma_semaphore, #tpu.memory_space<semaphore_mem>>) src(%arg7 : memref<64x128xf32, #tpu.memory_space<vmem>>) dst(%dma_wait3A_188 : memref<10240x128xf32, #tpu.memory_space<vmem_shared>>)
        %add3A_189 = arith.constant 1 : i32
        %add3A_190 = arith.addi %scan3A_77, %add3A_189 : i32
        %lt3A = arith.constant 8 : i32
        %lt3A_191 = arith.cmpi slt, %add3A_190, %lt3A : i32
        %convert_element_type3A = arith.extui %lt3A_191 : i1 to i32
        %cond3A = arith.constant 0 : i32
        %cond3A_192 = arith.cmpi ne, %convert_element_type3A, %cond3A : i32
        scf.if %cond3A_192 {
          %mul3A_249 = arith.constant 40 : i32
          %mul3A_250 = arith.muli %scan3A_9, %mul3A_249 : i32
          %add3A_251 = arith.constant 1 : i32
          %add3A_252 = arith.addi %scan3A_77, %add3A_251 : i32
          %mul3A_253 = arith.constant 5 : i32
          %mul3A_254 = arith.muli %add3A_252, %mul3A_253 : i32
          %add3A_255 = arith.addi %mul3A_250, %mul3A_254 : i32
          %add3A_256 = arith.constant 0 : i32
          %add3A_257 = arith.addi %add3A_255, %add3A_256 : i32
          %dma_start3A_258 = arith.constant 0 : i32
          %dma_start3A_259 = arith.constant 0 : i32
          %dma_start3A_260 = tpu.memref_slice %arg2[%add3A, %add3A_257, %dma_start3A_258, %dma_start3A_259] : memref<32x160x64x128xf32, #tpu.memory_space<hbm>> -> memref<1x1x64x128xf32, #tpu.memory_space<hbm>>
          %dma_start3A_261 = tpu.memref_squeeze %dma_start3A_260 : memref<1x1x64x128xf32, #tpu.memory_space<hbm>> -> memref<64x128xf32, #tpu.memory_space<hbm>>
          %dma_start3A_262 = arith.constant 0 : i32
          %dma_start3A_263 = arith.constant 0 : i32
          %dma_start3A_264 = tpu.memref_slice %arg2[%add3A, %add3A_257, %dma_start3A_262, %dma_start3A_263] : memref<32x160x64x128xf32, #tpu.memory_space<hbm>> -> memref<1x1x64x128xf32, #tpu.memory_space<hbm>>
          %dma_start3A_265 = tpu.memref_squeeze %dma_start3A_264 : memref<1x1x64x128xf32, #tpu.memory_space<hbm>> -> memref<64x128xf32, #tpu.memory_space<hbm>>
          tpu.enqueue_dma source(%dma_start3A_265 : memref<64x128xf32, #tpu.memory_space<hbm>>) target(%arg7 : memref<64x128xf32, #tpu.memory_space<vmem>>) target_semaphore(%arg12 : memref<!tpu.dma_semaphore, #tpu.memory_space<semaphore_mem>>)
        } else {
        }
        %dma_wait3A_193 = arith.constant 0 : i32
        %dma_wait3A_194 = arith.constant 0 : i32
        %dma_wait3A_195 = tpu.memref_slice %arg6[%dma_wait3A_193, %dma_wait3A_194] : memref<40x64xi32, #tpu.memory_space<vmem>> -> memref<1x64xi32, #tpu.memory_space<vmem>>
        %dma_wait3A_196 = tpu.memref_squeeze %dma_wait3A_195 : memref<1x64xi32, #tpu.memory_space<vmem>> -> memref<64xi32, #tpu.memory_space<vmem>>
        %dma_wait3A_197 = arith.constant 0 : i32
        %dma_wait3A_198 = arith.constant 0 : i32
        %dma_wait3A_199 = tpu.memref_slice %arg22[%dma_wait3A_197, %dma_wait3A_198] : memref<10240x128xf32, #tpu.memory_space<vmem_shared>> -> memref<10240x128xf32, #tpu.memory_space<vmem_shared>>
        tpu.wait_indirect_dma semaphore(%arg18 : memref<!tpu.dma_semaphore, #tpu.memory_space<semaphore_mem>>) src(%arg8 : memref<64x128xf32, #tpu.memory_space<vmem>>) dst(%dma_wait3A_199 : memref<10240x128xf32, #tpu.memory_space<vmem_shared>>)
        %add3A_200 = arith.constant 1 : i32
        %add3A_201 = arith.addi %scan3A_77, %add3A_200 : i32
        %lt3A_202 = arith.constant 8 : i32
        %lt3A_203 = arith.cmpi slt, %add3A_201, %lt3A_202 : i32
        %convert_element_type3A_204 = arith.extui %lt3A_203 : i1 to i32
        %cond3A_205 = arith.constant 0 : i32
        %cond3A_206 = arith.cmpi ne, %convert_element_type3A_204, %cond3A_205 : i32
        scf.if %cond3A_206 {
          %mul3A_249 = arith.constant 40 : i32
          %mul3A_250 = arith.muli %scan3A_9, %mul3A_249 : i32
          %add3A_251 = arith.constant 1 : i32
          %add3A_252 = arith.addi %scan3A_77, %add3A_251 : i32
          %mul3A_253 = arith.constant 5 : i32
          %mul3A_254 = arith.muli %add3A_252, %mul3A_253 : i32
          %add3A_255 = arith.addi %mul3A_250, %mul3A_254 : i32
          %add3A_256 = arith.constant 1 : i32
          %add3A_257 = arith.addi %add3A_255, %add3A_256 : i32
          %dma_start3A_258 = arith.constant 0 : i32
          %dma_start3A_259 = arith.constant 0 : i32
          %dma_start3A_260 = tpu.memref_slice %arg2[%add3A, %add3A_257, %dma_start3A_258, %dma_start3A_259] : memref<32x160x64x128xf32, #tpu.memory_space<hbm>> -> memref<1x1x64x128xf32, #tpu.memory_space<hbm>>
          %dma_start3A_261 = tpu.memref_squeeze %dma_start3A_260 : memref<1x1x64x128xf32, #tpu.memory_space<hbm>> -> memref<64x128xf32, #tpu.memory_space<hbm>>
          %dma_start3A_262 = arith.constant 0 : i32
          %dma_start3A_263 = arith.constant 0 : i32
          %dma_start3A_264 = tpu.memref_slice %arg2[%add3A, %add3A_257, %dma_start3A_262, %dma_start3A_263] : memref<32x160x64x128xf32, #tpu.memory_space<hbm>> -> memref<1x1x64x128xf32, #tpu.memory_space<hbm>>
          %dma_start3A_265 = tpu.memref_squeeze %dma_start3A_264 : memref<1x1x64x128xf32, #tpu.memory_space<hbm>> -> memref<64x128xf32, #tpu.memory_space<hbm>>
          tpu.enqueue_dma source(%dma_start3A_265 : memref<64x128xf32, #tpu.memory_space<hbm>>) target(%arg8 : memref<64x128xf32, #tpu.memory_space<vmem>>) target_semaphore(%arg13 : memref<!tpu.dma_semaphore, #tpu.memory_space<semaphore_mem>>)
        } else {
        }
        %dma_wait3A_207 = arith.constant 0 : i32
        %dma_wait3A_208 = arith.constant 0 : i32
        %dma_wait3A_209 = tpu.memref_slice %arg6[%dma_wait3A_207, %dma_wait3A_208] : memref<40x64xi32, #tpu.memory_space<vmem>> -> memref<1x64xi32, #tpu.memory_space<vmem>>
        %dma_wait3A_210 = tpu.memref_squeeze %dma_wait3A_209 : memref<1x64xi32, #tpu.memory_space<vmem>> -> memref<64xi32, #tpu.memory_space<vmem>>
        %dma_wait3A_211 = arith.constant 0 : i32
        %dma_wait3A_212 = arith.constant 0 : i32
        %dma_wait3A_213 = tpu.memref_slice %arg22[%dma_wait3A_211, %dma_wait3A_212] : memref<10240x128xf32, #tpu.memory_space<vmem_shared>> -> memref<10240x128xf32, #tpu.memory_space<vmem_shared>>
        tpu.wait_indirect_dma semaphore(%arg19 : memref<!tpu.dma_semaphore, #tpu.memory_space<semaphore_mem>>) src(%arg9 : memref<64x128xf32, #tpu.memory_space<vmem>>) dst(%dma_wait3A_213 : memref<10240x128xf32, #tpu.memory_space<vmem_shared>>)
        %add3A_214 = arith.constant 1 : i32
        %add3A_215 = arith.addi %scan3A_77, %add3A_214 : i32
        %lt3A_216 = arith.constant 8 : i32
        %lt3A_217 = arith.cmpi slt, %add3A_215, %lt3A_216 : i32
        %convert_element_type3A_218 = arith.extui %lt3A_217 : i1 to i32
        %cond3A_219 = arith.constant 0 : i32
        %cond3A_220 = arith.cmpi ne, %convert_element_type3A_218, %cond3A_219 : i32
        scf.if %cond3A_220 {
          %mul3A_249 = arith.constant 40 : i32
          %mul3A_250 = arith.muli %scan3A_9, %mul3A_249 : i32
          %add3A_251 = arith.constant 1 : i32
          %add3A_252 = arith.addi %scan3A_77, %add3A_251 : i32
          %mul3A_253 = arith.constant 5 : i32
          %mul3A_254 = arith.muli %add3A_252, %mul3A_253 : i32
          %add3A_255 = arith.addi %mul3A_250, %mul3A_254 : i32
          %add3A_256 = arith.constant 2 : i32
          %add3A_257 = arith.addi %add3A_255, %add3A_256 : i32
          %dma_start3A_258 = arith.constant 0 : i32
          %dma_start3A_259 = arith.constant 0 : i32
          %dma_start3A_260 = tpu.memref_slice %arg2[%add3A, %add3A_257, %dma_start3A_258, %dma_start3A_259] : memref<32x160x64x128xf32, #tpu.memory_space<hbm>> -> memref<1x1x64x128xf32, #tpu.memory_space<hbm>>
          %dma_start3A_261 = tpu.memref_squeeze %dma_start3A_260 : memref<1x1x64x128xf32, #tpu.memory_space<hbm>> -> memref<64x128xf32, #tpu.memory_space<hbm>>
          %dma_start3A_262 = arith.constant 0 : i32
          %dma_start3A_263 = arith.constant 0 : i32
          %dma_start3A_264 = tpu.memref_slice %arg2[%add3A, %add3A_257, %dma_start3A_262, %dma_start3A_263] : memref<32x160x64x128xf32, #tpu.memory_space<hbm>> -> memref<1x1x64x128xf32, #tpu.memory_space<hbm>>
          %dma_start3A_265 = tpu.memref_squeeze %dma_start3A_264 : memref<1x1x64x128xf32, #tpu.memory_space<hbm>> -> memref<64x128xf32, #tpu.memory_space<hbm>>
          tpu.enqueue_dma source(%dma_start3A_265 : memref<64x128xf32, #tpu.memory_space<hbm>>) target(%arg9 : memref<64x128xf32, #tpu.memory_space<vmem>>) target_semaphore(%arg14 : memref<!tpu.dma_semaphore, #tpu.memory_space<semaphore_mem>>)
        } else {
        }
        %dma_wait3A_221 = arith.constant 0 : i32
        %dma_wait3A_222 = arith.constant 0 : i32
        %dma_wait3A_223 = tpu.memref_slice %arg6[%dma_wait3A_221, %dma_wait3A_222] : memref<40x64xi32, #tpu.memory_space<vmem>> -> memref<1x64xi32, #tpu.memory_space<vmem>>
        %dma_wait3A_224 = tpu.memref_squeeze %dma_wait3A_223 : memref<1x64xi32, #tpu.memory_space<vmem>> -> memref<64xi32, #tpu.memory_space<vmem>>
        %dma_wait3A_225 = arith.constant 0 : i32
        %dma_wait3A_226 = arith.constant 0 : i32
        %dma_wait3A_227 = tpu.memref_slice %arg22[%dma_wait3A_225, %dma_wait3A_226] : memref<10240x128xf32, #tpu.memory_space<vmem_shared>> -> memref<10240x128xf32, #tpu.memory_space<vmem_shared>>
        tpu.wait_indirect_dma semaphore(%arg20 : memref<!tpu.dma_semaphore, #tpu.memory_space<semaphore_mem>>) src(%arg10 : memref<64x128xf32, #tpu.memory_space<vmem>>) dst(%dma_wait3A_227 : memref<10240x128xf32, #tpu.memory_space<vmem_shared>>)
        %add3A_228 = arith.constant 1 : i32
        %add3A_229 = arith.addi %scan3A_77, %add3A_228 : i32
        %lt3A_230 = arith.constant 8 : i32
        %lt3A_231 = arith.cmpi slt, %add3A_229, %lt3A_230 : i32
        %convert_element_type3A_232 = arith.extui %lt3A_231 : i1 to i32
        %cond3A_233 = arith.constant 0 : i32
        %cond3A_234 = arith.cmpi ne, %convert_element_type3A_232, %cond3A_233 : i32
        scf.if %cond3A_234 {
          %mul3A_249 = arith.constant 40 : i32
          %mul3A_250 = arith.muli %scan3A_9, %mul3A_249 : i32
          %add3A_251 = arith.constant 1 : i32
          %add3A_252 = arith.addi %scan3A_77, %add3A_251 : i32
          %mul3A_253 = arith.constant 5 : i32
          %mul3A_254 = arith.muli %add3A_252, %mul3A_253 : i32
          %add3A_255 = arith.addi %mul3A_250, %mul3A_254 : i32
          %add3A_256 = arith.constant 3 : i32
          %add3A_257 = arith.addi %add3A_255, %add3A_256 : i32
          %dma_start3A_258 = arith.constant 0 : i32
          %dma_start3A_259 = arith.constant 0 : i32
          %dma_start3A_260 = tpu.memref_slice %arg2[%add3A, %add3A_257, %dma_start3A_258, %dma_start3A_259] : memref<32x160x64x128xf32, #tpu.memory_space<hbm>> -> memref<1x1x64x128xf32, #tpu.memory_space<hbm>>
          %dma_start3A_261 = tpu.memref_squeeze %dma_start3A_260 : memref<1x1x64x128xf32, #tpu.memory_space<hbm>> -> memref<64x128xf32, #tpu.memory_space<hbm>>
          %dma_start3A_262 = arith.constant 0 : i32
          %dma_start3A_263 = arith.constant 0 : i32
          %dma_start3A_264 = tpu.memref_slice %arg2[%add3A, %add3A_257, %dma_start3A_262, %dma_start3A_263] : memref<32x160x64x128xf32, #tpu.memory_space<hbm>> -> memref<1x1x64x128xf32, #tpu.memory_space<hbm>>
          %dma_start3A_265 = tpu.memref_squeeze %dma_start3A_264 : memref<1x1x64x128xf32, #tpu.memory_space<hbm>> -> memref<64x128xf32, #tpu.memory_space<hbm>>
          tpu.enqueue_dma source(%dma_start3A_265 : memref<64x128xf32, #tpu.memory_space<hbm>>) target(%arg10 : memref<64x128xf32, #tpu.memory_space<vmem>>) target_semaphore(%arg15 : memref<!tpu.dma_semaphore, #tpu.memory_space<semaphore_mem>>)
        } else {
        }
        %dma_wait3A_235 = arith.constant 0 : i32
        %dma_wait3A_236 = arith.constant 0 : i32
        %dma_wait3A_237 = tpu.memref_slice %arg6[%dma_wait3A_235, %dma_wait3A_236] : memref<40x64xi32, #tpu.memory_space<vmem>> -> memref<1x64xi32, #tpu.memory_space<vmem>>
        %dma_wait3A_238 = tpu.memref_squeeze %dma_wait3A_237 : memref<1x64xi32, #tpu.memory_space<vmem>> -> memref<64xi32, #tpu.memory_space<vmem>>
        %dma_wait3A_239 = arith.constant 0 : i32
        %dma_wait3A_240 = arith.constant 0 : i32
        %dma_wait3A_241 = tpu.memref_slice %arg22[%dma_wait3A_239, %dma_wait3A_240] : memref<10240x128xf32, #tpu.memory_space<vmem_shared>> -> memref<10240x128xf32, #tpu.memory_space<vmem_shared>>
        tpu.wait_indirect_dma semaphore(%arg21 : memref<!tpu.dma_semaphore, #tpu.memory_space<semaphore_mem>>) src(%arg11 : memref<64x128xf32, #tpu.memory_space<vmem>>) dst(%dma_wait3A_241 : memref<10240x128xf32, #tpu.memory_space<vmem_shared>>)
        %add3A_242 = arith.constant 1 : i32
        %add3A_243 = arith.addi %scan3A_77, %add3A_242 : i32
        %lt3A_244 = arith.constant 8 : i32
        %lt3A_245 = arith.cmpi slt, %add3A_243, %lt3A_244 : i32
        %convert_element_type3A_246 = arith.extui %lt3A_245 : i1 to i32
        %cond3A_247 = arith.constant 0 : i32
        %cond3A_248 = arith.cmpi ne, %convert_element_type3A_246, %cond3A_247 : i32
        scf.if %cond3A_248 {
          %mul3A_249 = arith.constant 40 : i32
          %mul3A_250 = arith.muli %scan3A_9, %mul3A_249 : i32
          %add3A_251 = arith.constant 1 : i32
          %add3A_252 = arith.addi %scan3A_77, %add3A_251 : i32
          %mul3A_253 = arith.constant 5 : i32
          %mul3A_254 = arith.muli %add3A_252, %mul3A_253 : i32
          %add3A_255 = arith.addi %mul3A_250, %mul3A_254 : i32
          %add3A_256 = arith.constant 4 : i32
          %add3A_257 = arith.addi %add3A_255, %add3A_256 : i32
          %dma_start3A_258 = arith.constant 0 : i32
          %dma_start3A_259 = arith.constant 0 : i32
          %dma_start3A_260 = tpu.memref_slice %arg2[%add3A, %add3A_257, %dma_start3A_258, %dma_start3A_259] : memref<32x160x64x128xf32, #tpu.memory_space<hbm>> -> memref<1x1x64x128xf32, #tpu.memory_space<hbm>>
          %dma_start3A_261 = tpu.memref_squeeze %dma_start3A_260 : memref<1x1x64x128xf32, #tpu.memory_space<hbm>> -> memref<64x128xf32, #tpu.memory_space<hbm>>
          %dma_start3A_262 = arith.constant 0 : i32
          %dma_start3A_263 = arith.constant 0 : i32
          %dma_start3A_264 = tpu.memref_slice %arg2[%add3A, %add3A_257, %dma_start3A_262, %dma_start3A_263] : memref<32x160x64x128xf32, #tpu.memory_space<hbm>> -> memref<1x1x64x128xf32, #tpu.memory_space<hbm>>
          %dma_start3A_265 = tpu.memref_squeeze %dma_start3A_264 : memref<1x1x64x128xf32, #tpu.memory_space<hbm>> -> memref<64x128xf32, #tpu.memory_space<hbm>>
          tpu.enqueue_dma source(%dma_start3A_265 : memref<64x128xf32, #tpu.memory_space<hbm>>) target(%arg11 : memref<64x128xf32, #tpu.memory_space<vmem>>) target_semaphore(%arg16 : memref<!tpu.dma_semaphore, #tpu.memory_space<semaphore_mem>>)
        } else {
        }
      }
      %scan3A_76 = arith.constant 8 : i32
    }
    %scan3A_7 = arith.constant 4 : i32
    %barrier3A_8 = arith.constant 0 : index
    tpu.barrier barrier_id(%barrier3A_8)
    "tpu.region"() ({
      %run_scoped3A = tpu.sem_alloc : memref<!tpu.dma_semaphore, #tpu.memory_space<semaphore_mem>>
      %dma_start3A = arith.constant 0 : i32
      %dma_start3A_9 = tpu.memref_slice %arg5[%arg0, %mul3A_2, %dma_start3A] : memref<2x10240x128xf32, #tpu.memory_space<hbm>> -> memref<1x640x128xf32, #tpu.memory_space<hbm>>
      %dma_start3A_10 = tpu.memref_squeeze %dma_start3A_9 : memref<1x640x128xf32, #tpu.memory_space<hbm>> -> memref<640x128xf32, #tpu.memory_space<hbm>>
      %dma_start3A_11 = arith.constant 0 : i32
      %dma_start3A_12 = tpu.memref_slice %arg22[%mul3A_2, %dma_start3A_11] : memref<10240x128xf32, #tpu.memory_space<vmem_shared>> -> memref<640x128xf32, #tpu.memory_space<vmem_shared>>
      tpu.enqueue_dma source(%dma_start3A_12 : memref<640x128xf32, #tpu.memory_space<vmem_shared>>) target(%dma_start3A_10 : memref<640x128xf32, #tpu.memory_space<hbm>>) target_semaphore(%run_scoped3A : memref<!tpu.dma_semaphore, #tpu.memory_space<semaphore_mem>>)
      %dma_wait3A = arith.constant 0 : i32
      %dma_wait3A_13 = tpu.memref_slice %arg5[%arg0, %mul3A_2, %dma_wait3A] : memref<2x10240x128xf32, #tpu.memory_space<hbm>> -> memref<1x640x128xf32, #tpu.memory_space<hbm>>
      %dma_wait3A_14 = tpu.memref_squeeze %dma_wait3A_13 : memref<1x640x128xf32, #tpu.memory_space<hbm>> -> memref<640x128xf32, #tpu.memory_space<hbm>>
      %dma_wait3A_15 = arith.constant 0 : i32
      %dma_wait3A_16 = tpu.memref_slice %arg22[%mul3A_2, %dma_wait3A_15] : memref<10240x128xf32, #tpu.memory_space<vmem_shared>> -> memref<640x128xf32, #tpu.memory_space<vmem_shared>>
      tpu.wait_dma2 semaphore(%run_scoped3A : memref<!tpu.dma_semaphore, #tpu.memory_space<semaphore_mem>>) src(%dma_wait3A_16 : memref<640x128xf32, #tpu.memory_space<vmem_shared>>) dst(%dma_wait3A_14 : memref<640x128xf32, #tpu.memory_space<hbm>>)
      tpu.yield
    }) : () -> ()
    return
  }
}

#map = affine_map<(d0, d1) -> (0, 0)>
#map1 = affine_map<(d0, d1) -> (0, 0, 0)>
#map2 = affine_map<(d0, d1) -> (0, 0, 0, 0)>
module attributes {stable_mosaic.version = 14 : i64} {
  func.func @_gather_body(%arg0: i32, %arg1: i32, %arg2: memref<10240x128xf32, #tpu.memory_space<hbm>>, %arg3: memref<32x160x64xi32, #tpu.memory_space<hbm>>, %arg4: memref<32x160x64x128xf32, #tpu.memory_space<hbm>>, %arg5: memref<40x64xi32, #tpu.memory_space<vmem>>, %arg6: memref<64x128xf32, #tpu.memory_space<vmem>>, %arg7: memref<64x128xf32, #tpu.memory_space<vmem>>, %arg8: memref<64x128xf32, #tpu.memory_space<vmem>>, %arg9: memref<64x128xf32, #tpu.memory_space<vmem>>, %arg10: memref<64x128xf32, #tpu.memory_space<vmem>>, %arg11: memref<!tpu.dma_semaphore, #tpu.memory_space<semaphore_mem>>, %arg12: memref<!tpu.dma_semaphore, #tpu.memory_space<semaphore_mem>>, %arg13: memref<!tpu.dma_semaphore, #tpu.memory_space<semaphore_mem>>, %arg14: memref<!tpu.dma_semaphore, #tpu.memory_space<semaphore_mem>>, %arg15: memref<!tpu.dma_semaphore, #tpu.memory_space<semaphore_mem>>, %arg16: memref<!tpu.dma_semaphore, #tpu.memory_space<semaphore_mem>>, %arg17: memref<!tpu.dma_semaphore, #tpu.memory_space<semaphore_mem>>, %arg18: memref<!tpu.dma_semaphore, #tpu.memory_space<semaphore_mem>>, %arg19: memref<!tpu.dma_semaphore, #tpu.memory_space<semaphore_mem>>, %arg20: memref<!tpu.dma_semaphore, #tpu.memory_space<semaphore_mem>>, %arg21: memref<10240x128xf32, #tpu.memory_space<vmem_shared>>) attributes {dimension_semantics = [#tpu.dimension_semantics<core_parallel>, #tpu.dimension_semantics<subcore_parallel>], iteration_bounds = array<i64: 2, 16>, scalar_prefetch = 0 : i64, scratch_operands = 17 : i64, tpu.core_type = #tpu.core_type<sc_vector_subcore>, window_params = [{transform_indices = #map}, {transform_indices = #map1}, {transform_indices = #map2}]} {
    %mul3A = arith.constant 2 : i32
    %mul3A_0 = arith.muli %arg1, %mul3A : i32
    %add3A = arith.addi %mul3A_0, %arg0 : i32
    %mul3A_1 = arith.constant 640 : i32
    %mul3A_2 = arith.muli %arg1, %mul3A_1 : i32
    "tpu.region"() ({
      %run_scoped3A = tpu.sem_alloc : memref<!tpu.dma_semaphore, #tpu.memory_space<semaphore_mem>>
      %dma_start3A = arith.constant 0 : i32
      %dma_start3A_8 = tpu.memref_slice %arg21[%mul3A_2, %dma_start3A] : memref<10240x128xf32, #tpu.memory_space<vmem_shared>> -> memref<640x128xf32, #tpu.memory_space<vmem_shared>>
      %dma_start3A_9 = arith.constant 0 : i32
      %dma_start3A_10 = tpu.memref_slice %arg2[%mul3A_2, %dma_start3A_9] : memref<10240x128xf32, #tpu.memory_space<hbm>> -> memref<640x128xf32, #tpu.memory_space<hbm>>
      tpu.enqueue_dma source(%dma_start3A_10 : memref<640x128xf32, #tpu.memory_space<hbm>>) target(%dma_start3A_8 : memref<640x128xf32, #tpu.memory_space<vmem_shared>>) target_semaphore(%run_scoped3A : memref<!tpu.dma_semaphore, #tpu.memory_space<semaphore_mem>>)
      %dma_wait3A = arith.constant 0 : i32
      %dma_wait3A_11 = tpu.memref_slice %arg21[%mul3A_2, %dma_wait3A] : memref<10240x128xf32, #tpu.memory_space<vmem_shared>> -> memref<640x128xf32, #tpu.memory_space<vmem_shared>>
      %dma_wait3A_12 = arith.constant 0 : i32
      %dma_wait3A_13 = tpu.memref_slice %arg2[%mul3A_2, %dma_wait3A_12] : memref<10240x128xf32, #tpu.memory_space<hbm>> -> memref<640x128xf32, #tpu.memory_space<hbm>>
      tpu.wait_dma2 semaphore(%run_scoped3A : memref<!tpu.dma_semaphore, #tpu.memory_space<semaphore_mem>>) src(%dma_wait3A_13 : memref<640x128xf32, #tpu.memory_space<hbm>>) dst(%dma_wait3A_11 : memref<640x128xf32, #tpu.memory_space<vmem_shared>>)
      tpu.yield
    }) : () -> ()
    %barrier3A = arith.constant 0 : index
    tpu.barrier barrier_id(%barrier3A)
    %scan3A = arith.constant 0 : i32
    %scan3A_3 = arith.constant 0 : i32
    %scan3A_4 = arith.constant 4 : i32
    %scan3A_5 = arith.addi %scan3A_3, %scan3A_4 : i32
    %scan3A_6 = arith.constant 1 : i32
    scf.for %scan3A_8 = %scan3A_3 to %scan3A_5 step %scan3A_6  : i32 {
      %mul3A_9 = arith.constant 40 : i32
      %mul3A_10 = arith.muli %scan3A_8, %mul3A_9 : i32
      "tpu.region"() ({
        %run_scoped3A = tpu.sem_alloc : memref<!tpu.dma_semaphore, #tpu.memory_space<semaphore_mem>>
        %dma_start3A_51 = arith.constant 0 : i32
        %dma_start3A_52 = tpu.memref_slice %arg3[%add3A, %mul3A_10, %dma_start3A_51] : memref<32x160x64xi32, #tpu.memory_space<hbm>> -> memref<1x40x64xi32, #tpu.memory_space<hbm>>
        %dma_start3A_53 = tpu.memref_squeeze %dma_start3A_52 : memref<1x40x64xi32, #tpu.memory_space<hbm>> -> memref<40x64xi32, #tpu.memory_space<hbm>>
        %dma_start3A_54 = arith.constant 0 : i32
        %dma_start3A_55 = tpu.memref_slice %arg3[%add3A, %mul3A_10, %dma_start3A_54] : memref<32x160x64xi32, #tpu.memory_space<hbm>> -> memref<1x40x64xi32, #tpu.memory_space<hbm>>
        %dma_start3A_56 = tpu.memref_squeeze %dma_start3A_55 : memref<1x40x64xi32, #tpu.memory_space<hbm>> -> memref<40x64xi32, #tpu.memory_space<hbm>>
        tpu.enqueue_dma source(%dma_start3A_56 : memref<40x64xi32, #tpu.memory_space<hbm>>) target(%arg5 : memref<40x64xi32, #tpu.memory_space<vmem>>) target_semaphore(%run_scoped3A : memref<!tpu.dma_semaphore, #tpu.memory_space<semaphore_mem>>)
        %dma_wait3A = arith.constant 0 : i32
        %dma_wait3A_57 = tpu.memref_slice %arg3[%add3A, %mul3A_10, %dma_wait3A] : memref<32x160x64xi32, #tpu.memory_space<hbm>> -> memref<1x40x64xi32, #tpu.memory_space<hbm>>
        %dma_wait3A_58 = tpu.memref_squeeze %dma_wait3A_57 : memref<1x40x64xi32, #tpu.memory_space<hbm>> -> memref<40x64xi32, #tpu.memory_space<hbm>>
        %dma_wait3A_59 = arith.constant 0 : i32
        %dma_wait3A_60 = tpu.memref_slice %arg3[%add3A, %mul3A_10, %dma_wait3A_59] : memref<32x160x64xi32, #tpu.memory_space<hbm>> -> memref<1x40x64xi32, #tpu.memory_space<hbm>>
        %dma_wait3A_61 = tpu.memref_squeeze %dma_wait3A_60 : memref<1x40x64xi32, #tpu.memory_space<hbm>> -> memref<40x64xi32, #tpu.memory_space<hbm>>
        tpu.wait_dma2 semaphore(%run_scoped3A : memref<!tpu.dma_semaphore, #tpu.memory_space<semaphore_mem>>) src(%dma_wait3A_61 : memref<40x64xi32, #tpu.memory_space<hbm>>) dst(%arg5 : memref<40x64xi32, #tpu.memory_space<vmem>>)
        tpu.yield
      }) : () -> ()
      %dma_start3A = arith.constant 0 : i32
      %dma_start3A_11 = arith.constant 0 : i32
      %dma_start3A_12 = tpu.memref_slice %arg5[%dma_start3A, %dma_start3A_11] : memref<40x64xi32, #tpu.memory_space<vmem>> -> memref<1x64xi32, #tpu.memory_space<vmem>>
      %dma_start3A_13 = tpu.memref_squeeze %dma_start3A_12 : memref<1x64xi32, #tpu.memory_space<vmem>> -> memref<64xi32, #tpu.memory_space<vmem>>
      %dma_start3A_14 = arith.constant 0 : i32
      %dma_start3A_15 = arith.constant 0 : i32
      %dma_start3A_16 = tpu.memref_slice %arg21[%dma_start3A_14, %dma_start3A_15] : memref<10240x128xf32, #tpu.memory_space<vmem_shared>> -> memref<10240x128xf32, #tpu.memory_space<vmem_shared>>
      tpu.enqueue_indirect_dma source(%dma_start3A_16 : memref<10240x128xf32, #tpu.memory_space<vmem_shared>>) target(%arg6 : memref<64x128xf32, #tpu.memory_space<vmem>>) offsets(%dma_start3A_13 : memref<64xi32, #tpu.memory_space<vmem>>) semaphore(%arg11 : memref<!tpu.dma_semaphore, #tpu.memory_space<semaphore_mem>>)
      %dma_start3A_17 = arith.constant 1 : i32
      %dma_start3A_18 = arith.constant 0 : i32
      %dma_start3A_19 = tpu.memref_slice %arg5[%dma_start3A_17, %dma_start3A_18] : memref<40x64xi32, #tpu.memory_space<vmem>> -> memref<1x64xi32, #tpu.memory_space<vmem>>
      %dma_start3A_20 = tpu.memref_squeeze %dma_start3A_19 : memref<1x64xi32, #tpu.memory_space<vmem>> -> memref<64xi32, #tpu.memory_space<vmem>>
      %dma_start3A_21 = arith.constant 0 : i32
      %dma_start3A_22 = arith.constant 0 : i32
      %dma_start3A_23 = tpu.memref_slice %arg21[%dma_start3A_21, %dma_start3A_22] : memref<10240x128xf32, #tpu.memory_space<vmem_shared>> -> memref<10240x128xf32, #tpu.memory_space<vmem_shared>>
      tpu.enqueue_indirect_dma source(%dma_start3A_23 : memref<10240x128xf32, #tpu.memory_space<vmem_shared>>) target(%arg7 : memref<64x128xf32, #tpu.memory_space<vmem>>) offsets(%dma_start3A_20 : memref<64xi32, #tpu.memory_space<vmem>>) semaphore(%arg12 : memref<!tpu.dma_semaphore, #tpu.memory_space<semaphore_mem>>)
      %dma_start3A_24 = arith.constant 2 : i32
      %dma_start3A_25 = arith.constant 0 : i32
      %dma_start3A_26 = tpu.memref_slice %arg5[%dma_start3A_24, %dma_start3A_25] : memref<40x64xi32, #tpu.memory_space<vmem>> -> memref<1x64xi32, #tpu.memory_space<vmem>>
      %dma_start3A_27 = tpu.memref_squeeze %dma_start3A_26 : memref<1x64xi32, #tpu.memory_space<vmem>> -> memref<64xi32, #tpu.memory_space<vmem>>
      %dma_start3A_28 = arith.constant 0 : i32
      %dma_start3A_29 = arith.constant 0 : i32
      %dma_start3A_30 = tpu.memref_slice %arg21[%dma_start3A_28, %dma_start3A_29] : memref<10240x128xf32, #tpu.memory_space<vmem_shared>> -> memref<10240x128xf32, #tpu.memory_space<vmem_shared>>
      tpu.enqueue_indirect_dma source(%dma_start3A_30 : memref<10240x128xf32, #tpu.memory_space<vmem_shared>>) target(%arg8 : memref<64x128xf32, #tpu.memory_space<vmem>>) offsets(%dma_start3A_27 : memref<64xi32, #tpu.memory_space<vmem>>) semaphore(%arg13 : memref<!tpu.dma_semaphore, #tpu.memory_space<semaphore_mem>>)
      %dma_start3A_31 = arith.constant 3 : i32
      %dma_start3A_32 = arith.constant 0 : i32
      %dma_start3A_33 = tpu.memref_slice %arg5[%dma_start3A_31, %dma_start3A_32] : memref<40x64xi32, #tpu.memory_space<vmem>> -> memref<1x64xi32, #tpu.memory_space<vmem>>
      %dma_start3A_34 = tpu.memref_squeeze %dma_start3A_33 : memref<1x64xi32, #tpu.memory_space<vmem>> -> memref<64xi32, #tpu.memory_space<vmem>>
      %dma_start3A_35 = arith.constant 0 : i32
      %dma_start3A_36 = arith.constant 0 : i32
      %dma_start3A_37 = tpu.memref_slice %arg21[%dma_start3A_35, %dma_start3A_36] : memref<10240x128xf32, #tpu.memory_space<vmem_shared>> -> memref<10240x128xf32, #tpu.memory_space<vmem_shared>>
      tpu.enqueue_indirect_dma source(%dma_start3A_37 : memref<10240x128xf32, #tpu.memory_space<vmem_shared>>) target(%arg9 : memref<64x128xf32, #tpu.memory_space<vmem>>) offsets(%dma_start3A_34 : memref<64xi32, #tpu.memory_space<vmem>>) semaphore(%arg14 : memref<!tpu.dma_semaphore, #tpu.memory_space<semaphore_mem>>)
      %dma_start3A_38 = arith.constant 4 : i32
      %dma_start3A_39 = arith.constant 0 : i32
      %dma_start3A_40 = tpu.memref_slice %arg5[%dma_start3A_38, %dma_start3A_39] : memref<40x64xi32, #tpu.memory_space<vmem>> -> memref<1x64xi32, #tpu.memory_space<vmem>>
      %dma_start3A_41 = tpu.memref_squeeze %dma_start3A_40 : memref<1x64xi32, #tpu.memory_space<vmem>> -> memref<64xi32, #tpu.memory_space<vmem>>
      %dma_start3A_42 = arith.constant 0 : i32
      %dma_start3A_43 = arith.constant 0 : i32
      %dma_start3A_44 = tpu.memref_slice %arg21[%dma_start3A_42, %dma_start3A_43] : memref<10240x128xf32, #tpu.memory_space<vmem_shared>> -> memref<10240x128xf32, #tpu.memory_space<vmem_shared>>
      tpu.enqueue_indirect_dma source(%dma_start3A_44 : memref<10240x128xf32, #tpu.memory_space<vmem_shared>>) target(%arg10 : memref<64x128xf32, #tpu.memory_space<vmem>>) offsets(%dma_start3A_41 : memref<64xi32, #tpu.memory_space<vmem>>) semaphore(%arg15 : memref<!tpu.dma_semaphore, #tpu.memory_space<semaphore_mem>>)
      %scan3A_45 = arith.constant 0 : i32
      %scan3A_46 = arith.constant 0 : i32
      %scan3A_47 = arith.constant 8 : i32
      %scan3A_48 = arith.addi %scan3A_46, %scan3A_47 : i32
      %scan3A_49 = arith.constant 1 : i32
      scf.for %scan3A_51 = %scan3A_46 to %scan3A_48 step %scan3A_49  : i32 {
        %mul3A_52 = arith.constant 5 : i32
        %mul3A_53 = arith.muli %scan3A_51, %mul3A_52 : i32
        %add3A_54 = arith.constant 0 : i32
        %add3A_55 = arith.addi %mul3A_53, %add3A_54 : i32
        %dma_wait3A = arith.constant 0 : i32
        %dma_wait3A_56 = tpu.memref_slice %arg5[%add3A_55, %dma_wait3A] : memref<40x64xi32, #tpu.memory_space<vmem>> -> memref<1x64xi32, #tpu.memory_space<vmem>>
        %dma_wait3A_57 = tpu.memref_squeeze %dma_wait3A_56 : memref<1x64xi32, #tpu.memory_space<vmem>> -> memref<64xi32, #tpu.memory_space<vmem>>
        %dma_wait3A_58 = arith.constant 0 : i32
        %dma_wait3A_59 = arith.constant 0 : i32
        %dma_wait3A_60 = tpu.memref_slice %arg21[%dma_wait3A_58, %dma_wait3A_59] : memref<10240x128xf32, #tpu.memory_space<vmem_shared>> -> memref<10240x128xf32, #tpu.memory_space<vmem_shared>>
        tpu.wait_indirect_dma semaphore(%arg11 : memref<!tpu.dma_semaphore, #tpu.memory_space<semaphore_mem>>) src(%dma_wait3A_60 : memref<10240x128xf32, #tpu.memory_space<vmem_shared>>) dst(%arg6 : memref<64x128xf32, #tpu.memory_space<vmem>>)
        %mul3A_61 = arith.constant 40 : i32
        %mul3A_62 = arith.muli %scan3A_8, %mul3A_61 : i32
        %add3A_63 = arith.addi %mul3A_62, %add3A_55 : i32
        %dma_start3A_64 = arith.constant 0 : i32
        %dma_start3A_65 = arith.constant 0 : i32
        %dma_start3A_66 = tpu.memref_slice %arg4[%add3A, %add3A_63, %dma_start3A_64, %dma_start3A_65] : memref<32x160x64x128xf32, #tpu.memory_space<hbm>> -> memref<1x1x64x128xf32, #tpu.memory_space<hbm>>
        %dma_start3A_67 = tpu.memref_squeeze %dma_start3A_66 : memref<1x1x64x128xf32, #tpu.memory_space<hbm>> -> memref<64x128xf32, #tpu.memory_space<hbm>>
        %dma_start3A_68 = arith.constant 0 : i32
        %dma_start3A_69 = arith.constant 0 : i32
        %dma_start3A_70 = tpu.memref_slice %arg4[%add3A, %add3A_63, %dma_start3A_68, %dma_start3A_69] : memref<32x160x64x128xf32, #tpu.memory_space<hbm>> -> memref<1x1x64x128xf32, #tpu.memory_space<hbm>>
        %dma_start3A_71 = tpu.memref_squeeze %dma_start3A_70 : memref<1x1x64x128xf32, #tpu.memory_space<hbm>> -> memref<64x128xf32, #tpu.memory_space<hbm>>
        tpu.enqueue_dma source(%arg6 : memref<64x128xf32, #tpu.memory_space<vmem>>) target(%dma_start3A_71 : memref<64x128xf32, #tpu.memory_space<hbm>>) target_semaphore(%arg16 : memref<!tpu.dma_semaphore, #tpu.memory_space<semaphore_mem>>)
        %mul3A_72 = arith.constant 5 : i32
        %mul3A_73 = arith.muli %scan3A_51, %mul3A_72 : i32
        %add3A_74 = arith.constant 1 : i32
        %add3A_75 = arith.addi %mul3A_73, %add3A_74 : i32
        %dma_wait3A_76 = arith.constant 0 : i32
        %dma_wait3A_77 = tpu.memref_slice %arg5[%add3A_75, %dma_wait3A_76] : memref<40x64xi32, #tpu.memory_space<vmem>> -> memref<1x64xi32, #tpu.memory_space<vmem>>
        %dma_wait3A_78 = tpu.memref_squeeze %dma_wait3A_77 : memref<1x64xi32, #tpu.memory_space<vmem>> -> memref<64xi32, #tpu.memory_space<vmem>>
        %dma_wait3A_79 = arith.constant 0 : i32
        %dma_wait3A_80 = arith.constant 0 : i32
        %dma_wait3A_81 = tpu.memref_slice %arg21[%dma_wait3A_79, %dma_wait3A_80] : memref<10240x128xf32, #tpu.memory_space<vmem_shared>> -> memref<10240x128xf32, #tpu.memory_space<vmem_shared>>
        tpu.wait_indirect_dma semaphore(%arg12 : memref<!tpu.dma_semaphore, #tpu.memory_space<semaphore_mem>>) src(%dma_wait3A_81 : memref<10240x128xf32, #tpu.memory_space<vmem_shared>>) dst(%arg7 : memref<64x128xf32, #tpu.memory_space<vmem>>)
        %mul3A_82 = arith.constant 40 : i32
        %mul3A_83 = arith.muli %scan3A_8, %mul3A_82 : i32
        %add3A_84 = arith.addi %mul3A_83, %add3A_75 : i32
        %dma_start3A_85 = arith.constant 0 : i32
        %dma_start3A_86 = arith.constant 0 : i32
        %dma_start3A_87 = tpu.memref_slice %arg4[%add3A, %add3A_84, %dma_start3A_85, %dma_start3A_86] : memref<32x160x64x128xf32, #tpu.memory_space<hbm>> -> memref<1x1x64x128xf32, #tpu.memory_space<hbm>>
        %dma_start3A_88 = tpu.memref_squeeze %dma_start3A_87 : memref<1x1x64x128xf32, #tpu.memory_space<hbm>> -> memref<64x128xf32, #tpu.memory_space<hbm>>
        %dma_start3A_89 = arith.constant 0 : i32
        %dma_start3A_90 = arith.constant 0 : i32
        %dma_start3A_91 = tpu.memref_slice %arg4[%add3A, %add3A_84, %dma_start3A_89, %dma_start3A_90] : memref<32x160x64x128xf32, #tpu.memory_space<hbm>> -> memref<1x1x64x128xf32, #tpu.memory_space<hbm>>
        %dma_start3A_92 = tpu.memref_squeeze %dma_start3A_91 : memref<1x1x64x128xf32, #tpu.memory_space<hbm>> -> memref<64x128xf32, #tpu.memory_space<hbm>>
        tpu.enqueue_dma source(%arg7 : memref<64x128xf32, #tpu.memory_space<vmem>>) target(%dma_start3A_92 : memref<64x128xf32, #tpu.memory_space<hbm>>) target_semaphore(%arg17 : memref<!tpu.dma_semaphore, #tpu.memory_space<semaphore_mem>>)
        %mul3A_93 = arith.constant 5 : i32
        %mul3A_94 = arith.muli %scan3A_51, %mul3A_93 : i32
        %add3A_95 = arith.constant 2 : i32
        %add3A_96 = arith.addi %mul3A_94, %add3A_95 : i32
        %dma_wait3A_97 = arith.constant 0 : i32
        %dma_wait3A_98 = tpu.memref_slice %arg5[%add3A_96, %dma_wait3A_97] : memref<40x64xi32, #tpu.memory_space<vmem>> -> memref<1x64xi32, #tpu.memory_space<vmem>>
        %dma_wait3A_99 = tpu.memref_squeeze %dma_wait3A_98 : memref<1x64xi32, #tpu.memory_space<vmem>> -> memref<64xi32, #tpu.memory_space<vmem>>
        %dma_wait3A_100 = arith.constant 0 : i32
        %dma_wait3A_101 = arith.constant 0 : i32
        %dma_wait3A_102 = tpu.memref_slice %arg21[%dma_wait3A_100, %dma_wait3A_101] : memref<10240x128xf32, #tpu.memory_space<vmem_shared>> -> memref<10240x128xf32, #tpu.memory_space<vmem_shared>>
        tpu.wait_indirect_dma semaphore(%arg13 : memref<!tpu.dma_semaphore, #tpu.memory_space<semaphore_mem>>) src(%dma_wait3A_102 : memref<10240x128xf32, #tpu.memory_space<vmem_shared>>) dst(%arg8 : memref<64x128xf32, #tpu.memory_space<vmem>>)
        %mul3A_103 = arith.constant 40 : i32
        %mul3A_104 = arith.muli %scan3A_8, %mul3A_103 : i32
        %add3A_105 = arith.addi %mul3A_104, %add3A_96 : i32
        %dma_start3A_106 = arith.constant 0 : i32
        %dma_start3A_107 = arith.constant 0 : i32
        %dma_start3A_108 = tpu.memref_slice %arg4[%add3A, %add3A_105, %dma_start3A_106, %dma_start3A_107] : memref<32x160x64x128xf32, #tpu.memory_space<hbm>> -> memref<1x1x64x128xf32, #tpu.memory_space<hbm>>
        %dma_start3A_109 = tpu.memref_squeeze %dma_start3A_108 : memref<1x1x64x128xf32, #tpu.memory_space<hbm>> -> memref<64x128xf32, #tpu.memory_space<hbm>>
        %dma_start3A_110 = arith.constant 0 : i32
        %dma_start3A_111 = arith.constant 0 : i32
        %dma_start3A_112 = tpu.memref_slice %arg4[%add3A, %add3A_105, %dma_start3A_110, %dma_start3A_111] : memref<32x160x64x128xf32, #tpu.memory_space<hbm>> -> memref<1x1x64x128xf32, #tpu.memory_space<hbm>>
        %dma_start3A_113 = tpu.memref_squeeze %dma_start3A_112 : memref<1x1x64x128xf32, #tpu.memory_space<hbm>> -> memref<64x128xf32, #tpu.memory_space<hbm>>
        tpu.enqueue_dma source(%arg8 : memref<64x128xf32, #tpu.memory_space<vmem>>) target(%dma_start3A_113 : memref<64x128xf32, #tpu.memory_space<hbm>>) target_semaphore(%arg18 : memref<!tpu.dma_semaphore, #tpu.memory_space<semaphore_mem>>)
        %mul3A_114 = arith.constant 5 : i32
        %mul3A_115 = arith.muli %scan3A_51, %mul3A_114 : i32
        %add3A_116 = arith.constant 3 : i32
        %add3A_117 = arith.addi %mul3A_115, %add3A_116 : i32
        %dma_wait3A_118 = arith.constant 0 : i32
        %dma_wait3A_119 = tpu.memref_slice %arg5[%add3A_117, %dma_wait3A_118] : memref<40x64xi32, #tpu.memory_space<vmem>> -> memref<1x64xi32, #tpu.memory_space<vmem>>
        %dma_wait3A_120 = tpu.memref_squeeze %dma_wait3A_119 : memref<1x64xi32, #tpu.memory_space<vmem>> -> memref<64xi32, #tpu.memory_space<vmem>>
        %dma_wait3A_121 = arith.constant 0 : i32
        %dma_wait3A_122 = arith.constant 0 : i32
        %dma_wait3A_123 = tpu.memref_slice %arg21[%dma_wait3A_121, %dma_wait3A_122] : memref<10240x128xf32, #tpu.memory_space<vmem_shared>> -> memref<10240x128xf32, #tpu.memory_space<vmem_shared>>
        tpu.wait_indirect_dma semaphore(%arg14 : memref<!tpu.dma_semaphore, #tpu.memory_space<semaphore_mem>>) src(%dma_wait3A_123 : memref<10240x128xf32, #tpu.memory_space<vmem_shared>>) dst(%arg9 : memref<64x128xf32, #tpu.memory_space<vmem>>)
        %mul3A_124 = arith.constant 40 : i32
        %mul3A_125 = arith.muli %scan3A_8, %mul3A_124 : i32
        %add3A_126 = arith.addi %mul3A_125, %add3A_117 : i32
        %dma_start3A_127 = arith.constant 0 : i32
        %dma_start3A_128 = arith.constant 0 : i32
        %dma_start3A_129 = tpu.memref_slice %arg4[%add3A, %add3A_126, %dma_start3A_127, %dma_start3A_128] : memref<32x160x64x128xf32, #tpu.memory_space<hbm>> -> memref<1x1x64x128xf32, #tpu.memory_space<hbm>>
        %dma_start3A_130 = tpu.memref_squeeze %dma_start3A_129 : memref<1x1x64x128xf32, #tpu.memory_space<hbm>> -> memref<64x128xf32, #tpu.memory_space<hbm>>
        %dma_start3A_131 = arith.constant 0 : i32
        %dma_start3A_132 = arith.constant 0 : i32
        %dma_start3A_133 = tpu.memref_slice %arg4[%add3A, %add3A_126, %dma_start3A_131, %dma_start3A_132] : memref<32x160x64x128xf32, #tpu.memory_space<hbm>> -> memref<1x1x64x128xf32, #tpu.memory_space<hbm>>
        %dma_start3A_134 = tpu.memref_squeeze %dma_start3A_133 : memref<1x1x64x128xf32, #tpu.memory_space<hbm>> -> memref<64x128xf32, #tpu.memory_space<hbm>>
        tpu.enqueue_dma source(%arg9 : memref<64x128xf32, #tpu.memory_space<vmem>>) target(%dma_start3A_134 : memref<64x128xf32, #tpu.memory_space<hbm>>) target_semaphore(%arg19 : memref<!tpu.dma_semaphore, #tpu.memory_space<semaphore_mem>>)
        %mul3A_135 = arith.constant 5 : i32
        %mul3A_136 = arith.muli %scan3A_51, %mul3A_135 : i32
        %add3A_137 = arith.constant 4 : i32
        %add3A_138 = arith.addi %mul3A_136, %add3A_137 : i32
        %dma_wait3A_139 = arith.constant 0 : i32
        %dma_wait3A_140 = tpu.memref_slice %arg5[%add3A_138, %dma_wait3A_139] : memref<40x64xi32, #tpu.memory_space<vmem>> -> memref<1x64xi32, #tpu.memory_space<vmem>>
        %dma_wait3A_141 = tpu.memref_squeeze %dma_wait3A_140 : memref<1x64xi32, #tpu.memory_space<vmem>> -> memref<64xi32, #tpu.memory_space<vmem>>
        %dma_wait3A_142 = arith.constant 0 : i32
        %dma_wait3A_143 = arith.constant 0 : i32
        %dma_wait3A_144 = tpu.memref_slice %arg21[%dma_wait3A_142, %dma_wait3A_143] : memref<10240x128xf32, #tpu.memory_space<vmem_shared>> -> memref<10240x128xf32, #tpu.memory_space<vmem_shared>>
        tpu.wait_indirect_dma semaphore(%arg15 : memref<!tpu.dma_semaphore, #tpu.memory_space<semaphore_mem>>) src(%dma_wait3A_144 : memref<10240x128xf32, #tpu.memory_space<vmem_shared>>) dst(%arg10 : memref<64x128xf32, #tpu.memory_space<vmem>>)
        %mul3A_145 = arith.constant 40 : i32
        %mul3A_146 = arith.muli %scan3A_8, %mul3A_145 : i32
        %add3A_147 = arith.addi %mul3A_146, %add3A_138 : i32
        %dma_start3A_148 = arith.constant 0 : i32
        %dma_start3A_149 = arith.constant 0 : i32
        %dma_start3A_150 = tpu.memref_slice %arg4[%add3A, %add3A_147, %dma_start3A_148, %dma_start3A_149] : memref<32x160x64x128xf32, #tpu.memory_space<hbm>> -> memref<1x1x64x128xf32, #tpu.memory_space<hbm>>
        %dma_start3A_151 = tpu.memref_squeeze %dma_start3A_150 : memref<1x1x64x128xf32, #tpu.memory_space<hbm>> -> memref<64x128xf32, #tpu.memory_space<hbm>>
        %dma_start3A_152 = arith.constant 0 : i32
        %dma_start3A_153 = arith.constant 0 : i32
        %dma_start3A_154 = tpu.memref_slice %arg4[%add3A, %add3A_147, %dma_start3A_152, %dma_start3A_153] : memref<32x160x64x128xf32, #tpu.memory_space<hbm>> -> memref<1x1x64x128xf32, #tpu.memory_space<hbm>>
        %dma_start3A_155 = tpu.memref_squeeze %dma_start3A_154 : memref<1x1x64x128xf32, #tpu.memory_space<hbm>> -> memref<64x128xf32, #tpu.memory_space<hbm>>
        tpu.enqueue_dma source(%arg10 : memref<64x128xf32, #tpu.memory_space<vmem>>) target(%dma_start3A_155 : memref<64x128xf32, #tpu.memory_space<hbm>>) target_semaphore(%arg20 : memref<!tpu.dma_semaphore, #tpu.memory_space<semaphore_mem>>)
        %dma_wait3A_156 = arith.constant 0 : i32
        %dma_wait3A_157 = arith.constant 0 : i32
        %dma_wait3A_158 = arith.constant 0 : i32
        %dma_wait3A_159 = tpu.memref_slice %arg4[%add3A, %dma_wait3A_156, %dma_wait3A_157, %dma_wait3A_158] : memref<32x160x64x128xf32, #tpu.memory_space<hbm>> -> memref<1x1x64x128xf32, #tpu.memory_space<hbm>>
        %dma_wait3A_160 = tpu.memref_squeeze %dma_wait3A_159 : memref<1x1x64x128xf32, #tpu.memory_space<hbm>> -> memref<64x128xf32, #tpu.memory_space<hbm>>
        %dma_wait3A_161 = arith.constant 0 : i32
        %dma_wait3A_162 = arith.constant 0 : i32
        %dma_wait3A_163 = tpu.memref_slice %arg4[%add3A, %dma_wait3A_156, %dma_wait3A_161, %dma_wait3A_162] : memref<32x160x64x128xf32, #tpu.memory_space<hbm>> -> memref<1x1x64x128xf32, #tpu.memory_space<hbm>>
        %dma_wait3A_164 = tpu.memref_squeeze %dma_wait3A_163 : memref<1x1x64x128xf32, #tpu.memory_space<hbm>> -> memref<64x128xf32, #tpu.memory_space<hbm>>
        tpu.wait_dma2 semaphore(%arg16 : memref<!tpu.dma_semaphore, #tpu.memory_space<semaphore_mem>>) src(%arg6 : memref<64x128xf32, #tpu.memory_space<vmem>>) dst(%dma_wait3A_164 : memref<64x128xf32, #tpu.memory_space<hbm>>)
        %add3A_165 = arith.constant 1 : i32
        %add3A_166 = arith.addi %scan3A_51, %add3A_165 : i32
        %lt3A = arith.constant 8 : i32
        %lt3A_167 = arith.cmpi slt, %add3A_166, %lt3A : i32
        %convert_element_type3A = arith.extui %lt3A_167 : i1 to i32
        %cond3A = arith.constant 0 : i32
        %cond3A_168 = arith.cmpi ne, %convert_element_type3A, %cond3A : i32
        scf.if %cond3A_168 {
          %add3A_233 = arith.constant 1 : i32
          %add3A_234 = arith.addi %scan3A_51, %add3A_233 : i32
          %mul3A_235 = arith.constant 5 : i32
          %mul3A_236 = arith.muli %add3A_234, %mul3A_235 : i32
          %add3A_237 = arith.constant 0 : i32
          %add3A_238 = arith.addi %mul3A_236, %add3A_237 : i32
          %dma_start3A_239 = arith.constant 0 : i32
          %dma_start3A_240 = tpu.memref_slice %arg5[%add3A_238, %dma_start3A_239] : memref<40x64xi32, #tpu.memory_space<vmem>> -> memref<1x64xi32, #tpu.memory_space<vmem>>
          %dma_start3A_241 = tpu.memref_squeeze %dma_start3A_240 : memref<1x64xi32, #tpu.memory_space<vmem>> -> memref<64xi32, #tpu.memory_space<vmem>>
          %dma_start3A_242 = arith.constant 0 : i32
          %dma_start3A_243 = arith.constant 0 : i32
          %dma_start3A_244 = tpu.memref_slice %arg21[%dma_start3A_242, %dma_start3A_243] : memref<10240x128xf32, #tpu.memory_space<vmem_shared>> -> memref<10240x128xf32, #tpu.memory_space<vmem_shared>>
          tpu.enqueue_indirect_dma source(%dma_start3A_244 : memref<10240x128xf32, #tpu.memory_space<vmem_shared>>) target(%arg6 : memref<64x128xf32, #tpu.memory_space<vmem>>) offsets(%dma_start3A_241 : memref<64xi32, #tpu.memory_space<vmem>>) semaphore(%arg11 : memref<!tpu.dma_semaphore, #tpu.memory_space<semaphore_mem>>)
        } else {
        }
        %dma_wait3A_169 = arith.constant 0 : i32
        %dma_wait3A_170 = arith.constant 0 : i32
        %dma_wait3A_171 = arith.constant 0 : i32
        %dma_wait3A_172 = tpu.memref_slice %arg4[%add3A, %dma_wait3A_169, %dma_wait3A_170, %dma_wait3A_171] : memref<32x160x64x128xf32, #tpu.memory_space<hbm>> -> memref<1x1x64x128xf32, #tpu.memory_space<hbm>>
        %dma_wait3A_173 = tpu.memref_squeeze %dma_wait3A_172 : memref<1x1x64x128xf32, #tpu.memory_space<hbm>> -> memref<64x128xf32, #tpu.memory_space<hbm>>
        %dma_wait3A_174 = arith.constant 0 : i32
        %dma_wait3A_175 = arith.constant 0 : i32
        %dma_wait3A_176 = tpu.memref_slice %arg4[%add3A, %dma_wait3A_169, %dma_wait3A_174, %dma_wait3A_175] : memref<32x160x64x128xf32, #tpu.memory_space<hbm>> -> memref<1x1x64x128xf32, #tpu.memory_space<hbm>>
        %dma_wait3A_177 = tpu.memref_squeeze %dma_wait3A_176 : memref<1x1x64x128xf32, #tpu.memory_space<hbm>> -> memref<64x128xf32, #tpu.memory_space<hbm>>
        tpu.wait_dma2 semaphore(%arg17 : memref<!tpu.dma_semaphore, #tpu.memory_space<semaphore_mem>>) src(%arg7 : memref<64x128xf32, #tpu.memory_space<vmem>>) dst(%dma_wait3A_177 : memref<64x128xf32, #tpu.memory_space<hbm>>)
        %add3A_178 = arith.constant 1 : i32
        %add3A_179 = arith.addi %scan3A_51, %add3A_178 : i32
        %lt3A_180 = arith.constant 8 : i32
        %lt3A_181 = arith.cmpi slt, %add3A_179, %lt3A_180 : i32
        %convert_element_type3A_182 = arith.extui %lt3A_181 : i1 to i32
        %cond3A_183 = arith.constant 0 : i32
        %cond3A_184 = arith.cmpi ne, %convert_element_type3A_182, %cond3A_183 : i32
        scf.if %cond3A_184 {
          %add3A_233 = arith.constant 1 : i32
          %add3A_234 = arith.addi %scan3A_51, %add3A_233 : i32
          %mul3A_235 = arith.constant 5 : i32
          %mul3A_236 = arith.muli %add3A_234, %mul3A_235 : i32
          %add3A_237 = arith.constant 1 : i32
          %add3A_238 = arith.addi %mul3A_236, %add3A_237 : i32
          %dma_start3A_239 = arith.constant 0 : i32
          %dma_start3A_240 = tpu.memref_slice %arg5[%add3A_238, %dma_start3A_239] : memref<40x64xi32, #tpu.memory_space<vmem>> -> memref<1x64xi32, #tpu.memory_space<vmem>>
          %dma_start3A_241 = tpu.memref_squeeze %dma_start3A_240 : memref<1x64xi32, #tpu.memory_space<vmem>> -> memref<64xi32, #tpu.memory_space<vmem>>
          %dma_start3A_242 = arith.constant 0 : i32
          %dma_start3A_243 = arith.constant 0 : i32
          %dma_start3A_244 = tpu.memref_slice %arg21[%dma_start3A_242, %dma_start3A_243] : memref<10240x128xf32, #tpu.memory_space<vmem_shared>> -> memref<10240x128xf32, #tpu.memory_space<vmem_shared>>
          tpu.enqueue_indirect_dma source(%dma_start3A_244 : memref<10240x128xf32, #tpu.memory_space<vmem_shared>>) target(%arg7 : memref<64x128xf32, #tpu.memory_space<vmem>>) offsets(%dma_start3A_241 : memref<64xi32, #tpu.memory_space<vmem>>) semaphore(%arg12 : memref<!tpu.dma_semaphore, #tpu.memory_space<semaphore_mem>>)
        } else {
        }
        %dma_wait3A_185 = arith.constant 0 : i32
        %dma_wait3A_186 = arith.constant 0 : i32
        %dma_wait3A_187 = arith.constant 0 : i32
        %dma_wait3A_188 = tpu.memref_slice %arg4[%add3A, %dma_wait3A_185, %dma_wait3A_186, %dma_wait3A_187] : memref<32x160x64x128xf32, #tpu.memory_space<hbm>> -> memref<1x1x64x128xf32, #tpu.memory_space<hbm>>
        %dma_wait3A_189 = tpu.memref_squeeze %dma_wait3A_188 : memref<1x1x64x128xf32, #tpu.memory_space<hbm>> -> memref<64x128xf32, #tpu.memory_space<hbm>>
        %dma_wait3A_190 = arith.constant 0 : i32
        %dma_wait3A_191 = arith.constant 0 : i32
        %dma_wait3A_192 = tpu.memref_slice %arg4[%add3A, %dma_wait3A_185, %dma_wait3A_190, %dma_wait3A_191] : memref<32x160x64x128xf32, #tpu.memory_space<hbm>> -> memref<1x1x64x128xf32, #tpu.memory_space<hbm>>
        %dma_wait3A_193 = tpu.memref_squeeze %dma_wait3A_192 : memref<1x1x64x128xf32, #tpu.memory_space<hbm>> -> memref<64x128xf32, #tpu.memory_space<hbm>>
        tpu.wait_dma2 semaphore(%arg18 : memref<!tpu.dma_semaphore, #tpu.memory_space<semaphore_mem>>) src(%arg8 : memref<64x128xf32, #tpu.memory_space<vmem>>) dst(%dma_wait3A_193 : memref<64x128xf32, #tpu.memory_space<hbm>>)
        %add3A_194 = arith.constant 1 : i32
        %add3A_195 = arith.addi %scan3A_51, %add3A_194 : i32
        %lt3A_196 = arith.constant 8 : i32
        %lt3A_197 = arith.cmpi slt, %add3A_195, %lt3A_196 : i32
        %convert_element_type3A_198 = arith.extui %lt3A_197 : i1 to i32
        %cond3A_199 = arith.constant 0 : i32
        %cond3A_200 = arith.cmpi ne, %convert_element_type3A_198, %cond3A_199 : i32
        scf.if %cond3A_200 {
          %add3A_233 = arith.constant 1 : i32
          %add3A_234 = arith.addi %scan3A_51, %add3A_233 : i32
          %mul3A_235 = arith.constant 5 : i32
          %mul3A_236 = arith.muli %add3A_234, %mul3A_235 : i32
          %add3A_237 = arith.constant 2 : i32
          %add3A_238 = arith.addi %mul3A_236, %add3A_237 : i32
          %dma_start3A_239 = arith.constant 0 : i32
          %dma_start3A_240 = tpu.memref_slice %arg5[%add3A_238, %dma_start3A_239] : memref<40x64xi32, #tpu.memory_space<vmem>> -> memref<1x64xi32, #tpu.memory_space<vmem>>
          %dma_start3A_241 = tpu.memref_squeeze %dma_start3A_240 : memref<1x64xi32, #tpu.memory_space<vmem>> -> memref<64xi32, #tpu.memory_space<vmem>>
          %dma_start3A_242 = arith.constant 0 : i32
          %dma_start3A_243 = arith.constant 0 : i32
          %dma_start3A_244 = tpu.memref_slice %arg21[%dma_start3A_242, %dma_start3A_243] : memref<10240x128xf32, #tpu.memory_space<vmem_shared>> -> memref<10240x128xf32, #tpu.memory_space<vmem_shared>>
          tpu.enqueue_indirect_dma source(%dma_start3A_244 : memref<10240x128xf32, #tpu.memory_space<vmem_shared>>) target(%arg8 : memref<64x128xf32, #tpu.memory_space<vmem>>) offsets(%dma_start3A_241 : memref<64xi32, #tpu.memory_space<vmem>>) semaphore(%arg13 : memref<!tpu.dma_semaphore, #tpu.memory_space<semaphore_mem>>)
        } else {
        }
        %dma_wait3A_201 = arith.constant 0 : i32
        %dma_wait3A_202 = arith.constant 0 : i32
        %dma_wait3A_203 = arith.constant 0 : i32
        %dma_wait3A_204 = tpu.memref_slice %arg4[%add3A, %dma_wait3A_201, %dma_wait3A_202, %dma_wait3A_203] : memref<32x160x64x128xf32, #tpu.memory_space<hbm>> -> memref<1x1x64x128xf32, #tpu.memory_space<hbm>>
        %dma_wait3A_205 = tpu.memref_squeeze %dma_wait3A_204 : memref<1x1x64x128xf32, #tpu.memory_space<hbm>> -> memref<64x128xf32, #tpu.memory_space<hbm>>
        %dma_wait3A_206 = arith.constant 0 : i32
        %dma_wait3A_207 = arith.constant 0 : i32
        %dma_wait3A_208 = tpu.memref_slice %arg4[%add3A, %dma_wait3A_201, %dma_wait3A_206, %dma_wait3A_207] : memref<32x160x64x128xf32, #tpu.memory_space<hbm>> -> memref<1x1x64x128xf32, #tpu.memory_space<hbm>>
        %dma_wait3A_209 = tpu.memref_squeeze %dma_wait3A_208 : memref<1x1x64x128xf32, #tpu.memory_space<hbm>> -> memref<64x128xf32, #tpu.memory_space<hbm>>
        tpu.wait_dma2 semaphore(%arg19 : memref<!tpu.dma_semaphore, #tpu.memory_space<semaphore_mem>>) src(%arg9 : memref<64x128xf32, #tpu.memory_space<vmem>>) dst(%dma_wait3A_209 : memref<64x128xf32, #tpu.memory_space<hbm>>)
        %add3A_210 = arith.constant 1 : i32
        %add3A_211 = arith.addi %scan3A_51, %add3A_210 : i32
        %lt3A_212 = arith.constant 8 : i32
        %lt3A_213 = arith.cmpi slt, %add3A_211, %lt3A_212 : i32
        %convert_element_type3A_214 = arith.extui %lt3A_213 : i1 to i32
        %cond3A_215 = arith.constant 0 : i32
        %cond3A_216 = arith.cmpi ne, %convert_element_type3A_214, %cond3A_215 : i32
        scf.if %cond3A_216 {
          %add3A_233 = arith.constant 1 : i32
          %add3A_234 = arith.addi %scan3A_51, %add3A_233 : i32
          %mul3A_235 = arith.constant 5 : i32
          %mul3A_236 = arith.muli %add3A_234, %mul3A_235 : i32
          %add3A_237 = arith.constant 3 : i32
          %add3A_238 = arith.addi %mul3A_236, %add3A_237 : i32
          %dma_start3A_239 = arith.constant 0 : i32
          %dma_start3A_240 = tpu.memref_slice %arg5[%add3A_238, %dma_start3A_239] : memref<40x64xi32, #tpu.memory_space<vmem>> -> memref<1x64xi32, #tpu.memory_space<vmem>>
          %dma_start3A_241 = tpu.memref_squeeze %dma_start3A_240 : memref<1x64xi32, #tpu.memory_space<vmem>> -> memref<64xi32, #tpu.memory_space<vmem>>
          %dma_start3A_242 = arith.constant 0 : i32
          %dma_start3A_243 = arith.constant 0 : i32
          %dma_start3A_244 = tpu.memref_slice %arg21[%dma_start3A_242, %dma_start3A_243] : memref<10240x128xf32, #tpu.memory_space<vmem_shared>> -> memref<10240x128xf32, #tpu.memory_space<vmem_shared>>
          tpu.enqueue_indirect_dma source(%dma_start3A_244 : memref<10240x128xf32, #tpu.memory_space<vmem_shared>>) target(%arg9 : memref<64x128xf32, #tpu.memory_space<vmem>>) offsets(%dma_start3A_241 : memref<64xi32, #tpu.memory_space<vmem>>) semaphore(%arg14 : memref<!tpu.dma_semaphore, #tpu.memory_space<semaphore_mem>>)
        } else {
        }
        %dma_wait3A_217 = arith.constant 0 : i32
        %dma_wait3A_218 = arith.constant 0 : i32
        %dma_wait3A_219 = arith.constant 0 : i32
        %dma_wait3A_220 = tpu.memref_slice %arg4[%add3A, %dma_wait3A_217, %dma_wait3A_218, %dma_wait3A_219] : memref<32x160x64x128xf32, #tpu.memory_space<hbm>> -> memref<1x1x64x128xf32, #tpu.memory_space<hbm>>
        %dma_wait3A_221 = tpu.memref_squeeze %dma_wait3A_220 : memref<1x1x64x128xf32, #tpu.memory_space<hbm>> -> memref<64x128xf32, #tpu.memory_space<hbm>>
        %dma_wait3A_222 = arith.constant 0 : i32
        %dma_wait3A_223 = arith.constant 0 : i32
        %dma_wait3A_224 = tpu.memref_slice %arg4[%add3A, %dma_wait3A_217, %dma_wait3A_222, %dma_wait3A_223] : memref<32x160x64x128xf32, #tpu.memory_space<hbm>> -> memref<1x1x64x128xf32, #tpu.memory_space<hbm>>
        %dma_wait3A_225 = tpu.memref_squeeze %dma_wait3A_224 : memref<1x1x64x128xf32, #tpu.memory_space<hbm>> -> memref<64x128xf32, #tpu.memory_space<hbm>>
        tpu.wait_dma2 semaphore(%arg20 : memref<!tpu.dma_semaphore, #tpu.memory_space<semaphore_mem>>) src(%arg10 : memref<64x128xf32, #tpu.memory_space<vmem>>) dst(%dma_wait3A_225 : memref<64x128xf32, #tpu.memory_space<hbm>>)
        %add3A_226 = arith.constant 1 : i32
        %add3A_227 = arith.addi %scan3A_51, %add3A_226 : i32
        %lt3A_228 = arith.constant 8 : i32
        %lt3A_229 = arith.cmpi slt, %add3A_227, %lt3A_228 : i32
        %convert_element_type3A_230 = arith.extui %lt3A_229 : i1 to i32
        %cond3A_231 = arith.constant 0 : i32
        %cond3A_232 = arith.cmpi ne, %convert_element_type3A_230, %cond3A_231 : i32
        scf.if %cond3A_232 {
          %add3A_233 = arith.constant 1 : i32
          %add3A_234 = arith.addi %scan3A_51, %add3A_233 : i32
          %mul3A_235 = arith.constant 5 : i32
          %mul3A_236 = arith.muli %add3A_234, %mul3A_235 : i32
          %add3A_237 = arith.constant 4 : i32
          %add3A_238 = arith.addi %mul3A_236, %add3A_237 : i32
          %dma_start3A_239 = arith.constant 0 : i32
          %dma_start3A_240 = tpu.memref_slice %arg5[%add3A_238, %dma_start3A_239] : memref<40x64xi32, #tpu.memory_space<vmem>> -> memref<1x64xi32, #tpu.memory_space<vmem>>
          %dma_start3A_241 = tpu.memref_squeeze %dma_start3A_240 : memref<1x64xi32, #tpu.memory_space<vmem>> -> memref<64xi32, #tpu.memory_space<vmem>>
          %dma_start3A_242 = arith.constant 0 : i32
          %dma_start3A_243 = arith.constant 0 : i32
          %dma_start3A_244 = tpu.memref_slice %arg21[%dma_start3A_242, %dma_start3A_243] : memref<10240x128xf32, #tpu.memory_space<vmem_shared>> -> memref<10240x128xf32, #tpu.memory_space<vmem_shared>>
          tpu.enqueue_indirect_dma source(%dma_start3A_244 : memref<10240x128xf32, #tpu.memory_space<vmem_shared>>) target(%arg10 : memref<64x128xf32, #tpu.memory_space<vmem>>) offsets(%dma_start3A_241 : memref<64xi32, #tpu.memory_space<vmem>>) semaphore(%arg15 : memref<!tpu.dma_semaphore, #tpu.memory_space<semaphore_mem>>)
        } else {
        }
      }
      %scan3A_50 = arith.constant 8 : i32
    }
    %scan3A_7 = arith.constant 4 : i32
    return
  }
}

#map = affine_map<(d0, d1) -> (0, 0, 0, 0)>
#map1 = affine_map<(d0, d1) -> (0, 0, 0)>
#map2 = affine_map<(d0, d1) -> (0, 0)>
module attributes {stable_mosaic.version = 14 : i64} {
  func.func @_scatter_body(%arg0: i32, %arg1: i32, %arg2: memref<32x160x64x128xf32, #tpu.memory_space<hbm>>, %arg3: memref<32x160x64xi32, #tpu.memory_space<hbm>>, %arg4: memref<640x128xf32, #tpu.memory_space<hbm>>, %arg5: memref<2x10240x128xf32, #tpu.memory_space<hbm>>, %arg6: memref<40x64xi32, #tpu.memory_space<vmem>>, %arg7: memref<64x128xf32, #tpu.memory_space<vmem>>, %arg8: memref<64x128xf32, #tpu.memory_space<vmem>>, %arg9: memref<64x128xf32, #tpu.memory_space<vmem>>, %arg10: memref<64x128xf32, #tpu.memory_space<vmem>>, %arg11: memref<64x128xf32, #tpu.memory_space<vmem>>, %arg12: memref<!tpu.dma_semaphore, #tpu.memory_space<semaphore_mem>>, %arg13: memref<!tpu.dma_semaphore, #tpu.memory_space<semaphore_mem>>, %arg14: memref<!tpu.dma_semaphore, #tpu.memory_space<semaphore_mem>>, %arg15: memref<!tpu.dma_semaphore, #tpu.memory_space<semaphore_mem>>, %arg16: memref<!tpu.dma_semaphore, #tpu.memory_space<semaphore_mem>>, %arg17: memref<!tpu.dma_semaphore, #tpu.memory_space<semaphore_mem>>, %arg18: memref<!tpu.dma_semaphore, #tpu.memory_space<semaphore_mem>>, %arg19: memref<!tpu.dma_semaphore, #tpu.memory_space<semaphore_mem>>, %arg20: memref<!tpu.dma_semaphore, #tpu.memory_space<semaphore_mem>>, %arg21: memref<!tpu.dma_semaphore, #tpu.memory_space<semaphore_mem>>, %arg22: memref<10240x128xf32, #tpu.memory_space<vmem_shared>>) attributes {dimension_semantics = [#tpu.dimension_semantics<core_parallel>, #tpu.dimension_semantics<subcore_parallel>], iteration_bounds = array<i64: 2, 16>, scalar_prefetch = 0 : i64, scratch_operands = 17 : i64, tpu.core_type = #tpu.core_type<sc_vector_subcore>, window_params = [{transform_indices = #map}, {transform_indices = #map1}, {transform_indices = #map2}, {transform_indices = #map1}]} {
    %mul3A = arith.constant 2 : i32
    %mul3A_0 = arith.muli %arg1, %mul3A : i32
    %add3A = arith.addi %mul3A_0, %arg0 : i32
    %mul3A_1 = arith.constant 640 : i32
    %mul3A_2 = arith.muli %arg1, %mul3A_1 : i32
    "tpu.region"() ({
      %run_scoped3A = tpu.sem_alloc : memref<!tpu.dma_semaphore, #tpu.memory_space<semaphore_mem>>
      %dma_start3A = arith.constant 0 : i32
      %dma_start3A_9 = tpu.memref_slice %arg22[%mul3A_2, %dma_start3A] : memref<10240x128xf32, #tpu.memory_space<vmem_shared>> -> memref<640x128xf32, #tpu.memory_space<vmem_shared>>
      tpu.enqueue_dma source(%arg4 : memref<640x128xf32, #tpu.memory_space<hbm>>) target(%dma_start3A_9 : memref<640x128xf32, #tpu.memory_space<vmem_shared>>) target_semaphore(%run_scoped3A : memref<!tpu.dma_semaphore, #tpu.memory_space<semaphore_mem>>)
      %dma_wait3A = arith.constant 0 : i32
      %dma_wait3A_10 = tpu.memref_slice %arg22[%mul3A_2, %dma_wait3A] : memref<10240x128xf32, #tpu.memory_space<vmem_shared>> -> memref<640x128xf32, #tpu.memory_space<vmem_shared>>
      tpu.wait_dma2 semaphore(%run_scoped3A : memref<!tpu.dma_semaphore, #tpu.memory_space<semaphore_mem>>) src(%arg4 : memref<640x128xf32, #tpu.memory_space<hbm>>) dst(%dma_wait3A_10 : memref<640x128xf32, #tpu.memory_space<vmem_shared>>)
      tpu.yield
    }) : () -> ()
    %barrier3A = arith.constant 0 : index
    tpu.barrier barrier_id(%barrier3A)
    %scan3A = arith.constant 0 : i32
    %scan3A_3 = arith.constant 0 : i32
    %scan3A_4 = arith.constant 4 : i32
    %scan3A_5 = arith.addi %scan3A_3, %scan3A_4 : i32
    %scan3A_6 = arith.constant 1 : i32
    scf.for %scan3A_9 = %scan3A_3 to %scan3A_5 step %scan3A_6  : i32 {
      %mul3A_10 = arith.constant 40 : i32
      %mul3A_11 = arith.muli %scan3A_9, %mul3A_10 : i32
      "tpu.region"() ({
        %run_scoped3A = tpu.sem_alloc : memref<!tpu.dma_semaphore, #tpu.memory_space<semaphore_mem>>
        %dma_start3A_77 = arith.constant 0 : i32
        %dma_start3A_78 = tpu.memref_slice %arg3[%add3A, %mul3A_11, %dma_start3A_77] : memref<32x160x64xi32, #tpu.memory_space<hbm>> -> memref<1x40x64xi32, #tpu.memory_space<hbm>>
        %dma_start3A_79 = tpu.memref_squeeze %dma_start3A_78 : memref<1x40x64xi32, #tpu.memory_space<hbm>> -> memref<40x64xi32, #tpu.memory_space<hbm>>
        %dma_start3A_80 = arith.constant 0 : i32
        %dma_start3A_81 = tpu.memref_slice %arg3[%add3A, %mul3A_11, %dma_start3A_80] : memref<32x160x64xi32, #tpu.memory_space<hbm>> -> memref<1x40x64xi32, #tpu.memory_space<hbm>>
        %dma_start3A_82 = tpu.memref_squeeze %dma_start3A_81 : memref<1x40x64xi32, #tpu.memory_space<hbm>> -> memref<40x64xi32, #tpu.memory_space<hbm>>
        tpu.enqueue_dma source(%dma_start3A_82 : memref<40x64xi32, #tpu.memory_space<hbm>>) target(%arg6 : memref<40x64xi32, #tpu.memory_space<vmem>>) target_semaphore(%run_scoped3A : memref<!tpu.dma_semaphore, #tpu.memory_space<semaphore_mem>>)
        %dma_wait3A = arith.constant 0 : i32
        %dma_wait3A_83 = tpu.memref_slice %arg3[%add3A, %mul3A_11, %dma_wait3A] : memref<32x160x64xi32, #tpu.memory_space<hbm>> -> memref<1x40x64xi32, #tpu.memory_space<hbm>>
        %dma_wait3A_84 = tpu.memref_squeeze %dma_wait3A_83 : memref<1x40x64xi32, #tpu.memory_space<hbm>> -> memref<40x64xi32, #tpu.memory_space<hbm>>
        %dma_wait3A_85 = arith.constant 0 : i32
        %dma_wait3A_86 = tpu.memref_slice %arg3[%add3A, %mul3A_11, %dma_wait3A_85] : memref<32x160x64xi32, #tpu.memory_space<hbm>> -> memref<1x40x64xi32, #tpu.memory_space<hbm>>
        %dma_wait3A_87 = tpu.memref_squeeze %dma_wait3A_86 : memref<1x40x64xi32, #tpu.memory_space<hbm>> -> memref<40x64xi32, #tpu.memory_space<hbm>>
        tpu.wait_dma2 semaphore(%run_scoped3A : memref<!tpu.dma_semaphore, #tpu.memory_space<semaphore_mem>>) src(%dma_wait3A_87 : memref<40x64xi32, #tpu.memory_space<hbm>>) dst(%arg6 : memref<40x64xi32, #tpu.memory_space<vmem>>)
        tpu.yield
      }) : () -> ()
      %mul3A_12 = arith.constant 40 : i32
      %mul3A_13 = arith.muli %scan3A_9, %mul3A_12 : i32
      %add3A_14 = arith.constant 0 : i32
      %add3A_15 = arith.addi %mul3A_13, %add3A_14 : i32
      %dma_start3A = arith.constant 0 : i32
      %dma_start3A_16 = arith.constant 0 : i32
      %dma_start3A_17 = tpu.memref_slice %arg2[%add3A, %add3A_15, %dma_start3A, %dma_start3A_16] : memref<32x160x64x128xf32, #tpu.memory_space<hbm>> -> memref<1x1x64x128xf32, #tpu.memory_space<hbm>>
      %dma_start3A_18 = tpu.memref_squeeze %dma_start3A_17 : memref<1x1x64x128xf32, #tpu.memory_space<hbm>> -> memref<64x128xf32, #tpu.memory_space<hbm>>
      %dma_start3A_19 = arith.constant 0 : i32
      %dma_start3A_20 = arith.constant 0 : i32
      %dma_start3A_21 = tpu.memref_slice %arg2[%add3A, %add3A_15, %dma_start3A_19, %dma_start3A_20] : memref<32x160x64x128xf32, #tpu.memory_space<hbm>> -> memref<1x1x64x128xf32, #tpu.memory_space<hbm>>
      %dma_start3A_22 = tpu.memref_squeeze %dma_start3A_21 : memref<1x1x64x128xf32, #tpu.memory_space<hbm>> -> memref<64x128xf32, #tpu.memory_space<hbm>>
      tpu.enqueue_dma source(%dma_start3A_22 : memref<64x128xf32, #tpu.memory_space<hbm>>) target(%arg7 : memref<64x128xf32, #tpu.memory_space<vmem>>) target_semaphore(%arg12 : memref<!tpu.dma_semaphore, #tpu.memory_space<semaphore_mem>>)
      %mul3A_23 = arith.constant 40 : i32
      %mul3A_24 = arith.muli %scan3A_9, %mul3A_23 : i32
      %add3A_25 = arith.constant 1 : i32
      %add3A_26 = arith.addi %mul3A_24, %add3A_25 : i32
      %dma_start3A_27 = arith.constant 0 : i32
      %dma_start3A_28 = arith.constant 0 : i32
      %dma_start3A_29 = tpu.memref_slice %arg2[%add3A, %add3A_26, %dma_start3A_27, %dma_start3A_28] : memref<32x160x64x128xf32, #tpu.memory_space<hbm>> -> memref<1x1x64x128xf32, #tpu.memory_space<hbm>>
      %dma_start3A_30 = tpu.memref_squeeze %dma_start3A_29 : memref<1x1x64x128xf32, #tpu.memory_space<hbm>> -> memref<64x128xf32, #tpu.memory_space<hbm>>
      %dma_start3A_31 = arith.constant 0 : i32
      %dma_start3A_32 = arith.constant 0 : i32
      %dma_start3A_33 = tpu.memref_slice %arg2[%add3A, %add3A_26, %dma_start3A_31, %dma_start3A_32] : memref<32x160x64x128xf32, #tpu.memory_space<hbm>> -> memref<1x1x64x128xf32, #tpu.memory_space<hbm>>
      %dma_start3A_34 = tpu.memref_squeeze %dma_start3A_33 : memref<1x1x64x128xf32, #tpu.memory_space<hbm>> -> memref<64x128xf32, #tpu.memory_space<hbm>>
      tpu.enqueue_dma source(%dma_start3A_34 : memref<64x128xf32, #tpu.memory_space<hbm>>) target(%arg8 : memref<64x128xf32, #tpu.memory_space<vmem>>) target_semaphore(%arg13 : memref<!tpu.dma_semaphore, #tpu.memory_space<semaphore_mem>>)
      %mul3A_35 = arith.constant 40 : i32
      %mul3A_36 = arith.muli %scan3A_9, %mul3A_35 : i32
      %add3A_37 = arith.constant 2 : i32
      %add3A_38 = arith.addi %mul3A_36, %add3A_37 : i32
      %dma_start3A_39 = arith.constant 0 : i32
      %dma_start3A_40 = arith.constant 0 : i32
      %dma_start3A_41 = tpu.memref_slice %arg2[%add3A, %add3A_38, %dma_start3A_39, %dma_start3A_40] : memref<32x160x64x128xf32, #tpu.memory_space<hbm>> -> memref<1x1x64x128xf32, #tpu.memory_space<hbm>>
      %dma_start3A_42 = tpu.memref_squeeze %dma_start3A_41 : memref<1x1x64x128xf32, #tpu.memory_space<hbm>> -> memref<64x128xf32, #tpu.memory_space<hbm>>
      %dma_start3A_43 = arith.constant 0 : i32
      %dma_start3A_44 = arith.constant 0 : i32
      %dma_start3A_45 = tpu.memref_slice %arg2[%add3A, %add3A_38, %dma_start3A_43, %dma_start3A_44] : memref<32x160x64x128xf32, #tpu.memory_space<hbm>> -> memref<1x1x64x128xf32, #tpu.memory_space<hbm>>
      %dma_start3A_46 = tpu.memref_squeeze %dma_start3A_45 : memref<1x1x64x128xf32, #tpu.memory_space<hbm>> -> memref<64x128xf32, #tpu.memory_space<hbm>>
      tpu.enqueue_dma source(%dma_start3A_46 : memref<64x128xf32, #tpu.memory_space<hbm>>) target(%arg9 : memref<64x128xf32, #tpu.memory_space<vmem>>) target_semaphore(%arg14 : memref<!tpu.dma_semaphore, #tpu.memory_space<semaphore_mem>>)
      %mul3A_47 = arith.constant 40 : i32
      %mul3A_48 = arith.muli %scan3A_9, %mul3A_47 : i32
      %add3A_49 = arith.constant 3 : i32
      %add3A_50 = arith.addi %mul3A_48, %add3A_49 : i32
      %dma_start3A_51 = arith.constant 0 : i32
      %dma_start3A_52 = arith.constant 0 : i32
      %dma_start3A_53 = tpu.memref_slice %arg2[%add3A, %add3A_50, %dma_start3A_51, %dma_start3A_52] : memref<32x160x64x128xf32, #tpu.memory_space<hbm>> -> memref<1x1x64x128xf32, #tpu.memory_space<hbm>>
      %dma_start3A_54 = tpu.memref_squeeze %dma_start3A_53 : memref<1x1x64x128xf32, #tpu.memory_space<hbm>> -> memref<64x128xf32, #tpu.memory_space<hbm>>
      %dma_start3A_55 = arith.constant 0 : i32
      %dma_start3A_56 = arith.constant 0 : i32
      %dma_start3A_57 = tpu.memref_slice %arg2[%add3A, %add3A_50, %dma_start3A_55, %dma_start3A_56] : memref<32x160x64x128xf32, #tpu.memory_space<hbm>> -> memref<1x1x64x128xf32, #tpu.memory_space<hbm>>
      %dma_start3A_58 = tpu.memref_squeeze %dma_start3A_57 : memref<1x1x64x128xf32, #tpu.memory_space<hbm>> -> memref<64x128xf32, #tpu.memory_space<hbm>>
      tpu.enqueue_dma source(%dma_start3A_58 : memref<64x128xf32, #tpu.memory_space<hbm>>) target(%arg10 : memref<64x128xf32, #tpu.memory_space<vmem>>) target_semaphore(%arg15 : memref<!tpu.dma_semaphore, #tpu.memory_space<semaphore_mem>>)
      %mul3A_59 = arith.constant 40 : i32
      %mul3A_60 = arith.muli %scan3A_9, %mul3A_59 : i32
      %add3A_61 = arith.constant 4 : i32
      %add3A_62 = arith.addi %mul3A_60, %add3A_61 : i32
      %dma_start3A_63 = arith.constant 0 : i32
      %dma_start3A_64 = arith.constant 0 : i32
      %dma_start3A_65 = tpu.memref_slice %arg2[%add3A, %add3A_62, %dma_start3A_63, %dma_start3A_64] : memref<32x160x64x128xf32, #tpu.memory_space<hbm>> -> memref<1x1x64x128xf32, #tpu.memory_space<hbm>>
      %dma_start3A_66 = tpu.memref_squeeze %dma_start3A_65 : memref<1x1x64x128xf32, #tpu.memory_space<hbm>> -> memref<64x128xf32, #tpu.memory_space<hbm>>
      %dma_start3A_67 = arith.constant 0 : i32
      %dma_start3A_68 = arith.constant 0 : i32
      %dma_start3A_69 = tpu.memref_slice %arg2[%add3A, %add3A_62, %dma_start3A_67, %dma_start3A_68] : memref<32x160x64x128xf32, #tpu.memory_space<hbm>> -> memref<1x1x64x128xf32, #tpu.memory_space<hbm>>
      %dma_start3A_70 = tpu.memref_squeeze %dma_start3A_69 : memref<1x1x64x128xf32, #tpu.memory_space<hbm>> -> memref<64x128xf32, #tpu.memory_space<hbm>>
      tpu.enqueue_dma source(%dma_start3A_70 : memref<64x128xf32, #tpu.memory_space<hbm>>) target(%arg11 : memref<64x128xf32, #tpu.memory_space<vmem>>) target_semaphore(%arg16 : memref<!tpu.dma_semaphore, #tpu.memory_space<semaphore_mem>>)
      %scan3A_71 = arith.constant 0 : i32
      %scan3A_72 = arith.constant 0 : i32
      %scan3A_73 = arith.constant 8 : i32
      %scan3A_74 = arith.addi %scan3A_72, %scan3A_73 : i32
      %scan3A_75 = arith.constant 1 : i32
      scf.for %scan3A_77 = %scan3A_72 to %scan3A_74 step %scan3A_75  : i32 {
        %mul3A_78 = arith.constant 5 : i32
        %mul3A_79 = arith.muli %scan3A_77, %mul3A_78 : i32
        %add3A_80 = arith.constant 0 : i32
        %add3A_81 = arith.addi %mul3A_79, %add3A_80 : i32
        %mul3A_82 = arith.constant 40 : i32
        %mul3A_83 = arith.muli %scan3A_9, %mul3A_82 : i32
        %add3A_84 = arith.addi %mul3A_83, %add3A_81 : i32
        %dma_wait3A = arith.constant 0 : i32
        %dma_wait3A_85 = arith.constant 0 : i32
        %dma_wait3A_86 = tpu.memref_slice %arg2[%add3A, %add3A_84, %dma_wait3A, %dma_wait3A_85] : memref<32x160x64x128xf32, #tpu.memory_space<hbm>> -> memref<1x1x64x128xf32, #tpu.memory_space<hbm>>
        %dma_wait3A_87 = tpu.memref_squeeze %dma_wait3A_86 : memref<1x1x64x128xf32, #tpu.memory_space<hbm>> -> memref<64x128xf32, #tpu.memory_space<hbm>>
        %dma_wait3A_88 = arith.constant 0 : i32
        %dma_wait3A_89 = arith.constant 0 : i32
        %dma_wait3A_90 = tpu.memref_slice %arg2[%add3A, %add3A_84, %dma_wait3A_88, %dma_wait3A_89] : memref<32x160x64x128xf32, #tpu.memory_space<hbm>> -> memref<1x1x64x128xf32, #tpu.memory_space<hbm>>
        %dma_wait3A_91 = tpu.memref_squeeze %dma_wait3A_90 : memref<1x1x64x128xf32, #tpu.memory_space<hbm>> -> memref<64x128xf32, #tpu.memory_space<hbm>>
        tpu.wait_dma2 semaphore(%arg12 : memref<!tpu.dma_semaphore, #tpu.memory_space<semaphore_mem>>) src(%dma_wait3A_91 : memref<64x128xf32, #tpu.memory_space<hbm>>) dst(%arg7 : memref<64x128xf32, #tpu.memory_space<vmem>>)
        %dma_start3A_92 = arith.constant 0 : i32
        %dma_start3A_93 = tpu.memref_slice %arg6[%add3A_81, %dma_start3A_92] : memref<40x64xi32, #tpu.memory_space<vmem>> -> memref<1x64xi32, #tpu.memory_space<vmem>>
        %dma_start3A_94 = tpu.memref_squeeze %dma_start3A_93 : memref<1x64xi32, #tpu.memory_space<vmem>> -> memref<64xi32, #tpu.memory_space<vmem>>
        %dma_start3A_95 = arith.constant 0 : i32
        %dma_start3A_96 = arith.constant 0 : i32
        %dma_start3A_97 = tpu.memref_slice %arg22[%dma_start3A_95, %dma_start3A_96] : memref<10240x128xf32, #tpu.memory_space<vmem_shared>> -> memref<10240x128xf32, #tpu.memory_space<vmem_shared>>
        tpu.enqueue_indirect_dma source(%arg7 : memref<64x128xf32, #tpu.memory_space<vmem>>) target(%dma_start3A_97 : memref<10240x128xf32, #tpu.memory_space<vmem_shared>>) offsets(%dma_start3A_94 : memref<64xi32, #tpu.memory_space<vmem>>) semaphore(%arg17 : memref<!tpu.dma_semaphore, #tpu.memory_space<semaphore_mem>>) {add = true}
        %mul3A_98 = arith.constant 5 : i32
        %mul3A_99 = arith.muli %scan3A_77, %mul3A_98 : i32
        %add3A_100 = arith.constant 1 : i32
        %add3A_101 = arith.addi %mul3A_99, %add3A_100 : i32
        %mul3A_102 = arith.constant 40 : i32
        %mul3A_103 = arith.muli %scan3A_9, %mul3A_102 : i32
        %add3A_104 = arith.addi %mul3A_103, %add3A_101 : i32
        %dma_wait3A_105 = arith.constant 0 : i32
        %dma_wait3A_106 = arith.constant 0 : i32
        %dma_wait3A_107 = tpu.memref_slice %arg2[%add3A, %add3A_104, %dma_wait3A_105, %dma_wait3A_106] : memref<32x160x64x128xf32, #tpu.memory_space<hbm>> -> memref<1x1x64x128xf32, #tpu.memory_space<hbm>>
        %dma_wait3A_108 = tpu.memref_squeeze %dma_wait3A_107 : memref<1x1x64x128xf32, #tpu.memory_space<hbm>> -> memref<64x128xf32, #tpu.memory_space<hbm>>
        %dma_wait3A_109 = arith.constant 0 : i32
        %dma_wait3A_110 = arith.constant 0 : i32
        %dma_wait3A_111 = tpu.memref_slice %arg2[%add3A, %add3A_104, %dma_wait3A_109, %dma_wait3A_110] : memref<32x160x64x128xf32, #tpu.memory_space<hbm>> -> memref<1x1x64x128xf32, #tpu.memory_space<hbm>>
        %dma_wait3A_112 = tpu.memref_squeeze %dma_wait3A_111 : memref<1x1x64x128xf32, #tpu.memory_space<hbm>> -> memref<64x128xf32, #tpu.memory_space<hbm>>
        tpu.wait_dma2 semaphore(%arg13 : memref<!tpu.dma_semaphore, #tpu.memory_space<semaphore_mem>>) src(%dma_wait3A_112 : memref<64x128xf32, #tpu.memory_space<hbm>>) dst(%arg8 : memref<64x128xf32, #tpu.memory_space<vmem>>)
        %dma_start3A_113 = arith.constant 0 : i32
        %dma_start3A_114 = tpu.memref_slice %arg6[%add3A_101, %dma_start3A_113] : memref<40x64xi32, #tpu.memory_space<vmem>> -> memref<1x64xi32, #tpu.memory_space<vmem>>
        %dma_start3A_115 = tpu.memref_squeeze %dma_start3A_114 : memref<1x64xi32, #tpu.memory_space<vmem>> -> memref<64xi32, #tpu.memory_space<vmem>>
        %dma_start3A_116 = arith.constant 0 : i32
        %dma_start3A_117 = arith.constant 0 : i32
        %dma_start3A_118 = tpu.memref_slice %arg22[%dma_start3A_116, %dma_start3A_117] : memref<10240x128xf32, #tpu.memory_space<vmem_shared>> -> memref<10240x128xf32, #tpu.memory_space<vmem_shared>>
        tpu.enqueue_indirect_dma source(%arg8 : memref<64x128xf32, #tpu.memory_space<vmem>>) target(%dma_start3A_118 : memref<10240x128xf32, #tpu.memory_space<vmem_shared>>) offsets(%dma_start3A_115 : memref<64xi32, #tpu.memory_space<vmem>>) semaphore(%arg18 : memref<!tpu.dma_semaphore, #tpu.memory_space<semaphore_mem>>) {add = true}
        %mul3A_119 = arith.constant 5 : i32
        %mul3A_120 = arith.muli %scan3A_77, %mul3A_119 : i32
        %add3A_121 = arith.constant 2 : i32
        %add3A_122 = arith.addi %mul3A_120, %add3A_121 : i32
        %mul3A_123 = arith.constant 40 : i32
        %mul3A_124 = arith.muli %scan3A_9, %mul3A_123 : i32
        %add3A_125 = arith.addi %mul3A_124, %add3A_122 : i32
        %dma_wait3A_126 = arith.constant 0 : i32
        %dma_wait3A_127 = arith.constant 0 : i32
        %dma_wait3A_128 = tpu.memref_slice %arg2[%add3A, %add3A_125, %dma_wait3A_126, %dma_wait3A_127] : memref<32x160x64x128xf32, #tpu.memory_space<hbm>> -> memref<1x1x64x128xf32, #tpu.memory_space<hbm>>
        %dma_wait3A_129 = tpu.memref_squeeze %dma_wait3A_128 : memref<1x1x64x128xf32, #tpu.memory_space<hbm>> -> memref<64x128xf32, #tpu.memory_space<hbm>>
        %dma_wait3A_130 = arith.constant 0 : i32
        %dma_wait3A_131 = arith.constant 0 : i32
        %dma_wait3A_132 = tpu.memref_slice %arg2[%add3A, %add3A_125, %dma_wait3A_130, %dma_wait3A_131] : memref<32x160x64x128xf32, #tpu.memory_space<hbm>> -> memref<1x1x64x128xf32, #tpu.memory_space<hbm>>
        %dma_wait3A_133 = tpu.memref_squeeze %dma_wait3A_132 : memref<1x1x64x128xf32, #tpu.memory_space<hbm>> -> memref<64x128xf32, #tpu.memory_space<hbm>>
        tpu.wait_dma2 semaphore(%arg14 : memref<!tpu.dma_semaphore, #tpu.memory_space<semaphore_mem>>) src(%dma_wait3A_133 : memref<64x128xf32, #tpu.memory_space<hbm>>) dst(%arg9 : memref<64x128xf32, #tpu.memory_space<vmem>>)
        %dma_start3A_134 = arith.constant 0 : i32
        %dma_start3A_135 = tpu.memref_slice %arg6[%add3A_122, %dma_start3A_134] : memref<40x64xi32, #tpu.memory_space<vmem>> -> memref<1x64xi32, #tpu.memory_space<vmem>>
        %dma_start3A_136 = tpu.memref_squeeze %dma_start3A_135 : memref<1x64xi32, #tpu.memory_space<vmem>> -> memref<64xi32, #tpu.memory_space<vmem>>
        %dma_start3A_137 = arith.constant 0 : i32
        %dma_start3A_138 = arith.constant 0 : i32
        %dma_start3A_139 = tpu.memref_slice %arg22[%dma_start3A_137, %dma_start3A_138] : memref<10240x128xf32, #tpu.memory_space<vmem_shared>> -> memref<10240x128xf32, #tpu.memory_space<vmem_shared>>
        tpu.enqueue_indirect_dma source(%arg9 : memref<64x128xf32, #tpu.memory_space<vmem>>) target(%dma_start3A_139 : memref<10240x128xf32, #tpu.memory_space<vmem_shared>>) offsets(%dma_start3A_136 : memref<64xi32, #tpu.memory_space<vmem>>) semaphore(%arg19 : memref<!tpu.dma_semaphore, #tpu.memory_space<semaphore_mem>>) {add = true}
        %mul3A_140 = arith.constant 5 : i32
        %mul3A_141 = arith.muli %scan3A_77, %mul3A_140 : i32
        %add3A_142 = arith.constant 3 : i32
        %add3A_143 = arith.addi %mul3A_141, %add3A_142 : i32
        %mul3A_144 = arith.constant 40 : i32
        %mul3A_145 = arith.muli %scan3A_9, %mul3A_144 : i32
        %add3A_146 = arith.addi %mul3A_145, %add3A_143 : i32
        %dma_wait3A_147 = arith.constant 0 : i32
        %dma_wait3A_148 = arith.constant 0 : i32
        %dma_wait3A_149 = tpu.memref_slice %arg2[%add3A, %add3A_146, %dma_wait3A_147, %dma_wait3A_148] : memref<32x160x64x128xf32, #tpu.memory_space<hbm>> -> memref<1x1x64x128xf32, #tpu.memory_space<hbm>>
        %dma_wait3A_150 = tpu.memref_squeeze %dma_wait3A_149 : memref<1x1x64x128xf32, #tpu.memory_space<hbm>> -> memref<64x128xf32, #tpu.memory_space<hbm>>
        %dma_wait3A_151 = arith.constant 0 : i32
        %dma_wait3A_152 = arith.constant 0 : i32
        %dma_wait3A_153 = tpu.memref_slice %arg2[%add3A, %add3A_146, %dma_wait3A_151, %dma_wait3A_152] : memref<32x160x64x128xf32, #tpu.memory_space<hbm>> -> memref<1x1x64x128xf32, #tpu.memory_space<hbm>>
        %dma_wait3A_154 = tpu.memref_squeeze %dma_wait3A_153 : memref<1x1x64x128xf32, #tpu.memory_space<hbm>> -> memref<64x128xf32, #tpu.memory_space<hbm>>
        tpu.wait_dma2 semaphore(%arg15 : memref<!tpu.dma_semaphore, #tpu.memory_space<semaphore_mem>>) src(%dma_wait3A_154 : memref<64x128xf32, #tpu.memory_space<hbm>>) dst(%arg10 : memref<64x128xf32, #tpu.memory_space<vmem>>)
        %dma_start3A_155 = arith.constant 0 : i32
        %dma_start3A_156 = tpu.memref_slice %arg6[%add3A_143, %dma_start3A_155] : memref<40x64xi32, #tpu.memory_space<vmem>> -> memref<1x64xi32, #tpu.memory_space<vmem>>
        %dma_start3A_157 = tpu.memref_squeeze %dma_start3A_156 : memref<1x64xi32, #tpu.memory_space<vmem>> -> memref<64xi32, #tpu.memory_space<vmem>>
        %dma_start3A_158 = arith.constant 0 : i32
        %dma_start3A_159 = arith.constant 0 : i32
        %dma_start3A_160 = tpu.memref_slice %arg22[%dma_start3A_158, %dma_start3A_159] : memref<10240x128xf32, #tpu.memory_space<vmem_shared>> -> memref<10240x128xf32, #tpu.memory_space<vmem_shared>>
        tpu.enqueue_indirect_dma source(%arg10 : memref<64x128xf32, #tpu.memory_space<vmem>>) target(%dma_start3A_160 : memref<10240x128xf32, #tpu.memory_space<vmem_shared>>) offsets(%dma_start3A_157 : memref<64xi32, #tpu.memory_space<vmem>>) semaphore(%arg20 : memref<!tpu.dma_semaphore, #tpu.memory_space<semaphore_mem>>) {add = true}
        %mul3A_161 = arith.constant 5 : i32
        %mul3A_162 = arith.muli %scan3A_77, %mul3A_161 : i32
        %add3A_163 = arith.constant 4 : i32
        %add3A_164 = arith.addi %mul3A_162, %add3A_163 : i32
        %mul3A_165 = arith.constant 40 : i32
        %mul3A_166 = arith.muli %scan3A_9, %mul3A_165 : i32
        %add3A_167 = arith.addi %mul3A_166, %add3A_164 : i32
        %dma_wait3A_168 = arith.constant 0 : i32
        %dma_wait3A_169 = arith.constant 0 : i32
        %dma_wait3A_170 = tpu.memref_slice %arg2[%add3A, %add3A_167, %dma_wait3A_168, %dma_wait3A_169] : memref<32x160x64x128xf32, #tpu.memory_space<hbm>> -> memref<1x1x64x128xf32, #tpu.memory_space<hbm>>
        %dma_wait3A_171 = tpu.memref_squeeze %dma_wait3A_170 : memref<1x1x64x128xf32, #tpu.memory_space<hbm>> -> memref<64x128xf32, #tpu.memory_space<hbm>>
        %dma_wait3A_172 = arith.constant 0 : i32
        %dma_wait3A_173 = arith.constant 0 : i32
        %dma_wait3A_174 = tpu.memref_slice %arg2[%add3A, %add3A_167, %dma_wait3A_172, %dma_wait3A_173] : memref<32x160x64x128xf32, #tpu.memory_space<hbm>> -> memref<1x1x64x128xf32, #tpu.memory_space<hbm>>
        %dma_wait3A_175 = tpu.memref_squeeze %dma_wait3A_174 : memref<1x1x64x128xf32, #tpu.memory_space<hbm>> -> memref<64x128xf32, #tpu.memory_space<hbm>>
        tpu.wait_dma2 semaphore(%arg16 : memref<!tpu.dma_semaphore, #tpu.memory_space<semaphore_mem>>) src(%dma_wait3A_175 : memref<64x128xf32, #tpu.memory_space<hbm>>) dst(%arg11 : memref<64x128xf32, #tpu.memory_space<vmem>>)
        %dma_start3A_176 = arith.constant 0 : i32
        %dma_start3A_177 = tpu.memref_slice %arg6[%add3A_164, %dma_start3A_176] : memref<40x64xi32, #tpu.memory_space<vmem>> -> memref<1x64xi32, #tpu.memory_space<vmem>>
        %dma_start3A_178 = tpu.memref_squeeze %dma_start3A_177 : memref<1x64xi32, #tpu.memory_space<vmem>> -> memref<64xi32, #tpu.memory_space<vmem>>
        %dma_start3A_179 = arith.constant 0 : i32
        %dma_start3A_180 = arith.constant 0 : i32
        %dma_start3A_181 = tpu.memref_slice %arg22[%dma_start3A_179, %dma_start3A_180] : memref<10240x128xf32, #tpu.memory_space<vmem_shared>> -> memref<10240x128xf32, #tpu.memory_space<vmem_shared>>
        tpu.enqueue_indirect_dma source(%arg11 : memref<64x128xf32, #tpu.memory_space<vmem>>) target(%dma_start3A_181 : memref<10240x128xf32, #tpu.memory_space<vmem_shared>>) offsets(%dma_start3A_178 : memref<64xi32, #tpu.memory_space<vmem>>) semaphore(%arg21 : memref<!tpu.dma_semaphore, #tpu.memory_space<semaphore_mem>>) {add = true}
        %dma_wait3A_182 = arith.constant 0 : i32
        %dma_wait3A_183 = arith.constant 0 : i32
        %dma_wait3A_184 = tpu.memref_slice %arg6[%dma_wait3A_182, %dma_wait3A_183] : memref<40x64xi32, #tpu.memory_space<vmem>> -> memref<1x64xi32, #tpu.memory_space<vmem>>
        %dma_wait3A_185 = tpu.memref_squeeze %dma_wait3A_184 : memref<1x64xi32, #tpu.memory_space<vmem>> -> memref<64xi32, #tpu.memory_space<vmem>>
        %dma_wait3A_186 = arith.constant 0 : i32
        %dma_wait3A_187 = arith.constant 0 : i32
        %dma_wait3A_188 = tpu.memref_slice %arg22[%dma_wait3A_186, %dma_wait3A_187] : memref<10240x128xf32, #tpu.memory_space<vmem_shared>> -> memref<10240x128xf32, #tpu.memory_space<vmem_shared>>
        tpu.wait_indirect_dma semaphore(%arg17 : memref<!tpu.dma_semaphore, #tpu.memory_space<semaphore_mem>>) src(%arg7 : memref<64x128xf32, #tpu.memory_space<vmem>>) dst(%dma_wait3A_188 : memref<10240x128xf32, #tpu.memory_space<vmem_shared>>)
        %add3A_189 = arith.constant 1 : i32
        %add3A_190 = arith.addi %scan3A_77, %add3A_189 : i32
        %lt3A = arith.constant 8 : i32
        %lt3A_191 = arith.cmpi slt, %add3A_190, %lt3A : i32
        %convert_element_type3A = arith.extui %lt3A_191 : i1 to i32
        %cond3A = arith.constant 0 : i32
        %cond3A_192 = arith.cmpi ne, %convert_element_type3A, %cond3A : i32
        scf.if %cond3A_192 {
          %mul3A_249 = arith.constant 40 : i32
          %mul3A_250 = arith.muli %scan3A_9, %mul3A_249 : i32
          %add3A_251 = arith.constant 1 : i32
          %add3A_252 = arith.addi %scan3A_77, %add3A_251 : i32
          %mul3A_253 = arith.constant 5 : i32
          %mul3A_254 = arith.muli %add3A_252, %mul3A_253 : i32
          %add3A_255 = arith.addi %mul3A_250, %mul3A_254 : i32
          %add3A_256 = arith.constant 0 : i32
          %add3A_257 = arith.addi %add3A_255, %add3A_256 : i32
          %dma_start3A_258 = arith.constant 0 : i32
          %dma_start3A_259 = arith.constant 0 : i32
          %dma_start3A_260 = tpu.memref_slice %arg2[%add3A, %add3A_257, %dma_start3A_258, %dma_start3A_259] : memref<32x160x64x128xf32, #tpu.memory_space<hbm>> -> memref<1x1x64x128xf32, #tpu.memory_space<hbm>>
          %dma_start3A_261 = tpu.memref_squeeze %dma_start3A_260 : memref<1x1x64x128xf32, #tpu.memory_space<hbm>> -> memref<64x128xf32, #tpu.memory_space<hbm>>
          %dma_start3A_262 = arith.constant 0 : i32
          %dma_start3A_263 = arith.constant 0 : i32
          %dma_start3A_264 = tpu.memref_slice %arg2[%add3A, %add3A_257, %dma_start3A_262, %dma_start3A_263] : memref<32x160x64x128xf32, #tpu.memory_space<hbm>> -> memref<1x1x64x128xf32, #tpu.memory_space<hbm>>
          %dma_start3A_265 = tpu.memref_squeeze %dma_start3A_264 : memref<1x1x64x128xf32, #tpu.memory_space<hbm>> -> memref<64x128xf32, #tpu.memory_space<hbm>>
          tpu.enqueue_dma source(%dma_start3A_265 : memref<64x128xf32, #tpu.memory_space<hbm>>) target(%arg7 : memref<64x128xf32, #tpu.memory_space<vmem>>) target_semaphore(%arg12 : memref<!tpu.dma_semaphore, #tpu.memory_space<semaphore_mem>>)
        } else {
        }
        %dma_wait3A_193 = arith.constant 0 : i32
        %dma_wait3A_194 = arith.constant 0 : i32
        %dma_wait3A_195 = tpu.memref_slice %arg6[%dma_wait3A_193, %dma_wait3A_194] : memref<40x64xi32, #tpu.memory_space<vmem>> -> memref<1x64xi32, #tpu.memory_space<vmem>>
        %dma_wait3A_196 = tpu.memref_squeeze %dma_wait3A_195 : memref<1x64xi32, #tpu.memory_space<vmem>> -> memref<64xi32, #tpu.memory_space<vmem>>
        %dma_wait3A_197 = arith.constant 0 : i32
        %dma_wait3A_198 = arith.constant 0 : i32
        %dma_wait3A_199 = tpu.memref_slice %arg22[%dma_wait3A_197, %dma_wait3A_198] : memref<10240x128xf32, #tpu.memory_space<vmem_shared>> -> memref<10240x128xf32, #tpu.memory_space<vmem_shared>>
        tpu.wait_indirect_dma semaphore(%arg18 : memref<!tpu.dma_semaphore, #tpu.memory_space<semaphore_mem>>) src(%arg8 : memref<64x128xf32, #tpu.memory_space<vmem>>) dst(%dma_wait3A_199 : memref<10240x128xf32, #tpu.memory_space<vmem_shared>>)
        %add3A_200 = arith.constant 1 : i32
        %add3A_201 = arith.addi %scan3A_77, %add3A_200 : i32
        %lt3A_202 = arith.constant 8 : i32
        %lt3A_203 = arith.cmpi slt, %add3A_201, %lt3A_202 : i32
        %convert_element_type3A_204 = arith.extui %lt3A_203 : i1 to i32
        %cond3A_205 = arith.constant 0 : i32
        %cond3A_206 = arith.cmpi ne, %convert_element_type3A_204, %cond3A_205 : i32
        scf.if %cond3A_206 {
          %mul3A_249 = arith.constant 40 : i32
          %mul3A_250 = arith.muli %scan3A_9, %mul3A_249 : i32
          %add3A_251 = arith.constant 1 : i32
          %add3A_252 = arith.addi %scan3A_77, %add3A_251 : i32
          %mul3A_253 = arith.constant 5 : i32
          %mul3A_254 = arith.muli %add3A_252, %mul3A_253 : i32
          %add3A_255 = arith.addi %mul3A_250, %mul3A_254 : i32
          %add3A_256 = arith.constant 1 : i32
          %add3A_257 = arith.addi %add3A_255, %add3A_256 : i32
          %dma_start3A_258 = arith.constant 0 : i32
          %dma_start3A_259 = arith.constant 0 : i32
          %dma_start3A_260 = tpu.memref_slice %arg2[%add3A, %add3A_257, %dma_start3A_258, %dma_start3A_259] : memref<32x160x64x128xf32, #tpu.memory_space<hbm>> -> memref<1x1x64x128xf32, #tpu.memory_space<hbm>>
          %dma_start3A_261 = tpu.memref_squeeze %dma_start3A_260 : memref<1x1x64x128xf32, #tpu.memory_space<hbm>> -> memref<64x128xf32, #tpu.memory_space<hbm>>
          %dma_start3A_262 = arith.constant 0 : i32
          %dma_start3A_263 = arith.constant 0 : i32
          %dma_start3A_264 = tpu.memref_slice %arg2[%add3A, %add3A_257, %dma_start3A_262, %dma_start3A_263] : memref<32x160x64x128xf32, #tpu.memory_space<hbm>> -> memref<1x1x64x128xf32, #tpu.memory_space<hbm>>
          %dma_start3A_265 = tpu.memref_squeeze %dma_start3A_264 : memref<1x1x64x128xf32, #tpu.memory_space<hbm>> -> memref<64x128xf32, #tpu.memory_space<hbm>>
          tpu.enqueue_dma source(%dma_start3A_265 : memref<64x128xf32, #tpu.memory_space<hbm>>) target(%arg8 : memref<64x128xf32, #tpu.memory_space<vmem>>) target_semaphore(%arg13 : memref<!tpu.dma_semaphore, #tpu.memory_space<semaphore_mem>>)
        } else {
        }
        %dma_wait3A_207 = arith.constant 0 : i32
        %dma_wait3A_208 = arith.constant 0 : i32
        %dma_wait3A_209 = tpu.memref_slice %arg6[%dma_wait3A_207, %dma_wait3A_208] : memref<40x64xi32, #tpu.memory_space<vmem>> -> memref<1x64xi32, #tpu.memory_space<vmem>>
        %dma_wait3A_210 = tpu.memref_squeeze %dma_wait3A_209 : memref<1x64xi32, #tpu.memory_space<vmem>> -> memref<64xi32, #tpu.memory_space<vmem>>
        %dma_wait3A_211 = arith.constant 0 : i32
        %dma_wait3A_212 = arith.constant 0 : i32
        %dma_wait3A_213 = tpu.memref_slice %arg22[%dma_wait3A_211, %dma_wait3A_212] : memref<10240x128xf32, #tpu.memory_space<vmem_shared>> -> memref<10240x128xf32, #tpu.memory_space<vmem_shared>>
        tpu.wait_indirect_dma semaphore(%arg19 : memref<!tpu.dma_semaphore, #tpu.memory_space<semaphore_mem>>) src(%arg9 : memref<64x128xf32, #tpu.memory_space<vmem>>) dst(%dma_wait3A_213 : memref<10240x128xf32, #tpu.memory_space<vmem_shared>>)
        %add3A_214 = arith.constant 1 : i32
        %add3A_215 = arith.addi %scan3A_77, %add3A_214 : i32
        %lt3A_216 = arith.constant 8 : i32
        %lt3A_217 = arith.cmpi slt, %add3A_215, %lt3A_216 : i32
        %convert_element_type3A_218 = arith.extui %lt3A_217 : i1 to i32
        %cond3A_219 = arith.constant 0 : i32
        %cond3A_220 = arith.cmpi ne, %convert_element_type3A_218, %cond3A_219 : i32
        scf.if %cond3A_220 {
          %mul3A_249 = arith.constant 40 : i32
          %mul3A_250 = arith.muli %scan3A_9, %mul3A_249 : i32
          %add3A_251 = arith.constant 1 : i32
          %add3A_252 = arith.addi %scan3A_77, %add3A_251 : i32
          %mul3A_253 = arith.constant 5 : i32
          %mul3A_254 = arith.muli %add3A_252, %mul3A_253 : i32
          %add3A_255 = arith.addi %mul3A_250, %mul3A_254 : i32
          %add3A_256 = arith.constant 2 : i32
          %add3A_257 = arith.addi %add3A_255, %add3A_256 : i32
          %dma_start3A_258 = arith.constant 0 : i32
          %dma_start3A_259 = arith.constant 0 : i32
          %dma_start3A_260 = tpu.memref_slice %arg2[%add3A, %add3A_257, %dma_start3A_258, %dma_start3A_259] : memref<32x160x64x128xf32, #tpu.memory_space<hbm>> -> memref<1x1x64x128xf32, #tpu.memory_space<hbm>>
          %dma_start3A_261 = tpu.memref_squeeze %dma_start3A_260 : memref<1x1x64x128xf32, #tpu.memory_space<hbm>> -> memref<64x128xf32, #tpu.memory_space<hbm>>
          %dma_start3A_262 = arith.constant 0 : i32
          %dma_start3A_263 = arith.constant 0 : i32
          %dma_start3A_264 = tpu.memref_slice %arg2[%add3A, %add3A_257, %dma_start3A_262, %dma_start3A_263] : memref<32x160x64x128xf32, #tpu.memory_space<hbm>> -> memref<1x1x64x128xf32, #tpu.memory_space<hbm>>
          %dma_start3A_265 = tpu.memref_squeeze %dma_start3A_264 : memref<1x1x64x128xf32, #tpu.memory_space<hbm>> -> memref<64x128xf32, #tpu.memory_space<hbm>>
          tpu.enqueue_dma source(%dma_start3A_265 : memref<64x128xf32, #tpu.memory_space<hbm>>) target(%arg9 : memref<64x128xf32, #tpu.memory_space<vmem>>) target_semaphore(%arg14 : memref<!tpu.dma_semaphore, #tpu.memory_space<semaphore_mem>>)
        } else {
        }
        %dma_wait3A_221 = arith.constant 0 : i32
        %dma_wait3A_222 = arith.constant 0 : i32
        %dma_wait3A_223 = tpu.memref_slice %arg6[%dma_wait3A_221, %dma_wait3A_222] : memref<40x64xi32, #tpu.memory_space<vmem>> -> memref<1x64xi32, #tpu.memory_space<vmem>>
        %dma_wait3A_224 = tpu.memref_squeeze %dma_wait3A_223 : memref<1x64xi32, #tpu.memory_space<vmem>> -> memref<64xi32, #tpu.memory_space<vmem>>
        %dma_wait3A_225 = arith.constant 0 : i32
        %dma_wait3A_226 = arith.constant 0 : i32
        %dma_wait3A_227 = tpu.memref_slice %arg22[%dma_wait3A_225, %dma_wait3A_226] : memref<10240x128xf32, #tpu.memory_space<vmem_shared>> -> memref<10240x128xf32, #tpu.memory_space<vmem_shared>>
        tpu.wait_indirect_dma semaphore(%arg20 : memref<!tpu.dma_semaphore, #tpu.memory_space<semaphore_mem>>) src(%arg10 : memref<64x128xf32, #tpu.memory_space<vmem>>) dst(%dma_wait3A_227 : memref<10240x128xf32, #tpu.memory_space<vmem_shared>>)
        %add3A_228 = arith.constant 1 : i32
        %add3A_229 = arith.addi %scan3A_77, %add3A_228 : i32
        %lt3A_230 = arith.constant 8 : i32
        %lt3A_231 = arith.cmpi slt, %add3A_229, %lt3A_230 : i32
        %convert_element_type3A_232 = arith.extui %lt3A_231 : i1 to i32
        %cond3A_233 = arith.constant 0 : i32
        %cond3A_234 = arith.cmpi ne, %convert_element_type3A_232, %cond3A_233 : i32
        scf.if %cond3A_234 {
          %mul3A_249 = arith.constant 40 : i32
          %mul3A_250 = arith.muli %scan3A_9, %mul3A_249 : i32
          %add3A_251 = arith.constant 1 : i32
          %add3A_252 = arith.addi %scan3A_77, %add3A_251 : i32
          %mul3A_253 = arith.constant 5 : i32
          %mul3A_254 = arith.muli %add3A_252, %mul3A_253 : i32
          %add3A_255 = arith.addi %mul3A_250, %mul3A_254 : i32
          %add3A_256 = arith.constant 3 : i32
          %add3A_257 = arith.addi %add3A_255, %add3A_256 : i32
          %dma_start3A_258 = arith.constant 0 : i32
          %dma_start3A_259 = arith.constant 0 : i32
          %dma_start3A_260 = tpu.memref_slice %arg2[%add3A, %add3A_257, %dma_start3A_258, %dma_start3A_259] : memref<32x160x64x128xf32, #tpu.memory_space<hbm>> -> memref<1x1x64x128xf32, #tpu.memory_space<hbm>>
          %dma_start3A_261 = tpu.memref_squeeze %dma_start3A_260 : memref<1x1x64x128xf32, #tpu.memory_space<hbm>> -> memref<64x128xf32, #tpu.memory_space<hbm>>
          %dma_start3A_262 = arith.constant 0 : i32
          %dma_start3A_263 = arith.constant 0 : i32
          %dma_start3A_264 = tpu.memref_slice %arg2[%add3A, %add3A_257, %dma_start3A_262, %dma_start3A_263] : memref<32x160x64x128xf32, #tpu.memory_space<hbm>> -> memref<1x1x64x128xf32, #tpu.memory_space<hbm>>
          %dma_start3A_265 = tpu.memref_squeeze %dma_start3A_264 : memref<1x1x64x128xf32, #tpu.memory_space<hbm>> -> memref<64x128xf32, #tpu.memory_space<hbm>>
          tpu.enqueue_dma source(%dma_start3A_265 : memref<64x128xf32, #tpu.memory_space<hbm>>) target(%arg10 : memref<64x128xf32, #tpu.memory_space<vmem>>) target_semaphore(%arg15 : memref<!tpu.dma_semaphore, #tpu.memory_space<semaphore_mem>>)
        } else {
        }
        %dma_wait3A_235 = arith.constant 0 : i32
        %dma_wait3A_236 = arith.constant 0 : i32
        %dma_wait3A_237 = tpu.memref_slice %arg6[%dma_wait3A_235, %dma_wait3A_236] : memref<40x64xi32, #tpu.memory_space<vmem>> -> memref<1x64xi32, #tpu.memory_space<vmem>>
        %dma_wait3A_238 = tpu.memref_squeeze %dma_wait3A_237 : memref<1x64xi32, #tpu.memory_space<vmem>> -> memref<64xi32, #tpu.memory_space<vmem>>
        %dma_wait3A_239 = arith.constant 0 : i32
        %dma_wait3A_240 = arith.constant 0 : i32
        %dma_wait3A_241 = tpu.memref_slice %arg22[%dma_wait3A_239, %dma_wait3A_240] : memref<10240x128xf32, #tpu.memory_space<vmem_shared>> -> memref<10240x128xf32, #tpu.memory_space<vmem_shared>>
        tpu.wait_indirect_dma semaphore(%arg21 : memref<!tpu.dma_semaphore, #tpu.memory_space<semaphore_mem>>) src(%arg11 : memref<64x128xf32, #tpu.memory_space<vmem>>) dst(%dma_wait3A_241 : memref<10240x128xf32, #tpu.memory_space<vmem_shared>>)
        %add3A_242 = arith.constant 1 : i32
        %add3A_243 = arith.addi %scan3A_77, %add3A_242 : i32
        %lt3A_244 = arith.constant 8 : i32
        %lt3A_245 = arith.cmpi slt, %add3A_243, %lt3A_244 : i32
        %convert_element_type3A_246 = arith.extui %lt3A_245 : i1 to i32
        %cond3A_247 = arith.constant 0 : i32
        %cond3A_248 = arith.cmpi ne, %convert_element_type3A_246, %cond3A_247 : i32
        scf.if %cond3A_248 {
          %mul3A_249 = arith.constant 40 : i32
          %mul3A_250 = arith.muli %scan3A_9, %mul3A_249 : i32
          %add3A_251 = arith.constant 1 : i32
          %add3A_252 = arith.addi %scan3A_77, %add3A_251 : i32
          %mul3A_253 = arith.constant 5 : i32
          %mul3A_254 = arith.muli %add3A_252, %mul3A_253 : i32
          %add3A_255 = arith.addi %mul3A_250, %mul3A_254 : i32
          %add3A_256 = arith.constant 4 : i32
          %add3A_257 = arith.addi %add3A_255, %add3A_256 : i32
          %dma_start3A_258 = arith.constant 0 : i32
          %dma_start3A_259 = arith.constant 0 : i32
          %dma_start3A_260 = tpu.memref_slice %arg2[%add3A, %add3A_257, %dma_start3A_258, %dma_start3A_259] : memref<32x160x64x128xf32, #tpu.memory_space<hbm>> -> memref<1x1x64x128xf32, #tpu.memory_space<hbm>>
          %dma_start3A_261 = tpu.memref_squeeze %dma_start3A_260 : memref<1x1x64x128xf32, #tpu.memory_space<hbm>> -> memref<64x128xf32, #tpu.memory_space<hbm>>
          %dma_start3A_262 = arith.constant 0 : i32
          %dma_start3A_263 = arith.constant 0 : i32
          %dma_start3A_264 = tpu.memref_slice %arg2[%add3A, %add3A_257, %dma_start3A_262, %dma_start3A_263] : memref<32x160x64x128xf32, #tpu.memory_space<hbm>> -> memref<1x1x64x128xf32, #tpu.memory_space<hbm>>
          %dma_start3A_265 = tpu.memref_squeeze %dma_start3A_264 : memref<1x1x64x128xf32, #tpu.memory_space<hbm>> -> memref<64x128xf32, #tpu.memory_space<hbm>>
          tpu.enqueue_dma source(%dma_start3A_265 : memref<64x128xf32, #tpu.memory_space<hbm>>) target(%arg11 : memref<64x128xf32, #tpu.memory_space<vmem>>) target_semaphore(%arg16 : memref<!tpu.dma_semaphore, #tpu.memory_space<semaphore_mem>>)
        } else {
        }
      }
      %scan3A_76 = arith.constant 8 : i32
    }
    %scan3A_7 = arith.constant 4 : i32
    %barrier3A_8 = arith.constant 0 : index
    tpu.barrier barrier_id(%barrier3A_8)
    "tpu.region"() ({
      %run_scoped3A = tpu.sem_alloc : memref<!tpu.dma_semaphore, #tpu.memory_space<semaphore_mem>>
      %dma_start3A = arith.constant 0 : i32
      %dma_start3A_9 = tpu.memref_slice %arg5[%arg0, %mul3A_2, %dma_start3A] : memref<2x10240x128xf32, #tpu.memory_space<hbm>> -> memref<1x640x128xf32, #tpu.memory_space<hbm>>
      %dma_start3A_10 = tpu.memref_squeeze %dma_start3A_9 : memref<1x640x128xf32, #tpu.memory_space<hbm>> -> memref<640x128xf32, #tpu.memory_space<hbm>>
      %dma_start3A_11 = arith.constant 0 : i32
      %dma_start3A_12 = tpu.memref_slice %arg22[%mul3A_2, %dma_start3A_11] : memref<10240x128xf32, #tpu.memory_space<vmem_shared>> -> memref<640x128xf32, #tpu.memory_space<vmem_shared>>
      tpu.enqueue_dma source(%dma_start3A_12 : memref<640x128xf32, #tpu.memory_space<vmem_shared>>) target(%dma_start3A_10 : memref<640x128xf32, #tpu.memory_space<hbm>>) target_semaphore(%run_scoped3A : memref<!tpu.dma_semaphore, #tpu.memory_space<semaphore_mem>>)
      %dma_wait3A = arith.constant 0 : i32
      %dma_wait3A_13 = tpu.memref_slice %arg5[%arg0, %mul3A_2, %dma_wait3A] : memref<2x10240x128xf32, #tpu.memory_space<hbm>> -> memref<1x640x128xf32, #tpu.memory_space<hbm>>
      %dma_wait3A_14 = tpu.memref_squeeze %dma_wait3A_13 : memref<1x640x128xf32, #tpu.memory_space<hbm>> -> memref<640x128xf32, #tpu.memory_space<hbm>>
      %dma_wait3A_15 = arith.constant 0 : i32
      %dma_wait3A_16 = tpu.memref_slice %arg22[%mul3A_2, %dma_wait3A_15] : memref<10240x128xf32, #tpu.memory_space<vmem_shared>> -> memref<640x128xf32, #tpu.memory_space<vmem_shared>>
      tpu.wait_dma2 semaphore(%run_scoped3A : memref<!tpu.dma_semaphore, #tpu.memory_space<semaphore_mem>>) src(%dma_wait3A_16 : memref<640x128xf32, #tpu.memory_space<vmem_shared>>) dst(%dma_wait3A_14 : memref<640x128xf32, #tpu.memory_space<hbm>>)
      tpu.yield
    }) : () -> ()
    return
  }
}

module attributes {stable_mosaic.version = 14 : i64} {
  func.func @_prep_body(%arg0: i32, %arg1: memref<2x1024xf32, #tpu.memory_space<vmem>>, %arg2: memref<1024x128xf32, #tpu.memory_space<vmem>>, %arg3: memref<128x128xf32, #tpu.memory_space<vmem>>, %arg4: memref<1024x128xf32, #tpu.memory_space<vmem>>) attributes {dimension_semantics = [#tpu.dimension_semantics<arbitrary>], iteration_bounds = array<i64: 10>, scalar_prefetch = 0 : i64, scratch_operands = 0 : i64, tpu.core_type = #tpu.core_type<tc>, window_params = [{transform_indices = @transform_0, window_bounds = array<i64: 2, 1024>}, {transform_indices = @transform_1, window_bounds = array<i64: 1024, 128>}, {pipeline_mode = #tpu.pipeline_mode<synchronous>, transform_indices = @transform_2, window_bounds = array<i64: 128, 128>}, {transform_indices = @transform_3, window_bounds = array<i64: 1024, 128>}]} {
    %get3A = arith.constant 0 : index
    %get3A_0 = arith.constant 0 : index
    %get3A_1 = vector.load %arg1[%get3A, %get3A_0] : memref<2x1024xf32, #tpu.memory_space<vmem>>, vector<1x1024xf32>
    %get3A_2 = vector.shape_cast %get3A_1 : vector<1x1024xf32> to vector<1024xf32>
    %get3A_3 = arith.constant 1 : index
    %get3A_4 = arith.constant 0 : index
    %get3A_5 = vector.load %arg1[%get3A_3, %get3A_4] : memref<2x1024xf32, #tpu.memory_space<vmem>>, vector<1x1024xf32>
    %get3A_6 = vector.shape_cast %get3A_5 : vector<1x1024xf32> to vector<1024xf32>
    %add3A = arith.addf %get3A_2, %get3A_6 : vector<1024xf32>
    %add3A_7 = arith.constant 1.000000e+00 : f32
    %add3A_8 = vector.broadcast %add3A_7 : f32 to vector<1024xf32>
    %add3A_9 = arith.addf %add3A, %add3A_8 : vector<1024xf32>
    %rsqrt3A = math.rsqrt %add3A_9 : vector<1024xf32>
    %broadcast_in_dim3A = vector.shape_cast %rsqrt3A : vector<1024xf32> to vector<1024x1xf32>
    %get3A_10 = arith.constant 0 : index
    %get3A_11 = arith.constant 0 : index
    %get3A_12 = vector.load %arg2[%get3A_10, %get3A_11] : memref<1024x128xf32, #tpu.memory_space<vmem>>, vector<1024x128xf32>
    %get3A_13 = arith.constant 0 : index
    %get3A_14 = arith.constant 0 : index
    %get3A_15 = vector.load %arg3[%get3A_13, %get3A_14] : memref<128x128xf32, #tpu.memory_space<vmem>>, vector<128x128xf32>
    %dot_general3A = arith.constant dense<0.000000e+00> : vector<1024x128xf32>
    %dot_general3A_16 = tpu.matmul %get3A_12, %get3A_15, %dot_general3A {dimension_numbers = #tpu.dot_dimension_numbers<[1], [0], [0], [1], [0, 0, 1, 1], [], []>, transpose_lhs_hint = false} : vector<1024x128xf32>, vector<128x128xf32>, vector<1024x128xf32> -> vector<1024x128xf32>
    %mul3A = vector.broadcast %broadcast_in_dim3A : vector<1024x1xf32> to vector<1024x128xf32>
    %mul3A_17 = arith.mulf %dot_general3A_16, %mul3A : vector<1024x128xf32>
    %swap3A = arith.constant 0 : index
    %swap3A_18 = arith.constant 0 : index
    %swap3A_19 = vector.load %arg4[%swap3A, %swap3A_18] : memref<1024x128xf32, #tpu.memory_space<vmem>>, vector<1024x128xf32>
    tpu.vector_store %arg4[%swap3A, %swap3A_18], %mul3A_17 {strides = array<i32>} : memref<1024x128xf32, #tpu.memory_space<vmem>>, vector<1024x128xf32>,
    return
  }
  func.func @transform_0(%arg0: i32) -> (i32, i32) {
    %c0_i32 = arith.constant 0 : i32
    %c0_i32_0 = arith.constant 0 : i32
    return %c0_i32, %arg0 : i32, i32
  }
  func.func @transform_1(%arg0: i32) -> (i32, i32) {
    %c0_i32 = arith.constant 0 : i32
    %c0_i32_0 = arith.constant 0 : i32
    return %arg0, %c0_i32 : i32, i32
  }
  func.func @transform_2(%arg0: i32) -> (i32, i32) {
    %c0_i32 = arith.constant 0 : i32
    %c0_i32_0 = arith.constant 0 : i32
    %c0_i32_1 = arith.constant 0 : i32
    return %c0_i32, %c0_i32_0 : i32, i32
  }
  func.func @transform_3(%arg0: i32) -> (i32, i32) {
    %c0_i32 = arith.constant 0 : i32
    %c0_i32_0 = arith.constant 0 : i32
    return %arg0, %c0_i32 : i32, i32
  }
}

module attributes {stable_mosaic.version = 14 : i64} {
  func.func @_finish_body(%arg0: i32, %arg1: memref<2x1024xf32, #tpu.memory_space<vmem>>, %arg2: memref<2x1024x128xf32, #tpu.memory_space<vmem>>, %arg3: memref<1024x128xf32, #tpu.memory_space<vmem>>, %arg4: memref<1x128xf32, #tpu.memory_space<vmem>>, %arg5: memref<128x128xf32, #tpu.memory_space<vmem>>, %arg6: memref<1024x128xf32, #tpu.memory_space<vmem>>) attributes {dimension_semantics = [#tpu.dimension_semantics<arbitrary>], iteration_bounds = array<i64: 10>, scalar_prefetch = 0 : i64, scratch_operands = 0 : i64, tpu.core_type = #tpu.core_type<tc>, window_params = [{transform_indices = @transform_0, window_bounds = array<i64: 2, 1024>}, {transform_indices = @transform_1, window_bounds = array<i64: 2, 1024, 128>}, {transform_indices = @transform_2, window_bounds = array<i64: 1024, 128>}, {pipeline_mode = #tpu.pipeline_mode<synchronous>, transform_indices = @transform_3, window_bounds = array<i64: 1, 128>}, {pipeline_mode = #tpu.pipeline_mode<synchronous>, transform_indices = @transform_4, window_bounds = array<i64: 128, 128>}, {transform_indices = @transform_5, window_bounds = array<i64: 1024, 128>}]} {
    %get3A = arith.constant 0 : index
    %get3A_0 = arith.constant 0 : index
    %get3A_1 = vector.load %arg1[%get3A, %get3A_0] : memref<2x1024xf32, #tpu.memory_space<vmem>>, vector<1x1024xf32>
    %get3A_2 = vector.shape_cast %get3A_1 : vector<1x1024xf32> to vector<1024xf32>
    %get3A_3 = arith.constant 1 : index
    %get3A_4 = arith.constant 0 : index
    %get3A_5 = vector.load %arg1[%get3A_3, %get3A_4] : memref<2x1024xf32, #tpu.memory_space<vmem>>, vector<1x1024xf32>
    %get3A_6 = vector.shape_cast %get3A_5 : vector<1x1024xf32> to vector<1024xf32>
    %add3A = arith.addf %get3A_2, %get3A_6 : vector<1024xf32>
    %add3A_7 = arith.constant 1.000000e+00 : f32
    %add3A_8 = vector.broadcast %add3A_7 : f32 to vector<1024xf32>
    %add3A_9 = arith.addf %add3A, %add3A_8 : vector<1024xf32>
    %rsqrt3A = math.rsqrt %add3A_9 : vector<1024xf32>
    %broadcast_in_dim3A = vector.shape_cast %rsqrt3A : vector<1024xf32> to vector<1024x1xf32>
    %get3A_10 = arith.constant 0 : index
    %get3A_11 = arith.constant 0 : index
    %get3A_12 = arith.constant 0 : index
    %get3A_13 = vector.load %arg2[%get3A_10, %get3A_11, %get3A_12] : memref<2x1024x128xf32, #tpu.memory_space<vmem>>, vector<1x1024x128xf32>
    %get3A_14 = vector.shape_cast %get3A_13 : vector<1x1024x128xf32> to vector<1024x128xf32>
    %get3A_15 = arith.constant 1 : index
    %get3A_16 = arith.constant 0 : index
    %get3A_17 = arith.constant 0 : index
    %get3A_18 = vector.load %arg2[%get3A_15, %get3A_16, %get3A_17] : memref<2x1024x128xf32, #tpu.memory_space<vmem>>, vector<1x1024x128xf32>
    %get3A_19 = vector.shape_cast %get3A_18 : vector<1x1024x128xf32> to vector<1024x128xf32>
    %add3A_20 = arith.addf %get3A_14, %get3A_19 : vector<1024x128xf32>
    %get3A_21 = arith.constant 0 : index
    %get3A_22 = arith.constant 0 : index
    %get3A_23 = vector.load %arg3[%get3A_21, %get3A_22] : memref<1024x128xf32, #tpu.memory_space<vmem>>, vector<1024x128xf32>
    %add3A_24 = arith.addf %add3A_20, %get3A_23 : vector<1024x128xf32>
    %mul3A = vector.broadcast %broadcast_in_dim3A : vector<1024x1xf32> to vector<1024x128xf32>
    %mul3A_25 = arith.mulf %add3A_24, %mul3A : vector<1024x128xf32>
    %get3A_26 = arith.constant 0 : index
    %get3A_27 = arith.constant 0 : index
    %get3A_28 = vector.load %arg4[%get3A_26, %get3A_27] : memref<1x128xf32, #tpu.memory_space<vmem>>, vector<1x128xf32>
    %add3A_29 = vector.broadcast %get3A_28 : vector<1x128xf32> to vector<1024x128xf32>
    %add3A_30 = arith.addf %mul3A_25, %add3A_29 : vector<1024x128xf32>
    %max3A = arith.constant 0.000000e+00 : f32
    %max3A_31 = vector.broadcast %max3A : f32 to vector<1024x128xf32>
    %max3A_32 = arith.maximumf %add3A_30, %max3A_31 : vector<1024x128xf32>
    %get3A_33 = arith.constant 0 : index
    %get3A_34 = arith.constant 0 : index
    %get3A_35 = vector.load %arg5[%get3A_33, %get3A_34] : memref<128x128xf32, #tpu.memory_space<vmem>>, vector<128x128xf32>
    %dot_general3A = arith.constant dense<0.000000e+00> : vector<1024x128xf32>
    %dot_general3A_36 = tpu.matmul %max3A_32, %get3A_35, %dot_general3A {dimension_numbers = #tpu.dot_dimension_numbers<[1], [0], [0], [1], [0, 0, 1, 1], [], []>, transpose_lhs_hint = false} : vector<1024x128xf32>, vector<128x128xf32>, vector<1024x128xf32> -> vector<1024x128xf32>
    %mul3A_37 = vector.broadcast %broadcast_in_dim3A : vector<1024x1xf32> to vector<1024x128xf32>
    %mul3A_38 = arith.mulf %dot_general3A_36, %mul3A_37 : vector<1024x128xf32>
    %swap3A = arith.constant 0 : index
    %swap3A_39 = arith.constant 0 : index
    %swap3A_40 = vector.load %arg6[%swap3A, %swap3A_39] : memref<1024x128xf32, #tpu.memory_space<vmem>>, vector<1024x128xf32>
    tpu.vector_store %arg6[%swap3A, %swap3A_39], %mul3A_38 {strides = array<i32>} : memref<1024x128xf32, #tpu.memory_space<vmem>>, vector<1024x128xf32>,
    return
  }
  func.func @transform_0(%arg0: i32) -> (i32, i32) {
    %c0_i32 = arith.constant 0 : i32
    %c0_i32_0 = arith.constant 0 : i32
    return %c0_i32, %arg0 : i32, i32
  }
  func.func @transform_1(%arg0: i32) -> (i32, i32, i32) {
    %c0_i32 = arith.constant 0 : i32
    %c0_i32_0 = arith.constant 0 : i32
    %c0_i32_1 = arith.constant 0 : i32
    return %c0_i32, %arg0, %c0_i32_0 : i32, i32, i32
  }
  func.func @transform_2(%arg0: i32) -> (i32, i32) {
    %c0_i32 = arith.constant 0 : i32
    %c0_i32_0 = arith.constant 0 : i32
    return %arg0, %c0_i32 : i32, i32
  }
  func.func @transform_3(%arg0: i32) -> (i32, i32) {
    %c0_i32 = arith.constant 0 : i32
    %c0_i32_0 = arith.constant 0 : i32
    %c0_i32_1 = arith.constant 0 : i32
    return %c0_i32, %c0_i32_0 : i32, i32
  }
  func.func @transform_4(%arg0: i32) -> (i32, i32) {
    %c0_i32 = arith.constant 0 : i32
    %c0_i32_0 = arith.constant 0 : i32
    %c0_i32_1 = arith.constant 0 : i32
    return %c0_i32, %c0_i32_0 : i32, i32
  }
  func.func @transform_5(%arg0: i32) -> (i32, i32) {
    %c0_i32 = arith.constant 0 : i32
    %c0_i32_0 = arith.constant 0 : i32
    return %arg0, %c0_i32 : i32, i32
  }
}

module attributes {stable_mosaic.version = 14 : i64} {
  func.func @_final_body(%arg0: i32, %arg1: memref<2x1024xf32, #tpu.memory_space<vmem>>, %arg2: memref<2x1024x128xf32, #tpu.memory_space<vmem>>, %arg3: memref<1024x128xf32, #tpu.memory_space<vmem>>, %arg4: memref<1x128xf32, #tpu.memory_space<vmem>>, %arg5: memref<1x1x1024xi32, #tpu.memory_space<vmem>>, %arg6: memref<128x128xf32, #tpu.memory_space<vmem>>, %arg7: memref<1x128xf32, #tpu.memory_space<vmem>>, %arg8: memref<64x128xf32, #tpu.memory_space<vmem>>, %arg9: memref<64x128xf32, #tpu.memory_space<vmem>>, %arg10: memref<64x1xf32, #tpu.memory_space<vmem>>) attributes {dimension_semantics = [#tpu.dimension_semantics<arbitrary>], iteration_bounds = array<i64: 10>, scalar_prefetch = 0 : i64, scratch_operands = 2 : i64, tpu.core_type = #tpu.core_type<tc>, window_params = [{transform_indices = @transform_0, window_bounds = array<i64: 2, 1024>}, {transform_indices = @transform_1, window_bounds = array<i64: 2, 1024, 128>}, {transform_indices = @transform_2, window_bounds = array<i64: 1024, 128>}, {pipeline_mode = #tpu.pipeline_mode<synchronous>, transform_indices = @transform_3, window_bounds = array<i64: 1, 128>}, {transform_indices = @transform_4, window_bounds = array<i64: 1, 1, 1024>}, {pipeline_mode = #tpu.pipeline_mode<synchronous>, transform_indices = @transform_5, window_bounds = array<i64: 128, 128>}, {pipeline_mode = #tpu.pipeline_mode<synchronous>, transform_indices = @transform_6, window_bounds = array<i64: 1, 128>}, {pipeline_mode = #tpu.pipeline_mode<synchronous>, transform_indices = @transform_7, window_bounds = array<i64: 64, 128>}]} {
    %eq3A = arith.constant 0 : i32
    %eq3A_0 = arith.cmpi eq, %arg0, %eq3A : i32
    %convert_element_type3A = arith.extui %eq3A_0 : i1 to i32
    %cond3A = arith.constant 0 : i32
    %cond3A_1 = arith.cmpi ne, %convert_element_type3A, %cond3A : i32
    scf.if %cond3A_1 {
      %broadcast_in_dim3A_64 = arith.constant 0.000000e+00 : f32
      %broadcast_in_dim3A_65 = vector.broadcast %broadcast_in_dim3A_64 : f32 to vector<64x128xf32>
      %swap3A_66 = arith.constant 0 : index
      %swap3A_67 = arith.constant 0 : index
      %swap3A_68 = vector.load %arg9[%swap3A_66, %swap3A_67] : memref<64x128xf32, #tpu.memory_space<vmem>>, vector<64x128xf32>
      tpu.vector_store %arg9[%swap3A_66, %swap3A_67], %broadcast_in_dim3A_65 {strides = array<i32>} : memref<64x128xf32, #tpu.memory_space<vmem>>, vector<64x128xf32>,
      %broadcast_in_dim3A_69 = arith.constant 0.000000e+00 : f32
      %broadcast_in_dim3A_70 = vector.broadcast %broadcast_in_dim3A_69 : f32 to vector<64x1xf32>
      %swap3A_71 = arith.constant 0 : index
      %swap3A_72 = arith.constant 0 : index
      %swap3A_73 = vector.load %arg10[%swap3A_71, %swap3A_72] : memref<64x1xf32, #tpu.memory_space<vmem>>, vector<64x1xf32>
      tpu.vector_store %arg10[%swap3A_71, %swap3A_72], %broadcast_in_dim3A_70 {strides = array<i32>} : memref<64x1xf32, #tpu.memory_space<vmem>>, vector<64x1xf32>,
    } else {
    }
    %get3A = arith.constant 0 : index
    %get3A_2 = arith.constant 0 : index
    %get3A_3 = vector.load %arg1[%get3A, %get3A_2] : memref<2x1024xf32, #tpu.memory_space<vmem>>, vector<1x1024xf32>
    %get3A_4 = vector.shape_cast %get3A_3 : vector<1x1024xf32> to vector<1024xf32>
    %get3A_5 = arith.constant 1 : index
    %get3A_6 = arith.constant 0 : index
    %get3A_7 = vector.load %arg1[%get3A_5, %get3A_6] : memref<2x1024xf32, #tpu.memory_space<vmem>>, vector<1x1024xf32>
    %get3A_8 = vector.shape_cast %get3A_7 : vector<1x1024xf32> to vector<1024xf32>
    %add3A = arith.addf %get3A_4, %get3A_8 : vector<1024xf32>
    %add3A_9 = arith.constant 1.000000e+00 : f32
    %add3A_10 = vector.broadcast %add3A_9 : f32 to vector<1024xf32>
    %add3A_11 = arith.addf %add3A, %add3A_10 : vector<1024xf32>
    %rsqrt3A = math.rsqrt %add3A_11 : vector<1024xf32>
    %broadcast_in_dim3A = vector.shape_cast %rsqrt3A : vector<1024xf32> to vector<1024x1xf32>
    %get3A_12 = arith.constant 0 : index
    %get3A_13 = arith.constant 0 : index
    %get3A_14 = arith.constant 0 : index
    %get3A_15 = vector.load %arg2[%get3A_12, %get3A_13, %get3A_14] : memref<2x1024x128xf32, #tpu.memory_space<vmem>>, vector<1x1024x128xf32>
    %get3A_16 = vector.shape_cast %get3A_15 : vector<1x1024x128xf32> to vector<1024x128xf32>
    %get3A_17 = arith.constant 1 : index
    %get3A_18 = arith.constant 0 : index
    %get3A_19 = arith.constant 0 : index
    %get3A_20 = vector.load %arg2[%get3A_17, %get3A_18, %get3A_19] : memref<2x1024x128xf32, #tpu.memory_space<vmem>>, vector<1x1024x128xf32>
    %get3A_21 = vector.shape_cast %get3A_20 : vector<1x1024x128xf32> to vector<1024x128xf32>
    %add3A_22 = arith.addf %get3A_16, %get3A_21 : vector<1024x128xf32>
    %get3A_23 = arith.constant 0 : index
    %get3A_24 = arith.constant 0 : index
    %get3A_25 = vector.load %arg3[%get3A_23, %get3A_24] : memref<1024x128xf32, #tpu.memory_space<vmem>>, vector<1024x128xf32>
    %add3A_26 = arith.addf %add3A_22, %get3A_25 : vector<1024x128xf32>
    %mul3A = vector.broadcast %broadcast_in_dim3A : vector<1024x1xf32> to vector<1024x128xf32>
    %mul3A_27 = arith.mulf %add3A_26, %mul3A : vector<1024x128xf32>
    %get3A_28 = arith.constant 0 : index
    %get3A_29 = arith.constant 0 : index
    %get3A_30 = vector.load %arg4[%get3A_28, %get3A_29] : memref<1x128xf32, #tpu.memory_space<vmem>>, vector<1x128xf32>
    %add3A_31 = vector.broadcast %get3A_30 : vector<1x128xf32> to vector<1024x128xf32>
    %add3A_32 = arith.addf %mul3A_27, %add3A_31 : vector<1024x128xf32>
    %get3A_33 = arith.constant 0 : index
    %get3A_34 = arith.constant 0 : index
    %get3A_35 = arith.constant 0 : index
    %get3A_36 = vector.load %arg5[%get3A_33, %get3A_34, %get3A_35] : memref<1x1x1024xi32, #tpu.memory_space<vmem>>, vector<1x1x1024xi32>
    %get3A_37 = vector.shape_cast %get3A_36 : vector<1x1x1024xi32> to vector<1024xi32>
    %iota3A = tpu.iota {dimensions = array<i32: 0>} : vector<64x1024xi32>
    %broadcast_in_dim3A_38 = vector.shape_cast %get3A_37 : vector<1024xi32> to vector<1x1024xi32>
    %eq3A_39 = vector.broadcast %broadcast_in_dim3A_38 : vector<1x1024xi32> to vector<64x1024xi32>
    %eq3A_40 = arith.cmpi eq, %eq3A_39, %iota3A : vector<64x1024xi32>
    %convert_element_type3A_41 = arith.extui %eq3A_40 : vector<64x1024xi1> to vector<64x1024xi32>
    %convert_element_type3A_42 = arith.sitofp %convert_element_type3A_41 : vector<64x1024xi32> to vector<64x1024xf32>
    %get3A_43 = arith.constant 0 : index
    %get3A_44 = arith.constant 0 : index
    %get3A_45 = vector.load %arg9[%get3A_43, %get3A_44] : memref<64x128xf32, #tpu.memory_space<vmem>>, vector<64x128xf32>
    %dot_general3A = arith.constant dense<0.000000e+00> : vector<64x128xf32>
    %dot_general3A_46 = tpu.matmul %convert_element_type3A_42, %add3A_32, %dot_general3A {dimension_numbers = #tpu.dot_dimension_numbers<[1], [0], [0], [1], [0, 0, 1, 1], [], []>, transpose_lhs_hint = false} : vector<64x1024xf32>, vector<1024x128xf32>, vector<64x128xf32> -> vector<64x128xf32>
    %add3A_47 = arith.addf %get3A_45, %dot_general3A_46 : vector<64x128xf32>
    %swap3A = arith.constant 0 : index
    %swap3A_48 = arith.constant 0 : index
    %swap3A_49 = vector.load %arg9[%swap3A, %swap3A_48] : memref<64x128xf32, #tpu.memory_space<vmem>>, vector<64x128xf32>
    tpu.vector_store %arg9[%swap3A, %swap3A_48], %add3A_47 {strides = array<i32>} : memref<64x128xf32, #tpu.memory_space<vmem>>, vector<64x128xf32>,
    %get3A_50 = arith.constant 0 : index
    %get3A_51 = arith.constant 0 : index
    %get3A_52 = vector.load %arg10[%get3A_50, %get3A_51] : memref<64x1xf32, #tpu.memory_space<vmem>>, vector<64x1xf32>
    %reduce_sum3A = arith.constant dense<0.000000e+00> : vector<64xf32>
    %reduce_sum3A_53 = vector.multi_reduction <add>, %convert_element_type3A_42, %reduce_sum3A [1] : vector<64x1024xf32> to vector<64xf32>
    %broadcast_in_dim3A_54 = vector.shape_cast %reduce_sum3A_53 : vector<64xf32> to vector<64x1xf32>
    %add3A_55 = arith.addf %get3A_52, %broadcast_in_dim3A_54 : vector<64x1xf32>
    %swap3A_56 = arith.constant 0 : index
    %swap3A_57 = arith.constant 0 : index
    %swap3A_58 = vector.load %arg10[%swap3A_56, %swap3A_57] : memref<64x1xf32, #tpu.memory_space<vmem>>, vector<64x1xf32>
    tpu.vector_store %arg10[%swap3A_56, %swap3A_57], %add3A_55 {strides = array<i32>} : memref<64x1xf32, #tpu.memory_space<vmem>>, vector<64x1xf32>,
    %eq3A_59 = arith.constant 9 : i32
    %eq3A_60 = arith.cmpi eq, %arg0, %eq3A_59 : i32
    %convert_element_type3A_61 = arith.extui %eq3A_60 : i1 to i32
    %cond3A_62 = arith.constant 0 : i32
    %cond3A_63 = arith.cmpi ne, %convert_element_type3A_61, %cond3A_62 : i32
    scf.if %cond3A_63 {
      %get3A_64 = arith.constant 0 : index
      %get3A_65 = arith.constant 0 : index
      %get3A_66 = vector.load %arg9[%get3A_64, %get3A_65] : memref<64x128xf32, #tpu.memory_space<vmem>>, vector<64x128xf32>
      %get3A_67 = arith.constant 0 : index
      %get3A_68 = arith.constant 0 : index
      %get3A_69 = vector.load %arg10[%get3A_67, %get3A_68] : memref<64x1xf32, #tpu.memory_space<vmem>>, vector<64x1xf32>
      %max3A = arith.constant 1.000000e+00 : f32
      %max3A_70 = vector.broadcast %max3A : f32 to vector<64x1xf32>
      %max3A_71 = arith.maximumf %get3A_69, %max3A_70 : vector<64x1xf32>
      %div3A = vector.broadcast %max3A_71 : vector<64x1xf32> to vector<64x128xf32>
      %div3A_72 = arith.divf %get3A_66, %div3A : vector<64x128xf32>
      %get3A_73 = arith.constant 0 : index
      %get3A_74 = arith.constant 0 : index
      %get3A_75 = vector.load %arg6[%get3A_73, %get3A_74] : memref<128x128xf32, #tpu.memory_space<vmem>>, vector<128x128xf32>
      %dot_general3A_76 = arith.constant dense<0.000000e+00> : vector<64x128xf32>
      %dot_general3A_77 = tpu.matmul %div3A_72, %get3A_75, %dot_general3A_76 {dimension_numbers = #tpu.dot_dimension_numbers<[1], [0], [0], [1], [0, 0, 1, 1], [], []>, transpose_lhs_hint = false} : vector<64x128xf32>, vector<128x128xf32>, vector<64x128xf32> -> vector<64x128xf32>
      %get3A_78 = arith.constant 0 : index
      %get3A_79 = arith.constant 0 : index
      %get3A_80 = vector.load %arg7[%get3A_78, %get3A_79] : memref<1x128xf32, #tpu.memory_space<vmem>>, vector<1x128xf32>
      %add3A_81 = vector.broadcast %get3A_80 : vector<1x128xf32> to vector<64x128xf32>
      %add3A_82 = arith.addf %dot_general3A_77, %add3A_81 : vector<64x128xf32>
      %swap3A_83 = arith.constant 0 : index
      %swap3A_84 = arith.constant 0 : index
      %swap3A_85 = vector.load %arg8[%swap3A_83, %swap3A_84] : memref<64x128xf32, #tpu.memory_space<vmem>>, vector<64x128xf32>
      tpu.vector_store %arg8[%swap3A_83, %swap3A_84], %add3A_82 {strides = array<i32>} : memref<64x128xf32, #tpu.memory_space<vmem>>, vector<64x128xf32>,
    } else {
    }
    return
  }
  func.func @transform_0(%arg0: i32) -> (i32, i32) {
    %c0_i32 = arith.constant 0 : i32
    %c0_i32_0 = arith.constant 0 : i32
    return %c0_i32, %arg0 : i32, i32
  }
  func.func @transform_1(%arg0: i32) -> (i32, i32, i32) {
    %c0_i32 = arith.constant 0 : i32
    %c0_i32_0 = arith.constant 0 : i32
    %c0_i32_1 = arith.constant 0 : i32
    return %c0_i32, %arg0, %c0_i32_0 : i32, i32, i32
  }
  func.func @transform_2(%arg0: i32) -> (i32, i32) {
    %c0_i32 = arith.constant 0 : i32
    %c0_i32_0 = arith.constant 0 : i32
    return %arg0, %c0_i32 : i32, i32
  }
  func.func @transform_3(%arg0: i32) -> (i32, i32) {
    %c0_i32 = arith.constant 0 : i32
    %c0_i32_0 = arith.constant 0 : i32
    %c0_i32_1 = arith.constant 0 : i32
    return %c0_i32, %c0_i32_0 : i32, i32
  }
  func.func @transform_4(%arg0: i32) -> (i32, i32, i32) {
    %c0_i32 = arith.constant 0 : i32
    %c0_i32_0 = arith.constant 0 : i32
    %c0_i32_1 = arith.constant 0 : i32
    return %arg0, %c0_i32, %c0_i32_0 : i32, i32, i32
  }
  func.func @transform_5(%arg0: i32) -> (i32, i32) {
    %c0_i32 = arith.constant 0 : i32
    %c0_i32_0 = arith.constant 0 : i32
    %c0_i32_1 = arith.constant 0 : i32
    return %c0_i32, %c0_i32_0 : i32, i32
  }
  func.func @transform_6(%arg0: i32) -> (i32, i32) {
    %c0_i32 = arith.constant 0 : i32
    %c0_i32_0 = arith.constant 0 : i32
    %c0_i32_1 = arith.constant 0 : i32
    return %c0_i32, %c0_i32_0 : i32, i32
  }
  func.func @transform_7(%arg0: i32) -> (i32, i32) {
    %c0_i32 = arith.constant 0 : i32
    %c0_i32_0 = arith.constant 0 : i32
    %c0_i32_1 = arith.constant 0 : i32
    return %c0_i32, %c0_i32_0 : i32, i32
  }
}

</mosaic_0001>

<sc_bundles>
// kernel: kernel.13.cloned.1.call-start
scs
__scs_entry_jumppad:
0x0: {  	(pc) =	sbr.rel $0x88, $3  }
0x1: {  	(tag) =	ssettag $0x0;
	lr =	simm.s32 $0x1  }
0x2: {  	[smem:$0x3F96] =	sst lr;
	_ =	strace $0xD0000000  }
0x3: {  	_ = 	snop  }
0x4: {  	_ = 	snop  }
0x5: {  	_ = 	snop  }
0x6: {  	_ = 	snop  }
0x7: {  	_ = 	snop  }
__scs_overlays_trampoline_lowered:
0x8: {  	[smem:$0x3FA5] =	sst s0  }
0x9: {  	[smem:$0x3FA6] =	sst s1  }
0xa: {  	[smem:$0x3FA7] =	sst s2  }
0xb: {  	[smem:$0x3FA8] =	sst s3  }
0xc: {  	[smem:$0x3FA9] =	sst s4  }
0xd: {  	[smem:$0x3FAA] =	sst s5  }
0xe: {  	[smem:$0x3FAB] =	sst s6  }
0xf: {  	[smem:$0x3FAC] =	sst s7  }
0x10: {  	[smem:$0x3FAD] =	sst s8  }
0x11: {  	[smem:$0x3FAE] =	sst s9;
	s0 =	simm.s32 @!p0 $0x0  }
0x12: {  	s1 =	sld [smem:$0x3F94];
	s0 =	simm.s32 @p0 $0x1  }
0x13: {  	[smem:$0x3FAF] =	sst s0;
	s0 =	simm.s32 @!p1 $0x0  }
0x14: {  	s2 =	sld [smem:$0x3F93];
	s0 =	simm.s32 @p1 $0x1  }
0x15: {  	[smem:$0x3FB0] =	sst s0;
	s0 =	simm.s32 @!p2 $0x0  }
0x16: {  	s3 =	sld [smem:$0x3FDB];
	s0 =	simm.s32 @p2 $0x1  }
0x17: {  	s4 =	simm.s32 $0x1BF5;
	[smem:$0x3FB2] =	sst s0  }
0x18: {  	s0 =	sld [smem:$0x3F95];
	_ =	swait.ge [sflag:s4], $0x0  }
0x19: {  	s7 =	sld [smem:$0x3F96]  }
0x1a: {  	s8 =	sadd.s32 $0xFFFFE003, lr  }
0x1b: {  	s9 =	sadd.s32 $0xFFFFFEF7, lr;
	s5 =	simm.s32 $0xFFFFFFFF;
	p2 =	slt.u32 s8, $0xFFFFF086  }
0x1c: {  	p1 =	slt.u32 s9, $0xF7A;
	s5 =	simm.s32 @!p2 $0x0  }
0x1d: {  	s5 =	simm.s32 @p1 $0x1;
	p0 =	seq.s32 s7, s2  }
0x1e: {  	s7 =	smul.u32 @!p0 $0xF7A, s2;
	p2 =	seq.s32 @!p0 s5, $0x0  }
0x1f: {  	s9 =	smul.u32 $0xF7A, s1;
	s8 =	simm.s32 @!p0 $0x1BF5;
	p2 =	por !p2, p0  }
0x20: {  	[sflag:s8] =	ssyncset.s32 @!p0 $0xFFFFF086;
	s6 =	sadd.s32 @!p0 s3, s7;
	s7 =	simm.s32 @!p0 $0x108  }
0x21: {  	s3 =	sadd.s32 s3, s9;
	s6 =	sadd.s32 @!p0 $0x88, s6;
	s7 =	simm.s32 @p2 $0x1082  }
0x22: {  	[simem:s7], [sflag:s8] =	dma.local @!p0 [hbm:s6], $0xF7A  }
0x23: {  	s9 =	sor.u32 $0xD0000000, s2;
	s6 =	simm.s32 $0x108;
	_ =	swait.ge @!p0 [sflag:s8], $0x0  }
0x24: {  	s3 =	sadd.s32 $0x88, s3;
	s6 =	simm.s32 @!p1 $0x1082;
	[sflag:s4] =	ssyncset.s32 $0xFFFFF086  }
0x25: {  	[simem:s6], [sflag:s4] =	dma.local [hbm:s3], $0xF7A  }
0x26: {  	[smem:$0x3F96] =	sst s1;
	(tag) =	ssettag s2;
	_ =	strace s9  }
0x27: {  	s1 =	sld [smem:$0x3FA6]  }
0x28: {  	s2 =	sld [smem:$0x3FA7]  }
0x29: {  	s4 =	sld [smem:$0x3FA9]  }
0x2a: {  	p0 =	seq.s32 s5, $0x0;
	s5 =	sld [smem:$0x3FAA]  }
0x2b: {  	s6 =	sld [smem:$0x3FAB]  }
0x2c: {  	s7 =	sld [smem:$0x3FAC]  }
0x2d: {  	s3 =	simm.s32 $0x108;
	s8 =	sld [smem:$0x3FAD]  }
0x2e: {  	s3 =	simm.s32 @!p0 $0x1082;
	s9 =	sld [smem:$0x3FAE]  }
0x2f: {  	lr =	sadd.s32 s0, s3;
	s0 =	sld [smem:$0x3FA5]  }
0x30: {  	s3 =	sld [smem:$0x3FA8]  }
0x31: {  	[smem:$0x3FB1] =	sst s10  }
0x32: {  	s10 =	sld [smem:$0x3FAF];
	_ =	sdelay $0x3  }
0x33: {  	p0 =	seq.s32 s10, $0x1;
	s10 =	sld [smem:$0x3FB1];
	_ =	sdelay $0x3  }
0x34: {  	[smem:$0x3FB1] =	sst s10  }
0x35: {  	s10 =	sld [smem:$0x3FB0];
	_ =	sdelay $0x3  }
0x36: {  	p1 =	seq.s32 s10, $0x1;
	s10 =	sld [smem:$0x3FB1];
	_ =	sdelay $0x3  }
0x37: {  	[smem:$0x3FB1] =	sst s10  }
0x38: {  	s10 =	sld [smem:$0x3FB2]  }
0x39: {  	_ = 	snop;
	(pc) =	sbr.ind lr, $3  }
0x3a: {  	_ = 	snop  }
0x3b: {  	_ = 	snop  }
0x3c: {  	p2 =	seq.s32 s10, $0x1;
	s10 =	sld [smem:$0x3FB1]  }
0x3d: {  	_ =	shalt  }
0x3e: {  	_ =	shalt  }
0x3f: {  	_ =	shalt  }
0x40: {  	_ =	shalt  }
0x41: {  	_ =	shalt  }
0x42: {  	_ =	shalt  }
0x43: {  	_ =	shalt  }
0x44: {  	_ =	shalt  }
0x45: {  	_ =	shalt  }
0x46: {  	_ =	shalt  }
0x47: {  	_ =	shalt  }
0x48: {  	_ =	shalt  }
0x49: {  	_ =	shalt  }
0x4a: {  	_ =	shalt  }
0x4b: {  	_ =	shalt  }
0x4c: {  	_ =	shalt  }
0x4d: {  	_ =	shalt  }
0x4e: {  	_ =	shalt  }
0x4f: {  	_ =	shalt  }
0x50: {  	_ =	shalt  }
0x51: {  	_ =	shalt  }
0x52: {  	_ =	shalt  }
0x53: {  	_ =	shalt  }
0x54: {  	_ =	shalt  }
0x55: {  	_ =	shalt  }
0x56: {  	_ =	shalt  }
0x57: {  	_ =	shalt  }
0x58: {  	_ =	shalt  }
0x59: {  	_ =	shalt  }
0x5a: {  	_ =	shalt  }
0x5b: {  	_ =	shalt  }
0x5c: {  	_ =	shalt  }
0x5d: {  	_ =	shalt  }
0x5e: {  	_ =	shalt  }
0x5f: {  	_ =	shalt  }
0x60: {  	_ =	shalt  }
0x61: {  	_ =	shalt  }
0x62: {  	_ =	shalt  }
0x63: {  	_ =	shalt  }
0x64: {  	_ =	shalt  }
0x65: {  	_ =	shalt  }
0x66: {  	_ =	shalt  }
0x67: {  	_ =	shalt  }
0x68: {  	_ =	shalt  }
0x69: {  	_ =	shalt  }
0x6a: {  	_ =	shalt  }
0x6b: {  	_ =	shalt  }
0x6c: {  	_ =	shalt  }
0x6d: {  	_ =	shalt  }
0x6e: {  	_ =	shalt  }
0x6f: {  	_ =	shalt  }
0x70: {  	_ =	shalt  }
0x71: {  	_ =	shalt  }
0x72: {  	_ =	shalt  }
0x73: {  	_ =	shalt  }
0x74: {  	_ =	shalt  }
0x75: {  	_ =	shalt  }
0x76: {  	_ =	shalt  }
0x77: {  	_ =	shalt  }
0x78: {  	_ =	shalt  }
0x79: {  	_ =	shalt  }
0x7a: {  	_ =	shalt  }
0x7b: {  	_ =	shalt  }
0x7c: {  	_ =	shalt  }
0x7d: {  	_ =	shalt  }
0x7e: {  	_ =	shalt  }
0x7f: {  	_ =	shalt  }
0x80: {  	_ =	shalt  }
0x81: {  	_ =	shalt  }
0x82: {  	_ =	shalt  }
0x83: {  	_ =	shalt  }
0x84: {  	_ =	shalt  }
0x85: {  	_ =	shalt  }
0x86: {  	_ =	shalt  }
0x87: {  	_ =	shalt  }
.Lfunc_end0:
.L_simem_size_0:
called_computation_lowered:
.L_overlay_start_0:
0x88: {  	s2 =	sld [smem:$0x3FD9]  }
0x89: {  	s3 =	sld [smem:$0x3FFE];
	_ =	sdelay $0x1  }
0x8a: {  	s1 =	srdreg.scid  }
0x8b: {  	s0 =	sand.u32 $0x1, s1  }
0x8c: {  	s17 =	sshll.u32 s0, $0xA;
	s2 =	sadd.s32 s3, s2  }
0x8d: {  	s2 =	sadd.s32 s2, s17  }
0x8e: {  	[smem:$0x3FBD] =	sst s2  }
0x8f: {  	_ = 	snop  }
0x90: {  	s2 =	sld [smem:$0x3FD0];
	(tm) =	ssettm $0x1  }
0x91: {  	s18 =	sld [smem:$0x3FFB];
	_ =	sdelay $0x3  }
0x92: {  	_ =	strace s18  }
0x93: {  	s3 =	sld [smem:$0x3FFC];
	_ =	sdelay $0x3  }
0x94: {  	_ =	strace s3  }
0x95: {  	s3 =	sld [smem:$0x3FFD];
	_ =	sdelay $0x3  }
0x96: {  	_ =	strace s3  }
0x97: {  	_ =	strace $0x8FFFFFFF  }
0x98: {  	s19 =	sld [smem:$0x3FDB];
	_ =	sdelay $0x1  }
0x99: {  	s4 =	simm.s32 $_scs_section_size  }
0x9a: {  	s5 =	simm.s32 $_size__tile_overlayer_lowered;
	s6 =	simm.s32 $_tile_overlayer_lowered  }
0x9b: {  	s22 =	simm.s32 $0x1BFF;
	s21 =	sshll.u32 s6, $0x1;
	s3 =	sadd.s32 s4, s19  }
0x9c: {  	s7 =	simm.s32 $0x0;
	s20 =	sshll.u32 s5, $0x1;
	s5 =	sadd.s32 s21, s3  }
0x9d: {  	[timem:s7], [sflag:s22] =	dma.local [hbm:s5], s20  }
0x9e: {  	_ =	swait.ge [sflag:s22], s20  }
0x9f: {  	s4 =	ssub.s32 $0x0, s20;
	[sflag:s22] =	ssyncset.done $0x0  }
0xa0: {  	[sflag:s22] =	ssyncadd.s32 s4;
	_ =	sdelay $0x1  }
0xa1: {  	s23 =	simm.s32 $0x1B8B  }
0xa2: {  	_ =	swait.ge [sflag:s23], $0x1  }
0xa3: {  	[sflag:s23] =	ssyncset.done $0x0  }
0xa4: {  	s25 =	simm.s32 $0x1B8E;
	s24 =	sld [smem:$0x3FFE];
	[sflag:s23] =	ssyncadd.s32 $0xFFFFFFFF  }
0xa5: {  	s26 =	simm.s32 $execute0_lowered;
	[smem:$0x3FD2] =	sst s25  }
0xa6: {  	s5 =	sshll.u32 s26, $0x1;
	_ =	strace $0x80000046;
	[dreg:$0x1] =	wrdreg $0xFFFFFFFF  }
0xa7: {  	s28 =	simm.s32 $_size_execute0_lowered;
	s3 =	sadd.s32 s3, s5;
	[dreg:$0x0] =	wrdreg $0x0  }
0xa8: {  	s5 =	sshll.u32 s28, $0x1;
	[dreg:$0x2] =	wrdreg s3  }
0xa9: {  	[dreg:$0x3] =	wrdreg s5  }
0xaa: {  	[dreg:$0x4] =	wrdreg $0xC0  }
0xab: {  	_ =	task [dreg:s7], $0x5FFFF  }
0xac: {  	[dreg:$0x1] =	wrdreg $0xFFFFFFFF  }
0xad: {  	[dreg:$0x0] =	wrdreg $0x60  }
0xae: {  	[dreg:$0x2] =	wrdreg s24  }
0xaf: {  	[dreg:$0x3] =	wrdreg s2  }
0xb0: {  	[dreg:$0x4] =	wrdreg $0x50800  }
0xb1: {  	[dreg:$0x5] =	wrdreg $0x9  }
0xb2: {  	_ =	task.clear_ibuf [dreg:s7], $0x6FFFF;
	_ =	strace $0x90000046  }
0xb3: {  	s29 =	simm.s32 $0x9;
	_ =	strace $0x80000048  }
0xb4: {  	_ =	swait.ge [sflag:s29], $0x1  }
0xb5: {  	[sflag:s29] =	ssyncadd.s32 $0xFFFFFFFF  }
0xb6: {  	_ =	strace $0x90000048  }
0xb7: {  	_ =	sfence  }
0xb8: {  	s30 =	sld [smem:$0x0];
	_ =	sdelay $0x2  }
0xb9: {  	s31 =	sshll.u32 s1, $0xD;
	s1 =	sshrl.u32 s1, $0x2  }
0xba: {  	s3 =	sand.u32 $0x4000, s31;
	s1 =	sadd.s32 s1, s30  }
0xbb: {  	s0 =	sor.u32 s3, s0;
	s1 =	sshll.u32 s1, $0x11  }
0xbc: {  	s0 =	sor.u32 s1, s0  }
0xbd: {  	s0 =	sadd.s32 $0x8F2B, s0  }
0xbe: {  	[sflag:s0] =	ssyncadd.remote.s32 $0x1  }
0xbf: {  	_ =	sfence.sel $0xFFFF  }
0xc0: {  	[dreg:$0x0] =	wrdreg $0xFFFFFFFF;
	(pc) =	sbr.abs _section_cstart, $3  }
0xc1: {  	[dreg:$0x1] =	wrdreg $0xFFFFFFFF  }
0xc2: {  	_ =	task.clear_ibuf [dreg:s7], $0x2FFFF;
	_ =	strace $0x9FFFFFFF  }
0xc3: {  	(tm) =	ssettm $0x7FFFFFFF  }
tec
execute0_lowered:
.L_overlay_start_1:
0x0: {  	(tag) =	ssettag $0x1  }
0x1: {  	s5 =	rddreg [dreg:$0x0]  }
0x2: {  	s1 =	rddreg [dreg:$0x1]  }
0x3: {  	s3 =	rddreg [dreg:$0x2]  }
0x4: {  	s0 =	rddreg [dreg:$0x3]  }
0x5: {  	s4 =	simm.s32 $0x0;
	s6 =	srdreg.scid;
	s2 =	stileid.u32  }
0x6: {  	s12 =	simm.s32 $0x5000;
	s13 =	simm.s32 $0x20;
	s14 =	simm.s32 $0x10  }
0x7: {  	s15 =	simm.s32 $0x0;
	s6 =	sand.u32 $0x1, s6;
	s8 =	smul.u32 $0x500, s2  }
0x8: {  	s7 =	sshll.u32 s2, $0x1;
	[smem:$0x7FF] =	sst s4;
	s28 =	smul.u32 $0xA00, s2  }
0x9: {  	s31 =	sshll.u32 s2, $0x6;
	s7 =	sor.u32 s6, s7;
	s9 =	sshll.u32 s6, $0x7  }
0xa: {  	_ =	strace $0x80000047;
	s6 =	ssub.s32 $0x2, s6;
	s7 =	smul.u32 $0xA00, s7  }
0xb: {  	s8 =	sor.u32 s9, s8;
	s29 =	sshrl.u32 s6, $0x1;
	s30 =	sshrl.u32 s28, $0x2  }
0xc: {  	s9 =	sor.u32 $0x1C01, s31;
	s8 =	sshrl.u32 s8, $0x3;
	s10 =	ssub.s32 s6, s29  }
0xd: {  	s11 =	sadd.s32 s30, s3;
	s7 =	sadd.s32 s7, s5;
	s8 =	sadd.s32 s8, s5  }
0xe: {  	s5 =	sadd.s32 $0x4200, s7;
	s6 =	sadd.s32 $0x18200, s8;
	s7 =	smax.u32 s10, $0x1  }
0xf: {  	v0 =	vimm.f32 $1.000000000e+00;
	s8 =	simm.s32 $0x1;
	s10 =	sshrl.u32 s11, $0x3;
	s11 =	simm.s32 $0x40  }
.LBB2_1:
0x10: {  	[tilespmem:s4], [sflag:$0x1] =	stream.linear.gather [hbm4b:s5+s4], $0x5000, $0x38;
	[tilespmem:$0x5300] =	vst v63  }
0x11: {  	_ =	swait.ge [sflag:s8], $0x5000  }
0x12: {  	[sflag:s8] =	ssyncset.done $0x0  }
0x13: {  	[sflag:s8] =	ssyncadd.s32 $0xFFFFB000  }
0x14: {  	[tilespmem:$0x5000] =	vst v0  }
0x15: {  	[tilespmem:$0x5010] =	vst v0  }
0x16: {  	[tilespmem:$0x5020] =	vst v0  }
0x17: {  	[tilespmem:$0x5030] =	vst v0  }
0x18: {  	[spmem:s10], [sflag:s9] =	dma.local [hbm:s1], $0x50  }
0x19: {  	_ =	swait.ge [sflag:s8], $0x50  }
0x1a: {  	[sflag:s8] =	ssyncset.done $0x0  }
0x1b: {  	[sflag:s8] =	ssyncadd.s32 $0xFFFFFFB0  }
0x1c: {  	s16 =	simm.s32 $0x0;
	[bflag:$0x0] =	sbarrier.arrive $0xFFFF  }
0x1d: {  	[spmem:s3] =	stream.indirect.scatter.add.f32 [tilespmem:s12], [sflag:$0x1], $0x1, s16, s11, $0xb8;
	[tilespmem:$0x5300] =	vst v63  }
0x1e: {  	_ =	swait.ge [sflag:s8], $0x40  }
0x1f: {  	s16 =	simm.s32 $0x200;
	[sflag:s8] =	ssyncset.done $0x0  }
.LBB2_2:
0x20: {  	s17 =	sshra.s32 s16, $0x2;
	[sflag:s8] =	ssyncadd.s32 $0xFFFFFFC0;
	p0 =	sne.s32 s16, $0x13E00  }
0x21: {  	[spmem:s3] =	stream.indirect.scatter.add.f32 [tilespmem:s12], [sflag:$0x1], $0x1, s17, s11, $0xb8;
	[tilespmem:$0x5300] =	vst v63  }
.Ltmp0:
0x22: {  	_ = 	snop;
	(pc) =	sbr.rel @p0 .LBB2_2-.Ltmp0, $4  }
0x23: {  	_ = 	snop  }
0x24: {  	s16 =	sadd.s32 $0x200, s16  }
0x25: {  	_ =	swait.ge [sflag:s8], $0x40  }
0x26: {  	[sflag:s8] =	ssyncset.done $0x0  }
0x27: {  	s15 =	sadd.s32 $0x1, s15  }
0x28: {  	[sflag:s8] =	ssyncadd.s32 $0xFFFFFFC0;
	p0 =	sne.s32 s15, s7  }
.Ltmp1:
0x29: {  	[bflag:$0x0] =	sbarrier.arrive $0xFFFF;
	(pc) =	sbr.rel @p0 .LBB2_1-.Ltmp1, $4  }
0x2a: {  	[hbm:s6@s13], [sflag:s9] =	dma.strided [spmem:s10@s14], $0x50, s8, $0x10   }
0x2b: {  	_ =	swait.ge [sflag:s8], $0x50  }
0x2c: {  	[sflag:s8] =	ssyncset.done $0x0  }
0x2d: {  	[sflag:s8] =	ssyncadd.s32 $0xFFFFFFB0  }
0x2e: {  	_ =	sfence.sel $0x180000  }
0x2f: {  	[bflag:$0x0] =	sbarrier.arrive $0xFFFF  }
0x30: {  	p0 =	sne.s32 s2, $0x0;
	_ =	strace $0x90000047  }
0x31: {  	s0 =	sadd.s32 @!p0 $0x100000, s0;
	[bflag:$0x2] =	sbarrier.arrive $0xFFFF  }
0x32: {  	[sflag:s0] =	ssyncadd.tile.s32 @!p0 $0x1;
	_ =	shalt  }
.Lfunc_end2:
_tile_overlayer_lowered:
.L_overlay_start_2:
0x33: {  	(tag) =	ssettag $0x2  }
0x34: {  	s0 =	rddreg [dreg:$0x0];
	s2 =	stileid.u32  }
0x35: {  	s1 =	rddreg [dreg:$0x1];
	p0 =	sne.s32 s2, $0x0  }
0x36: {  	s3 =	rddreg [dreg:$0x2];
	[bflag:$0x3] =	sbarrier.arrive $0xFFFF;
	s2 =	simm.s32 @!p0 $0x1C01  }
0x37: {  	[timem:s3], [sflag:s2] =	dma.local @!p0 [hbm:s0], s1  }
0x38: {  	s0 =	simm.s32 @!p0 $0x1  }
0x39: {  	_ =	swait.ge @!p0 [sflag:s0], s1  }
0x3a: {  	s1 =	ssub.s32 @!p0 $0x0, s1;
	[sflag:s0] =	ssyncset.done @!p0 $0x0  }
0x3b: {  	[sflag:s0] =	ssyncadd.s32 @!p0 s1  }
0x3c: {  	[bflag:$0x3] =	sbarrier.arrive $0xFFFF  }
0x3d: {  	_ =	shalt  }

// kernel: kernel.16.cloned.1.call-start
scs
__scs_entry_jumppad:
0x0: {  	(pc) =	sbr.rel $0x88, $3  }
0x1: {  	(tag) =	ssettag $0x0;
	lr =	simm.s32 $0x1  }
0x2: {  	[smem:$0x3F96] =	sst lr;
	_ =	strace $0xD0000000  }
0x3: {  	_ = 	snop  }
0x4: {  	_ = 	snop  }
0x5: {  	_ = 	snop  }
0x6: {  	_ = 	snop  }
0x7: {  	_ = 	snop  }
__scs_overlays_trampoline_lowered:
0x8: {  	[smem:$0x3FA5] =	sst s0  }
0x9: {  	[smem:$0x3FA6] =	sst s1  }
0xa: {  	[smem:$0x3FA7] =	sst s2  }
0xb: {  	[smem:$0x3FA8] =	sst s3  }
0xc: {  	[smem:$0x3FA9] =	sst s4  }
0xd: {  	[smem:$0x3FAA] =	sst s5  }
0xe: {  	[smem:$0x3FAB] =	sst s6  }
0xf: {  	[smem:$0x3FAC] =	sst s7  }
0x10: {  	[smem:$0x3FAD] =	sst s8  }
0x11: {  	[smem:$0x3FAE] =	sst s9;
	s0 =	simm.s32 @!p0 $0x0  }
0x12: {  	s1 =	sld [smem:$0x3F94];
	s0 =	simm.s32 @p0 $0x1  }
0x13: {  	[smem:$0x3FAF] =	sst s0;
	s0 =	simm.s32 @!p1 $0x0  }
0x14: {  	s2 =	sld [smem:$0x3F93];
	s0 =	simm.s32 @p1 $0x1  }
0x15: {  	[smem:$0x3FB0] =	sst s0;
	s0 =	simm.s32 @!p2 $0x0  }
0x16: {  	s3 =	sld [smem:$0x3FDB];
	s0 =	simm.s32 @p2 $0x1  }
0x17: {  	s4 =	simm.s32 $0x1BF5;
	[smem:$0x3FB2] =	sst s0  }
0x18: {  	s0 =	sld [smem:$0x3F95];
	_ =	swait.ge [sflag:s4], $0x0  }
0x19: {  	s7 =	sld [smem:$0x3F96]  }
0x1a: {  	s8 =	sadd.s32 $0xFFFFE003, lr  }
0x1b: {  	s9 =	sadd.s32 $0xFFFFFEF7, lr;
	s5 =	simm.s32 $0xFFFFFFFF;
	p2 =	slt.u32 s8, $0xFFFFF086  }
0x1c: {  	p1 =	slt.u32 s9, $0xF7A;
	s5 =	simm.s32 @!p2 $0x0  }
0x1d: {  	s5 =	simm.s32 @p1 $0x1;
	p0 =	seq.s32 s7, s2  }
0x1e: {  	s7 =	smul.u32 @!p0 $0xF7A, s2;
	p2 =	seq.s32 @!p0 s5, $0x0  }
0x1f: {  	s9 =	smul.u32 $0xF7A, s1;
	s8 =	simm.s32 @!p0 $0x1BF5;
	p2 =	por !p2, p0  }
0x20: {  	[sflag:s8] =	ssyncset.s32 @!p0 $0xFFFFF086;
	s6 =	sadd.s32 @!p0 s3, s7;
	s7 =	simm.s32 @!p0 $0x108  }
0x21: {  	s3 =	sadd.s32 s3, s9;
	s6 =	sadd.s32 @!p0 $0x88, s6;
	s7 =	simm.s32 @p2 $0x1082  }
0x22: {  	[simem:s7], [sflag:s8] =	dma.local @!p0 [hbm:s6], $0xF7A  }
0x23: {  	s9 =	sor.u32 $0xD0000000, s2;
	s6 =	simm.s32 $0x108;
	_ =	swait.ge @!p0 [sflag:s8], $0x0  }
0x24: {  	s3 =	sadd.s32 $0x88, s3;
	s6 =	simm.s32 @!p1 $0x1082;
	[sflag:s4] =	ssyncset.s32 $0xFFFFF086  }
0x25: {  	[simem:s6], [sflag:s4] =	dma.local [hbm:s3], $0xF7A  }
0x26: {  	[smem:$0x3F96] =	sst s1;
	(tag) =	ssettag s2;
	_ =	strace s9  }
0x27: {  	s1 =	sld [smem:$0x3FA6]  }
0x28: {  	s2 =	sld [smem:$0x3FA7]  }
0x29: {  	s4 =	sld [smem:$0x3FA9]  }
0x2a: {  	p0 =	seq.s32 s5, $0x0;
	s5 =	sld [smem:$0x3FAA]  }
0x2b: {  	s6 =	sld [smem:$0x3FAB]  }
0x2c: {  	s7 =	sld [smem:$0x3FAC]  }
0x2d: {  	s3 =	simm.s32 $0x108;
	s8 =	sld [smem:$0x3FAD]  }
0x2e: {  	s3 =	simm.s32 @!p0 $0x1082;
	s9 =	sld [smem:$0x3FAE]  }
0x2f: {  	lr =	sadd.s32 s0, s3;
	s0 =	sld [smem:$0x3FA5]  }
0x30: {  	s3 =	sld [smem:$0x3FA8]  }
0x31: {  	[smem:$0x3FB1] =	sst s10  }
0x32: {  	s10 =	sld [smem:$0x3FAF];
	_ =	sdelay $0x3  }
0x33: {  	p0 =	seq.s32 s10, $0x1;
	s10 =	sld [smem:$0x3FB1];
	_ =	sdelay $0x3  }
0x34: {  	[smem:$0x3FB1] =	sst s10  }
0x35: {  	s10 =	sld [smem:$0x3FB0];
	_ =	sdelay $0x3  }
0x36: {  	p1 =	seq.s32 s10, $0x1;
	s10 =	sld [smem:$0x3FB1];
	_ =	sdelay $0x3  }
0x37: {  	[smem:$0x3FB1] =	sst s10  }
0x38: {  	s10 =	sld [smem:$0x3FB2]  }
0x39: {  	_ = 	snop;
	(pc) =	sbr.ind lr, $3  }
0x3a: {  	_ = 	snop  }
0x3b: {  	_ = 	snop  }
0x3c: {  	p2 =	seq.s32 s10, $0x1;
	s10 =	sld [smem:$0x3FB1]  }
0x3d: {  	_ =	shalt  }
0x3e: {  	_ =	shalt  }
0x3f: {  	_ =	shalt  }
0x40: {  	_ =	shalt  }
0x41: {  	_ =	shalt  }
0x42: {  	_ =	shalt  }
0x43: {  	_ =	shalt  }
0x44: {  	_ =	shalt  }
0x45: {  	_ =	shalt  }
0x46: {  	_ =	shalt  }
0x47: {  	_ =	shalt  }
0x48: {  	_ =	shalt  }
0x49: {  	_ =	shalt  }
0x4a: {  	_ =	shalt  }
0x4b: {  	_ =	shalt  }
0x4c: {  	_ =	shalt  }
0x4d: {  	_ =	shalt  }
0x4e: {  	_ =	shalt  }
0x4f: {  	_ =	shalt  }
0x50: {  	_ =	shalt  }
0x51: {  	_ =	shalt  }
0x52: {  	_ =	shalt  }
0x53: {  	_ =	shalt  }
0x54: {  	_ =	shalt  }
0x55: {  	_ =	shalt  }
0x56: {  	_ =	shalt  }
0x57: {  	_ =	shalt  }
0x58: {  	_ =	shalt  }
0x59: {  	_ =	shalt  }
0x5a: {  	_ =	shalt  }
0x5b: {  	_ =	shalt  }
0x5c: {  	_ =	shalt  }
0x5d: {  	_ =	shalt  }
0x5e: {  	_ =	shalt  }
0x5f: {  	_ =	shalt  }
0x60: {  	_ =	shalt  }
0x61: {  	_ =	shalt  }
0x62: {  	_ =	shalt  }
0x63: {  	_ =	shalt  }
0x64: {  	_ =	shalt  }
0x65: {  	_ =	shalt  }
0x66: {  	_ =	shalt  }
0x67: {  	_ =	shalt  }
0x68: {  	_ =	shalt  }
0x69: {  	_ =	shalt  }
0x6a: {  	_ =	shalt  }
0x6b: {  	_ =	shalt  }
0x6c: {  	_ =	shalt  }
0x6d: {  	_ =	shalt  }
0x6e: {  	_ =	shalt  }
0x6f: {  	_ =	shalt  }
0x70: {  	_ =	shalt  }
0x71: {  	_ =	shalt  }
0x72: {  	_ =	shalt  }
0x73: {  	_ =	shalt  }
0x74: {  	_ =	shalt  }
0x75: {  	_ =	shalt  }
0x76: {  	_ =	shalt  }
0x77: {  	_ =	shalt  }
0x78: {  	_ =	shalt  }
0x79: {  	_ =	shalt  }
0x7a: {  	_ =	shalt  }
0x7b: {  	_ =	shalt  }
0x7c: {  	_ =	shalt  }
0x7d: {  	_ =	shalt  }
0x7e: {  	_ =	shalt  }
0x7f: {  	_ =	shalt  }
0x80: {  	_ =	shalt  }
0x81: {  	_ =	shalt  }
0x82: {  	_ =	shalt  }
0x83: {  	_ =	shalt  }
0x84: {  	_ =	shalt  }
0x85: {  	_ =	shalt  }
0x86: {  	_ =	shalt  }
0x87: {  	_ =	shalt  }
.Lfunc_end0:
.L_simem_size_0:
called_computation.1_lowered:
.L_overlay_start_0:
0x88: {  	s2 =	sld [smem:$0x3FD9]  }
0x89: {  	s3 =	sld [smem:$0x3FFE];
	_ =	sdelay $0x1  }
0x8a: {  	s1 =	srdreg.scid  }
0x8b: {  	s0 =	sand.u32 $0x1, s1  }
0x8c: {  	s16 =	sshll.u32 s0, $0xA;
	s2 =	sadd.s32 s3, s2  }
0x8d: {  	s2 =	sadd.s32 s2, s16  }
0x8e: {  	[smem:$0x3FBD] =	sst s2  }
0x8f: {  	_ = 	snop  }
0x90: {  	(tm) =	ssettm $0x1  }
0x91: {  	s17 =	sld [smem:$0x3FFB];
	_ =	sdelay $0x3  }
0x92: {  	_ =	strace s17  }
0x93: {  	s2 =	sld [smem:$0x3FFC];
	_ =	sdelay $0x3  }
0x94: {  	_ =	strace s2  }
0x95: {  	s2 =	sld [smem:$0x3FFD];
	_ =	sdelay $0x3  }
0x96: {  	_ =	strace s2  }
0x97: {  	_ =	strace $0x8FFFFFFF  }
0x98: {  	s18 =	sld [smem:$0x3FDB];
	_ =	sdelay $0x1  }
0x99: {  	s19 =	simm.s32 $_scs_section_size  }
0x9a: {  	s4 =	simm.s32 $_size__tile_overlayer_lowered;
	s5 =	simm.s32 $_tile_overlayer_lowered  }
0x9b: {  	s22 =	simm.s32 $0x1BFF;
	s21 =	sshll.u32 s5, $0x1;
	s2 =	sadd.s32 s19, s18  }
0x9c: {  	s6 =	simm.s32 $0x0;
	s20 =	sshll.u32 s4, $0x1;
	s4 =	sadd.s32 s21, s2  }
0x9d: {  	[timem:s6], [sflag:s22] =	dma.local [hbm:s4], s20  }
0x9e: {  	_ =	swait.ge [sflag:s22], s20  }
0x9f: {  	s3 =	ssub.s32 $0x0, s20;
	[sflag:s22] =	ssyncset.done $0x0  }
0xa0: {  	[sflag:s22] =	ssyncadd.s32 s3;
	_ =	sdelay $0x1  }
0xa1: {  	s23 =	simm.s32 $0x1B8B  }
0xa2: {  	_ =	swait.ge [sflag:s23], $0x1  }
0xa3: {  	[sflag:s23] =	ssyncset.done $0x0  }
0xa4: {  	s25 =	simm.s32 $0x1B8E;
	s24 =	sld [smem:$0x3FFE];
	[sflag:s23] =	ssyncadd.s32 $0xFFFFFFFF  }
0xa5: {  	s26 =	simm.s32 $execute0_lowered;
	[smem:$0x3FD2] =	sst s25  }
0xa6: {  	s4 =	sshll.u32 s26, $0x1;
	_ =	strace $0x80000049;
	[dreg:$0x1] =	wrdreg $0xFFFFFFFF  }
0xa7: {  	s28 =	simm.s32 $_size_execute0_lowered;
	s2 =	sadd.s32 s2, s4;
	[dreg:$0x0] =	wrdreg $0x0  }
0xa8: {  	s4 =	sshll.u32 s28, $0x1;
	[dreg:$0x2] =	wrdreg s2  }
0xa9: {  	[dreg:$0x3] =	wrdreg s4  }
0xaa: {  	[dreg:$0x4] =	wrdreg $0xC0  }
0xab: {  	_ =	task [dreg:s6], $0x5FFFF  }
0xac: {  	[dreg:$0x1] =	wrdreg $0xFFFFFFFF  }
0xad: {  	[dreg:$0x0] =	wrdreg $0x60  }
0xae: {  	[dreg:$0x2] =	wrdreg s24  }
0xaf: {  	[dreg:$0x3] =	wrdreg $0xB4000  }
0xb0: {  	[dreg:$0x4] =	wrdreg $0x9  }
0xb1: {  	_ =	task.clear_ibuf [dreg:s6], $0x5FFFF;
	_ =	strace $0x90000049  }
0xb2: {  	s29 =	simm.s32 $0x9;
	_ =	strace $0x8000004B  }
0xb3: {  	_ =	swait.ge [sflag:s29], $0x1  }
0xb4: {  	[sflag:s29] =	ssyncadd.s32 $0xFFFFFFFF  }
0xb5: {  	_ =	strace $0x9000004B  }
0xb6: {  	_ =	sfence  }
0xb7: {  	s30 =	sld [smem:$0x0];
	_ =	sdelay $0x2  }
0xb8: {  	s31 =	sshll.u32 s1, $0xD;
	s1 =	sshrl.u32 s1, $0x2  }
0xb9: {  	s3 =	sand.u32 $0x4000, s31;
	s1 =	sadd.s32 s1, s30  }
0xba: {  	s0 =	sor.u32 s3, s0;
	s1 =	sshll.u32 s1, $0x11  }
0xbb: {  	s0 =	sor.u32 s1, s0  }
0xbc: {  	s0 =	sadd.s32 $0x8F2B, s0  }
0xbd: {  	[sflag:s0] =	ssyncadd.remote.s32 $0x1  }
0xbe: {  	_ =	sfence.sel $0xFFFF  }
0xbf: {  	[dreg:$0x0] =	wrdreg $0xFFFFFFFF;
	(pc) =	sbr.abs _section_cstart, $3  }
0xc0: {  	[dreg:$0x1] =	wrdreg $0xFFFFFFFF  }
0xc1: {  	_ =	task.clear_ibuf [dreg:s6], $0x2FFFF;
	_ =	strace $0x9FFFFFFF  }
0xc2: {  	(tm) =	ssettm $0x7FFFFFFF  }
0xc3: {  	_ =	shalt  }
tec
execute0_lowered:
.L_overlay_start_1:
0x0: {  	(tag) =	ssettag $0x1  }
0x1: {  	s0 =	rddreg [dreg:$0x0]  }
0x2: {  	s2 =	rddreg [dreg:$0x1];
	s3 =	simm.s32 $0x0  }
0x3: {  	s10 =	stileid.u32;
	s4 =	srdreg.scid;
	s28 =	simm.s32 $0x2  }
0x4: {  	s29 =	simm.s32 $0x3;
	s30 =	simm.s32 $0x4;
	s1 =	smul.u32 $0x2800, s10  }
0x5: {  	s31 =	simm.s32 $0x5;
	[smem:$0x7FF] =	sst s3;
	s5 =	smul.u32 $0x50000, s10  }
0x6: {  	s4 =	sand.u32 $0x1, s4;
	s6 =	sadd.s32 $0x18C00, s0;
	s7 =	smul.u32 $0x280000, s10  }
0x7: {  	s13 =	sshll.u32 s10, $0x1;
	s14 =	sshll.u32 s10, $0x6;
	_ =	strace $0x8000004A  }
0x8: {  	[dreg:$0x3] =	wrdreg s6;
	s12 =	ssub.s32 $0x2, s4;
	s9 =	smul.u32 $0x140000, s4  }
0x9: {  	s4 =	sor.u32 s4, s13;
	s1 =	sadd.s32 s1, s0;
	s0 =	sadd.s32 $0x54C00, s0  }
0xa: {  	s8 =	sshrl.u32 s12, $0x1;
	s5 =	sshrl.u32 s5, $0x2;
	s16 =	smul.u32 $0x5000, s4  }
0xb: {  	s6 =	ssub.s32 s12, s8;
	s5 =	sadd.s32 s5, s2;
	s1 =	sadd.s32 $0x2CC00, s1  }
0xc: {  	s7 =	sadd.s32 s9, s7;
	s8 =	simm.s32 $0xA;
	[dreg:$0x4] =	wrdreg s1  }
0xd: {  	s15 =	sor.u32 $0x8000, s7;
	s1 =	sor.u32 $0x1C0B, s14;
	[dreg:$0x6] =	wrdreg s16  }
0xe: {  	s18 =	smax.u32 s6, $0x1;
	s19 =	sor.u32 $0x6000, s7;
	s20 =	sor.u32 $0x4000, s7  }
0xf: {  	s21 =	sor.u32 $0x2000, s7;
	s25 =	sshrl.u32 s7, $0x3;
	s26 =	sshrl.u32 s5, $0x3  }
0x10: {  	s16 =	simm.s32 $0x40;
	s5 =	simm.s32 $0x8;
	s6 =	simm.s32 $0x9  }
0x11: {  	s7 =	simm.s32 $0x0;
	[dreg:$0x5] =	wrdreg s1;
	s17 =	sshrl.u32 s15, $0x3  }
0x12: {  	[dreg:$0x7] =	wrdreg s18;
	s22 =	sshrl.u32 s20, $0x3;
	s23 =	sshrl.u32 s21, $0x3  }
0x13: {  	[dreg:$0xd] =	wrdreg s26;
	s21 =	simm.s32 $0x5400;
	s26 =	simm.s32 $0x1  }
0x14: {  	s1 =	sadd.s32 s17, s0;
	s24 =	sadd.s32 s23, s0;
	s17 =	simm.s32 $0x1400  }
.Ltmp0:
0x15: {  	[dreg:$0x8] =	wrdreg s1;
	s1 =	sshrl.u32 s19, $0x3;
	(pc) =	sbr.rel .LBB2_1-.Ltmp0, $4  }
0x16: {  	s23 =	simm.s32 $0x7400;
	[dreg:$0xb] =	wrdreg s24;
	s1 =	sadd.s32 s1, s0  }
0x17: {  	s19 =	simm.s32 $0x3400;
	[dreg:$0x9] =	wrdreg s1;
	s1 =	sadd.s32 s22, s0  }
0x18: {  	s0 =	sadd.s32 s25, s0;
	s25 =	simm.s32 $0x9400;
	[dreg:$0xa] =	wrdreg s1  }
0x19: {  	[dreg:$0xc] =	wrdreg s0;
	s0 =	simm.s32 $0x6;
	s1 =	simm.s32 $0x7  }
.LBB2_7:
0x1a: {  	s7 =	rddreg [dreg:$0xe]  }
0x1b: {  	s4 =	rddreg [dreg:$0x7];
	s7 =	sadd.s32 $0x1, s7  }
0x1c: {  	p0 =	sne.s32 s7, s4  }
.Ltmp1:
0x1d: {  	_ = 	snop;
	(pc) =	sbr.rel @!p0 .LBB2_8-.Ltmp1, $1  }
0x1e: {  	_ =	sdelay $0x3  }
.LBB2_1:
0x1f: {  	[dreg:$0xe] =	wrdreg s7  }
0x20: {  	s4 =	rddreg [dreg:$0x4]  }
0x21: {  	s22 =	rddreg [dreg:$0x5]  }
0x22: {  	s9 =	rddreg [dreg:$0xd];
	s24 =	simm.s32 $0xB  }
0x23: {  	[spmem:s9], [sflag:s22] =	dma.local [hbm:s4], $0x2800  }
0x24: {  	_ =	swait.ge [sflag:s24], $0x2800  }
0x25: {  	[sflag:s24] =	ssyncset.done $0x0  }
0x26: {  	[sflag:s24] =	ssyncadd.s32 $0xFFFFD800  }
0x27: {  	[bflag:$0x0] =	sbarrier.arrive $0xFFFF  }
.Ltmp2:
0x28: {  	s13 =	rddreg [dreg:$0xc];
	(pc) =	sbr.rel .LBB2_2-.Ltmp2, $4  }
0x29: {  	s22 =	rddreg [dreg:$0xb]  }
0x2a: {  	s24 =	rddreg [dreg:$0xa]  }
0x2b: {  	s4 =	rddreg [dreg:$0x9]  }
0x2c: {  	s9 =	simm.s32 $0x0;
	s7 =	rddreg [dreg:$0x8]  }
.LBB2_4:
0x2d: {  	_ =	swait.ge [sflag:s1], $0x2000  }
0x2e: {  	[sflag:s1] =	ssyncset.done $0x0  }
0x2f: {  	[sflag:s1] =	ssyncadd.s32 $0xFFFFE000  }
0x30: {  	_ =	swait.ge [sflag:s5], $0x2000  }
0x31: {  	[sflag:s5] =	ssyncset.done $0x0  }
0x32: {  	[sflag:s5] =	ssyncadd.s32 $0xFFFFE000  }
0x33: {  	_ =	swait.ge [sflag:s6], $0x2000  }
0x34: {  	[sflag:s6] =	ssyncset.done $0x0  }
0x35: {  	[sflag:s6] =	ssyncadd.s32 $0xFFFFE000  }
0x36: {  	_ =	swait.ge [sflag:s8], $0x2000  }
0x37: {  	[sflag:s8] =	ssyncset.done $0x0  }
0x38: {  	[sflag:s8] =	ssyncadd.s32 $0xFFFFE000  }
.LBB2_6:
0x39: {  	s9 =	sadd.s32 $0x1, s9  }
0x3a: {  	p0 =	sne.s32 s9, $0x4  }
.Ltmp3:
0x3b: {  	_ = 	snop;
	(pc) =	sbr.rel @!p0 .LBB2_7-.Ltmp3, $3  }
0x3c: {  	_ =	sdelay $0x1  }
0x3d: {  	s7 =	sadd.s32 $0xA000, s7;
	s4 =	sadd.s32 $0xA000, s4;
	s13 =	rddreg [dreg:$0xf]  }
0x3e: {  	s24 =	sadd.s32 $0xA000, s24;
	s22 =	sadd.s32 $0xA000, s22;
	s13 =	sadd.s32 $0xA000, s13  }
.LBB2_2:
0x3f: {  	s10 =	smul.u32 $0x1400, s9  }
0x40: {  	s11 =	rddreg [dreg:$0x6]  }
0x41: {  	s10 =	sadd.s32 s11, s10  }
0x42: {  	s20 =	rddreg [dreg:$0x3];
	s10 =	sshrl.u32 s10, $0x3  }
0x43: {  	s18 =	simm.s32 $0x0;
	s11 =	simm.s32 $0xB;
	s10 =	sadd.s32 s20, s10  }
0x44: {  	[tilespmem:s18], [sflag:$0xB] =	stream.linear.gather [hbm4b:s10+s18], $0x1400, $0x38;
	[tilespmem:$0x1F400] =	vst v63  }
0x45: {  	_ =	swait.ge [sflag:s11], $0x1400  }
0x46: {  	[sflag:s11] =	ssyncset.done $0x0  }
0x47: {  	[sflag:s11] =	ssyncadd.s32 $0xFFFFEC00  }
0x48: {  	[tilespmem:s17], [sflag:$0x1] =	stream.indirect.gather [spmem:s2], $0x80, s18, s16, $0xb8;
	[tilespmem:$0x1F400] =	vst v63  }
0x49: {  	s12 =	simm.s32 $0x80  }
0x4a: {  	[tilespmem:s19], [sflag:$0x2] =	stream.indirect.gather [spmem:s2], $0x80, s12, s16, $0xb8;
	[tilespmem:$0x1F400] =	vst v63  }
0x4b: {  	s14 =	simm.s32 $0x100;
	s15 =	simm.s32 $0x180  }
0x4c: {  	[tilespmem:s21], [sflag:$0x3] =	stream.indirect.gather [spmem:s2], $0x80, s14, s16, $0xb8;
	[tilespmem:$0x1F400] =	vst v63  }
0x4d: {  	s20 =	simm.s32 $0x200;
	s10 =	smov.u32 s7;
	[dreg:$0xf] =	wrdreg s13  }
0x4e: {  	[tilespmem:s23], [sflag:$0x4] =	stream.indirect.gather [spmem:s2], $0x80, s15, s16, $0xb8;
	[tilespmem:$0x1F400] =	vst v63  }
0x4f: {  	s11 =	smov.u32 s24;
	s12 =	smov.u32 s22;
	s14 =	smov.u32 s4  }
0x50: {  	[tilespmem:s25], [sflag:$0x5] =	stream.indirect.gather [spmem:s2], $0x80, s20, s16, $0xb8;
	[tilespmem:$0x1F400] =	vst v63  }
.LBB2_3:
0x51: {  	_ =	swait.ge [sflag:s26], $0x2000  }
0x52: {  	[sflag:s26] =	ssyncset.done $0x0  }
0x53: {  	[sflag:s26] =	ssyncadd.s32 $0xFFFFE000  }
0x54: {  	[hbm4b:s13+s3] =	stream.linear.scatter [tilespmem:s17], [sflag:$0x6], $0x2000, $0x38;
	[tilespmem:$0x1F400] =	vst v63  }
0x55: {  	_ =	swait.ge [sflag:s28], $0x2000  }
0x56: {  	[sflag:s28] =	ssyncset.done $0x0  }
0x57: {  	[sflag:s28] =	ssyncadd.s32 $0xFFFFE000  }
0x58: {  	[hbm4b:s12+s3] =	stream.linear.scatter [tilespmem:s19], [sflag:$0x7], $0x2000, $0x38;
	[tilespmem:$0x1F400] =	vst v63  }
0x59: {  	_ =	swait.ge [sflag:s29], $0x2000  }
0x5a: {  	[sflag:s29] =	ssyncset.done $0x0  }
0x5b: {  	[sflag:s29] =	ssyncadd.s32 $0xFFFFE000  }
0x5c: {  	[hbm4b:s11+s3] =	stream.linear.scatter [tilespmem:s21], [sflag:$0x8], $0x2000, $0x38;
	[tilespmem:$0x1F400] =	vst v63  }
0x5d: {  	_ =	swait.ge [sflag:s30], $0x2000  }
0x5e: {  	[sflag:s30] =	ssyncset.done $0x0  }
0x5f: {  	[sflag:s30] =	ssyncadd.s32 $0xFFFFE000  }
0x60: {  	[hbm4b:s14+s3] =	stream.linear.scatter [tilespmem:s23], [sflag:$0x9], $0x2000, $0x38;
	[tilespmem:$0x1F400] =	vst v63  }
0x61: {  	_ =	swait.ge [sflag:s31], $0x2000  }
0x62: {  	p0 =	sne.s32 s18, $0x4600;
	[sflag:s31] =	ssyncset.done $0x0  }
.Ltmp4:
0x63: {  	[sflag:s31] =	ssyncadd.s32 $0xFFFFE000;
	(pc) =	sbr.rel @!p0 .LBB2_4-.Ltmp4, $4  }
0x64: {  	[hbm4b:s10+s3] =	stream.linear.scatter [tilespmem:s25], [sflag:$0xA], $0x2000, $0x38;
	[tilespmem:$0x1F400] =	vst v63  }
0x65: {  	_ =	swait.ge [sflag:s0], $0x2000  }
0x66: {  	[sflag:s0] =	ssyncset.done $0x0  }
0x67: {  	[sflag:s0] =	ssyncadd.s32 $0xFFFFE000  }
0x68: {  	s15 =	sshra.s32 s18, $0x2  }
0x69: {  	s20 =	sadd.s32 $0x280, s15  }
0x6a: {  	[tilespmem:s17], [sflag:$0x1] =	stream.indirect.gather [spmem:s2], $0x80, s20, s16, $0xb8;
	[tilespmem:$0x1F400] =	vst v63  }
0x6b: {  	_ =	swait.ge [sflag:s1], $0x2000  }
0x6c: {  	[sflag:s1] =	ssyncset.done $0x0  }
0x6d: {  	s20 =	sadd.s32 $0x300, s15;
	[sflag:s1] =	ssyncadd.s32 $0xFFFFE000  }
0x6e: {  	[tilespmem:s19], [sflag:$0x2] =	stream.indirect.gather [spmem:s2], $0x80, s20, s16, $0xb8;
	[tilespmem:$0x1F400] =	vst v63  }
0x6f: {  	_ =	swait.ge [sflag:s5], $0x2000  }
0x70: {  	[sflag:s5] =	ssyncset.done $0x0  }
0x71: {  	s20 =	sadd.s32 $0x380, s15;
	[sflag:s5] =	ssyncadd.s32 $0xFFFFE000  }
0x72: {  	[tilespmem:s21], [sflag:$0x3] =	stream.indirect.gather [spmem:s2], $0x80, s20, s16, $0xb8;
	[tilespmem:$0x1F400] =	vst v63  }
0x73: {  	_ =	swait.ge [sflag:s6], $0x2000  }
0x74: {  	s18 =	sadd.s32 $0xA00, s18;
	[sflag:s6] =	ssyncset.done $0x0  }
0x75: {  	p0 =	sne.s32 s18, $0x5000;
	s20 =	sadd.s32 $0x400, s15;
	[sflag:s6] =	ssyncadd.s32 $0xFFFFE000  }
0x76: {  	[tilespmem:s23], [sflag:$0x4] =	stream.indirect.gather [spmem:s2], $0x80, s20, s16, $0xb8;
	[tilespmem:$0x1F400] =	vst v63  }
.Ltmp5:
0x77: {  	s10 =	sadd.s32 $0x1400, s10;
	(pc) =	sbr.rel @p0 .LBB2_3-.Ltmp5, $4  }
.Ltmp6:
0x78: {  	s14 =	sadd.s32 $0x1400, s14;
	_ =	swait.ge [sflag:s8], $0x2000;
	(pc) =	sbr.rel @!p0 .LBB2_6-.Ltmp6, $4  }
0x79: {  	s11 =	sadd.s32 $0x1400, s11;
	s12 =	sadd.s32 $0x1400, s12;
	[sflag:s8] =	ssyncset.done $0x0  }
0x7a: {  	s13 =	sadd.s32 $0x1400, s13;
	s15 =	sadd.s32 $0x480, s15;
	[sflag:s8] =	ssyncadd.s32 $0xFFFFE000  }
0x7b: {  	[tilespmem:s25], [sflag:$0x5] =	stream.indirect.gather [spmem:s2], $0x80, s15, s16, $0xb8;
	[tilespmem:$0x1F400] =	vst v63  }
0x7c: {  	_ = 	snop  }
.LBB2_8:
0x7d: {  	_ =	sfence.sel $0x180000  }
0x7e: {  	[bflag:$0x0] =	sbarrier.arrive $0xFFFF  }
0x7f: {  	_ =	strace $0x9000004A  }
0x80: {  	s0 =	stileid.u32;
	[bflag:$0x2] =	sbarrier.arrive $0xFFFF  }
0x81: {  	p0 =	sne.s32 s0, $0x0;
	s0 =	rddreg [dreg:$0x2]  }
0x82: {  	s0 =	sadd.s32 @!p0 $0x100000, s0  }
0x83: {  	[sflag:s0] =	ssyncadd.tile.s32 @!p0 $0x1;
	_ =	shalt  }
.Lfunc_end2:
_tile_overlayer_lowered:
.L_overlay_start_2:
0x84: {  	(tag) =	ssettag $0x2  }
0x85: {  	s0 =	rddreg [dreg:$0x0];
	s2 =	stileid.u32  }
0x86: {  	s1 =	rddreg [dreg:$0x1];
	p0 =	sne.s32 s2, $0x0  }
0x87: {  	s3 =	rddreg [dreg:$0x2];
	[bflag:$0x3] =	sbarrier.arrive $0xFFFF;
	s2 =	simm.s32 @!p0 $0x1C0B  }
0x88: {  	[timem:s3], [sflag:s2] =	dma.local @!p0 [hbm:s0], s1  }
0x89: {  	s0 =	simm.s32 @!p0 $0xB  }
0x8a: {  	_ =	swait.ge @!p0 [sflag:s0], s1  }
0x8b: {  	s1 =	ssub.s32 @!p0 $0x0, s1;
	[sflag:s0] =	ssyncset.done @!p0 $0x0  }
0x8c: {  	[sflag:s0] =	ssyncadd.s32 @!p0 s1  }
0x8d: {  	[bflag:$0x3] =	sbarrier.arrive $0xFFFF  }
0x8e: {  	_ =	shalt  }

// kernel: kernel.19.cloned.1.call-start
scs
__scs_entry_jumppad:
0x0: {  	(pc) =	sbr.rel $0x88, $3  }
0x1: {  	(tag) =	ssettag $0x0;
	lr =	simm.s32 $0x1  }
0x2: {  	[smem:$0x3F96] =	sst lr;
	_ =	strace $0xD0000000  }
0x3: {  	_ = 	snop  }
0x4: {  	_ = 	snop  }
0x5: {  	_ = 	snop  }
0x6: {  	_ = 	snop  }
0x7: {  	_ = 	snop  }
__scs_overlays_trampoline_lowered:
0x8: {  	[smem:$0x3FA5] =	sst s0  }
0x9: {  	[smem:$0x3FA6] =	sst s1  }
0xa: {  	[smem:$0x3FA7] =	sst s2  }
0xb: {  	[smem:$0x3FA8] =	sst s3  }
0xc: {  	[smem:$0x3FA9] =	sst s4  }
0xd: {  	[smem:$0x3FAA] =	sst s5  }
0xe: {  	[smem:$0x3FAB] =	sst s6  }
0xf: {  	[smem:$0x3FAC] =	sst s7  }
0x10: {  	[smem:$0x3FAD] =	sst s8  }
0x11: {  	[smem:$0x3FAE] =	sst s9;
	s0 =	simm.s32 @!p0 $0x0  }
0x12: {  	s1 =	sld [smem:$0x3F94];
	s0 =	simm.s32 @p0 $0x1  }
0x13: {  	[smem:$0x3FAF] =	sst s0;
	s0 =	simm.s32 @!p1 $0x0  }
0x14: {  	s2 =	sld [smem:$0x3F93];
	s0 =	simm.s32 @p1 $0x1  }
0x15: {  	[smem:$0x3FB0] =	sst s0;
	s0 =	simm.s32 @!p2 $0x0  }
0x16: {  	s3 =	sld [smem:$0x3FDB];
	s0 =	simm.s32 @p2 $0x1  }
0x17: {  	s4 =	simm.s32 $0x1BF5;
	[smem:$0x3FB2] =	sst s0  }
0x18: {  	s0 =	sld [smem:$0x3F95];
	_ =	swait.ge [sflag:s4], $0x0  }
0x19: {  	s7 =	sld [smem:$0x3F96]  }
0x1a: {  	s8 =	sadd.s32 $0xFFFFE003, lr  }
0x1b: {  	s9 =	sadd.s32 $0xFFFFFEF7, lr;
	s5 =	simm.s32 $0xFFFFFFFF;
	p2 =	slt.u32 s8, $0xFFFFF086  }
0x1c: {  	p1 =	slt.u32 s9, $0xF7A;
	s5 =	simm.s32 @!p2 $0x0  }
0x1d: {  	s5 =	simm.s32 @p1 $0x1;
	p0 =	seq.s32 s7, s2  }
0x1e: {  	s7 =	smul.u32 @!p0 $0xF7A, s2;
	p2 =	seq.s32 @!p0 s5, $0x0  }
0x1f: {  	s9 =	smul.u32 $0xF7A, s1;
	s8 =	simm.s32 @!p0 $0x1BF5;
	p2 =	por !p2, p0  }
0x20: {  	[sflag:s8] =	ssyncset.s32 @!p0 $0xFFFFF086;
	s6 =	sadd.s32 @!p0 s3, s7;
	s7 =	simm.s32 @!p0 $0x108  }
0x21: {  	s3 =	sadd.s32 s3, s9;
	s6 =	sadd.s32 @!p0 $0x88, s6;
	s7 =	simm.s32 @p2 $0x1082  }
0x22: {  	[simem:s7], [sflag:s8] =	dma.local @!p0 [hbm:s6], $0xF7A  }
0x23: {  	s9 =	sor.u32 $0xD0000000, s2;
	s6 =	simm.s32 $0x108;
	_ =	swait.ge @!p0 [sflag:s8], $0x0  }
0x24: {  	s3 =	sadd.s32 $0x88, s3;
	s6 =	simm.s32 @!p1 $0x1082;
	[sflag:s4] =	ssyncset.s32 $0xFFFFF086  }
0x25: {  	[simem:s6], [sflag:s4] =	dma.local [hbm:s3], $0xF7A  }
0x26: {  	[smem:$0x3F96] =	sst s1;
	(tag) =	ssettag s2;
	_ =	strace s9  }
0x27: {  	s1 =	sld [smem:$0x3FA6]  }
0x28: {  	s2 =	sld [smem:$0x3FA7]  }
0x29: {  	s4 =	sld [smem:$0x3FA9]  }
0x2a: {  	p0 =	seq.s32 s5, $0x0;
	s5 =	sld [smem:$0x3FAA]  }
0x2b: {  	s6 =	sld [smem:$0x3FAB]  }
0x2c: {  	s7 =	sld [smem:$0x3FAC]  }
0x2d: {  	s3 =	simm.s32 $0x108;
	s8 =	sld [smem:$0x3FAD]  }
0x2e: {  	s3 =	simm.s32 @!p0 $0x1082;
	s9 =	sld [smem:$0x3FAE]  }
0x2f: {  	lr =	sadd.s32 s0, s3;
	s0 =	sld [smem:$0x3FA5]  }
0x30: {  	s3 =	sld [smem:$0x3FA8]  }
0x31: {  	[smem:$0x3FB1] =	sst s10  }
0x32: {  	s10 =	sld [smem:$0x3FAF];
	_ =	sdelay $0x3  }
0x33: {  	p0 =	seq.s32 s10, $0x1;
	s10 =	sld [smem:$0x3FB1];
	_ =	sdelay $0x3  }
0x34: {  	[smem:$0x3FB1] =	sst s10  }
0x35: {  	s10 =	sld [smem:$0x3FB0];
	_ =	sdelay $0x3  }
0x36: {  	p1 =	seq.s32 s10, $0x1;
	s10 =	sld [smem:$0x3FB1];
	_ =	sdelay $0x3  }
0x37: {  	[smem:$0x3FB1] =	sst s10  }
0x38: {  	s10 =	sld [smem:$0x3FB2]  }
0x39: {  	_ = 	snop;
	(pc) =	sbr.ind lr, $3  }
0x3a: {  	_ = 	snop  }
0x3b: {  	_ = 	snop  }
0x3c: {  	p2 =	seq.s32 s10, $0x1;
	s10 =	sld [smem:$0x3FB1]  }
0x3d: {  	_ =	shalt  }
0x3e: {  	_ =	shalt  }
0x3f: {  	_ =	shalt  }
0x40: {  	_ =	shalt  }
0x41: {  	_ =	shalt  }
0x42: {  	_ =	shalt  }
0x43: {  	_ =	shalt  }
0x44: {  	_ =	shalt  }
0x45: {  	_ =	shalt  }
0x46: {  	_ =	shalt  }
0x47: {  	_ =	shalt  }
0x48: {  	_ =	shalt  }
0x49: {  	_ =	shalt  }
0x4a: {  	_ =	shalt  }
0x4b: {  	_ =	shalt  }
0x4c: {  	_ =	shalt  }
0x4d: {  	_ =	shalt  }
0x4e: {  	_ =	shalt  }
0x4f: {  	_ =	shalt  }
0x50: {  	_ =	shalt  }
0x51: {  	_ =	shalt  }
0x52: {  	_ =	shalt  }
0x53: {  	_ =	shalt  }
0x54: {  	_ =	shalt  }
0x55: {  	_ =	shalt  }
0x56: {  	_ =	shalt  }
0x57: {  	_ =	shalt  }
0x58: {  	_ =	shalt  }
0x59: {  	_ =	shalt  }
0x5a: {  	_ =	shalt  }
0x5b: {  	_ =	shalt  }
0x5c: {  	_ =	shalt  }
0x5d: {  	_ =	shalt  }
0x5e: {  	_ =	shalt  }
0x5f: {  	_ =	shalt  }
0x60: {  	_ =	shalt  }
0x61: {  	_ =	shalt  }
0x62: {  	_ =	shalt  }
0x63: {  	_ =	shalt  }
0x64: {  	_ =	shalt  }
0x65: {  	_ =	shalt  }
0x66: {  	_ =	shalt  }
0x67: {  	_ =	shalt  }
0x68: {  	_ =	shalt  }
0x69: {  	_ =	shalt  }
0x6a: {  	_ =	shalt  }
0x6b: {  	_ =	shalt  }
0x6c: {  	_ =	shalt  }
0x6d: {  	_ =	shalt  }
0x6e: {  	_ =	shalt  }
0x6f: {  	_ =	shalt  }
0x70: {  	_ =	shalt  }
0x71: {  	_ =	shalt  }
0x72: {  	_ =	shalt  }
0x73: {  	_ =	shalt  }
0x74: {  	_ =	shalt  }
0x75: {  	_ =	shalt  }
0x76: {  	_ =	shalt  }
0x77: {  	_ =	shalt  }
0x78: {  	_ =	shalt  }
0x79: {  	_ =	shalt  }
0x7a: {  	_ =	shalt  }
0x7b: {  	_ =	shalt  }
0x7c: {  	_ =	shalt  }
0x7d: {  	_ =	shalt  }
0x7e: {  	_ =	shalt  }
0x7f: {  	_ =	shalt  }
0x80: {  	_ =	shalt  }
0x81: {  	_ =	shalt  }
0x82: {  	_ =	shalt  }
0x83: {  	_ =	shalt  }
0x84: {  	_ =	shalt  }
0x85: {  	_ =	shalt  }
0x86: {  	_ =	shalt  }
0x87: {  	_ =	shalt  }
.Lfunc_end0:
.L_simem_size_0:
called_computation.2_lowered:
.L_overlay_start_0:
0x88: {  	s2 =	sld [smem:$0x3FD9]  }
0x89: {  	s3 =	sld [smem:$0x3FFE];
	_ =	sdelay $0x1  }
0x8a: {  	s1 =	srdreg.scid  }
0x8b: {  	s0 =	sand.u32 $0x1, s1  }
0x8c: {  	s16 =	sshll.u32 s0, $0xA;
	s2 =	sadd.s32 s3, s2  }
0x8d: {  	s2 =	sadd.s32 s2, s16  }
0x8e: {  	[smem:$0x3FBD] =	sst s2  }
0x8f: {  	_ = 	snop  }
0x90: {  	(tm) =	ssettm $0x1  }
0x91: {  	s17 =	sld [smem:$0x3FFB];
	_ =	sdelay $0x3  }
0x92: {  	_ =	strace s17  }
0x93: {  	s2 =	sld [smem:$0x3FFC];
	_ =	sdelay $0x3  }
0x94: {  	_ =	strace s2  }
0x95: {  	s2 =	sld [smem:$0x3FFD];
	_ =	sdelay $0x3  }
0x96: {  	_ =	strace s2  }
0x97: {  	_ =	strace $0x8FFFFFFF  }
0x98: {  	s18 =	sld [smem:$0x3FDB];
	_ =	sdelay $0x1  }
0x99: {  	s19 =	simm.s32 $_scs_section_size  }
0x9a: {  	s4 =	simm.s32 $_size__tile_overlayer_lowered;
	s5 =	simm.s32 $_tile_overlayer_lowered  }
0x9b: {  	s22 =	simm.s32 $0x1BFF;
	s21 =	sshll.u32 s5, $0x1;
	s2 =	sadd.s32 s19, s18  }
0x9c: {  	s6 =	simm.s32 $0x0;
	s20 =	sshll.u32 s4, $0x1;
	s4 =	sadd.s32 s21, s2  }
0x9d: {  	[timem:s6], [sflag:s22] =	dma.local [hbm:s4], s20  }
0x9e: {  	_ =	swait.ge [sflag:s22], s20  }
0x9f: {  	s3 =	ssub.s32 $0x0, s20;
	[sflag:s22] =	ssyncset.done $0x0  }
0xa0: {  	[sflag:s22] =	ssyncadd.s32 s3;
	_ =	sdelay $0x1  }
0xa1: {  	s23 =	simm.s32 $0x1B8B  }
0xa2: {  	_ =	swait.ge [sflag:s23], $0x1  }
0xa3: {  	[sflag:s23] =	ssyncset.done $0x0  }
0xa4: {  	s25 =	simm.s32 $0x1B8E;
	s24 =	sld [smem:$0x3FFE];
	[sflag:s23] =	ssyncadd.s32 $0xFFFFFFFF  }
0xa5: {  	s26 =	simm.s32 $execute0_lowered;
	[smem:$0x3FD2] =	sst s25  }
0xa6: {  	s4 =	sshll.u32 s26, $0x1;
	_ =	strace $0x8000004C;
	[dreg:$0x1] =	wrdreg $0xFFFFFFFF  }
0xa7: {  	s28 =	simm.s32 $_size_execute0_lowered;
	s2 =	sadd.s32 s2, s4;
	[dreg:$0x0] =	wrdreg $0x0  }
0xa8: {  	s4 =	sshll.u32 s28, $0x1;
	[dreg:$0x2] =	wrdreg s2  }
0xa9: {  	[dreg:$0x3] =	wrdreg s4  }
0xaa: {  	[dreg:$0x4] =	wrdreg $0xC0  }
0xab: {  	_ =	task [dreg:s6], $0x5FFFF  }
0xac: {  	[dreg:$0x1] =	wrdreg $0xFFFFFFFF  }
0xad: {  	[dreg:$0x0] =	wrdreg $0x60  }
0xae: {  	[dreg:$0x2] =	wrdreg s24  }
0xaf: {  	[dreg:$0x3] =	wrdreg $0xB4000  }
0xb0: {  	[dreg:$0x4] =	wrdreg $0x9  }
0xb1: {  	_ =	task.clear_ibuf [dreg:s6], $0x5FFFF;
	_ =	strace $0x9000004C  }
0xb2: {  	s29 =	simm.s32 $0x9;
	_ =	strace $0x8000004E  }
0xb3: {  	_ =	swait.ge [sflag:s29], $0x1  }
0xb4: {  	[sflag:s29] =	ssyncadd.s32 $0xFFFFFFFF  }
0xb5: {  	_ =	strace $0x9000004E  }
0xb6: {  	_ =	sfence  }
0xb7: {  	s30 =	sld [smem:$0x0];
	_ =	sdelay $0x2  }
0xb8: {  	s31 =	sshll.u32 s1, $0xD;
	s1 =	sshrl.u32 s1, $0x2  }
0xb9: {  	s3 =	sand.u32 $0x4000, s31;
	s1 =	sadd.s32 s1, s30  }
0xba: {  	s0 =	sor.u32 s3, s0;
	s1 =	sshll.u32 s1, $0x11  }
0xbb: {  	s0 =	sor.u32 s1, s0  }
0xbc: {  	s0 =	sadd.s32 $0x8F2B, s0  }
0xbd: {  	[sflag:s0] =	ssyncadd.remote.s32 $0x1  }
0xbe: {  	_ =	sfence.sel $0xFFFF  }
0xbf: {  	[dreg:$0x0] =	wrdreg $0xFFFFFFFF;
	(pc) =	sbr.abs _section_cstart, $3  }
0xc0: {  	[dreg:$0x1] =	wrdreg $0xFFFFFFFF  }
0xc1: {  	_ =	task.clear_ibuf [dreg:s6], $0x2FFFF;
	_ =	strace $0x9FFFFFFF  }
0xc2: {  	(tm) =	ssettm $0x7FFFFFFF  }
0xc3: {  	_ =	shalt  }
tec
execute0_lowered:
.L_overlay_start_1:
0x0: {  	(tag) =	ssettag $0x1  }
0x1: {  	s0 =	rddreg [dreg:$0x0]  }
0x2: {  	s1 =	rddreg [dreg:$0x1];
	s2 =	srdreg.scid  }
0x3: {  	s3 =	simm.s32 $0x0;
	s11 =	stileid.u32;
	s28 =	simm.s32 $0x9400  }
0x4: {  	s29 =	simm.s32 $0x1;
	s30 =	simm.s32 $0x40;
	s31 =	simm.s32 $0x2  }
0x5: {  	s2 =	sand.u32 $0x1, s2;
	[smem:$0x7FF] =	sst s3;
	s6 =	smul.u32 $0x14000, s11  }
0x6: {  	s4 =	sadd.s32 $0x54C00, s0;
	s7 =	sadd.s32 $0x4200, s0;
	s10 =	smul.u32 $0x50000, s11  }
0x7: {  	s24 =	sadd.s32 $0x554C00, s0;
	s9 =	sshll.u32 s11, $0x1;
	s16 =	smul.u32 $0x280000, s11  }
0x8: {  	s15 =	sshll.u32 s11, $0x6;
	s5 =	smul.u32 $0x140000, s2;
	_ =	strace $0x8000004D  }
0x9: {  	[dreg:$0x3] =	wrdreg s7;
	s25 =	ssub.s32 $0x2, s2;
	s2 =	sor.u32 s2, s9  }
0xa: {  	[dreg:$0x4] =	wrdreg s24;
	s8 =	sshrl.u32 s25, $0x1;
	s9 =	smul.u32 $0x140000, s2  }
0xb: {  	s14 =	sshrl.u32 s10, $0x2;
	s10 =	sor.u32 $0x1C0B, s15;
	s2 =	smul.u32 $0x5000, s2  }
0xc: {  	s15 =	simm.s32 $0x7;
	s6 =	sadd.s32 s6, s5;
	s26 =	ssub.s32 s25, s8  }
0xd: {  	s7 =	sadd.s32 s14, s1;
	s20 =	sadd.s32 s5, s16;
	s14 =	simm.s32 $0x6  }
0xe: {  	s16 =	simm.s32 $0x8;
	s8 =	simm.s32 $0x0;
	[dreg:$0x5] =	wrdreg s10  }
0xf: {  	s6 =	sshrl.u32 s6, $0x3;
	[dreg:$0x6] =	wrdreg s2;
	s17 =	sor.u32 $0x2000, s9  }
0x10: {  	s18 =	sor.u32 $0x4000, s9;
	s19 =	sor.u32 $0x6000, s9;
	s12 =	smov.u32 s9  }
0x11: {  	s13 =	sor.u32 $0x8000, s9;
	s21 =	sor.u32 $0x12000, s20;
	s5 =	sor.u32 $0xE000, s20  }
0x12: {  	s23 =	sor.u32 $0x10000, s20;
	s24 =	sor.u32 $0xC000, s20;
	[dreg:$0x7] =	wrdreg s17  }
0x13: {  	s2 =	sor.u32 $0xA000, s20;
	s7 =	sshrl.u32 s7, $0x3;
	[dreg:$0x8] =	wrdreg s18  }
0x14: {  	s0 =	sadd.s32 s6, s0;
	[dreg:$0x9] =	wrdreg s19;
	s6 =	smax.u32 s26, $0x1  }
0x15: {  	s5 =	sshrl.u32 s5, $0x3;
	s25 =	sshrl.u32 s24, $0x3;
	s2 =	sshrl.u32 s2, $0x3  }
0x16: {  	s24 =	simm.s32 $0x3400;
	s17 =	simm.s32 $0x9;
	[dreg:$0x11] =	wrdreg s7  }
0x17: {  	s18 =	simm.s32 $0xA;
	s0 =	sadd.s32 $0x557400, s0;
	[dreg:$0xb] =	wrdreg s6  }
0x18: {  	s22 =	sadd.s32 s5, s4;
	s26 =	sadd.s32 s2, s4;
	[dreg:$0xa] =	wrdreg s0  }
0x19: {  	s2 =	simm.s32 $0x4;
	s0 =	sshrl.u32 s21, $0x3;
	[dreg:$0xd] =	wrdreg s22  }
.Ltmp0:
0x1a: {  	[dreg:$0x10] =	wrdreg s26;
	s0 =	sadd.s32 s0, s4;
	(pc) =	sbr.rel .LBB2_1-.Ltmp0, $4  }
0x1b: {  	s6 =	simm.s32 $0x5;
	[dreg:$0xc] =	wrdreg s0;
	s0 =	sshrl.u32 s23, $0x3  }
0x1c: {  	s22 =	simm.s32 $0xB;
	s26 =	simm.s32 $0x7400;
	s0 =	sadd.s32 s0, s4  }
0x1d: {  	s23 =	simm.s32 $0x1400;
	[dreg:$0xe] =	wrdreg s0;
	s0 =	sadd.s32 s25, s4  }
0x1e: {  	s25 =	simm.s32 $0x5400;
	[dreg:$0xf] =	wrdreg s0;
	s0 =	simm.s32 $0x3  }
.LBB2_7:
0x1f: {  	[bflag:$0x0] =	sbarrier.arrive $0xFFFF  }
0x20: {  	s10 =	rddreg [dreg:$0x5]  }
0x21: {  	s5 =	rddreg [dreg:$0xa]  }
0x22: {  	s7 =	rddreg [dreg:$0x11]  }
0x23: {  	[hbm:s5], [sflag:s10] =	dma.local [spmem:s7], $0x2800  }
0x24: {  	_ =	swait.ge [sflag:s22], $0x2800  }
0x25: {  	s8 =	rddreg [dreg:$0x12]  }
0x26: {  	s21 =	rddreg [dreg:$0xb];
	s8 =	sadd.s32 $0x1, s8  }
0x27: {  	p0 =	sne.s32 s8, s21  }
.Ltmp1:
0x28: {  	_ = 	snop;
	(pc) =	sbr.rel @!p0 .LBB2_8-.Ltmp1, $3  }
0x29: {  	_ =	sdelay $0x1  }
0x2a: {  	[sflag:s22] =	ssyncset.done $0x0  }
0x2b: {  	[sflag:s22] =	ssyncadd.s32 $0xFFFFD800  }
.LBB2_1:
0x2c: {  	[dreg:$0x12] =	wrdreg s8  }
0x2d: {  	s5 =	rddreg [dreg:$0x4]  }
0x2e: {  	[spmem:s7], [sflag:s10] =	dma.local [hbm:s5], $0x2800  }
0x2f: {  	_ =	swait.ge [sflag:s22], $0x2800  }
0x30: {  	[sflag:s22] =	ssyncset.done $0x0  }
0x31: {  	[sflag:s22] =	ssyncadd.s32 $0xFFFFD800  }
0x32: {  	[bflag:$0x0] =	sbarrier.arrive $0xFFFF  }
.Ltmp2:
0x33: {  	s20 =	rddreg [dreg:$0x10];
	(pc) =	sbr.rel .LBB2_2-.Ltmp2, $4  }
0x34: {  	s8 =	rddreg [dreg:$0xf]  }
0x35: {  	s21 =	rddreg [dreg:$0xe]  }
0x36: {  	s19 =	rddreg [dreg:$0xd]  }
0x37: {  	s7 =	simm.s32 $0x0;
	s5 =	rddreg [dreg:$0xc]  }
.LBB2_4:
0x38: {  	_ =	swait.ge [sflag:s15], $0x2000  }
0x39: {  	[sflag:s15] =	ssyncset.done $0x0  }
0x3a: {  	[sflag:s15] =	ssyncadd.s32 $0xFFFFE000  }
0x3b: {  	_ =	swait.ge [sflag:s16], $0x2000  }
0x3c: {  	[sflag:s16] =	ssyncset.done $0x0  }
0x3d: {  	[sflag:s16] =	ssyncadd.s32 $0xFFFFE000  }
0x3e: {  	_ =	swait.ge [sflag:s17], $0x2000  }
0x3f: {  	[sflag:s17] =	ssyncset.done $0x0  }
0x40: {  	[sflag:s17] =	ssyncadd.s32 $0xFFFFE000  }
0x41: {  	_ =	swait.ge [sflag:s18], $0x2000  }
0x42: {  	[sflag:s18] =	ssyncset.done $0x0  }
0x43: {  	[sflag:s18] =	ssyncadd.s32 $0xFFFFE000  }
.LBB2_6:
0x44: {  	s7 =	sadd.s32 $0x1, s7  }
0x45: {  	p0 =	sne.s32 s7, $0x4  }
.Ltmp3:
0x46: {  	_ = 	snop;
	(pc) =	sbr.rel @!p0 .LBB2_7-.Ltmp3, $3  }
0x47: {  	_ =	sdelay $0x1  }
0x48: {  	s5 =	sadd.s32 $0xA000, s5;
	s19 =	sadd.s32 $0xA000, s19  }
0x49: {  	s21 =	sadd.s32 $0xA000, s21;
	s8 =	sadd.s32 $0xA000, s8;
	s20 =	sadd.s32 $0xA000, s20  }
.LBB2_2:
0x4a: {  	s9 =	smul.u32 $0x1400, s7  }
0x4b: {  	s10 =	rddreg [dreg:$0x6]  }
0x4c: {  	s9 =	sadd.s32 s10, s9  }
0x4d: {  	s11 =	rddreg [dreg:$0x3];
	s9 =	sshrl.u32 s9, $0x3  }
0x4e: {  	s10 =	sadd.s32 s11, s9;
	s9 =	simm.s32 $0x0;
	s11 =	smul.u32 $0x50000, s7  }
0x4f: {  	[tilespmem:s9], [sflag:$0xB] =	stream.linear.gather [hbm4b:s10+s9], $0x1400, $0x38;
	[tilespmem:$0x1F400] =	vst v63  }
0x50: {  	_ =	swait.ge [sflag:s22], $0x1400;
	s10 =	sadd.s32 s12, s11  }
0x51: {  	[sflag:s22] =	ssyncset.done $0x0;
	s10 =	sshrl.u32 s10, $0x3  }
0x52: {  	[sflag:s22] =	ssyncadd.s32 $0xFFFFEC00;
	s10 =	sadd.s32 s4, s10  }
0x53: {  	[tilespmem:s23], [sflag:$0x1] =	stream.linear.gather [hbm4b:s10+s9], $0x2000, $0x38;
	[tilespmem:$0x1F400] =	vst v63  }
0x54: {  	s10 =	rddreg [dreg:$0x7]  }
0x55: {  	s10 =	sadd.s32 s11, s10  }
0x56: {  	s10 =	sshrl.u32 s10, $0x3  }
0x57: {  	s10 =	sadd.s32 s4, s10  }
0x58: {  	[tilespmem:s24], [sflag:$0x2] =	stream.linear.gather [hbm4b:s10+s9], $0x2000, $0x38;
	[tilespmem:$0x1F400] =	vst v63  }
0x59: {  	s10 =	rddreg [dreg:$0x8]  }
0x5a: {  	s10 =	sadd.s32 s11, s10  }
0x5b: {  	s10 =	sshrl.u32 s10, $0x3  }
0x5c: {  	s10 =	sadd.s32 s4, s10  }
0x5d: {  	[tilespmem:s25], [sflag:$0x3] =	stream.linear.gather [hbm4b:s10+s9], $0x2000, $0x38;
	[tilespmem:$0x1F400] =	vst v63  }
0x5e: {  	s10 =	rddreg [dreg:$0x9]  }
0x5f: {  	s10 =	sadd.s32 s11, s10  }
0x60: {  	s10 =	sshrl.u32 s10, $0x3  }
0x61: {  	s11 =	sadd.s32 s11, s13;
	s10 =	sadd.s32 s4, s10  }
0x62: {  	[tilespmem:s26], [sflag:$0x4] =	stream.linear.gather [hbm4b:s10+s9], $0x2000, $0x38;
	[tilespmem:$0x1F400] =	vst v63  }
0x63: {  	s10 =	sshrl.u32 s11, $0x3  }
0x64: {  	s10 =	sadd.s32 s4, s10  }
0x65: {  	[tilespmem:s28], [sflag:$0x5] =	stream.linear.gather [hbm4b:s10+s9], $0x2000, $0x38;
	[tilespmem:$0x1F400] =	vst v63  }
0x66: {  	s10 =	simm.s32 $0x200  }
.LBB2_3:
0x67: {  	_ =	swait.ge [sflag:s29], $0x2000  }
0x68: {  	[sflag:s29] =	ssyncset.done $0x0  }
0x69: {  	s11 =	sadd.s32 $0xFFFFFE00, s10;
	[sflag:s29] =	ssyncadd.s32 $0xFFFFE000  }
0x6a: {  	[spmem:s1] =	stream.indirect.scatter.add.f32 [tilespmem:s23], [sflag:$0x6], $0x80, s11, s30, $0xb8;
	[tilespmem:$0x1F400] =	vst v63  }
0x6b: {  	_ =	swait.ge [sflag:s31], $0x2000  }
0x6c: {  	[sflag:s31] =	ssyncset.done $0x0  }
0x6d: {  	s11 =	sadd.s32 $0xFFFFFE80, s10;
	[sflag:s31] =	ssyncadd.s32 $0xFFFFE000  }
0x6e: {  	[spmem:s1] =	stream.indirect.scatter.add.f32 [tilespmem:s24], [sflag:$0x7], $0x80, s11, s30, $0xb8;
	[tilespmem:$0x1F400] =	vst v63  }
0x6f: {  	_ =	swait.ge [sflag:s0], $0x2000  }
0x70: {  	[sflag:s0] =	ssyncset.done $0x0  }
0x71: {  	s11 =	sadd.s32 $0xFFFFFF00, s10;
	[sflag:s0] =	ssyncadd.s32 $0xFFFFE000  }
0x72: {  	[spmem:s1] =	stream.indirect.scatter.add.f32 [tilespmem:s25], [sflag:$0x8], $0x80, s11, s30, $0xb8;
	[tilespmem:$0x1F400] =	vst v63  }
0x73: {  	_ =	swait.ge [sflag:s2], $0x2000  }
0x74: {  	[sflag:s2] =	ssyncset.done $0x0  }
0x75: {  	s11 =	sadd.s32 $0xFFFFFF80, s10;
	[sflag:s2] =	ssyncadd.s32 $0xFFFFE000  }
0x76: {  	[spmem:s1] =	stream.indirect.scatter.add.f32 [tilespmem:s26], [sflag:$0x9], $0x80, s11, s30, $0xb8;
	[tilespmem:$0x1F400] =	vst v63  }
0x77: {  	_ =	swait.ge [sflag:s6], $0x2000  }
0x78: {  	p0 =	sne.s32 s9, $0x8C00;
	[sflag:s6] =	ssyncset.done $0x0  }
.Ltmp4:
0x79: {  	[sflag:s6] =	ssyncadd.s32 $0xFFFFE000;
	(pc) =	sbr.rel @!p0 .LBB2_4-.Ltmp4, $4  }
0x7a: {  	[spmem:s1] =	stream.indirect.scatter.add.f32 [tilespmem:s28], [sflag:$0xA], $0x80, s10, s30, $0xb8;
	[tilespmem:$0x1F400] =	vst v63  }
0x7b: {  	_ =	swait.ge [sflag:s14], $0x2000  }
0x7c: {  	[sflag:s14] =	ssyncset.done $0x0  }
0x7d: {  	[sflag:s14] =	ssyncadd.s32 $0xFFFFE000  }
0x7e: {  	s11 =	sadd.s32 s9, s20  }
0x7f: {  	[tilespmem:s23], [sflag:$0x1] =	stream.linear.gather [hbm4b:s11+s3], $0x2000, $0x38;
	[tilespmem:$0x1F400] =	vst v63  }
0x80: {  	_ =	swait.ge [sflag:s15], $0x2000  }
0x81: {  	[sflag:s15] =	ssyncset.done $0x0  }
0x82: {  	s11 =	sadd.s32 s9, s8;
	[sflag:s15] =	ssyncadd.s32 $0xFFFFE000  }
0x83: {  	[tilespmem:s24], [sflag:$0x2] =	stream.linear.gather [hbm4b:s11+s3], $0x2000, $0x38;
	[tilespmem:$0x1F400] =	vst v63  }
0x84: {  	_ =	swait.ge [sflag:s16], $0x2000  }
0x85: {  	[sflag:s16] =	ssyncset.done $0x0  }
0x86: {  	s11 =	sadd.s32 s9, s19;
	[sflag:s16] =	ssyncadd.s32 $0xFFFFE000  }
0x87: {  	[tilespmem:s25], [sflag:$0x3] =	stream.linear.gather [hbm4b:s11+s3], $0x2000, $0x38;
	[tilespmem:$0x1F400] =	vst v63  }
0x88: {  	_ =	swait.ge [sflag:s17], $0x2000  }
0x89: {  	[sflag:s17] =	ssyncset.done $0x0  }
0x8a: {  	s11 =	sadd.s32 s9, s21;
	[sflag:s17] =	ssyncadd.s32 $0xFFFFE000  }
0x8b: {  	[tilespmem:s26], [sflag:$0x4] =	stream.linear.gather [hbm4b:s11+s3], $0x2000, $0x38;
	[tilespmem:$0x1F400] =	vst v63  }
0x8c: {  	s11 =	sadd.s32 s9, s5;
	s9 =	sadd.s32 $0x1400, s9  }
0x8d: {  	p0 =	sne.s32 s9, $0xA000  }
.Ltmp5:
0x8e: {  	_ = 	snop;
	(pc) =	sbr.rel @p0 .LBB2_3-.Ltmp5, $4  }
.Ltmp6:
0x8f: {  	_ =	swait.ge [sflag:s18], $0x2000;
	(pc) =	sbr.rel @!p0 .LBB2_6-.Ltmp6, $4  }
0x90: {  	[sflag:s18] =	ssyncset.done $0x0  }
0x91: {  	s10 =	sadd.s32 $0x280, s10;
	[sflag:s18] =	ssyncadd.s32 $0xFFFFE000  }
0x92: {  	[tilespmem:s28], [sflag:$0x5] =	stream.linear.gather [hbm4b:s11+s3], $0x2000, $0x38;
	[tilespmem:$0x1F400] =	vst v63  }
0x93: {  	_ = 	snop  }
.LBB2_8:
0x94: {  	_ =	sfence.sel $0x180000  }
0x95: {  	[bflag:$0x0] =	sbarrier.arrive $0xFFFF  }
0x96: {  	_ =	strace $0x9000004D  }
0x97: {  	s0 =	stileid.u32;
	[bflag:$0x2] =	sbarrier.arrive $0xFFFF  }
0x98: {  	p0 =	sne.s32 s0, $0x0;
	s0 =	rddreg [dreg:$0x2]  }
0x99: {  	s0 =	sadd.s32 @!p0 $0x100000, s0  }
0x9a: {  	[sflag:s0] =	ssyncadd.tile.s32 @!p0 $0x1;
	_ =	shalt  }
.Lfunc_end2:
_tile_overlayer_lowered:
.L_overlay_start_2:
0x9b: {  	(tag) =	ssettag $0x2  }
0x9c: {  	s0 =	rddreg [dreg:$0x0];
	s2 =	stileid.u32  }
0x9d: {  	s1 =	rddreg [dreg:$0x1];
	p0 =	sne.s32 s2, $0x0  }
0x9e: {  	s3 =	rddreg [dreg:$0x2];
	[bflag:$0x3] =	sbarrier.arrive $0xFFFF;
	s2 =	simm.s32 @!p0 $0x1C0B  }
0x9f: {  	[timem:s3], [sflag:s2] =	dma.local @!p0 [hbm:s0], s1  }
0xa0: {  	s0 =	simm.s32 @!p0 $0xB  }
0xa1: {  	_ =	swait.ge @!p0 [sflag:s0], s1  }
0xa2: {  	s1 =	ssub.s32 @!p0 $0x0, s1;
	[sflag:s0] =	ssyncset.done @!p0 $0x0  }
0xa3: {  	[sflag:s0] =	ssyncadd.s32 @!p0 s1  }
0xa4: {  	[bflag:$0x3] =	sbarrier.arrive $0xFFFF  }
0xa5: {  	_ =	shalt  }

// kernel: kernel.22.cloned.1.call-start
scs
__scs_entry_jumppad:
0x0: {  	(pc) =	sbr.rel $0x88, $3  }
0x1: {  	(tag) =	ssettag $0x0;
	lr =	simm.s32 $0x1  }
0x2: {  	[smem:$0x3F96] =	sst lr;
	_ =	strace $0xD0000000  }
0x3: {  	_ = 	snop  }
0x4: {  	_ = 	snop  }
0x5: {  	_ = 	snop  }
0x6: {  	_ = 	snop  }
0x7: {  	_ = 	snop  }
__scs_overlays_trampoline_lowered:
0x8: {  	[smem:$0x3FA5] =	sst s0  }
0x9: {  	[smem:$0x3FA6] =	sst s1  }
0xa: {  	[smem:$0x3FA7] =	sst s2  }
0xb: {  	[smem:$0x3FA8] =	sst s3  }
0xc: {  	[smem:$0x3FA9] =	sst s4  }
0xd: {  	[smem:$0x3FAA] =	sst s5  }
0xe: {  	[smem:$0x3FAB] =	sst s6  }
0xf: {  	[smem:$0x3FAC] =	sst s7  }
0x10: {  	[smem:$0x3FAD] =	sst s8  }
0x11: {  	[smem:$0x3FAE] =	sst s9;
	s0 =	simm.s32 @!p0 $0x0  }
0x12: {  	s1 =	sld [smem:$0x3F94];
	s0 =	simm.s32 @p0 $0x1  }
0x13: {  	[smem:$0x3FAF] =	sst s0;
	s0 =	simm.s32 @!p1 $0x0  }
0x14: {  	s2 =	sld [smem:$0x3F93];
	s0 =	simm.s32 @p1 $0x1  }
0x15: {  	[smem:$0x3FB0] =	sst s0;
	s0 =	simm.s32 @!p2 $0x0  }
0x16: {  	s3 =	sld [smem:$0x3FDB];
	s0 =	simm.s32 @p2 $0x1  }
0x17: {  	s4 =	simm.s32 $0x1BF5;
	[smem:$0x3FB2] =	sst s0  }
0x18: {  	s0 =	sld [smem:$0x3F95];
	_ =	swait.ge [sflag:s4], $0x0  }
0x19: {  	s7 =	sld [smem:$0x3F96]  }
0x1a: {  	s8 =	sadd.s32 $0xFFFFE003, lr  }
0x1b: {  	s9 =	sadd.s32 $0xFFFFFEF7, lr;
	s5 =	simm.s32 $0xFFFFFFFF;
	p2 =	slt.u32 s8, $0xFFFFF086  }
0x1c: {  	p1 =	slt.u32 s9, $0xF7A;
	s5 =	simm.s32 @!p2 $0x0  }
0x1d: {  	s5 =	simm.s32 @p1 $0x1;
	p0 =	seq.s32 s7, s2  }
0x1e: {  	s7 =	smul.u32 @!p0 $0xF7A, s2;
	p2 =	seq.s32 @!p0 s5, $0x0  }
0x1f: {  	s9 =	smul.u32 $0xF7A, s1;
	s8 =	simm.s32 @!p0 $0x1BF5;
	p2 =	por !p2, p0  }
0x20: {  	[sflag:s8] =	ssyncset.s32 @!p0 $0xFFFFF086;
	s6 =	sadd.s32 @!p0 s3, s7;
	s7 =	simm.s32 @!p0 $0x108  }
0x21: {  	s3 =	sadd.s32 s3, s9;
	s6 =	sadd.s32 @!p0 $0x88, s6;
	s7 =	simm.s32 @p2 $0x1082  }
0x22: {  	[simem:s7], [sflag:s8] =	dma.local @!p0 [hbm:s6], $0xF7A  }
0x23: {  	s9 =	sor.u32 $0xD0000000, s2;
	s6 =	simm.s32 $0x108;
	_ =	swait.ge @!p0 [sflag:s8], $0x0  }
0x24: {  	s3 =	sadd.s32 $0x88, s3;
	s6 =	simm.s32 @!p1 $0x1082;
	[sflag:s4] =	ssyncset.s32 $0xFFFFF086  }
0x25: {  	[simem:s6], [sflag:s4] =	dma.local [hbm:s3], $0xF7A  }
0x26: {  	[smem:$0x3F96] =	sst s1;
	(tag) =	ssettag s2;
	_ =	strace s9  }
0x27: {  	s1 =	sld [smem:$0x3FA6]  }
0x28: {  	s2 =	sld [smem:$0x3FA7]  }
0x29: {  	s4 =	sld [smem:$0x3FA9]  }
0x2a: {  	p0 =	seq.s32 s5, $0x0;
	s5 =	sld [smem:$0x3FAA]  }
0x2b: {  	s6 =	sld [smem:$0x3FAB]  }
0x2c: {  	s7 =	sld [smem:$0x3FAC]  }
0x2d: {  	s3 =	simm.s32 $0x108;
	s8 =	sld [smem:$0x3FAD]  }
0x2e: {  	s3 =	simm.s32 @!p0 $0x1082;
	s9 =	sld [smem:$0x3FAE]  }
0x2f: {  	lr =	sadd.s32 s0, s3;
	s0 =	sld [smem:$0x3FA5]  }
0x30: {  	s3 =	sld [smem:$0x3FA8]  }
0x31: {  	[smem:$0x3FB1] =	sst s10  }
0x32: {  	s10 =	sld [smem:$0x3FAF];
	_ =	sdelay $0x3  }
0x33: {  	p0 =	seq.s32 s10, $0x1;
	s10 =	sld [smem:$0x3FB1];
	_ =	sdelay $0x3  }
0x34: {  	[smem:$0x3FB1] =	sst s10  }
0x35: {  	s10 =	sld [smem:$0x3FB0];
	_ =	sdelay $0x3  }
0x36: {  	p1 =	seq.s32 s10, $0x1;
	s10 =	sld [smem:$0x3FB1];
	_ =	sdelay $0x3  }
0x37: {  	[smem:$0x3FB1] =	sst s10  }
0x38: {  	s10 =	sld [smem:$0x3FB2]  }
0x39: {  	_ = 	snop;
	(pc) =	sbr.ind lr, $3  }
0x3a: {  	_ = 	snop  }
0x3b: {  	_ = 	snop  }
0x3c: {  	p2 =	seq.s32 s10, $0x1;
	s10 =	sld [smem:$0x3FB1]  }
0x3d: {  	_ =	shalt  }
0x3e: {  	_ =	shalt  }
0x3f: {  	_ =	shalt  }
0x40: {  	_ =	shalt  }
0x41: {  	_ =	shalt  }
0x42: {  	_ =	shalt  }
0x43: {  	_ =	shalt  }
0x44: {  	_ =	shalt  }
0x45: {  	_ =	shalt  }
0x46: {  	_ =	shalt  }
0x47: {  	_ =	shalt  }
0x48: {  	_ =	shalt  }
0x49: {  	_ =	shalt  }
0x4a: {  	_ =	shalt  }
0x4b: {  	_ =	shalt  }
0x4c: {  	_ =	shalt  }
0x4d: {  	_ =	shalt  }
0x4e: {  	_ =	shalt  }
0x4f: {  	_ =	shalt  }
0x50: {  	_ =	shalt  }
0x51: {  	_ =	shalt  }
0x52: {  	_ =	shalt  }
0x53: {  	_ =	shalt  }
0x54: {  	_ =	shalt  }
0x55: {  	_ =	shalt  }
0x56: {  	_ =	shalt  }
0x57: {  	_ =	shalt  }
0x58: {  	_ =	shalt  }
0x59: {  	_ =	shalt  }
0x5a: {  	_ =	shalt  }
0x5b: {  	_ =	shalt  }
0x5c: {  	_ =	shalt  }
0x5d: {  	_ =	shalt  }
0x5e: {  	_ =	shalt  }
0x5f: {  	_ =	shalt  }
0x60: {  	_ =	shalt  }
0x61: {  	_ =	shalt  }
0x62: {  	_ =	shalt  }
0x63: {  	_ =	shalt  }
0x64: {  	_ =	shalt  }
0x65: {  	_ =	shalt  }
0x66: {  	_ =	shalt  }
0x67: {  	_ =	shalt  }
0x68: {  	_ =	shalt  }
0x69: {  	_ =	shalt  }
0x6a: {  	_ =	shalt  }
0x6b: {  	_ =	shalt  }
0x6c: {  	_ =	shalt  }
0x6d: {  	_ =	shalt  }
0x6e: {  	_ =	shalt  }
0x6f: {  	_ =	shalt  }
0x70: {  	_ =	shalt  }
0x71: {  	_ =	shalt  }
0x72: {  	_ =	shalt  }
0x73: {  	_ =	shalt  }
0x74: {  	_ =	shalt  }
0x75: {  	_ =	shalt  }
0x76: {  	_ =	shalt  }
0x77: {  	_ =	shalt  }
0x78: {  	_ =	shalt  }
0x79: {  	_ =	shalt  }
0x7a: {  	_ =	shalt  }
0x7b: {  	_ =	shalt  }
0x7c: {  	_ =	shalt  }
0x7d: {  	_ =	shalt  }
0x7e: {  	_ =	shalt  }
0x7f: {  	_ =	shalt  }
0x80: {  	_ =	shalt  }
0x81: {  	_ =	shalt  }
0x82: {  	_ =	shalt  }
0x83: {  	_ =	shalt  }
0x84: {  	_ =	shalt  }
0x85: {  	_ =	shalt  }
0x86: {  	_ =	shalt  }
0x87: {  	_ =	shalt  }
.Lfunc_end0:
.L_simem_size_0:
called_computation.3_lowered:
.L_overlay_start_0:
0x88: {  	s2 =	sld [smem:$0x3FD9]  }
0x89: {  	s3 =	sld [smem:$0x3FFE];
	_ =	sdelay $0x1  }
0x8a: {  	s1 =	srdreg.scid  }
0x8b: {  	s0 =	sand.u32 $0x1, s1  }
0x8c: {  	s16 =	sshll.u32 s0, $0xA;
	s2 =	sadd.s32 s3, s2  }
0x8d: {  	s2 =	sadd.s32 s2, s16  }
0x8e: {  	[smem:$0x3FBD] =	sst s2  }
0x8f: {  	_ = 	snop  }
0x90: {  	(tm) =	ssettm $0x1  }
0x91: {  	s17 =	sld [smem:$0x3FFB];
	_ =	sdelay $0x3  }
0x92: {  	_ =	strace s17  }
0x93: {  	s2 =	sld [smem:$0x3FFC];
	_ =	sdelay $0x3  }
0x94: {  	_ =	strace s2  }
0x95: {  	s2 =	sld [smem:$0x3FFD];
	_ =	sdelay $0x3  }
0x96: {  	_ =	strace s2  }
0x97: {  	_ =	strace $0x8FFFFFFF  }
0x98: {  	s18 =	sld [smem:$0x3FDB];
	_ =	sdelay $0x1  }
0x99: {  	s19 =	simm.s32 $_scs_section_size  }
0x9a: {  	s4 =	simm.s32 $_size__tile_overlayer_lowered;
	s5 =	simm.s32 $_tile_overlayer_lowered  }
0x9b: {  	s22 =	simm.s32 $0x1BFF;
	s21 =	sshll.u32 s5, $0x1;
	s2 =	sadd.s32 s19, s18  }
0x9c: {  	s6 =	simm.s32 $0x0;
	s20 =	sshll.u32 s4, $0x1;
	s4 =	sadd.s32 s21, s2  }
0x9d: {  	[timem:s6], [sflag:s22] =	dma.local [hbm:s4], s20  }
0x9e: {  	_ =	swait.ge [sflag:s22], s20  }
0x9f: {  	s3 =	ssub.s32 $0x0, s20;
	[sflag:s22] =	ssyncset.done $0x0  }
0xa0: {  	[sflag:s22] =	ssyncadd.s32 s3;
	_ =	sdelay $0x1  }
0xa1: {  	s23 =	simm.s32 $0x1B8B  }
0xa2: {  	_ =	swait.ge [sflag:s23], $0x1  }
0xa3: {  	[sflag:s23] =	ssyncset.done $0x0  }
0xa4: {  	s25 =	simm.s32 $0x1B8E;
	s24 =	sld [smem:$0x3FFE];
	[sflag:s23] =	ssyncadd.s32 $0xFFFFFFFF  }
0xa5: {  	s26 =	simm.s32 $execute0_lowered;
	[smem:$0x3FD2] =	sst s25  }
0xa6: {  	s4 =	sshll.u32 s26, $0x1;
	_ =	strace $0x8000004F;
	[dreg:$0x1] =	wrdreg $0xFFFFFFFF  }
0xa7: {  	s28 =	simm.s32 $_size_execute0_lowered;
	s2 =	sadd.s32 s2, s4;
	[dreg:$0x0] =	wrdreg $0x0  }
0xa8: {  	s4 =	sshll.u32 s28, $0x1;
	[dreg:$0x2] =	wrdreg s2  }
0xa9: {  	[dreg:$0x3] =	wrdreg s4  }
0xaa: {  	[dreg:$0x4] =	wrdreg $0xC0  }
0xab: {  	_ =	task [dreg:s6], $0x5FFFF  }
0xac: {  	[dreg:$0x1] =	wrdreg $0xFFFFFFFF  }
0xad: {  	[dreg:$0x0] =	wrdreg $0x60  }
0xae: {  	[dreg:$0x2] =	wrdreg s24  }
0xaf: {  	[dreg:$0x3] =	wrdreg $0xB4000  }
0xb0: {  	[dreg:$0x4] =	wrdreg $0x9  }
0xb1: {  	_ =	task.clear_ibuf [dreg:s6], $0x5FFFF;
	_ =	strace $0x9000004F  }
0xb2: {  	s29 =	simm.s32 $0x9;
	_ =	strace $0x80000051  }
0xb3: {  	_ =	swait.ge [sflag:s29], $0x1  }
0xb4: {  	[sflag:s29] =	ssyncadd.s32 $0xFFFFFFFF  }
0xb5: {  	_ =	strace $0x90000051  }
0xb6: {  	_ =	sfence  }
0xb7: {  	s30 =	sld [smem:$0x0];
	_ =	sdelay $0x2  }
0xb8: {  	s31 =	sshll.u32 s1, $0xD;
	s1 =	sshrl.u32 s1, $0x2  }
0xb9: {  	s3 =	sand.u32 $0x4000, s31;
	s1 =	sadd.s32 s1, s30  }
0xba: {  	s0 =	sor.u32 s3, s0;
	s1 =	sshll.u32 s1, $0x11  }
0xbb: {  	s0 =	sor.u32 s1, s0  }
0xbc: {  	s0 =	sadd.s32 $0x8F2B, s0  }
0xbd: {  	[sflag:s0] =	ssyncadd.remote.s32 $0x1  }
0xbe: {  	_ =	sfence.sel $0xFFFF  }
0xbf: {  	[dreg:$0x0] =	wrdreg $0xFFFFFFFF;
	(pc) =	sbr.abs _section_cstart, $3  }
0xc0: {  	[dreg:$0x1] =	wrdreg $0xFFFFFFFF  }
0xc1: {  	_ =	task.clear_ibuf [dreg:s6], $0x2FFFF;
	_ =	strace $0x9FFFFFFF  }
0xc2: {  	(tm) =	ssettm $0x7FFFFFFF  }
0xc3: {  	_ =	shalt  }
tec
execute0_lowered:
.L_overlay_start_1:
0x0: {  	(tag) =	ssettag $0x1  }
0x1: {  	s0 =	rddreg [dreg:$0x0]  }
0x2: {  	s2 =	rddreg [dreg:$0x1];
	s3 =	simm.s32 $0x0  }
0x3: {  	s10 =	stileid.u32;
	s4 =	srdreg.scid;
	s28 =	simm.s32 $0x2  }
0x4: {  	s29 =	simm.s32 $0x3;
	s30 =	simm.s32 $0x4;
	s1 =	smul.u32 $0x2800, s10  }
0x5: {  	s31 =	simm.s32 $0x5;
	[smem:$0x7FF] =	sst s3;
	s5 =	smul.u32 $0x50000, s10  }
0x6: {  	s4 =	sand.u32 $0x1, s4;
	s6 =	sadd.s32 $0x18C00, s0;
	s7 =	smul.u32 $0x280000, s10  }
0x7: {  	s13 =	sshll.u32 s10, $0x1;
	s14 =	sshll.u32 s10, $0x6;
	_ =	strace $0x80000050  }
0x8: {  	[dreg:$0x3] =	wrdreg s6;
	s12 =	ssub.s32 $0x2, s4;
	s9 =	smul.u32 $0x140000, s4  }
0x9: {  	s4 =	sor.u32 s4, s13;
	s1 =	sadd.s32 s1, s0;
	s0 =	sadd.s32 $0x54C00, s0  }
0xa: {  	s8 =	sshrl.u32 s12, $0x1;
	s5 =	sshrl.u32 s5, $0x2;
	s16 =	smul.u32 $0x5000, s4  }
0xb: {  	s6 =	ssub.s32 s12, s8;
	s5 =	sadd.s32 s5, s2;
	s1 =	sadd.s32 $0x2CC00, s1  }
0xc: {  	s7 =	sadd.s32 s9, s7;
	s8 =	simm.s32 $0xA;
	[dreg:$0x4] =	wrdreg s1  }
0xd: {  	s15 =	sor.u32 $0x8000, s7;
	s1 =	sor.u32 $0x1C0B, s14;
	[dreg:$0x6] =	wrdreg s16  }
0xe: {  	s18 =	smax.u32 s6, $0x1;
	s19 =	sor.u32 $0x6000, s7;
	s20 =	sor.u32 $0x4000, s7  }
0xf: {  	s21 =	sor.u32 $0x2000, s7;
	s25 =	sshrl.u32 s7, $0x3;
	s26 =	sshrl.u32 s5, $0x3  }
0x10: {  	s16 =	simm.s32 $0x40;
	s5 =	simm.s32 $0x8;
	s6 =	simm.s32 $0x9  }
0x11: {  	s7 =	simm.s32 $0x0;
	[dreg:$0x5] =	wrdreg s1;
	s17 =	sshrl.u32 s15, $0x3  }
0x12: {  	[dreg:$0x7] =	wrdreg s18;
	s22 =	sshrl.u32 s20, $0x3;
	s23 =	sshrl.u32 s21, $0x3  }
0x13: {  	[dreg:$0xd] =	wrdreg s26;
	s21 =	simm.s32 $0x5400;
	s26 =	simm.s32 $0x1  }
0x14: {  	s1 =	sadd.s32 s17, s0;
	s24 =	sadd.s32 s23, s0;
	s17 =	simm.s32 $0x1400  }
.Ltmp0:
0x15: {  	[dreg:$0x8] =	wrdreg s1;
	s1 =	sshrl.u32 s19, $0x3;
	(pc) =	sbr.rel .LBB2_1-.Ltmp0, $4  }
0x16: {  	s23 =	simm.s32 $0x7400;
	[dreg:$0xb] =	wrdreg s24;
	s1 =	sadd.s32 s1, s0  }
0x17: {  	s19 =	simm.s32 $0x3400;
	[dreg:$0x9] =	wrdreg s1;
	s1 =	sadd.s32 s22, s0  }
0x18: {  	s0 =	sadd.s32 s25, s0;
	s25 =	simm.s32 $0x9400;
	[dreg:$0xa] =	wrdreg s1  }
0x19: {  	[dreg:$0xc] =	wrdreg s0;
	s0 =	simm.s32 $0x6;
	s1 =	simm.s32 $0x7  }
.LBB2_7:
0x1a: {  	s7 =	rddreg [dreg:$0xe]  }
0x1b: {  	s4 =	rddreg [dreg:$0x7];
	s7 =	sadd.s32 $0x1, s7  }
0x1c: {  	p0 =	sne.s32 s7, s4  }
.Ltmp1:
0x1d: {  	_ = 	snop;
	(pc) =	sbr.rel @!p0 .LBB2_8-.Ltmp1, $1  }
0x1e: {  	_ =	sdelay $0x3  }
.LBB2_1:
0x1f: {  	[dreg:$0xe] =	wrdreg s7  }
0x20: {  	s4 =	rddreg [dreg:$0x4]  }
0x21: {  	s22 =	rddreg [dreg:$0x5]  }
0x22: {  	s9 =	rddreg [dreg:$0xd];
	s24 =	simm.s32 $0xB  }
0x23: {  	[spmem:s9], [sflag:s22] =	dma.local [hbm:s4], $0x2800  }
0x24: {  	_ =	swait.ge [sflag:s24], $0x2800  }
0x25: {  	[sflag:s24] =	ssyncset.done $0x0  }
0x26: {  	[sflag:s24] =	ssyncadd.s32 $0xFFFFD800  }
0x27: {  	[bflag:$0x0] =	sbarrier.arrive $0xFFFF  }
.Ltmp2:
0x28: {  	s13 =	rddreg [dreg:$0xc];
	(pc) =	sbr.rel .LBB2_2-.Ltmp2, $4  }
0x29: {  	s22 =	rddreg [dreg:$0xb]  }
0x2a: {  	s24 =	rddreg [dreg:$0xa]  }
0x2b: {  	s4 =	rddreg [dreg:$0x9]  }
0x2c: {  	s9 =	simm.s32 $0x0;
	s7 =	rddreg [dreg:$0x8]  }
.LBB2_4:
0x2d: {  	_ =	swait.ge [sflag:s1], $0x2000  }
0x2e: {  	[sflag:s1] =	ssyncset.done $0x0  }
0x2f: {  	[sflag:s1] =	ssyncadd.s32 $0xFFFFE000  }
0x30: {  	_ =	swait.ge [sflag:s5], $0x2000  }
0x31: {  	[sflag:s5] =	ssyncset.done $0x0  }
0x32: {  	[sflag:s5] =	ssyncadd.s32 $0xFFFFE000  }
0x33: {  	_ =	swait.ge [sflag:s6], $0x2000  }
0x34: {  	[sflag:s6] =	ssyncset.done $0x0  }
0x35: {  	[sflag:s6] =	ssyncadd.s32 $0xFFFFE000  }
0x36: {  	_ =	swait.ge [sflag:s8], $0x2000  }
0x37: {  	[sflag:s8] =	ssyncset.done $0x0  }
0x38: {  	[sflag:s8] =	ssyncadd.s32 $0xFFFFE000  }
.LBB2_6:
0x39: {  	s9 =	sadd.s32 $0x1, s9  }
0x3a: {  	p0 =	sne.s32 s9, $0x4  }
.Ltmp3:
0x3b: {  	_ = 	snop;
	(pc) =	sbr.rel @!p0 .LBB2_7-.Ltmp3, $3  }
0x3c: {  	_ =	sdelay $0x1  }
0x3d: {  	s7 =	sadd.s32 $0xA000, s7;
	s4 =	sadd.s32 $0xA000, s4;
	s13 =	rddreg [dreg:$0xf]  }
0x3e: {  	s24 =	sadd.s32 $0xA000, s24;
	s22 =	sadd.s32 $0xA000, s22;
	s13 =	sadd.s32 $0xA000, s13  }
.LBB2_2:
0x3f: {  	s10 =	smul.u32 $0x1400, s9  }
0x40: {  	s11 =	rddreg [dreg:$0x6]  }
0x41: {  	s10 =	sadd.s32 s11, s10  }
0x42: {  	s20 =	rddreg [dreg:$0x3];
	s10 =	sshrl.u32 s10, $0x3  }
0x43: {  	s18 =	simm.s32 $0x0;
	s11 =	simm.s32 $0xB;
	s10 =	sadd.s32 s20, s10  }
0x44: {  	[tilespmem:s18], [sflag:$0xB] =	stream.linear.gather [hbm4b:s10+s18], $0x1400, $0x38;
	[tilespmem:$0x1F400] =	vst v63  }
0x45: {  	_ =	swait.ge [sflag:s11], $0x1400  }
0x46: {  	[sflag:s11] =	ssyncset.done $0x0  }
0x47: {  	[sflag:s11] =	ssyncadd.s32 $0xFFFFEC00  }
0x48: {  	[tilespmem:s17], [sflag:$0x1] =	stream.indirect.gather [spmem:s2], $0x80, s18, s16, $0xb8;
	[tilespmem:$0x1F400] =	vst v63  }
0x49: {  	s12 =	simm.s32 $0x80  }
0x4a: {  	[tilespmem:s19], [sflag:$0x2] =	stream.indirect.gather [spmem:s2], $0x80, s12, s16, $0xb8;
	[tilespmem:$0x1F400] =	vst v63  }
0x4b: {  	s14 =	simm.s32 $0x100;
	s15 =	simm.s32 $0x180  }
0x4c: {  	[tilespmem:s21], [sflag:$0x3] =	stream.indirect.gather [spmem:s2], $0x80, s14, s16, $0xb8;
	[tilespmem:$0x1F400] =	vst v63  }
0x4d: {  	s20 =	simm.s32 $0x200;
	s10 =	smov.u32 s7;
	[dreg:$0xf] =	wrdreg s13  }
0x4e: {  	[tilespmem:s23], [sflag:$0x4] =	stream.indirect.gather [spmem:s2], $0x80, s15, s16, $0xb8;
	[tilespmem:$0x1F400] =	vst v63  }
0x4f: {  	s11 =	smov.u32 s24;
	s12 =	smov.u32 s22;
	s14 =	smov.u32 s4  }
0x50: {  	[tilespmem:s25], [sflag:$0x5] =	stream.indirect.gather [spmem:s2], $0x80, s20, s16, $0xb8;
	[tilespmem:$0x1F400] =	vst v63  }
.LBB2_3:
0x51: {  	_ =	swait.ge [sflag:s26], $0x2000  }
0x52: {  	[sflag:s26] =	ssyncset.done $0x0  }
0x53: {  	[sflag:s26] =	ssyncadd.s32 $0xFFFFE000  }
0x54: {  	[hbm4b:s13+s3] =	stream.linear.scatter [tilespmem:s17], [sflag:$0x6], $0x2000, $0x38;
	[tilespmem:$0x1F400] =	vst v63  }
0x55: {  	_ =	swait.ge [sflag:s28], $0x2000  }
0x56: {  	[sflag:s28] =	ssyncset.done $0x0  }
0x57: {  	[sflag:s28] =	ssyncadd.s32 $0xFFFFE000  }
0x58: {  	[hbm4b:s12+s3] =	stream.linear.scatter [tilespmem:s19], [sflag:$0x7], $0x2000, $0x38;
	[tilespmem:$0x1F400] =	vst v63  }
0x59: {  	_ =	swait.ge [sflag:s29], $0x2000  }
0x5a: {  	[sflag:s29] =	ssyncset.done $0x0  }
0x5b: {  	[sflag:s29] =	ssyncadd.s32 $0xFFFFE000  }
0x5c: {  	[hbm4b:s11+s3] =	stream.linear.scatter [tilespmem:s21], [sflag:$0x8], $0x2000, $0x38;
	[tilespmem:$0x1F400] =	vst v63  }
0x5d: {  	_ =	swait.ge [sflag:s30], $0x2000  }
0x5e: {  	[sflag:s30] =	ssyncset.done $0x0  }
0x5f: {  	[sflag:s30] =	ssyncadd.s32 $0xFFFFE000  }
0x60: {  	[hbm4b:s14+s3] =	stream.linear.scatter [tilespmem:s23], [sflag:$0x9], $0x2000, $0x38;
	[tilespmem:$0x1F400] =	vst v63  }
0x61: {  	_ =	swait.ge [sflag:s31], $0x2000  }
0x62: {  	p0 =	sne.s32 s18, $0x4600;
	[sflag:s31] =	ssyncset.done $0x0  }
.Ltmp4:
0x63: {  	[sflag:s31] =	ssyncadd.s32 $0xFFFFE000;
	(pc) =	sbr.rel @!p0 .LBB2_4-.Ltmp4, $4  }
0x64: {  	[hbm4b:s10+s3] =	stream.linear.scatter [tilespmem:s25], [sflag:$0xA], $0x2000, $0x38;
	[tilespmem:$0x1F400] =	vst v63  }
0x65: {  	_ =	swait.ge [sflag:s0], $0x2000  }
0x66: {  	[sflag:s0] =	ssyncset.done $0x0  }
0x67: {  	[sflag:s0] =	ssyncadd.s32 $0xFFFFE000  }
0x68: {  	s15 =	sshra.s32 s18, $0x2  }
0x69: {  	s20 =	sadd.s32 $0x280, s15  }
0x6a: {  	[tilespmem:s17], [sflag:$0x1] =	stream.indirect.gather [spmem:s2], $0x80, s20, s16, $0xb8;
	[tilespmem:$0x1F400] =	vst v63  }
0x6b: {  	_ =	swait.ge [sflag:s1], $0x2000  }
0x6c: {  	[sflag:s1] =	ssyncset.done $0x0  }
0x6d: {  	s20 =	sadd.s32 $0x300, s15;
	[sflag:s1] =	ssyncadd.s32 $0xFFFFE000  }
0x6e: {  	[tilespmem:s19], [sflag:$0x2] =	stream.indirect.gather [spmem:s2], $0x80, s20, s16, $0xb8;
	[tilespmem:$0x1F400] =	vst v63  }
0x6f: {  	_ =	swait.ge [sflag:s5], $0x2000  }
0x70: {  	[sflag:s5] =	ssyncset.done $0x0  }
0x71: {  	s20 =	sadd.s32 $0x380, s15;
	[sflag:s5] =	ssyncadd.s32 $0xFFFFE000  }
0x72: {  	[tilespmem:s21], [sflag:$0x3] =	stream.indirect.gather [spmem:s2], $0x80, s20, s16, $0xb8;
	[tilespmem:$0x1F400] =	vst v63  }
0x73: {  	_ =	swait.ge [sflag:s6], $0x2000  }
0x74: {  	s18 =	sadd.s32 $0xA00, s18;
	[sflag:s6] =	ssyncset.done $0x0  }
0x75: {  	p0 =	sne.s32 s18, $0x5000;
	s20 =	sadd.s32 $0x400, s15;
	[sflag:s6] =	ssyncadd.s32 $0xFFFFE000  }
0x76: {  	[tilespmem:s23], [sflag:$0x4] =	stream.indirect.gather [spmem:s2], $0x80, s20, s16, $0xb8;
	[tilespmem:$0x1F400] =	vst v63  }
.Ltmp5:
0x77: {  	s10 =	sadd.s32 $0x1400, s10;
	(pc) =	sbr.rel @p0 .LBB2_3-.Ltmp5, $4  }
.Ltmp6:
0x78: {  	s14 =	sadd.s32 $0x1400, s14;
	_ =	swait.ge [sflag:s8], $0x2000;
	(pc) =	sbr.rel @!p0 .LBB2_6-.Ltmp6, $4  }
0x79: {  	s11 =	sadd.s32 $0x1400, s11;
	s12 =	sadd.s32 $0x1400, s12;
	[sflag:s8] =	ssyncset.done $0x0  }
0x7a: {  	s13 =	sadd.s32 $0x1400, s13;
	s15 =	sadd.s32 $0x480, s15;
	[sflag:s8] =	ssyncadd.s32 $0xFFFFE000  }
0x7b: {  	[tilespmem:s25], [sflag:$0x5] =	stream.indirect.gather [spmem:s2], $0x80, s15, s16, $0xb8;
	[tilespmem:$0x1F400] =	vst v63  }
0x7c: {  	_ = 	snop  }
.LBB2_8:
0x7d: {  	_ =	sfence.sel $0x180000  }
0x7e: {  	[bflag:$0x0] =	sbarrier.arrive $0xFFFF  }
0x7f: {  	_ =	strace $0x90000050  }
0x80: {  	s0 =	stileid.u32;
	[bflag:$0x2] =	sbarrier.arrive $0xFFFF  }
0x81: {  	p0 =	sne.s32 s0, $0x0;
	s0 =	rddreg [dreg:$0x2]  }
0x82: {  	s0 =	sadd.s32 @!p0 $0x100000, s0  }
0x83: {  	[sflag:s0] =	ssyncadd.tile.s32 @!p0 $0x1;
	_ =	shalt  }
.Lfunc_end2:
_tile_overlayer_lowered:
.L_overlay_start_2:
0x84: {  	(tag) =	ssettag $0x2  }
0x85: {  	s0 =	rddreg [dreg:$0x0];
	s2 =	stileid.u32  }
0x86: {  	s1 =	rddreg [dreg:$0x1];
	p0 =	sne.s32 s2, $0x0  }
0x87: {  	s3 =	rddreg [dreg:$0x2];
	[bflag:$0x3] =	sbarrier.arrive $0xFFFF;
	s2 =	simm.s32 @!p0 $0x1C0B  }
0x88: {  	[timem:s3], [sflag:s2] =	dma.local @!p0 [hbm:s0], s1  }
0x89: {  	s0 =	simm.s32 @!p0 $0xB  }
0x8a: {  	_ =	swait.ge @!p0 [sflag:s0], s1  }
0x8b: {  	s1 =	ssub.s32 @!p0 $0x0, s1;
	[sflag:s0] =	ssyncset.done @!p0 $0x0  }
0x8c: {  	[sflag:s0] =	ssyncadd.s32 @!p0 s1  }
0x8d: {  	[bflag:$0x3] =	sbarrier.arrive $0xFFFF  }
0x8e: {  	_ =	shalt  }

// kernel: kernel.25.cloned.1.call-start
scs
__scs_entry_jumppad:
0x0: {  	(pc) =	sbr.rel $0x88, $3  }
0x1: {  	(tag) =	ssettag $0x0;
	lr =	simm.s32 $0x1  }
0x2: {  	[smem:$0x3F96] =	sst lr;
	_ =	strace $0xD0000000  }
0x3: {  	_ = 	snop  }
0x4: {  	_ = 	snop  }
0x5: {  	_ = 	snop  }
0x6: {  	_ = 	snop  }
0x7: {  	_ = 	snop  }
__scs_overlays_trampoline_lowered:
0x8: {  	[smem:$0x3FA5] =	sst s0  }
0x9: {  	[smem:$0x3FA6] =	sst s1  }
0xa: {  	[smem:$0x3FA7] =	sst s2  }
0xb: {  	[smem:$0x3FA8] =	sst s3  }
0xc: {  	[smem:$0x3FA9] =	sst s4  }
0xd: {  	[smem:$0x3FAA] =	sst s5  }
0xe: {  	[smem:$0x3FAB] =	sst s6  }
0xf: {  	[smem:$0x3FAC] =	sst s7  }
0x10: {  	[smem:$0x3FAD] =	sst s8  }
0x11: {  	[smem:$0x3FAE] =	sst s9;
	s0 =	simm.s32 @!p0 $0x0  }
0x12: {  	s1 =	sld [smem:$0x3F94];
	s0 =	simm.s32 @p0 $0x1  }
0x13: {  	[smem:$0x3FAF] =	sst s0;
	s0 =	simm.s32 @!p1 $0x0  }
0x14: {  	s2 =	sld [smem:$0x3F93];
	s0 =	simm.s32 @p1 $0x1  }
0x15: {  	[smem:$0x3FB0] =	sst s0;
	s0 =	simm.s32 @!p2 $0x0  }
0x16: {  	s3 =	sld [smem:$0x3FDB];
	s0 =	simm.s32 @p2 $0x1  }
0x17: {  	s4 =	simm.s32 $0x1BF5;
	[smem:$0x3FB2] =	sst s0  }
0x18: {  	s0 =	sld [smem:$0x3F95];
	_ =	swait.ge [sflag:s4], $0x0  }
0x19: {  	s7 =	sld [smem:$0x3F96]  }
0x1a: {  	s8 =	sadd.s32 $0xFFFFE003, lr  }
0x1b: {  	s9 =	sadd.s32 $0xFFFFFEF7, lr;
	s5 =	simm.s32 $0xFFFFFFFF;
	p2 =	slt.u32 s8, $0xFFFFF086  }
0x1c: {  	p1 =	slt.u32 s9, $0xF7A;
	s5 =	simm.s32 @!p2 $0x0  }
0x1d: {  	s5 =	simm.s32 @p1 $0x1;
	p0 =	seq.s32 s7, s2  }
0x1e: {  	s7 =	smul.u32 @!p0 $0xF7A, s2;
	p2 =	seq.s32 @!p0 s5, $0x0  }
0x1f: {  	s9 =	smul.u32 $0xF7A, s1;
	s8 =	simm.s32 @!p0 $0x1BF5;
	p2 =	por !p2, p0  }
0x20: {  	[sflag:s8] =	ssyncset.s32 @!p0 $0xFFFFF086;
	s6 =	sadd.s32 @!p0 s3, s7;
	s7 =	simm.s32 @!p0 $0x108  }
0x21: {  	s3 =	sadd.s32 s3, s9;
	s6 =	sadd.s32 @!p0 $0x88, s6;
	s7 =	simm.s32 @p2 $0x1082  }
0x22: {  	[simem:s7], [sflag:s8] =	dma.local @!p0 [hbm:s6], $0xF7A  }
0x23: {  	s9 =	sor.u32 $0xD0000000, s2;
	s6 =	simm.s32 $0x108;
	_ =	swait.ge @!p0 [sflag:s8], $0x0  }
0x24: {  	s3 =	sadd.s32 $0x88, s3;
	s6 =	simm.s32 @!p1 $0x1082;
	[sflag:s4] =	ssyncset.s32 $0xFFFFF086  }
0x25: {  	[simem:s6], [sflag:s4] =	dma.local [hbm:s3], $0xF7A  }
0x26: {  	[smem:$0x3F96] =	sst s1;
	(tag) =	ssettag s2;
	_ =	strace s9  }
0x27: {  	s1 =	sld [smem:$0x3FA6]  }
0x28: {  	s2 =	sld [smem:$0x3FA7]  }
0x29: {  	s4 =	sld [smem:$0x3FA9]  }
0x2a: {  	p0 =	seq.s32 s5, $0x0;
	s5 =	sld [smem:$0x3FAA]  }
0x2b: {  	s6 =	sld [smem:$0x3FAB]  }
0x2c: {  	s7 =	sld [smem:$0x3FAC]  }
0x2d: {  	s3 =	simm.s32 $0x108;
	s8 =	sld [smem:$0x3FAD]  }
0x2e: {  	s3 =	simm.s32 @!p0 $0x1082;
	s9 =	sld [smem:$0x3FAE]  }
0x2f: {  	lr =	sadd.s32 s0, s3;
	s0 =	sld [smem:$0x3FA5]  }
0x30: {  	s3 =	sld [smem:$0x3FA8]  }
0x31: {  	[smem:$0x3FB1] =	sst s10  }
0x32: {  	s10 =	sld [smem:$0x3FAF];
	_ =	sdelay $0x3  }
0x33: {  	p0 =	seq.s32 s10, $0x1;
	s10 =	sld [smem:$0x3FB1];
	_ =	sdelay $0x3  }
0x34: {  	[smem:$0x3FB1] =	sst s10  }
0x35: {  	s10 =	sld [smem:$0x3FB0];
	_ =	sdelay $0x3  }
0x36: {  	p1 =	seq.s32 s10, $0x1;
	s10 =	sld [smem:$0x3FB1];
	_ =	sdelay $0x3  }
0x37: {  	[smem:$0x3FB1] =	sst s10  }
0x38: {  	s10 =	sld [smem:$0x3FB2]  }
0x39: {  	_ = 	snop;
	(pc) =	sbr.ind lr, $3  }
0x3a: {  	_ = 	snop  }
0x3b: {  	_ = 	snop  }
0x3c: {  	p2 =	seq.s32 s10, $0x1;
	s10 =	sld [smem:$0x3FB1]  }
0x3d: {  	_ =	shalt  }
0x3e: {  	_ =	shalt  }
0x3f: {  	_ =	shalt  }
0x40: {  	_ =	shalt  }
0x41: {  	_ =	shalt  }
0x42: {  	_ =	shalt  }
0x43: {  	_ =	shalt  }
0x44: {  	_ =	shalt  }
0x45: {  	_ =	shalt  }
0x46: {  	_ =	shalt  }
0x47: {  	_ =	shalt  }
0x48: {  	_ =	shalt  }
0x49: {  	_ =	shalt  }
0x4a: {  	_ =	shalt  }
0x4b: {  	_ =	shalt  }
0x4c: {  	_ =	shalt  }
0x4d: {  	_ =	shalt  }
0x4e: {  	_ =	shalt  }
0x4f: {  	_ =	shalt  }
0x50: {  	_ =	shalt  }
0x51: {  	_ =	shalt  }
0x52: {  	_ =	shalt  }
0x53: {  	_ =	shalt  }
0x54: {  	_ =	shalt  }
0x55: {  	_ =	shalt  }
0x56: {  	_ =	shalt  }
0x57: {  	_ =	shalt  }
0x58: {  	_ =	shalt  }
0x59: {  	_ =	shalt  }
0x5a: {  	_ =	shalt  }
0x5b: {  	_ =	shalt  }
0x5c: {  	_ =	shalt  }
0x5d: {  	_ =	shalt  }
0x5e: {  	_ =	shalt  }
0x5f: {  	_ =	shalt  }
0x60: {  	_ =	shalt  }
0x61: {  	_ =	shalt  }
0x62: {  	_ =	shalt  }
0x63: {  	_ =	shalt  }
0x64: {  	_ =	shalt  }
0x65: {  	_ =	shalt  }
0x66: {  	_ =	shalt  }
0x67: {  	_ =	shalt  }
0x68: {  	_ =	shalt  }
0x69: {  	_ =	shalt  }
0x6a: {  	_ =	shalt  }
0x6b: {  	_ =	shalt  }
0x6c: {  	_ =	shalt  }
0x6d: {  	_ =	shalt  }
0x6e: {  	_ =	shalt  }
0x6f: {  	_ =	shalt  }
0x70: {  	_ =	shalt  }
0x71: {  	_ =	shalt  }
0x72: {  	_ =	shalt  }
0x73: {  	_ =	shalt  }
0x74: {  	_ =	shalt  }
0x75: {  	_ =	shalt  }
0x76: {  	_ =	shalt  }
0x77: {  	_ =	shalt  }
0x78: {  	_ =	shalt  }
0x79: {  	_ =	shalt  }
0x7a: {  	_ =	shalt  }
0x7b: {  	_ =	shalt  }
0x7c: {  	_ =	shalt  }
0x7d: {  	_ =	shalt  }
0x7e: {  	_ =	shalt  }
0x7f: {  	_ =	shalt  }
0x80: {  	_ =	shalt  }
0x81: {  	_ =	shalt  }
0x82: {  	_ =	shalt  }
0x83: {  	_ =	shalt  }
0x84: {  	_ =	shalt  }
0x85: {  	_ =	shalt  }
0x86: {  	_ =	shalt  }
0x87: {  	_ =	shalt  }
.Lfunc_end0:
.L_simem_size_0:
called_computation.4_lowered:
.L_overlay_start_0:
0x88: {  	s2 =	sld [smem:$0x3FD9]  }
0x89: {  	s3 =	sld [smem:$0x3FFE];
	_ =	sdelay $0x1  }
0x8a: {  	s1 =	srdreg.scid  }
0x8b: {  	s0 =	sand.u32 $0x1, s1  }
0x8c: {  	s16 =	sshll.u32 s0, $0xA;
	s2 =	sadd.s32 s3, s2  }
0x8d: {  	s2 =	sadd.s32 s2, s16  }
0x8e: {  	[smem:$0x3FBD] =	sst s2  }
0x8f: {  	_ = 	snop  }
0x90: {  	(tm) =	ssettm $0x1  }
0x91: {  	s17 =	sld [smem:$0x3FFB];
	_ =	sdelay $0x3  }
0x92: {  	_ =	strace s17  }
0x93: {  	s2 =	sld [smem:$0x3FFC];
	_ =	sdelay $0x3  }
0x94: {  	_ =	strace s2  }
0x95: {  	s2 =	sld [smem:$0x3FFD];
	_ =	sdelay $0x3  }
0x96: {  	_ =	strace s2  }
0x97: {  	_ =	strace $0x8FFFFFFF  }
0x98: {  	s18 =	sld [smem:$0x3FDB];
	_ =	sdelay $0x1  }
0x99: {  	s19 =	simm.s32 $_scs_section_size  }
0x9a: {  	s4 =	simm.s32 $_size__tile_overlayer_lowered;
	s5 =	simm.s32 $_tile_overlayer_lowered  }
0x9b: {  	s22 =	simm.s32 $0x1BFF;
	s21 =	sshll.u32 s5, $0x1;
	s2 =	sadd.s32 s19, s18  }
0x9c: {  	s6 =	simm.s32 $0x0;
	s20 =	sshll.u32 s4, $0x1;
	s4 =	sadd.s32 s21, s2  }
0x9d: {  	[timem:s6], [sflag:s22] =	dma.local [hbm:s4], s20  }
0x9e: {  	_ =	swait.ge [sflag:s22], s20  }
0x9f: {  	s3 =	ssub.s32 $0x0, s20;
	[sflag:s22] =	ssyncset.done $0x0  }
0xa0: {  	[sflag:s22] =	ssyncadd.s32 s3;
	_ =	sdelay $0x1  }
0xa1: {  	s23 =	simm.s32 $0x1B8B  }
0xa2: {  	_ =	swait.ge [sflag:s23], $0x1  }
0xa3: {  	[sflag:s23] =	ssyncset.done $0x0  }
0xa4: {  	s25 =	simm.s32 $0x1B8E;
	s24 =	sld [smem:$0x3FFE];
	[sflag:s23] =	ssyncadd.s32 $0xFFFFFFFF  }
0xa5: {  	s26 =	simm.s32 $execute0_lowered;
	[smem:$0x3FD2] =	sst s25  }
0xa6: {  	s4 =	sshll.u32 s26, $0x1;
	_ =	strace $0x80000052;
	[dreg:$0x1] =	wrdreg $0xFFFFFFFF  }
0xa7: {  	s28 =	simm.s32 $_size_execute0_lowered;
	s2 =	sadd.s32 s2, s4;
	[dreg:$0x0] =	wrdreg $0x0  }
0xa8: {  	s4 =	sshll.u32 s28, $0x1;
	[dreg:$0x2] =	wrdreg s2  }
0xa9: {  	[dreg:$0x3] =	wrdreg s4  }
0xaa: {  	[dreg:$0x4] =	wrdreg $0xC0  }
0xab: {  	_ =	task [dreg:s6], $0x5FFFF  }
0xac: {  	[dreg:$0x1] =	wrdreg $0xFFFFFFFF  }
0xad: {  	[dreg:$0x0] =	wrdreg $0x60  }
0xae: {  	[dreg:$0x2] =	wrdreg s24  }
0xaf: {  	[dreg:$0x3] =	wrdreg $0xB4000  }
0xb0: {  	[dreg:$0x4] =	wrdreg $0x9  }
0xb1: {  	_ =	task.clear_ibuf [dreg:s6], $0x5FFFF;
	_ =	strace $0x90000052  }
0xb2: {  	s29 =	simm.s32 $0x9;
	_ =	strace $0x80000054  }
0xb3: {  	_ =	swait.ge [sflag:s29], $0x1  }
0xb4: {  	[sflag:s29] =	ssyncadd.s32 $0xFFFFFFFF  }
0xb5: {  	_ =	strace $0x90000054  }
0xb6: {  	_ =	sfence  }
0xb7: {  	s30 =	sld [smem:$0x0];
	_ =	sdelay $0x2  }
0xb8: {  	s31 =	sshll.u32 s1, $0xD;
	s1 =	sshrl.u32 s1, $0x2  }
0xb9: {  	s3 =	sand.u32 $0x4000, s31;
	s1 =	sadd.s32 s1, s30  }
0xba: {  	s0 =	sor.u32 s3, s0;
	s1 =	sshll.u32 s1, $0x11  }
0xbb: {  	s0 =	sor.u32 s1, s0  }
0xbc: {  	s0 =	sadd.s32 $0x8F2B, s0  }
0xbd: {  	[sflag:s0] =	ssyncadd.remote.s32 $0x1  }
0xbe: {  	_ =	sfence.sel $0xFFFF  }
0xbf: {  	[dreg:$0x0] =	wrdreg $0xFFFFFFFF;
	(pc) =	sbr.abs _section_cstart, $3  }
0xc0: {  	[dreg:$0x1] =	wrdreg $0xFFFFFFFF  }
0xc1: {  	_ =	task.clear_ibuf [dreg:s6], $0x2FFFF;
	_ =	strace $0x9FFFFFFF  }
0xc2: {  	(tm) =	ssettm $0x7FFFFFFF  }
0xc3: {  	_ =	shalt  }
tec
execute0_lowered:
.L_overlay_start_1:
0x0: {  	(tag) =	ssettag $0x1  }
0x1: {  	s0 =	rddreg [dreg:$0x0]  }
0x2: {  	s1 =	rddreg [dreg:$0x1];
	s2 =	srdreg.scid  }
0x3: {  	s3 =	simm.s32 $0x0;
	s11 =	stileid.u32;
	s28 =	simm.s32 $0x9400  }
0x4: {  	s29 =	simm.s32 $0x1;
	s30 =	simm.s32 $0x40;
	s31 =	simm.s32 $0x2  }
0x5: {  	s2 =	sand.u32 $0x1, s2;
	[smem:$0x7FF] =	sst s3;
	s6 =	smul.u32 $0x14000, s11  }
0x6: {  	s4 =	sadd.s32 $0x54C00, s0;
	s7 =	sadd.s32 $0x4200, s0;
	s10 =	smul.u32 $0x50000, s11  }
0x7: {  	s24 =	sadd.s32 $0x554C00, s0;
	s9 =	sshll.u32 s11, $0x1;
	s16 =	smul.u32 $0x280000, s11  }
0x8: {  	s15 =	sshll.u32 s11, $0x6;
	s5 =	smul.u32 $0x140000, s2;
	_ =	strace $0x80000053  }
0x9: {  	[dreg:$0x3] =	wrdreg s7;
	s25 =	ssub.s32 $0x2, s2;
	s2 =	sor.u32 s2, s9  }
0xa: {  	[dreg:$0x4] =	wrdreg s24;
	s8 =	sshrl.u32 s25, $0x1;
	s9 =	smul.u32 $0x140000, s2  }
0xb: {  	s14 =	sshrl.u32 s10, $0x2;
	s10 =	sor.u32 $0x1C0B, s15;
	s2 =	smul.u32 $0x5000, s2  }
0xc: {  	s15 =	simm.s32 $0x7;
	s6 =	sadd.s32 s6, s5;
	s26 =	ssub.s32 s25, s8  }
0xd: {  	s7 =	sadd.s32 s14, s1;
	s20 =	sadd.s32 s5, s16;
	s14 =	simm.s32 $0x6  }
0xe: {  	s16 =	simm.s32 $0x8;
	s8 =	simm.s32 $0x0;
	[dreg:$0x5] =	wrdreg s10  }
0xf: {  	s6 =	sshrl.u32 s6, $0x3;
	[dreg:$0x6] =	wrdreg s2;
	s17 =	sor.u32 $0x2000, s9  }
0x10: {  	s18 =	sor.u32 $0x4000, s9;
	s19 =	sor.u32 $0x6000, s9;
	s12 =	smov.u32 s9  }
0x11: {  	s13 =	sor.u32 $0x8000, s9;
	s21 =	sor.u32 $0x12000, s20;
	s5 =	sor.u32 $0xE000, s20  }
0x12: {  	s23 =	sor.u32 $0x10000, s20;
	s24 =	sor.u32 $0xC000, s20;
	[dreg:$0x7] =	wrdreg s17  }
0x13: {  	s2 =	sor.u32 $0xA000, s20;
	s7 =	sshrl.u32 s7, $0x3;
	[dreg:$0x8] =	wrdreg s18  }
0x14: {  	s0 =	sadd.s32 s6, s0;
	[dreg:$0x9] =	wrdreg s19;
	s6 =	smax.u32 s26, $0x1  }
0x15: {  	s5 =	sshrl.u32 s5, $0x3;
	s25 =	sshrl.u32 s24, $0x3;
	s2 =	sshrl.u32 s2, $0x3  }
0x16: {  	s24 =	simm.s32 $0x3400;
	s17 =	simm.s32 $0x9;
	[dreg:$0x11] =	wrdreg s7  }
0x17: {  	s18 =	simm.s32 $0xA;
	s0 =	sadd.s32 $0x557400, s0;
	[dreg:$0xb] =	wrdreg s6  }
0x18: {  	s22 =	sadd.s32 s5, s4;
	s26 =	sadd.s32 s2, s4;
	[dreg:$0xa] =	wrdreg s0  }
0x19: {  	s2 =	simm.s32 $0x4;
	s0 =	sshrl.u32 s21, $0x3;
	[dreg:$0xd] =	wrdreg s22  }
.Ltmp0:
0x1a: {  	[dreg:$0x10] =	wrdreg s26;
	s0 =	sadd.s32 s0, s4;
	(pc) =	sbr.rel .LBB2_1-.Ltmp0, $4  }
0x1b: {  	s6 =	simm.s32 $0x5;
	[dreg:$0xc] =	wrdreg s0;
	s0 =	sshrl.u32 s23, $0x3  }
0x1c: {  	s22 =	simm.s32 $0xB;
	s26 =	simm.s32 $0x7400;
	s0 =	sadd.s32 s0, s4  }
0x1d: {  	s23 =	simm.s32 $0x1400;
	[dreg:$0xe] =	wrdreg s0;
	s0 =	sadd.s32 s25, s4  }
0x1e: {  	s25 =	simm.s32 $0x5400;
	[dreg:$0xf] =	wrdreg s0;
	s0 =	simm.s32 $0x3  }
.LBB2_7:
0x1f: {  	[bflag:$0x0] =	sbarrier.arrive $0xFFFF  }
0x20: {  	s10 =	rddreg [dreg:$0x5]  }
0x21: {  	s5 =	rddreg [dreg:$0xa]  }
0x22: {  	s7 =	rddreg [dreg:$0x11]  }
0x23: {  	[hbm:s5], [sflag:s10] =	dma.local [spmem:s7], $0x2800  }
0x24: {  	_ =	swait.ge [sflag:s22], $0x2800  }
0x25: {  	s8 =	rddreg [dreg:$0x12]  }
0x26: {  	s21 =	rddreg [dreg:$0xb];
	s8 =	sadd.s32 $0x1, s8  }
0x27: {  	p0 =	sne.s32 s8, s21  }
.Ltmp1:
0x28: {  	_ = 	snop;
	(pc) =	sbr.rel @!p0 .LBB2_8-.Ltmp1, $3  }
0x29: {  	_ =	sdelay $0x1  }
0x2a: {  	[sflag:s22] =	ssyncset.done $0x0  }
0x2b: {  	[sflag:s22] =	ssyncadd.s32 $0xFFFFD800  }
.LBB2_1:
0x2c: {  	[dreg:$0x12] =	wrdreg s8  }
0x2d: {  	s5 =	rddreg [dreg:$0x4]  }
0x2e: {  	[spmem:s7], [sflag:s10] =	dma.local [hbm:s5], $0x2800  }
0x2f: {  	_ =	swait.ge [sflag:s22], $0x2800  }
0x30: {  	[sflag:s22] =	ssyncset.done $0x0  }
0x31: {  	[sflag:s22] =	ssyncadd.s32 $0xFFFFD800  }
0x32: {  	[bflag:$0x0] =	sbarrier.arrive $0xFFFF  }
.Ltmp2:
0x33: {  	s20 =	rddreg [dreg:$0x10];
	(pc) =	sbr.rel .LBB2_2-.Ltmp2, $4  }
0x34: {  	s8 =	rddreg [dreg:$0xf]  }
0x35: {  	s21 =	rddreg [dreg:$0xe]  }
0x36: {  	s19 =	rddreg [dreg:$0xd]  }
0x37: {  	s7 =	simm.s32 $0x0;
	s5 =	rddreg [dreg:$0xc]  }
.LBB2_4:
0x38: {  	_ =	swait.ge [sflag:s15], $0x2000  }
0x39: {  	[sflag:s15] =	ssyncset.done $0x0  }
0x3a: {  	[sflag:s15] =	ssyncadd.s32 $0xFFFFE000  }
0x3b: {  	_ =	swait.ge [sflag:s16], $0x2000  }
0x3c: {  	[sflag:s16] =	ssyncset.done $0x0  }
0x3d: {  	[sflag:s16] =	ssyncadd.s32 $0xFFFFE000  }
0x3e: {  	_ =	swait.ge [sflag:s17], $0x2000  }
0x3f: {  	[sflag:s17] =	ssyncset.done $0x0  }
0x40: {  	[sflag:s17] =	ssyncadd.s32 $0xFFFFE000  }
0x41: {  	_ =	swait.ge [sflag:s18], $0x2000  }
0x42: {  	[sflag:s18] =	ssyncset.done $0x0  }
0x43: {  	[sflag:s18] =	ssyncadd.s32 $0xFFFFE000  }
.LBB2_6:
0x44: {  	s7 =	sadd.s32 $0x1, s7  }
0x45: {  	p0 =	sne.s32 s7, $0x4  }
.Ltmp3:
0x46: {  	_ = 	snop;
	(pc) =	sbr.rel @!p0 .LBB2_7-.Ltmp3, $3  }
0x47: {  	_ =	sdelay $0x1  }
0x48: {  	s5 =	sadd.s32 $0xA000, s5;
	s19 =	sadd.s32 $0xA000, s19  }
0x49: {  	s21 =	sadd.s32 $0xA000, s21;
	s8 =	sadd.s32 $0xA000, s8;
	s20 =	sadd.s32 $0xA000, s20  }
.LBB2_2:
0x4a: {  	s9 =	smul.u32 $0x1400, s7  }
0x4b: {  	s10 =	rddreg [dreg:$0x6]  }
0x4c: {  	s9 =	sadd.s32 s10, s9  }
0x4d: {  	s11 =	rddreg [dreg:$0x3];
	s9 =	sshrl.u32 s9, $0x3  }
0x4e: {  	s10 =	sadd.s32 s11, s9;
	s9 =	simm.s32 $0x0;
	s11 =	smul.u32 $0x50000, s7  }
0x4f: {  	[tilespmem:s9], [sflag:$0xB] =	stream.linear.gather [hbm4b:s10+s9], $0x1400, $0x38;
	[tilespmem:$0x1F400] =	vst v63  }
0x50: {  	_ =	swait.ge [sflag:s22], $0x1400;
	s10 =	sadd.s32 s12, s11  }
0x51: {  	[sflag:s22] =	ssyncset.done $0x0;
	s10 =	sshrl.u32 s10, $0x3  }
0x52: {  	[sflag:s22] =	ssyncadd.s32 $0xFFFFEC00;
	s10 =	sadd.s32 s4, s10  }
0x53: {  	[tilespmem:s23], [sflag:$0x1] =	stream.linear.gather [hbm4b:s10+s9], $0x2000, $0x38;
	[tilespmem:$0x1F400] =	vst v63  }
0x54: {  	s10 =	rddreg [dreg:$0x7]  }
0x55: {  	s10 =	sadd.s32 s11, s10  }
0x56: {  	s10 =	sshrl.u32 s10, $0x3  }
0x57: {  	s10 =	sadd.s32 s4, s10  }
0x58: {  	[tilespmem:s24], [sflag:$0x2] =	stream.linear.gather [hbm4b:s10+s9], $0x2000, $0x38;
	[tilespmem:$0x1F400] =	vst v63  }
0x59: {  	s10 =	rddreg [dreg:$0x8]  }
0x5a: {  	s10 =	sadd.s32 s11, s10  }
0x5b: {  	s10 =	sshrl.u32 s10, $0x3  }
0x5c: {  	s10 =	sadd.s32 s4, s10  }
0x5d: {  	[tilespmem:s25], [sflag:$0x3] =	stream.linear.gather [hbm4b:s10+s9], $0x2000, $0x38;
	[tilespmem:$0x1F400] =	vst v63  }
0x5e: {  	s10 =	rddreg [dreg:$0x9]  }
0x5f: {  	s10 =	sadd.s32 s11, s10  }
0x60: {  	s10 =	sshrl.u32 s10, $0x3  }
0x61: {  	s11 =	sadd.s32 s11, s13;
	s10 =	sadd.s32 s4, s10  }
0x62: {  	[tilespmem:s26], [sflag:$0x4] =	stream.linear.gather [hbm4b:s10+s9], $0x2000, $0x38;
	[tilespmem:$0x1F400] =	vst v63  }
0x63: {  	s10 =	sshrl.u32 s11, $0x3  }
0x64: {  	s10 =	sadd.s32 s4, s10  }
0x65: {  	[tilespmem:s28], [sflag:$0x5] =	stream.linear.gather [hbm4b:s10+s9], $0x2000, $0x38;
	[tilespmem:$0x1F400] =	vst v63  }
0x66: {  	s10 =	simm.s32 $0x200  }
.LBB2_3:
0x67: {  	_ =	swait.ge [sflag:s29], $0x2000  }
0x68: {  	[sflag:s29] =	ssyncset.done $0x0  }
0x69: {  	s11 =	sadd.s32 $0xFFFFFE00, s10;
	[sflag:s29] =	ssyncadd.s32 $0xFFFFE000  }
0x6a: {  	[spmem:s1] =	stream.indirect.scatter.add.f32 [tilespmem:s23], [sflag:$0x6], $0x80, s11, s30, $0xb8;
	[tilespmem:$0x1F400] =	vst v63  }
0x6b: {  	_ =	swait.ge [sflag:s31], $0x2000  }
0x6c: {  	[sflag:s31] =	ssyncset.done $0x0  }
0x6d: {  	s11 =	sadd.s32 $0xFFFFFE80, s10;
	[sflag:s31] =	ssyncadd.s32 $0xFFFFE000  }
0x6e: {  	[spmem:s1] =	stream.indirect.scatter.add.f32 [tilespmem:s24], [sflag:$0x7], $0x80, s11, s30, $0xb8;
	[tilespmem:$0x1F400] =	vst v63  }
0x6f: {  	_ =	swait.ge [sflag:s0], $0x2000  }
0x70: {  	[sflag:s0] =	ssyncset.done $0x0  }
0x71: {  	s11 =	sadd.s32 $0xFFFFFF00, s10;
	[sflag:s0] =	ssyncadd.s32 $0xFFFFE000  }
0x72: {  	[spmem:s1] =	stream.indirect.scatter.add.f32 [tilespmem:s25], [sflag:$0x8], $0x80, s11, s30, $0xb8;
	[tilespmem:$0x1F400] =	vst v63  }
0x73: {  	_ =	swait.ge [sflag:s2], $0x2000  }
0x74: {  	[sflag:s2] =	ssyncset.done $0x0  }
0x75: {  	s11 =	sadd.s32 $0xFFFFFF80, s10;
	[sflag:s2] =	ssyncadd.s32 $0xFFFFE000  }
0x76: {  	[spmem:s1] =	stream.indirect.scatter.add.f32 [tilespmem:s26], [sflag:$0x9], $0x80, s11, s30, $0xb8;
	[tilespmem:$0x1F400] =	vst v63  }
0x77: {  	_ =	swait.ge [sflag:s6], $0x2000  }
0x78: {  	p0 =	sne.s32 s9, $0x8C00;
	[sflag:s6] =	ssyncset.done $0x0  }
.Ltmp4:
0x79: {  	[sflag:s6] =	ssyncadd.s32 $0xFFFFE000;
	(pc) =	sbr.rel @!p0 .LBB2_4-.Ltmp4, $4  }
0x7a: {  	[spmem:s1] =	stream.indirect.scatter.add.f32 [tilespmem:s28], [sflag:$0xA], $0x80, s10, s30, $0xb8;
	[tilespmem:$0x1F400] =	vst v63  }
0x7b: {  	_ =	swait.ge [sflag:s14], $0x2000  }
0x7c: {  	[sflag:s14] =	ssyncset.done $0x0  }
0x7d: {  	[sflag:s14] =	ssyncadd.s32 $0xFFFFE000  }
0x7e: {  	s11 =	sadd.s32 s9, s20  }
0x7f: {  	[tilespmem:s23], [sflag:$0x1] =	stream.linear.gather [hbm4b:s11+s3], $0x2000, $0x38;
	[tilespmem:$0x1F400] =	vst v63  }
0x80: {  	_ =	swait.ge [sflag:s15], $0x2000  }
0x81: {  	[sflag:s15] =	ssyncset.done $0x0  }
0x82: {  	s11 =	sadd.s32 s9, s8;
	[sflag:s15] =	ssyncadd.s32 $0xFFFFE000  }
0x83: {  	[tilespmem:s24], [sflag:$0x2] =	stream.linear.gather [hbm4b:s11+s3], $0x2000, $0x38;
	[tilespmem:$0x1F400] =	vst v63  }
0x84: {  	_ =	swait.ge [sflag:s16], $0x2000  }
0x85: {  	[sflag:s16] =	ssyncset.done $0x0  }
0x86: {  	s11 =	sadd.s32 s9, s19;
	[sflag:s16] =	ssyncadd.s32 $0xFFFFE000  }
0x87: {  	[tilespmem:s25], [sflag:$0x3] =	stream.linear.gather [hbm4b:s11+s3], $0x2000, $0x38;
	[tilespmem:$0x1F400] =	vst v63  }
0x88: {  	_ =	swait.ge [sflag:s17], $0x2000  }
0x89: {  	[sflag:s17] =	ssyncset.done $0x0  }
0x8a: {  	s11 =	sadd.s32 s9, s21;
	[sflag:s17] =	ssyncadd.s32 $0xFFFFE000  }
0x8b: {  	[tilespmem:s26], [sflag:$0x4] =	stream.linear.gather [hbm4b:s11+s3], $0x2000, $0x38;
	[tilespmem:$0x1F400] =	vst v63  }
0x8c: {  	s11 =	sadd.s32 s9, s5;
	s9 =	sadd.s32 $0x1400, s9  }
0x8d: {  	p0 =	sne.s32 s9, $0xA000  }
.Ltmp5:
0x8e: {  	_ = 	snop;
	(pc) =	sbr.rel @p0 .LBB2_3-.Ltmp5, $4  }
.Ltmp6:
0x8f: {  	_ =	swait.ge [sflag:s18], $0x2000;
	(pc) =	sbr.rel @!p0 .LBB2_6-.Ltmp6, $4  }
0x90: {  	[sflag:s18] =	ssyncset.done $0x0  }
0x91: {  	s10 =	sadd.s32 $0x280, s10;
	[sflag:s18] =	ssyncadd.s32 $0xFFFFE000  }
0x92: {  	[tilespmem:s28], [sflag:$0x5] =	stream.linear.gather [hbm4b:s11+s3], $0x2000, $0x38;
	[tilespmem:$0x1F400] =	vst v63  }
0x93: {  	_ = 	snop  }
.LBB2_8:
0x94: {  	_ =	sfence.sel $0x180000  }
0x95: {  	[bflag:$0x0] =	sbarrier.arrive $0xFFFF  }
0x96: {  	_ =	strace $0x90000053  }
0x97: {  	s0 =	stileid.u32;
	[bflag:$0x2] =	sbarrier.arrive $0xFFFF  }
0x98: {  	p0 =	sne.s32 s0, $0x0;
	s0 =	rddreg [dreg:$0x2]  }
0x99: {  	s0 =	sadd.s32 @!p0 $0x100000, s0  }
0x9a: {  	[sflag:s0] =	ssyncadd.tile.s32 @!p0 $0x1;
	_ =	shalt  }
.Lfunc_end2:
_tile_overlayer_lowered:
.L_overlay_start_2:
0x9b: {  	(tag) =	ssettag $0x2  }
0x9c: {  	s0 =	rddreg [dreg:$0x0];
	s2 =	stileid.u32  }
0x9d: {  	s1 =	rddreg [dreg:$0x1];
	p0 =	sne.s32 s2, $0x0  }
0x9e: {  	s3 =	rddreg [dreg:$0x2];
	[bflag:$0x3] =	sbarrier.arrive $0xFFFF;
	s2 =	simm.s32 @!p0 $0x1C0B  }
0x9f: {  	[timem:s3], [sflag:s2] =	dma.local @!p0 [hbm:s0], s1  }
0xa0: {  	s0 =	simm.s32 @!p0 $0xB  }
0xa1: {  	_ =	swait.ge @!p0 [sflag:s0], s1  }
0xa2: {  	s1 =	ssub.s32 @!p0 $0x0, s1;
	[sflag:s0] =	ssyncset.done @!p0 $0x0  }
0xa3: {  	[sflag:s0] =	ssyncadd.s32 @!p0 s1  }
0xa4: {  	[bflag:$0x3] =	sbarrier.arrive $0xFFFF  }
0xa5: {  	_ =	shalt  }

// kernel: kernel.28.cloned.1.call-start
scs
__scs_entry_jumppad:
0x0: {  	(pc) =	sbr.rel $0x88, $3  }
0x1: {  	(tag) =	ssettag $0x0;
	lr =	simm.s32 $0x1  }
0x2: {  	[smem:$0x3F96] =	sst lr;
	_ =	strace $0xD0000000  }
0x3: {  	_ = 	snop  }
0x4: {  	_ = 	snop  }
0x5: {  	_ = 	snop  }
0x6: {  	_ = 	snop  }
0x7: {  	_ = 	snop  }
__scs_overlays_trampoline_lowered:
0x8: {  	[smem:$0x3FA5] =	sst s0  }
0x9: {  	[smem:$0x3FA6] =	sst s1  }
0xa: {  	[smem:$0x3FA7] =	sst s2  }
0xb: {  	[smem:$0x3FA8] =	sst s3  }
0xc: {  	[smem:$0x3FA9] =	sst s4  }
0xd: {  	[smem:$0x3FAA] =	sst s5  }
0xe: {  	[smem:$0x3FAB] =	sst s6  }
0xf: {  	[smem:$0x3FAC] =	sst s7  }
0x10: {  	[smem:$0x3FAD] =	sst s8  }
0x11: {  	[smem:$0x3FAE] =	sst s9;
	s0 =	simm.s32 @!p0 $0x0  }
0x12: {  	s1 =	sld [smem:$0x3F94];
	s0 =	simm.s32 @p0 $0x1  }
0x13: {  	[smem:$0x3FAF] =	sst s0;
	s0 =	simm.s32 @!p1 $0x0  }
0x14: {  	s2 =	sld [smem:$0x3F93];
	s0 =	simm.s32 @p1 $0x1  }
0x15: {  	[smem:$0x3FB0] =	sst s0;
	s0 =	simm.s32 @!p2 $0x0  }
0x16: {  	s3 =	sld [smem:$0x3FDB];
	s0 =	simm.s32 @p2 $0x1  }
0x17: {  	s4 =	simm.s32 $0x1BF5;
	[smem:$0x3FB2] =	sst s0  }
0x18: {  	s0 =	sld [smem:$0x3F95];
	_ =	swait.ge [sflag:s4], $0x0  }
0x19: {  	s7 =	sld [smem:$0x3F96]  }
0x1a: {  	s8 =	sadd.s32 $0xFFFFE003, lr  }
0x1b: {  	s9 =	sadd.s32 $0xFFFFFEF7, lr;
	s5 =	simm.s32 $0xFFFFFFFF;
	p2 =	slt.u32 s8, $0xFFFFF086  }
0x1c: {  	p1 =	slt.u32 s9, $0xF7A;
	s5 =	simm.s32 @!p2 $0x0  }
0x1d: {  	s5 =	simm.s32 @p1 $0x1;
	p0 =	seq.s32 s7, s2  }
0x1e: {  	s7 =	smul.u32 @!p0 $0xF7A, s2;
	p2 =	seq.s32 @!p0 s5, $0x0  }
0x1f: {  	s9 =	smul.u32 $0xF7A, s1;
	s8 =	simm.s32 @!p0 $0x1BF5;
	p2 =	por !p2, p0  }
0x20: {  	[sflag:s8] =	ssyncset.s32 @!p0 $0xFFFFF086;
	s6 =	sadd.s32 @!p0 s3, s7;
	s7 =	simm.s32 @!p0 $0x108  }
0x21: {  	s3 =	sadd.s32 s3, s9;
	s6 =	sadd.s32 @!p0 $0x88, s6;
	s7 =	simm.s32 @p2 $0x1082  }
0x22: {  	[simem:s7], [sflag:s8] =	dma.local @!p0 [hbm:s6], $0xF7A  }
0x23: {  	s9 =	sor.u32 $0xD0000000, s2;
	s6 =	simm.s32 $0x108;
	_ =	swait.ge @!p0 [sflag:s8], $0x0  }
0x24: {  	s3 =	sadd.s32 $0x88, s3;
	s6 =	simm.s32 @!p1 $0x1082;
	[sflag:s4] =	ssyncset.s32 $0xFFFFF086  }
0x25: {  	[simem:s6], [sflag:s4] =	dma.local [hbm:s3], $0xF7A  }
0x26: {  	[smem:$0x3F96] =	sst s1;
	(tag) =	ssettag s2;
	_ =	strace s9  }
0x27: {  	s1 =	sld [smem:$0x3FA6]  }
0x28: {  	s2 =	sld [smem:$0x3FA7]  }
0x29: {  	s4 =	sld [smem:$0x3FA9]  }
0x2a: {  	p0 =	seq.s32 s5, $0x0;
	s5 =	sld [smem:$0x3FAA]  }
0x2b: {  	s6 =	sld [smem:$0x3FAB]  }
0x2c: {  	s7 =	sld [smem:$0x3FAC]  }
0x2d: {  	s3 =	simm.s32 $0x108;
	s8 =	sld [smem:$0x3FAD]  }
0x2e: {  	s3 =	simm.s32 @!p0 $0x1082;
	s9 =	sld [smem:$0x3FAE]  }
0x2f: {  	lr =	sadd.s32 s0, s3;
	s0 =	sld [smem:$0x3FA5]  }
0x30: {  	s3 =	sld [smem:$0x3FA8]  }
0x31: {  	[smem:$0x3FB1] =	sst s10  }
0x32: {  	s10 =	sld [smem:$0x3FAF];
	_ =	sdelay $0x3  }
0x33: {  	p0 =	seq.s32 s10, $0x1;
	s10 =	sld [smem:$0x3FB1];
	_ =	sdelay $0x3  }
0x34: {  	[smem:$0x3FB1] =	sst s10  }
0x35: {  	s10 =	sld [smem:$0x3FB0];
	_ =	sdelay $0x3  }
0x36: {  	p1 =	seq.s32 s10, $0x1;
	s10 =	sld [smem:$0x3FB1];
	_ =	sdelay $0x3  }
0x37: {  	[smem:$0x3FB1] =	sst s10  }
0x38: {  	s10 =	sld [smem:$0x3FB2]  }
0x39: {  	_ = 	snop;
	(pc) =	sbr.ind lr, $3  }
0x3a: {  	_ = 	snop  }
0x3b: {  	_ = 	snop  }
0x3c: {  	p2 =	seq.s32 s10, $0x1;
	s10 =	sld [smem:$0x3FB1]  }
0x3d: {  	_ =	shalt  }
0x3e: {  	_ =	shalt  }
0x3f: {  	_ =	shalt  }
0x40: {  	_ =	shalt  }
0x41: {  	_ =	shalt  }
0x42: {  	_ =	shalt  }
0x43: {  	_ =	shalt  }
0x44: {  	_ =	shalt  }
0x45: {  	_ =	shalt  }
0x46: {  	_ =	shalt  }
0x47: {  	_ =	shalt  }
0x48: {  	_ =	shalt  }
0x49: {  	_ =	shalt  }
0x4a: {  	_ =	shalt  }
0x4b: {  	_ =	shalt  }
0x4c: {  	_ =	shalt  }
0x4d: {  	_ =	shalt  }
0x4e: {  	_ =	shalt  }
0x4f: {  	_ =	shalt  }
0x50: {  	_ =	shalt  }
0x51: {  	_ =	shalt  }
0x52: {  	_ =	shalt  }
0x53: {  	_ =	shalt  }
0x54: {  	_ =	shalt  }
0x55: {  	_ =	shalt  }
0x56: {  	_ =	shalt  }
0x57: {  	_ =	shalt  }
0x58: {  	_ =	shalt  }
0x59: {  	_ =	shalt  }
0x5a: {  	_ =	shalt  }
0x5b: {  	_ =	shalt  }
0x5c: {  	_ =	shalt  }
0x5d: {  	_ =	shalt  }
0x5e: {  	_ =	shalt  }
0x5f: {  	_ =	shalt  }
0x60: {  	_ =	shalt  }
0x61: {  	_ =	shalt  }
0x62: {  	_ =	shalt  }
0x63: {  	_ =	shalt  }
0x64: {  	_ =	shalt  }
0x65: {  	_ =	shalt  }
0x66: {  	_ =	shalt  }
0x67: {  	_ =	shalt  }
0x68: {  	_ =	shalt  }
0x69: {  	_ =	shalt  }
0x6a: {  	_ =	shalt  }
0x6b: {  	_ =	shalt  }
0x6c: {  	_ =	shalt  }
0x6d: {  	_ =	shalt  }
0x6e: {  	_ =	shalt  }
0x6f: {  	_ =	shalt  }
0x70: {  	_ =	shalt  }
0x71: {  	_ =	shalt  }
0x72: {  	_ =	shalt  }
0x73: {  	_ =	shalt  }
0x74: {  	_ =	shalt  }
0x75: {  	_ =	shalt  }
0x76: {  	_ =	shalt  }
0x77: {  	_ =	shalt  }
0x78: {  	_ =	shalt  }
0x79: {  	_ =	shalt  }
0x7a: {  	_ =	shalt  }
0x7b: {  	_ =	shalt  }
0x7c: {  	_ =	shalt  }
0x7d: {  	_ =	shalt  }
0x7e: {  	_ =	shalt  }
0x7f: {  	_ =	shalt  }
0x80: {  	_ =	shalt  }
0x81: {  	_ =	shalt  }
0x82: {  	_ =	shalt  }
0x83: {  	_ =	shalt  }
0x84: {  	_ =	shalt  }
0x85: {  	_ =	shalt  }
0x86: {  	_ =	shalt  }
0x87: {  	_ =	shalt  }
.Lfunc_end0:
.L_simem_size_0:
called_computation.5_lowered:
.L_overlay_start_0:
0x88: {  	s2 =	sld [smem:$0x3FD9]  }
0x89: {  	s3 =	sld [smem:$0x3FFE];
	_ =	sdelay $0x1  }
0x8a: {  	s1 =	srdreg.scid  }
0x8b: {  	s0 =	sand.u32 $0x1, s1  }
0x8c: {  	s16 =	sshll.u32 s0, $0xA;
	s2 =	sadd.s32 s3, s2  }
0x8d: {  	s2 =	sadd.s32 s2, s16  }
0x8e: {  	[smem:$0x3FBD] =	sst s2  }
0x8f: {  	_ = 	snop  }
0x90: {  	(tm) =	ssettm $0x1  }
0x91: {  	s17 =	sld [smem:$0x3FFB];
	_ =	sdelay $0x3  }
0x92: {  	_ =	strace s17  }
0x93: {  	s2 =	sld [smem:$0x3FFC];
	_ =	sdelay $0x3  }
0x94: {  	_ =	strace s2  }
0x95: {  	s2 =	sld [smem:$0x3FFD];
	_ =	sdelay $0x3  }
0x96: {  	_ =	strace s2  }
0x97: {  	_ =	strace $0x8FFFFFFF  }
0x98: {  	s18 =	sld [smem:$0x3FDB];
	_ =	sdelay $0x1  }
0x99: {  	s19 =	simm.s32 $_scs_section_size  }
0x9a: {  	s4 =	simm.s32 $_size__tile_overlayer_lowered;
	s5 =	simm.s32 $_tile_overlayer_lowered  }
0x9b: {  	s22 =	simm.s32 $0x1BFF;
	s21 =	sshll.u32 s5, $0x1;
	s2 =	sadd.s32 s19, s18  }
0x9c: {  	s6 =	simm.s32 $0x0;
	s20 =	sshll.u32 s4, $0x1;
	s4 =	sadd.s32 s21, s2  }
0x9d: {  	[timem:s6], [sflag:s22] =	dma.local [hbm:s4], s20  }
0x9e: {  	_ =	swait.ge [sflag:s22], s20  }
0x9f: {  	s3 =	ssub.s32 $0x0, s20;
	[sflag:s22] =	ssyncset.done $0x0  }
0xa0: {  	[sflag:s22] =	ssyncadd.s32 s3;
	_ =	sdelay $0x1  }
0xa1: {  	s23 =	simm.s32 $0x1B8B  }
0xa2: {  	_ =	swait.ge [sflag:s23], $0x1  }
0xa3: {  	[sflag:s23] =	ssyncset.done $0x0  }
0xa4: {  	s25 =	simm.s32 $0x1B8E;
	s24 =	sld [smem:$0x3FFE];
	[sflag:s23] =	ssyncadd.s32 $0xFFFFFFFF  }
0xa5: {  	s26 =	simm.s32 $execute0_lowered;
	[smem:$0x3FD2] =	sst s25  }
0xa6: {  	s4 =	sshll.u32 s26, $0x1;
	_ =	strace $0x80000055;
	[dreg:$0x1] =	wrdreg $0xFFFFFFFF  }
0xa7: {  	s28 =	simm.s32 $_size_execute0_lowered;
	s2 =	sadd.s32 s2, s4;
	[dreg:$0x0] =	wrdreg $0x0  }
0xa8: {  	s4 =	sshll.u32 s28, $0x1;
	[dreg:$0x2] =	wrdreg s2  }
0xa9: {  	[dreg:$0x3] =	wrdreg s4  }
0xaa: {  	[dreg:$0x4] =	wrdreg $0xC0  }
0xab: {  	_ =	task [dreg:s6], $0x5FFFF  }
0xac: {  	[dreg:$0x1] =	wrdreg $0xFFFFFFFF  }
0xad: {  	[dreg:$0x0] =	wrdreg $0x60  }
0xae: {  	[dreg:$0x2] =	wrdreg s24  }
0xaf: {  	[dreg:$0x3] =	wrdreg $0xB4000  }
0xb0: {  	[dreg:$0x4] =	wrdreg $0x9  }
0xb1: {  	_ =	task.clear_ibuf [dreg:s6], $0x5FFFF;
	_ =	strace $0x90000055  }
0xb2: {  	s29 =	simm.s32 $0x9;
	_ =	strace $0x80000057  }
0xb3: {  	_ =	swait.ge [sflag:s29], $0x1  }
0xb4: {  	[sflag:s29] =	ssyncadd.s32 $0xFFFFFFFF  }
0xb5: {  	_ =	strace $0x90000057  }
0xb6: {  	_ =	sfence  }
0xb7: {  	s30 =	sld [smem:$0x0];
	_ =	sdelay $0x2  }
0xb8: {  	s31 =	sshll.u32 s1, $0xD;
	s1 =	sshrl.u32 s1, $0x2  }
0xb9: {  	s3 =	sand.u32 $0x4000, s31;
	s1 =	sadd.s32 s1, s30  }
0xba: {  	s0 =	sor.u32 s3, s0;
	s1 =	sshll.u32 s1, $0x11  }
0xbb: {  	s0 =	sor.u32 s1, s0  }
0xbc: {  	s0 =	sadd.s32 $0x8F2B, s0  }
0xbd: {  	[sflag:s0] =	ssyncadd.remote.s32 $0x1  }
0xbe: {  	_ =	sfence.sel $0xFFFF  }
0xbf: {  	[dreg:$0x0] =	wrdreg $0xFFFFFFFF;
	(pc) =	sbr.abs _section_cstart, $3  }
0xc0: {  	[dreg:$0x1] =	wrdreg $0xFFFFFFFF  }
0xc1: {  	_ =	task.clear_ibuf [dreg:s6], $0x2FFFF;
	_ =	strace $0x9FFFFFFF  }
0xc2: {  	(tm) =	ssettm $0x7FFFFFFF  }
0xc3: {  	_ =	shalt  }
tec
execute0_lowered:
.L_overlay_start_1:
0x0: {  	(tag) =	ssettag $0x1  }
0x1: {  	s0 =	rddreg [dreg:$0x0]  }
0x2: {  	s2 =	rddreg [dreg:$0x1];
	s3 =	simm.s32 $0x0  }
0x3: {  	s10 =	stileid.u32;
	s4 =	srdreg.scid;
	s28 =	simm.s32 $0x2  }
0x4: {  	s29 =	simm.s32 $0x3;
	s30 =	simm.s32 $0x4;
	s1 =	smul.u32 $0x2800, s10  }
0x5: {  	s31 =	simm.s32 $0x5;
	[smem:$0x7FF] =	sst s3;
	s5 =	smul.u32 $0x50000, s10  }
0x6: {  	s4 =	sand.u32 $0x1, s4;
	s6 =	sadd.s32 $0x18C00, s0;
	s7 =	smul.u32 $0x280000, s10  }
0x7: {  	s13 =	sshll.u32 s10, $0x1;
	s14 =	sshll.u32 s10, $0x6;
	_ =	strace $0x80000056  }
0x8: {  	[dreg:$0x3] =	wrdreg s6;
	s12 =	ssub.s32 $0x2, s4;
	s9 =	smul.u32 $0x140000, s4  }
0x9: {  	s4 =	sor.u32 s4, s13;
	s1 =	sadd.s32 s1, s0;
	s0 =	sadd.s32 $0x54C00, s0  }
0xa: {  	s8 =	sshrl.u32 s12, $0x1;
	s5 =	sshrl.u32 s5, $0x2;
	s16 =	smul.u32 $0x5000, s4  }
0xb: {  	s6 =	ssub.s32 s12, s8;
	s5 =	sadd.s32 s5, s2;
	s1 =	sadd.s32 $0x2CC00, s1  }
0xc: {  	s7 =	sadd.s32 s9, s7;
	s8 =	simm.s32 $0xA;
	[dreg:$0x4] =	wrdreg s1  }
0xd: {  	s15 =	sor.u32 $0x8000, s7;
	s1 =	sor.u32 $0x1C0B, s14;
	[dreg:$0x6] =	wrdreg s16  }
0xe: {  	s18 =	smax.u32 s6, $0x1;
	s19 =	sor.u32 $0x6000, s7;
	s20 =	sor.u32 $0x4000, s7  }
0xf: {  	s21 =	sor.u32 $0x2000, s7;
	s25 =	sshrl.u32 s7, $0x3;
	s26 =	sshrl.u32 s5, $0x3  }
0x10: {  	s16 =	simm.s32 $0x40;
	s5 =	simm.s32 $0x8;
	s6 =	simm.s32 $0x9  }
0x11: {  	s7 =	simm.s32 $0x0;
	[dreg:$0x5] =	wrdreg s1;
	s17 =	sshrl.u32 s15, $0x3  }
0x12: {  	[dreg:$0x7] =	wrdreg s18;
	s22 =	sshrl.u32 s20, $0x3;
	s23 =	sshrl.u32 s21, $0x3  }
0x13: {  	[dreg:$0xd] =	wrdreg s26;
	s21 =	simm.s32 $0x5400;
	s26 =	simm.s32 $0x1  }
0x14: {  	s1 =	sadd.s32 s17, s0;
	s24 =	sadd.s32 s23, s0;
	s17 =	simm.s32 $0x1400  }
.Ltmp0:
0x15: {  	[dreg:$0x8] =	wrdreg s1;
	s1 =	sshrl.u32 s19, $0x3;
	(pc) =	sbr.rel .LBB2_1-.Ltmp0, $4  }
0x16: {  	s23 =	simm.s32 $0x7400;
	[dreg:$0xb] =	wrdreg s24;
	s1 =	sadd.s32 s1, s0  }
0x17: {  	s19 =	simm.s32 $0x3400;
	[dreg:$0x9] =	wrdreg s1;
	s1 =	sadd.s32 s22, s0  }
0x18: {  	s0 =	sadd.s32 s25, s0;
	s25 =	simm.s32 $0x9400;
	[dreg:$0xa] =	wrdreg s1  }
0x19: {  	[dreg:$0xc] =	wrdreg s0;
	s0 =	simm.s32 $0x6;
	s1 =	simm.s32 $0x7  }
.LBB2_7:
0x1a: {  	s7 =	rddreg [dreg:$0xe]  }
0x1b: {  	s4 =	rddreg [dreg:$0x7];
	s7 =	sadd.s32 $0x1, s7  }
0x1c: {  	p0 =	sne.s32 s7, s4  }
.Ltmp1:
0x1d: {  	_ = 	snop;
	(pc) =	sbr.rel @!p0 .LBB2_8-.Ltmp1, $1  }
0x1e: {  	_ =	sdelay $0x3  }
.LBB2_1:
0x1f: {  	[dreg:$0xe] =	wrdreg s7  }
0x20: {  	s4 =	rddreg [dreg:$0x4]  }
0x21: {  	s22 =	rddreg [dreg:$0x5]  }
0x22: {  	s9 =	rddreg [dreg:$0xd];
	s24 =	simm.s32 $0xB  }
0x23: {  	[spmem:s9], [sflag:s22] =	dma.local [hbm:s4], $0x2800  }
0x24: {  	_ =	swait.ge [sflag:s24], $0x2800  }
0x25: {  	[sflag:s24] =	ssyncset.done $0x0  }
0x26: {  	[sflag:s24] =	ssyncadd.s32 $0xFFFFD800  }
0x27: {  	[bflag:$0x0] =	sbarrier.arrive $0xFFFF  }
.Ltmp2:
0x28: {  	s13 =	rddreg [dreg:$0xc];
	(pc) =	sbr.rel .LBB2_2-.Ltmp2, $4  }
0x29: {  	s22 =	rddreg [dreg:$0xb]  }
0x2a: {  	s24 =	rddreg [dreg:$0xa]  }
0x2b: {  	s4 =	rddreg [dreg:$0x9]  }
0x2c: {  	s9 =	simm.s32 $0x0;
	s7 =	rddreg [dreg:$0x8]  }
.LBB2_4:
0x2d: {  	_ =	swait.ge [sflag:s1], $0x2000  }
0x2e: {  	[sflag:s1] =	ssyncset.done $0x0  }
0x2f: {  	[sflag:s1] =	ssyncadd.s32 $0xFFFFE000  }
0x30: {  	_ =	swait.ge [sflag:s5], $0x2000  }
0x31: {  	[sflag:s5] =	ssyncset.done $0x0  }
0x32: {  	[sflag:s5] =	ssyncadd.s32 $0xFFFFE000  }
0x33: {  	_ =	swait.ge [sflag:s6], $0x2000  }
0x34: {  	[sflag:s6] =	ssyncset.done $0x0  }
0x35: {  	[sflag:s6] =	ssyncadd.s32 $0xFFFFE000  }
0x36: {  	_ =	swait.ge [sflag:s8], $0x2000  }
0x37: {  	[sflag:s8] =	ssyncset.done $0x0  }
0x38: {  	[sflag:s8] =	ssyncadd.s32 $0xFFFFE000  }
.LBB2_6:
0x39: {  	s9 =	sadd.s32 $0x1, s9  }
0x3a: {  	p0 =	sne.s32 s9, $0x4  }
.Ltmp3:
0x3b: {  	_ = 	snop;
	(pc) =	sbr.rel @!p0 .LBB2_7-.Ltmp3, $3  }
0x3c: {  	_ =	sdelay $0x1  }
0x3d: {  	s7 =	sadd.s32 $0xA000, s7;
	s4 =	sadd.s32 $0xA000, s4;
	s13 =	rddreg [dreg:$0xf]  }
0x3e: {  	s24 =	sadd.s32 $0xA000, s24;
	s22 =	sadd.s32 $0xA000, s22;
	s13 =	sadd.s32 $0xA000, s13  }
.LBB2_2:
0x3f: {  	s10 =	smul.u32 $0x1400, s9  }
0x40: {  	s11 =	rddreg [dreg:$0x6]  }
0x41: {  	s10 =	sadd.s32 s11, s10  }
0x42: {  	s20 =	rddreg [dreg:$0x3];
	s10 =	sshrl.u32 s10, $0x3  }
0x43: {  	s18 =	simm.s32 $0x0;
	s11 =	simm.s32 $0xB;
	s10 =	sadd.s32 s20, s10  }
0x44: {  	[tilespmem:s18], [sflag:$0xB] =	stream.linear.gather [hbm4b:s10+s18], $0x1400, $0x38;
	[tilespmem:$0x1F400] =	vst v63  }
0x45: {  	_ =	swait.ge [sflag:s11], $0x1400  }
0x46: {  	[sflag:s11] =	ssyncset.done $0x0  }
0x47: {  	[sflag:s11] =	ssyncadd.s32 $0xFFFFEC00  }
0x48: {  	[tilespmem:s17], [sflag:$0x1] =	stream.indirect.gather [spmem:s2], $0x80, s18, s16, $0xb8;
	[tilespmem:$0x1F400] =	vst v63  }
0x49: {  	s12 =	simm.s32 $0x80  }
0x4a: {  	[tilespmem:s19], [sflag:$0x2] =	stream.indirect.gather [spmem:s2], $0x80, s12, s16, $0xb8;
	[tilespmem:$0x1F400] =	vst v63  }
0x4b: {  	s14 =	simm.s32 $0x100;
	s15 =	simm.s32 $0x180  }
0x4c: {  	[tilespmem:s21], [sflag:$0x3] =	stream.indirect.gather [spmem:s2], $0x80, s14, s16, $0xb8;
	[tilespmem:$0x1F400] =	vst v63  }
0x4d: {  	s20 =	simm.s32 $0x200;
	s10 =	smov.u32 s7;
	[dreg:$0xf] =	wrdreg s13  }
0x4e: {  	[tilespmem:s23], [sflag:$0x4] =	stream.indirect.gather [spmem:s2], $0x80, s15, s16, $0xb8;
	[tilespmem:$0x1F400] =	vst v63  }
0x4f: {  	s11 =	smov.u32 s24;
	s12 =	smov.u32 s22;
	s14 =	smov.u32 s4  }
0x50: {  	[tilespmem:s25], [sflag:$0x5] =	stream.indirect.gather [spmem:s2], $0x80, s20, s16, $0xb8;
	[tilespmem:$0x1F400] =	vst v63  }
.LBB2_3:
0x51: {  	_ =	swait.ge [sflag:s26], $0x2000  }
0x52: {  	[sflag:s26] =	ssyncset.done $0x0  }
0x53: {  	[sflag:s26] =	ssyncadd.s32 $0xFFFFE000  }
0x54: {  	[hbm4b:s13+s3] =	stream.linear.scatter [tilespmem:s17], [sflag:$0x6], $0x2000, $0x38;
	[tilespmem:$0x1F400] =	vst v63  }
0x55: {  	_ =	swait.ge [sflag:s28], $0x2000  }
0x56: {  	[sflag:s28] =	ssyncset.done $0x0  }
0x57: {  	[sflag:s28] =	ssyncadd.s32 $0xFFFFE000  }
0x58: {  	[hbm4b:s12+s3] =	stream.linear.scatter [tilespmem:s19], [sflag:$0x7], $0x2000, $0x38;
	[tilespmem:$0x1F400] =	vst v63  }
0x59: {  	_ =	swait.ge [sflag:s29], $0x2000  }
0x5a: {  	[sflag:s29] =	ssyncset.done $0x0  }
0x5b: {  	[sflag:s29] =	ssyncadd.s32 $0xFFFFE000  }
0x5c: {  	[hbm4b:s11+s3] =	stream.linear.scatter [tilespmem:s21], [sflag:$0x8], $0x2000, $0x38;
	[tilespmem:$0x1F400] =	vst v63  }
0x5d: {  	_ =	swait.ge [sflag:s30], $0x2000  }
0x5e: {  	[sflag:s30] =	ssyncset.done $0x0  }
0x5f: {  	[sflag:s30] =	ssyncadd.s32 $0xFFFFE000  }
0x60: {  	[hbm4b:s14+s3] =	stream.linear.scatter [tilespmem:s23], [sflag:$0x9], $0x2000, $0x38;
	[tilespmem:$0x1F400] =	vst v63  }
0x61: {  	_ =	swait.ge [sflag:s31], $0x2000  }
0x62: {  	p0 =	sne.s32 s18, $0x4600;
	[sflag:s31] =	ssyncset.done $0x0  }
.Ltmp4:
0x63: {  	[sflag:s31] =	ssyncadd.s32 $0xFFFFE000;
	(pc) =	sbr.rel @!p0 .LBB2_4-.Ltmp4, $4  }
0x64: {  	[hbm4b:s10+s3] =	stream.linear.scatter [tilespmem:s25], [sflag:$0xA], $0x2000, $0x38;
	[tilespmem:$0x1F400] =	vst v63  }
0x65: {  	_ =	swait.ge [sflag:s0], $0x2000  }
0x66: {  	[sflag:s0] =	ssyncset.done $0x0  }
0x67: {  	[sflag:s0] =	ssyncadd.s32 $0xFFFFE000  }
0x68: {  	s15 =	sshra.s32 s18, $0x2  }
0x69: {  	s20 =	sadd.s32 $0x280, s15  }
0x6a: {  	[tilespmem:s17], [sflag:$0x1] =	stream.indirect.gather [spmem:s2], $0x80, s20, s16, $0xb8;
	[tilespmem:$0x1F400] =	vst v63  }
0x6b: {  	_ =	swait.ge [sflag:s1], $0x2000  }
0x6c: {  	[sflag:s1] =	ssyncset.done $0x0  }
0x6d: {  	s20 =	sadd.s32 $0x300, s15;
	[sflag:s1] =	ssyncadd.s32 $0xFFFFE000  }
0x6e: {  	[tilespmem:s19], [sflag:$0x2] =	stream.indirect.gather [spmem:s2], $0x80, s20, s16, $0xb8;
	[tilespmem:$0x1F400] =	vst v63  }
0x6f: {  	_ =	swait.ge [sflag:s5], $0x2000  }
0x70: {  	[sflag:s5] =	ssyncset.done $0x0  }
0x71: {  	s20 =	sadd.s32 $0x380, s15;
	[sflag:s5] =	ssyncadd.s32 $0xFFFFE000  }
0x72: {  	[tilespmem:s21], [sflag:$0x3] =	stream.indirect.gather [spmem:s2], $0x80, s20, s16, $0xb8;
	[tilespmem:$0x1F400] =	vst v63  }
0x73: {  	_ =	swait.ge [sflag:s6], $0x2000  }
0x74: {  	s18 =	sadd.s32 $0xA00, s18;
	[sflag:s6] =	ssyncset.done $0x0  }
0x75: {  	p0 =	sne.s32 s18, $0x5000;
	s20 =	sadd.s32 $0x400, s15;
	[sflag:s6] =	ssyncadd.s32 $0xFFFFE000  }
0x76: {  	[tilespmem:s23], [sflag:$0x4] =	stream.indirect.gather [spmem:s2], $0x80, s20, s16, $0xb8;
	[tilespmem:$0x1F400] =	vst v63  }
.Ltmp5:
0x77: {  	s10 =	sadd.s32 $0x1400, s10;
	(pc) =	sbr.rel @p0 .LBB2_3-.Ltmp5, $4  }
.Ltmp6:
0x78: {  	s14 =	sadd.s32 $0x1400, s14;
	_ =	swait.ge [sflag:s8], $0x2000;
	(pc) =	sbr.rel @!p0 .LBB2_6-.Ltmp6, $4  }
0x79: {  	s11 =	sadd.s32 $0x1400, s11;
	s12 =	sadd.s32 $0x1400, s12;
	[sflag:s8] =	ssyncset.done $0x0  }
0x7a: {  	s13 =	sadd.s32 $0x1400, s13;
	s15 =	sadd.s32 $0x480, s15;
	[sflag:s8] =	ssyncadd.s32 $0xFFFFE000  }
0x7b: {  	[tilespmem:s25], [sflag:$0x5] =	stream.indirect.gather [spmem:s2], $0x80, s15, s16, $0xb8;
	[tilespmem:$0x1F400] =	vst v63  }
0x7c: {  	_ = 	snop  }
.LBB2_8:
0x7d: {  	_ =	sfence.sel $0x180000  }
0x7e: {  	[bflag:$0x0] =	sbarrier.arrive $0xFFFF  }
0x7f: {  	_ =	strace $0x90000056  }
0x80: {  	s0 =	stileid.u32;
	[bflag:$0x2] =	sbarrier.arrive $0xFFFF  }
0x81: {  	p0 =	sne.s32 s0, $0x0;
	s0 =	rddreg [dreg:$0x2]  }
0x82: {  	s0 =	sadd.s32 @!p0 $0x100000, s0  }
0x83: {  	[sflag:s0] =	ssyncadd.tile.s32 @!p0 $0x1;
	_ =	shalt  }
.Lfunc_end2:
_tile_overlayer_lowered:
.L_overlay_start_2:
0x84: {  	(tag) =	ssettag $0x2  }
0x85: {  	s0 =	rddreg [dreg:$0x0];
	s2 =	stileid.u32  }
0x86: {  	s1 =	rddreg [dreg:$0x1];
	p0 =	sne.s32 s2, $0x0  }
0x87: {  	s3 =	rddreg [dreg:$0x2];
	[bflag:$0x3] =	sbarrier.arrive $0xFFFF;
	s2 =	simm.s32 @!p0 $0x1C0B  }
0x88: {  	[timem:s3], [sflag:s2] =	dma.local @!p0 [hbm:s0], s1  }
0x89: {  	s0 =	simm.s32 @!p0 $0xB  }
0x8a: {  	_ =	swait.ge @!p0 [sflag:s0], s1  }
0x8b: {  	s1 =	ssub.s32 @!p0 $0x0, s1;
	[sflag:s0] =	ssyncset.done @!p0 $0x0  }
0x8c: {  	[sflag:s0] =	ssyncadd.s32 @!p0 s1  }
0x8d: {  	[bflag:$0x3] =	sbarrier.arrive $0xFFFF  }
0x8e: {  	_ =	shalt  }

// kernel: kernel.31.cloned.1.call-start
scs
__scs_entry_jumppad:
0x0: {  	(pc) =	sbr.rel $0x88, $3  }
0x1: {  	(tag) =	ssettag $0x0;
	lr =	simm.s32 $0x1  }
0x2: {  	[smem:$0x3F96] =	sst lr;
	_ =	strace $0xD0000000  }
0x3: {  	_ = 	snop  }
0x4: {  	_ = 	snop  }
0x5: {  	_ = 	snop  }
0x6: {  	_ = 	snop  }
0x7: {  	_ = 	snop  }
__scs_overlays_trampoline_lowered:
0x8: {  	[smem:$0x3FA5] =	sst s0  }
0x9: {  	[smem:$0x3FA6] =	sst s1  }
0xa: {  	[smem:$0x3FA7] =	sst s2  }
0xb: {  	[smem:$0x3FA8] =	sst s3  }
0xc: {  	[smem:$0x3FA9] =	sst s4  }
0xd: {  	[smem:$0x3FAA] =	sst s5  }
0xe: {  	[smem:$0x3FAB] =	sst s6  }
0xf: {  	[smem:$0x3FAC] =	sst s7  }
0x10: {  	[smem:$0x3FAD] =	sst s8  }
0x11: {  	[smem:$0x3FAE] =	sst s9;
	s0 =	simm.s32 @!p0 $0x0  }
0x12: {  	s1 =	sld [smem:$0x3F94];
	s0 =	simm.s32 @p0 $0x1  }
0x13: {  	[smem:$0x3FAF] =	sst s0;
	s0 =	simm.s32 @!p1 $0x0  }
0x14: {  	s2 =	sld [smem:$0x3F93];
	s0 =	simm.s32 @p1 $0x1  }
0x15: {  	[smem:$0x3FB0] =	sst s0;
	s0 =	simm.s32 @!p2 $0x0  }
0x16: {  	s3 =	sld [smem:$0x3FDB];
	s0 =	simm.s32 @p2 $0x1  }
0x17: {  	s4 =	simm.s32 $0x1BF5;
	[smem:$0x3FB2] =	sst s0  }
0x18: {  	s0 =	sld [smem:$0x3F95];
	_ =	swait.ge [sflag:s4], $0x0  }
0x19: {  	s7 =	sld [smem:$0x3F96]  }
0x1a: {  	s8 =	sadd.s32 $0xFFFFE003, lr  }
0x1b: {  	s9 =	sadd.s32 $0xFFFFFEF7, lr;
	s5 =	simm.s32 $0xFFFFFFFF;
	p2 =	slt.u32 s8, $0xFFFFF086  }
0x1c: {  	p1 =	slt.u32 s9, $0xF7A;
	s5 =	simm.s32 @!p2 $0x0  }
0x1d: {  	s5 =	simm.s32 @p1 $0x1;
	p0 =	seq.s32 s7, s2  }
0x1e: {  	s7 =	smul.u32 @!p0 $0xF7A, s2;
	p2 =	seq.s32 @!p0 s5, $0x0  }
0x1f: {  	s9 =	smul.u32 $0xF7A, s1;
	s8 =	simm.s32 @!p0 $0x1BF5;
	p2 =	por !p2, p0  }
0x20: {  	[sflag:s8] =	ssyncset.s32 @!p0 $0xFFFFF086;
	s6 =	sadd.s32 @!p0 s3, s7;
	s7 =	simm.s32 @!p0 $0x108  }
0x21: {  	s3 =	sadd.s32 s3, s9;
	s6 =	sadd.s32 @!p0 $0x88, s6;
	s7 =	simm.s32 @p2 $0x1082  }
0x22: {  	[simem:s7], [sflag:s8] =	dma.local @!p0 [hbm:s6], $0xF7A  }
0x23: {  	s9 =	sor.u32 $0xD0000000, s2;
	s6 =	simm.s32 $0x108;
	_ =	swait.ge @!p0 [sflag:s8], $0x0  }
0x24: {  	s3 =	sadd.s32 $0x88, s3;
	s6 =	simm.s32 @!p1 $0x1082;
	[sflag:s4] =	ssyncset.s32 $0xFFFFF086  }
0x25: {  	[simem:s6], [sflag:s4] =	dma.local [hbm:s3], $0xF7A  }
0x26: {  	[smem:$0x3F96] =	sst s1;
	(tag) =	ssettag s2;
	_ =	strace s9  }
0x27: {  	s1 =	sld [smem:$0x3FA6]  }
0x28: {  	s2 =	sld [smem:$0x3FA7]  }
0x29: {  	s4 =	sld [smem:$0x3FA9]  }
0x2a: {  	p0 =	seq.s32 s5, $0x0;
	s5 =	sld [smem:$0x3FAA]  }
0x2b: {  	s6 =	sld [smem:$0x3FAB]  }
0x2c: {  	s7 =	sld [smem:$0x3FAC]  }
0x2d: {  	s3 =	simm.s32 $0x108;
	s8 =	sld [smem:$0x3FAD]  }
0x2e: {  	s3 =	simm.s32 @!p0 $0x1082;
	s9 =	sld [smem:$0x3FAE]  }
0x2f: {  	lr =	sadd.s32 s0, s3;
	s0 =	sld [smem:$0x3FA5]  }
0x30: {  	s3 =	sld [smem:$0x3FA8]  }
0x31: {  	[smem:$0x3FB1] =	sst s10  }
0x32: {  	s10 =	sld [smem:$0x3FAF];
	_ =	sdelay $0x3  }
0x33: {  	p0 =	seq.s32 s10, $0x1;
	s10 =	sld [smem:$0x3FB1];
	_ =	sdelay $0x3  }
0x34: {  	[smem:$0x3FB1] =	sst s10  }
0x35: {  	s10 =	sld [smem:$0x3FB0];
	_ =	sdelay $0x3  }
0x36: {  	p1 =	seq.s32 s10, $0x1;
	s10 =	sld [smem:$0x3FB1];
	_ =	sdelay $0x3  }
0x37: {  	[smem:$0x3FB1] =	sst s10  }
0x38: {  	s10 =	sld [smem:$0x3FB2]  }
0x39: {  	_ = 	snop;
	(pc) =	sbr.ind lr, $3  }
0x3a: {  	_ = 	snop  }
0x3b: {  	_ = 	snop  }
0x3c: {  	p2 =	seq.s32 s10, $0x1;
	s10 =	sld [smem:$0x3FB1]  }
0x3d: {  	_ =	shalt  }
0x3e: {  	_ =	shalt  }
0x3f: {  	_ =	shalt  }
0x40: {  	_ =	shalt  }
0x41: {  	_ =	shalt  }
0x42: {  	_ =	shalt  }
0x43: {  	_ =	shalt  }
0x44: {  	_ =	shalt  }
0x45: {  	_ =	shalt  }
0x46: {  	_ =	shalt  }
0x47: {  	_ =	shalt  }
0x48: {  	_ =	shalt  }
0x49: {  	_ =	shalt  }
0x4a: {  	_ =	shalt  }
0x4b: {  	_ =	shalt  }
0x4c: {  	_ =	shalt  }
0x4d: {  	_ =	shalt  }
0x4e: {  	_ =	shalt  }
0x4f: {  	_ =	shalt  }
0x50: {  	_ =	shalt  }
0x51: {  	_ =	shalt  }
0x52: {  	_ =	shalt  }
0x53: {  	_ =	shalt  }
0x54: {  	_ =	shalt  }
0x55: {  	_ =	shalt  }
0x56: {  	_ =	shalt  }
0x57: {  	_ =	shalt  }
0x58: {  	_ =	shalt  }
0x59: {  	_ =	shalt  }
0x5a: {  	_ =	shalt  }
0x5b: {  	_ =	shalt  }
0x5c: {  	_ =	shalt  }
0x5d: {  	_ =	shalt  }
0x5e: {  	_ =	shalt  }
0x5f: {  	_ =	shalt  }
0x60: {  	_ =	shalt  }
0x61: {  	_ =	shalt  }
0x62: {  	_ =	shalt  }
0x63: {  	_ =	shalt  }
0x64: {  	_ =	shalt  }
0x65: {  	_ =	shalt  }
0x66: {  	_ =	shalt  }
0x67: {  	_ =	shalt  }
0x68: {  	_ =	shalt  }
0x69: {  	_ =	shalt  }
0x6a: {  	_ =	shalt  }
0x6b: {  	_ =	shalt  }
0x6c: {  	_ =	shalt  }
0x6d: {  	_ =	shalt  }
0x6e: {  	_ =	shalt  }
0x6f: {  	_ =	shalt  }
0x70: {  	_ =	shalt  }
0x71: {  	_ =	shalt  }
0x72: {  	_ =	shalt  }
0x73: {  	_ =	shalt  }
0x74: {  	_ =	shalt  }
0x75: {  	_ =	shalt  }
0x76: {  	_ =	shalt  }
0x77: {  	_ =	shalt  }
0x78: {  	_ =	shalt  }
0x79: {  	_ =	shalt  }
0x7a: {  	_ =	shalt  }
0x7b: {  	_ =	shalt  }
0x7c: {  	_ =	shalt  }
0x7d: {  	_ =	shalt  }
0x7e: {  	_ =	shalt  }
0x7f: {  	_ =	shalt  }
0x80: {  	_ =	shalt  }
0x81: {  	_ =	shalt  }
0x82: {  	_ =	shalt  }
0x83: {  	_ =	shalt  }
0x84: {  	_ =	shalt  }
0x85: {  	_ =	shalt  }
0x86: {  	_ =	shalt  }
0x87: {  	_ =	shalt  }
.Lfunc_end0:
.L_simem_size_0:
called_computation.6_lowered:
.L_overlay_start_0:
0x88: {  	s2 =	sld [smem:$0x3FD9]  }
0x89: {  	s3 =	sld [smem:$0x3FFE];
	_ =	sdelay $0x1  }
0x8a: {  	s1 =	srdreg.scid  }
0x8b: {  	s0 =	sand.u32 $0x1, s1  }
0x8c: {  	s16 =	sshll.u32 s0, $0xA;
	s2 =	sadd.s32 s3, s2  }
0x8d: {  	s2 =	sadd.s32 s2, s16  }
0x8e: {  	[smem:$0x3FBD] =	sst s2  }
0x8f: {  	_ = 	snop  }
0x90: {  	(tm) =	ssettm $0x1  }
0x91: {  	s17 =	sld [smem:$0x3FFB];
	_ =	sdelay $0x3  }
0x92: {  	_ =	strace s17  }
0x93: {  	s2 =	sld [smem:$0x3FFC];
	_ =	sdelay $0x3  }
0x94: {  	_ =	strace s2  }
0x95: {  	s2 =	sld [smem:$0x3FFD];
	_ =	sdelay $0x3  }
0x96: {  	_ =	strace s2  }
0x97: {  	_ =	strace $0x8FFFFFFF  }
0x98: {  	s18 =	sld [smem:$0x3FDB];
	_ =	sdelay $0x1  }
0x99: {  	s19 =	simm.s32 $_scs_section_size  }
0x9a: {  	s4 =	simm.s32 $_size__tile_overlayer_lowered;
	s5 =	simm.s32 $_tile_overlayer_lowered  }
0x9b: {  	s22 =	simm.s32 $0x1BFF;
	s21 =	sshll.u32 s5, $0x1;
	s2 =	sadd.s32 s19, s18  }
0x9c: {  	s6 =	simm.s32 $0x0;
	s20 =	sshll.u32 s4, $0x1;
	s4 =	sadd.s32 s21, s2  }
0x9d: {  	[timem:s6], [sflag:s22] =	dma.local [hbm:s4], s20  }
0x9e: {  	_ =	swait.ge [sflag:s22], s20  }
0x9f: {  	s3 =	ssub.s32 $0x0, s20;
	[sflag:s22] =	ssyncset.done $0x0  }
0xa0: {  	[sflag:s22] =	ssyncadd.s32 s3;
	_ =	sdelay $0x1  }
0xa1: {  	s23 =	simm.s32 $0x1B8B  }
0xa2: {  	_ =	swait.ge [sflag:s23], $0x1  }
0xa3: {  	[sflag:s23] =	ssyncset.done $0x0  }
0xa4: {  	s25 =	simm.s32 $0x1B8E;
	s24 =	sld [smem:$0x3FFE];
	[sflag:s23] =	ssyncadd.s32 $0xFFFFFFFF  }
0xa5: {  	s26 =	simm.s32 $execute0_lowered;
	[smem:$0x3FD2] =	sst s25  }
0xa6: {  	s4 =	sshll.u32 s26, $0x1;
	_ =	strace $0x80000058;
	[dreg:$0x1] =	wrdreg $0xFFFFFFFF  }
0xa7: {  	s28 =	simm.s32 $_size_execute0_lowered;
	s2 =	sadd.s32 s2, s4;
	[dreg:$0x0] =	wrdreg $0x0  }
0xa8: {  	s4 =	sshll.u32 s28, $0x1;
	[dreg:$0x2] =	wrdreg s2  }
0xa9: {  	[dreg:$0x3] =	wrdreg s4  }
0xaa: {  	[dreg:$0x4] =	wrdreg $0xC0  }
0xab: {  	_ =	task [dreg:s6], $0x5FFFF  }
0xac: {  	[dreg:$0x1] =	wrdreg $0xFFFFFFFF  }
0xad: {  	[dreg:$0x0] =	wrdreg $0x60  }
0xae: {  	[dreg:$0x2] =	wrdreg s24  }
0xaf: {  	[dreg:$0x3] =	wrdreg $0xB4000  }
0xb0: {  	[dreg:$0x4] =	wrdreg $0x9  }
0xb1: {  	_ =	task.clear_ibuf [dreg:s6], $0x5FFFF;
	_ =	strace $0x90000058  }
0xb2: {  	s29 =	simm.s32 $0x9;
	_ =	strace $0x8000005A  }
0xb3: {  	_ =	swait.ge [sflag:s29], $0x1  }
0xb4: {  	[sflag:s29] =	ssyncadd.s32 $0xFFFFFFFF  }
0xb5: {  	_ =	strace $0x9000005A  }
0xb6: {  	_ =	sfence  }
0xb7: {  	s30 =	sld [smem:$0x0];
	_ =	sdelay $0x2  }
0xb8: {  	s31 =	sshll.u32 s1, $0xD;
	s1 =	sshrl.u32 s1, $0x2  }
0xb9: {  	s3 =	sand.u32 $0x4000, s31;
	s1 =	sadd.s32 s1, s30  }
0xba: {  	s0 =	sor.u32 s3, s0;
	s1 =	sshll.u32 s1, $0x11  }
0xbb: {  	s0 =	sor.u32 s1, s0  }
0xbc: {  	s0 =	sadd.s32 $0x8F2B, s0  }
0xbd: {  	[sflag:s0] =	ssyncadd.remote.s32 $0x1  }
0xbe: {  	_ =	sfence.sel $0xFFFF  }
0xbf: {  	[dreg:$0x0] =	wrdreg $0xFFFFFFFF;
	(pc) =	sbr.abs _section_cstart, $3  }
0xc0: {  	[dreg:$0x1] =	wrdreg $0xFFFFFFFF  }
0xc1: {  	_ =	task.clear_ibuf [dreg:s6], $0x2FFFF;
	_ =	strace $0x9FFFFFFF  }
0xc2: {  	(tm) =	ssettm $0x7FFFFFFF  }
0xc3: {  	_ =	shalt  }
tec
execute0_lowered:
.L_overlay_start_1:
0x0: {  	(tag) =	ssettag $0x1  }
0x1: {  	s0 =	rddreg [dreg:$0x0]  }
0x2: {  	s1 =	rddreg [dreg:$0x1];
	s2 =	srdreg.scid  }
0x3: {  	s3 =	simm.s32 $0x0;
	s11 =	stileid.u32;
	s28 =	simm.s32 $0x9400  }
0x4: {  	s29 =	simm.s32 $0x1;
	s30 =	simm.s32 $0x40;
	s31 =	simm.s32 $0x2  }
0x5: {  	s2 =	sand.u32 $0x1, s2;
	[smem:$0x7FF] =	sst s3;
	s6 =	smul.u32 $0x14000, s11  }
0x6: {  	s4 =	sadd.s32 $0x54C00, s0;
	s7 =	sadd.s32 $0x4200, s0;
	s10 =	smul.u32 $0x50000, s11  }
0x7: {  	s24 =	sadd.s32 $0x554C00, s0;
	s9 =	sshll.u32 s11, $0x1;
	s16 =	smul.u32 $0x280000, s11  }
0x8: {  	s15 =	sshll.u32 s11, $0x6;
	s5 =	smul.u32 $0x140000, s2;
	_ =	strace $0x80000059  }
0x9: {  	[dreg:$0x3] =	wrdreg s7;
	s25 =	ssub.s32 $0x2, s2;
	s2 =	sor.u32 s2, s9  }
0xa: {  	[dreg:$0x4] =	wrdreg s24;
	s8 =	sshrl.u32 s25, $0x1;
	s9 =	smul.u32 $0x140000, s2  }
0xb: {  	s14 =	sshrl.u32 s10, $0x2;
	s10 =	sor.u32 $0x1C0B, s15;
	s2 =	smul.u32 $0x5000, s2  }
0xc: {  	s15 =	simm.s32 $0x7;
	s6 =	sadd.s32 s6, s5;
	s26 =	ssub.s32 s25, s8  }
0xd: {  	s7 =	sadd.s32 s14, s1;
	s20 =	sadd.s32 s5, s16;
	s14 =	simm.s32 $0x6  }
0xe: {  	s16 =	simm.s32 $0x8;
	s8 =	simm.s32 $0x0;
	[dreg:$0x5] =	wrdreg s10  }
0xf: {  	s6 =	sshrl.u32 s6, $0x3;
	[dreg:$0x6] =	wrdreg s2;
	s17 =	sor.u32 $0x2000, s9  }
0x10: {  	s18 =	sor.u32 $0x4000, s9;
	s19 =	sor.u32 $0x6000, s9;
	s12 =	smov.u32 s9  }
0x11: {  	s13 =	sor.u32 $0x8000, s9;
	s21 =	sor.u32 $0x12000, s20;
	s5 =	sor.u32 $0xE000, s20  }
0x12: {  	s23 =	sor.u32 $0x10000, s20;
	s24 =	sor.u32 $0xC000, s20;
	[dreg:$0x7] =	wrdreg s17  }
0x13: {  	s2 =	sor.u32 $0xA000, s20;
	s7 =	sshrl.u32 s7, $0x3;
	[dreg:$0x8] =	wrdreg s18  }
0x14: {  	s0 =	sadd.s32 s6, s0;
	[dreg:$0x9] =	wrdreg s19;
	s6 =	smax.u32 s26, $0x1  }
0x15: {  	s5 =	sshrl.u32 s5, $0x3;
	s25 =	sshrl.u32 s24, $0x3;
	s2 =	sshrl.u32 s2, $0x3  }
0x16: {  	s24 =	simm.s32 $0x3400;
	s17 =	simm.s32 $0x9;
	[dreg:$0x11] =	wrdreg s7  }
0x17: {  	s18 =	simm.s32 $0xA;
	s0 =	sadd.s32 $0x557400, s0;
	[dreg:$0xb] =	wrdreg s6  }
0x18: {  	s22 =	sadd.s32 s5, s4;
	s26 =	sadd.s32 s2, s4;
	[dreg:$0xa] =	wrdreg s0  }
0x19: {  	s2 =	simm.s32 $0x4;
	s0 =	sshrl.u32 s21, $0x3;
	[dreg:$0xd] =	wrdreg s22  }
.Ltmp0:
0x1a: {  	[dreg:$0x10] =	wrdreg s26;
	s0 =	sadd.s32 s0, s4;
	(pc) =	sbr.rel .LBB2_1-.Ltmp0, $4  }
0x1b: {  	s6 =	simm.s32 $0x5;
	[dreg:$0xc] =	wrdreg s0;
	s0 =	sshrl.u32 s23, $0x3  }
0x1c: {  	s22 =	simm.s32 $0xB;
	s26 =	simm.s32 $0x7400;
	s0 =	sadd.s32 s0, s4  }
0x1d: {  	s23 =	simm.s32 $0x1400;
	[dreg:$0xe] =	wrdreg s0;
	s0 =	sadd.s32 s25, s4  }
0x1e: {  	s25 =	simm.s32 $0x5400;
	[dreg:$0xf] =	wrdreg s0;
	s0 =	simm.s32 $0x3  }
.LBB2_7:
0x1f: {  	[bflag:$0x0] =	sbarrier.arrive $0xFFFF  }
0x20: {  	s10 =	rddreg [dreg:$0x5]  }
0x21: {  	s5 =	rddreg [dreg:$0xa]  }
0x22: {  	s7 =	rddreg [dreg:$0x11]  }
0x23: {  	[hbm:s5], [sflag:s10] =	dma.local [spmem:s7], $0x2800  }
0x24: {  	_ =	swait.ge [sflag:s22], $0x2800  }
0x25: {  	s8 =	rddreg [dreg:$0x12]  }
0x26: {  	s21 =	rddreg [dreg:$0xb];
	s8 =	sadd.s32 $0x1, s8  }
0x27: {  	p0 =	sne.s32 s8, s21  }
.Ltmp1:
0x28: {  	_ = 	snop;
	(pc) =	sbr.rel @!p0 .LBB2_8-.Ltmp1, $3  }
0x29: {  	_ =	sdelay $0x1  }
0x2a: {  	[sflag:s22] =	ssyncset.done $0x0  }
0x2b: {  	[sflag:s22] =	ssyncadd.s32 $0xFFFFD800  }
.LBB2_1:
0x2c: {  	[dreg:$0x12] =	wrdreg s8  }
0x2d: {  	s5 =	rddreg [dreg:$0x4]  }
0x2e: {  	[spmem:s7], [sflag:s10] =	dma.local [hbm:s5], $0x2800  }
0x2f: {  	_ =	swait.ge [sflag:s22], $0x2800  }
0x30: {  	[sflag:s22] =	ssyncset.done $0x0  }
0x31: {  	[sflag:s22] =	ssyncadd.s32 $0xFFFFD800  }
0x32: {  	[bflag:$0x0] =	sbarrier.arrive $0xFFFF  }
.Ltmp2:
0x33: {  	s20 =	rddreg [dreg:$0x10];
	(pc) =	sbr.rel .LBB2_2-.Ltmp2, $4  }
0x34: {  	s8 =	rddreg [dreg:$0xf]  }
0x35: {  	s21 =	rddreg [dreg:$0xe]  }
0x36: {  	s19 =	rddreg [dreg:$0xd]  }
0x37: {  	s7 =	simm.s32 $0x0;
	s5 =	rddreg [dreg:$0xc]  }
.LBB2_4:
0x38: {  	_ =	swait.ge [sflag:s15], $0x2000  }
0x39: {  	[sflag:s15] =	ssyncset.done $0x0  }
0x3a: {  	[sflag:s15] =	ssyncadd.s32 $0xFFFFE000  }
0x3b: {  	_ =	swait.ge [sflag:s16], $0x2000  }
0x3c: {  	[sflag:s16] =	ssyncset.done $0x0  }
0x3d: {  	[sflag:s16] =	ssyncadd.s32 $0xFFFFE000  }
0x3e: {  	_ =	swait.ge [sflag:s17], $0x2000  }
0x3f: {  	[sflag:s17] =	ssyncset.done $0x0  }
0x40: {  	[sflag:s17] =	ssyncadd.s32 $0xFFFFE000  }
0x41: {  	_ =	swait.ge [sflag:s18], $0x2000  }
0x42: {  	[sflag:s18] =	ssyncset.done $0x0  }
0x43: {  	[sflag:s18] =	ssyncadd.s32 $0xFFFFE000  }
.LBB2_6:
0x44: {  	s7 =	sadd.s32 $0x1, s7  }
0x45: {  	p0 =	sne.s32 s7, $0x4  }
.Ltmp3:
0x46: {  	_ = 	snop;
	(pc) =	sbr.rel @!p0 .LBB2_7-.Ltmp3, $3  }
0x47: {  	_ =	sdelay $0x1  }
0x48: {  	s5 =	sadd.s32 $0xA000, s5;
	s19 =	sadd.s32 $0xA000, s19  }
0x49: {  	s21 =	sadd.s32 $0xA000, s21;
	s8 =	sadd.s32 $0xA000, s8;
	s20 =	sadd.s32 $0xA000, s20  }
.LBB2_2:
0x4a: {  	s9 =	smul.u32 $0x1400, s7  }
0x4b: {  	s10 =	rddreg [dreg:$0x6]  }
0x4c: {  	s9 =	sadd.s32 s10, s9  }
0x4d: {  	s11 =	rddreg [dreg:$0x3];
	s9 =	sshrl.u32 s9, $0x3  }
0x4e: {  	s10 =	sadd.s32 s11, s9;
	s9 =	simm.s32 $0x0;
	s11 =	smul.u32 $0x50000, s7  }
0x4f: {  	[tilespmem:s9], [sflag:$0xB] =	stream.linear.gather [hbm4b:s10+s9], $0x1400, $0x38;
	[tilespmem:$0x1F400] =	vst v63  }
0x50: {  	_ =	swait.ge [sflag:s22], $0x1400;
	s10 =	sadd.s32 s12, s11  }
0x51: {  	[sflag:s22] =	ssyncset.done $0x0;
	s10 =	sshrl.u32 s10, $0x3  }
0x52: {  	[sflag:s22] =	ssyncadd.s32 $0xFFFFEC00;
	s10 =	sadd.s32 s4, s10  }
0x53: {  	[tilespmem:s23], [sflag:$0x1] =	stream.linear.gather [hbm4b:s10+s9], $0x2000, $0x38;
	[tilespmem:$0x1F400] =	vst v63  }
0x54: {  	s10 =	rddreg [dreg:$0x7]  }
0x55: {  	s10 =	sadd.s32 s11, s10  }
0x56: {  	s10 =	sshrl.u32 s10, $0x3  }
0x57: {  	s10 =	sadd.s32 s4, s10  }
0x58: {  	[tilespmem:s24], [sflag:$0x2] =	stream.linear.gather [hbm4b:s10+s9], $0x2000, $0x38;
	[tilespmem:$0x1F400] =	vst v63  }
0x59: {  	s10 =	rddreg [dreg:$0x8]  }
0x5a: {  	s10 =	sadd.s32 s11, s10  }
0x5b: {  	s10 =	sshrl.u32 s10, $0x3  }
0x5c: {  	s10 =	sadd.s32 s4, s10  }
0x5d: {  	[tilespmem:s25], [sflag:$0x3] =	stream.linear.gather [hbm4b:s10+s9], $0x2000, $0x38;
	[tilespmem:$0x1F400] =	vst v63  }
0x5e: {  	s10 =	rddreg [dreg:$0x9]  }
0x5f: {  	s10 =	sadd.s32 s11, s10  }
0x60: {  	s10 =	sshrl.u32 s10, $0x3  }
0x61: {  	s11 =	sadd.s32 s11, s13;
	s10 =	sadd.s32 s4, s10  }
0x62: {  	[tilespmem:s26], [sflag:$0x4] =	stream.linear.gather [hbm4b:s10+s9], $0x2000, $0x38;
	[tilespmem:$0x1F400] =	vst v63  }
0x63: {  	s10 =	sshrl.u32 s11, $0x3  }
0x64: {  	s10 =	sadd.s32 s4, s10  }
0x65: {  	[tilespmem:s28], [sflag:$0x5] =	stream.linear.gather [hbm4b:s10+s9], $0x2000, $0x38;
	[tilespmem:$0x1F400] =	vst v63  }
0x66: {  	s10 =	simm.s32 $0x200  }
.LBB2_3:
0x67: {  	_ =	swait.ge [sflag:s29], $0x2000  }
0x68: {  	[sflag:s29] =	ssyncset.done $0x0  }
0x69: {  	s11 =	sadd.s32 $0xFFFFFE00, s10;
	[sflag:s29] =	ssyncadd.s32 $0xFFFFE000  }
0x6a: {  	[spmem:s1] =	stream.indirect.scatter.add.f32 [tilespmem:s23], [sflag:$0x6], $0x80, s11, s30, $0xb8;
	[tilespmem:$0x1F400] =	vst v63  }
0x6b: {  	_ =	swait.ge [sflag:s31], $0x2000  }
0x6c: {  	[sflag:s31] =	ssyncset.done $0x0  }
0x6d: {  	s11 =	sadd.s32 $0xFFFFFE80, s10;
	[sflag:s31] =	ssyncadd.s32 $0xFFFFE000  }
0x6e: {  	[spmem:s1] =	stream.indirect.scatter.add.f32 [tilespmem:s24], [sflag:$0x7], $0x80, s11, s30, $0xb8;
	[tilespmem:$0x1F400] =	vst v63  }
0x6f: {  	_ =	swait.ge [sflag:s0], $0x2000  }
0x70: {  	[sflag:s0] =	ssyncset.done $0x0  }
0x71: {  	s11 =	sadd.s32 $0xFFFFFF00, s10;
	[sflag:s0] =	ssyncadd.s32 $0xFFFFE000  }
0x72: {  	[spmem:s1] =	stream.indirect.scatter.add.f32 [tilespmem:s25], [sflag:$0x8], $0x80, s11, s30, $0xb8;
	[tilespmem:$0x1F400] =	vst v63  }
0x73: {  	_ =	swait.ge [sflag:s2], $0x2000  }
0x74: {  	[sflag:s2] =	ssyncset.done $0x0  }
0x75: {  	s11 =	sadd.s32 $0xFFFFFF80, s10;
	[sflag:s2] =	ssyncadd.s32 $0xFFFFE000  }
0x76: {  	[spmem:s1] =	stream.indirect.scatter.add.f32 [tilespmem:s26], [sflag:$0x9], $0x80, s11, s30, $0xb8;
	[tilespmem:$0x1F400] =	vst v63  }
0x77: {  	_ =	swait.ge [sflag:s6], $0x2000  }
0x78: {  	p0 =	sne.s32 s9, $0x8C00;
	[sflag:s6] =	ssyncset.done $0x0  }
.Ltmp4:
0x79: {  	[sflag:s6] =	ssyncadd.s32 $0xFFFFE000;
	(pc) =	sbr.rel @!p0 .LBB2_4-.Ltmp4, $4  }
0x7a: {  	[spmem:s1] =	stream.indirect.scatter.add.f32 [tilespmem:s28], [sflag:$0xA], $0x80, s10, s30, $0xb8;
	[tilespmem:$0x1F400] =	vst v63  }
0x7b: {  	_ =	swait.ge [sflag:s14], $0x2000  }
0x7c: {  	[sflag:s14] =	ssyncset.done $0x0  }
0x7d: {  	[sflag:s14] =	ssyncadd.s32 $0xFFFFE000  }
0x7e: {  	s11 =	sadd.s32 s9, s20  }
0x7f: {  	[tilespmem:s23], [sflag:$0x1] =	stream.linear.gather [hbm4b:s11+s3], $0x2000, $0x38;
	[tilespmem:$0x1F400] =	vst v63  }
0x80: {  	_ =	swait.ge [sflag:s15], $0x2000  }
0x81: {  	[sflag:s15] =	ssyncset.done $0x0  }
0x82: {  	s11 =	sadd.s32 s9, s8;
	[sflag:s15] =	ssyncadd.s32 $0xFFFFE000  }
0x83: {  	[tilespmem:s24], [sflag:$0x2] =	stream.linear.gather [hbm4b:s11+s3], $0x2000, $0x38;
	[tilespmem:$0x1F400] =	vst v63  }
0x84: {  	_ =	swait.ge [sflag:s16], $0x2000  }
0x85: {  	[sflag:s16] =	ssyncset.done $0x0  }
0x86: {  	s11 =	sadd.s32 s9, s19;
	[sflag:s16] =	ssyncadd.s32 $0xFFFFE000  }
0x87: {  	[tilespmem:s25], [sflag:$0x3] =	stream.linear.gather [hbm4b:s11+s3], $0x2000, $0x38;
	[tilespmem:$0x1F400] =	vst v63  }
0x88: {  	_ =	swait.ge [sflag:s17], $0x2000  }
0x89: {  	[sflag:s17] =	ssyncset.done $0x0  }
0x8a: {  	s11 =	sadd.s32 s9, s21;
	[sflag:s17] =	ssyncadd.s32 $0xFFFFE000  }
0x8b: {  	[tilespmem:s26], [sflag:$0x4] =	stream.linear.gather [hbm4b:s11+s3], $0x2000, $0x38;
	[tilespmem:$0x1F400] =	vst v63  }
0x8c: {  	s11 =	sadd.s32 s9, s5;
	s9 =	sadd.s32 $0x1400, s9  }
0x8d: {  	p0 =	sne.s32 s9, $0xA000  }
.Ltmp5:
0x8e: {  	_ = 	snop;
	(pc) =	sbr.rel @p0 .LBB2_3-.Ltmp5, $4  }
.Ltmp6:
0x8f: {  	_ =	swait.ge [sflag:s18], $0x2000;
	(pc) =	sbr.rel @!p0 .LBB2_6-.Ltmp6, $4  }
0x90: {  	[sflag:s18] =	ssyncset.done $0x0  }
0x91: {  	s10 =	sadd.s32 $0x280, s10;
	[sflag:s18] =	ssyncadd.s32 $0xFFFFE000  }
0x92: {  	[tilespmem:s28], [sflag:$0x5] =	stream.linear.gather [hbm4b:s11+s3], $0x2000, $0x38;
	[tilespmem:$0x1F400] =	vst v63  }
0x93: {  	_ = 	snop  }
.LBB2_8:
0x94: {  	_ =	sfence.sel $0x180000  }
0x95: {  	[bflag:$0x0] =	sbarrier.arrive $0xFFFF  }
0x96: {  	_ =	strace $0x90000059  }
0x97: {  	s0 =	stileid.u32;
	[bflag:$0x2] =	sbarrier.arrive $0xFFFF  }
0x98: {  	p0 =	sne.s32 s0, $0x0;
	s0 =	rddreg [dreg:$0x2]  }
0x99: {  	s0 =	sadd.s32 @!p0 $0x100000, s0  }
0x9a: {  	[sflag:s0] =	ssyncadd.tile.s32 @!p0 $0x1;
	_ =	shalt  }
.Lfunc_end2:
_tile_overlayer_lowered:
.L_overlay_start_2:
0x9b: {  	(tag) =	ssettag $0x2  }
0x9c: {  	s0 =	rddreg [dreg:$0x0];
	s2 =	stileid.u32  }
0x9d: {  	s1 =	rddreg [dreg:$0x1];
	p0 =	sne.s32 s2, $0x0  }
0x9e: {  	s3 =	rddreg [dreg:$0x2];
	[bflag:$0x3] =	sbarrier.arrive $0xFFFF;
	s2 =	simm.s32 @!p0 $0x1C0B  }
0x9f: {  	[timem:s3], [sflag:s2] =	dma.local @!p0 [hbm:s0], s1  }
0xa0: {  	s0 =	simm.s32 @!p0 $0xB  }
0xa1: {  	_ =	swait.ge @!p0 [sflag:s0], s1  }
0xa2: {  	s1 =	ssub.s32 @!p0 $0x0, s1;
	[sflag:s0] =	ssyncset.done @!p0 $0x0  }
0xa3: {  	[sflag:s0] =	ssyncadd.s32 @!p0 s1  }
0xa4: {  	[bflag:$0x3] =	sbarrier.arrive $0xFFFF  }
0xa5: {  	_ =	shalt  }

</sc_bundles>
